<compile_context>
chip_gen: v7x
topology: tpu7x:2x2x1
jax: 0.10.2.dev20260603
libtpu: 0.0.44.dev20260713+nightly
codegen_flags: <defaults>
</compile_context>

<pallas_src>
import jax
import jax.numpy as jnp
from jax import lax
from jax.experimental import pallas as pl
from jax.experimental.pallas import tpu as pltpu
from jax.experimental.pallas import tpu_sc as plsc

_BS = 16
_ATOM = 10000
_NEI = 65
_KN = 16
_CHUNK = 200
_SPLITS = (5200, 4800)
_STRIDE = _ATOM + 4


def _rsqrt(x):
    i = plsc.bitcast(x, jnp.int32)
    y = plsc.bitcast(jnp.int32(0x5F3759DF) - (i >> 1), jnp.float32)
    y = y * (1.5 - 0.5 * x * y * y)
    return y


def _make_conv(gbase, half):
    nchunk = half // _CHUNK
    natoms = 2 * half

    def _body(idx_hbm, pos_hbm, out_hbm, pos_v, idx0, idx1, out0,
              isem0, isem1, osem0):
        b = lax.axis_index("s")
        h = lax.axis_index("c")

        pltpu.sync_copy(pos_hbm.at[b], pos_v)

        compa = (jnp.arange(_KN, dtype=jnp.int32) % 3) * _STRIDE

        def compute(idx_v, out_v, astart):
            @plsc.parallel_loop(0, _CHUNK, unroll=8)
            def _(i):
                cvec = plsc.load_gather(
                    pos_v, [jnp.full((_KN,), gbase + astart + i) + compa]
                )
                cx = jnp.full((_KN,), cvec[0])
                cy = jnp.full((_KN,), cvec[1])
                cz = jnp.full((_KN,), cvec[2])
                row0 = idx_v[i, pl.ds(0, 16)]
                nvec = plsc.load_gather(
                    pos_v, [jnp.full((_KN,), row0[0]) + compa]
                )
                d0x = jnp.full((_KN,), nvec[0]) - cx
                d0y = jnp.full((_KN,), nvec[1]) - cy
                d0z = jnp.full((_KN,), nvec[2]) - cz
                s0 = d0x * d0x + d0y * d0y + d0z * d0z
                r0 = _rsqrt(s0)

                acc = jnp.zeros((_KN,), jnp.float32)
                for g in range(4):
                    idxg = idx_v[i, pl.ds(1 + 16 * g, 16)]
                    gx = plsc.load_gather(pos_v, [idxg])
                    gy = plsc.load_gather(pos_v, [idxg + _STRIDE])
                    gz = plsc.load_gather(pos_v, [idxg + 2 * _STRIDE])
                    dx = gx - cx
                    dy = gy - cy
                    dz = gz - cz
                    q = dx * d0x + dy * d0y + dz * d0z
                    ss = dx * dx + dy * dy + dz * dz
                    r = _rsqrt(ss)
                    acc = acc + jnp.maximum(q, 0.0) * r
                out_v[i] = acc * r0

        def aoff(c):
            return pl.multiple_of(h * half + c * _CHUNK, 8)

        def istart(c, buf, sem):
            pltpu.make_async_copy(
                idx_hbm.at[b, pl.ds(aoff(c), _CHUNK)], buf, sem
            ).start()

        def iwait(buf, sem):
            pltpu.make_async_copy(
                idx_hbm.at[b, pl.ds(aoff(0), _CHUNK)], buf, sem
            ).wait()

        def ostart(c, buf, sem):
            pltpu.make_async_copy(
                buf, out_hbm.at[b, pl.ds(aoff(c), _CHUNK)], sem
            ).start()

        def owait(buf, sem):
            pltpu.make_async_copy(
                buf, out_hbm.at[b, pl.ds(aoff(0), _CHUNK)], sem
            ).wait()

        istart(0, idx0, isem0)

        def chunk_loop(c, _):
            @pl.when(c + 1 < nchunk)
            def _():
                @pl.when((c + 1) % 2 == 0)
                def _():
                    istart(c + 1, idx0, isem0)

                @pl.when((c + 1) % 2 == 1)
                def _():
                    istart(c + 1, idx1, isem1)

            @pl.when(c >= 1)
            def _():
                owait(out0, osem0)

            @pl.when(c % 2 == 0)
            def _():
                iwait(idx0, isem0)
                compute(idx0, out0, aoff(c))

            @pl.when(c % 2 == 1)
            def _():
                iwait(idx1, isem1)
                compute(idx1, out0, aoff(c))

            ostart(c, out0, osem0)
            return 0

        lax.fori_loop(0, nchunk, chunk_loop, 0)
        owait(out0, osem0)

    mesh = plsc.VectorSubcoreMesh(core_axis_name="c", subcore_axis_name="s")
    return pl.kernel(
        _body,
        out_type=jax.ShapeDtypeStruct((_BS, natoms, _KN), jnp.float32),
        mesh=mesh,
        scratch_types=[
            pltpu.VMEM((3 * _STRIDE,), jnp.float32),
            pltpu.VMEM((_CHUNK, _NEI), jnp.int32),
            pltpu.VMEM((_CHUNK, _NEI), jnp.int32),
            pltpu.VMEM((_CHUNK, _KN), jnp.float32),
            pltpu.SemaphoreType.DMA,
            pltpu.SemaphoreType.DMA,
            pltpu.SemaphoreType.DMA,
        ],
        compiler_params=pltpu.CompilerParams(needs_layout_passes=False),
    )


@jax.jit
def _atom_conv(neighbor_index, pos_soa):
    parts = []
    gbase = 0
    for n in _SPLITS:
        parts.append(
            _make_conv(gbase, n // 2)(
                neighbor_index[:, gbase:gbase + n], pos_soa
            )
        )
        gbase += n
    return jnp.concatenate(parts, axis=1)


def kernel(neighbor_index, atoms, angle_weights):
    del angle_weights
    pos_soa = jnp.pad(
        atoms.transpose(0, 2, 1), ((0, 0), (0, 0), (0, _STRIDE - _ATOM))
    ).reshape(_BS, 3 * _STRIDE)
    return _atom_conv(neighbor_index, pos_soa)

# --- scband reference (transcript-rebuilt; emitter-appended) ---
"""Pipeline reference for scband-atom-conv-84164179133175 (READ-ONLY COPY).

The authoritative reference and input builder live on the scoring server;
editing this copy changes nothing except your own understanding.
"""

import jax, jax.numpy as jnp
import numpy as np

K_SIZE = 4
KERNEL_NUM = 16
BS = 16
ATOM_NUM = 10000
NEIGHBOR_NUM = 65


def setup_inputs(seed: int = 0) -> dict:
    key = jax.random.key(seed)
    k1, k2, k3 = jax.random.split(key, 3)
    atoms = jax.random.normal(k1, (BS, ATOM_NUM, 3), dtype=jnp.float32)
    neighbor_index = jax.random.randint(k2, (BS, ATOM_NUM, NEIGHBOR_NUM), 0, ATOM_NUM, dtype=jnp.int32)
    angle_weights = jax.random.normal(k3, (1, K_SIZE * 1), dtype=jnp.float32)
    return {"neighbor_index": neighbor_index, "atoms": atoms, "angle_weights": angle_weights}


def reference(neighbor_index, atoms, angle_weights):
    bs, atom_num, neighbor_num = neighbor_index.shape
    # indexing_neighbor: gather neighbor positions (bs, atom_num, neighbor_num, 3)
    id_0 = jnp.arange(bs)[:, None, None]
    pos_neighbors = atoms[id_0, neighbor_index]
    # get_neighbor_direct_norm
    neighbor_direction = pos_neighbors - atoms[:, :, None, :]
    nrm = jnp.linalg.norm(neighbor_direction, axis=-1, keepdims=True)
    nei_direct_norm = neighbor_direction / jnp.maximum(nrm, 1e-12)
    # cos_theta
    nearest = nei_direct_norm[:, :, 0:1, :]            # (bs, a, 1, 3)
    else_neigh = nei_direct_norm[:, :, 1:, :]          # (bs, a, nei-1, 3)
    theta = jnp.matmul(else_neigh, jnp.swapaxes(nearest, 2, 3))  # (bs, a, nei-1, 1)
    theta = jax.nn.relu(theta)
    # view to (bs, atom_num, -1, k_size, kernel_num); with neighbor_num-1 == k_size*kernel_num
    theta = theta.reshape(bs, atom_num, -1, K_SIZE, KERNEL_NUM)
    theta = jnp.max(theta, axis=2)                     # (bs, a, k_size, kernel_num)
    feature = jnp.sum(theta, axis=2)                   # (bs, a, kernel_num)
    return feature

if __name__ == "__main__":
    import jax
    _d = setup_inputs()
    print(jax.jit(kernel)(*tuple(_d.values())))

</pallas_src>

<mosaic_0001>
#map = affine_map<(d0, d1) -> (0, 0, 0)>
#map1 = affine_map<(d0, d1) -> (0, 0)>
module attributes {stable_mosaic.version = 14 : i64} {
  func.func @_body(%arg0: i32, %arg1: i32, %arg2: memref<16x4800x65xi32, #tpu.memory_space<hbm>>, %arg3: memref<16x30012xf32, #tpu.memory_space<hbm>>, %arg4: memref<16x4800x16xf32, #tpu.memory_space<hbm>>, %arg5: memref<30012xf32, #tpu.memory_space<vmem>>, %arg6: memref<200x65xi32, #tpu.memory_space<vmem>>, %arg7: memref<200x65xi32, #tpu.memory_space<vmem>>, %arg8: memref<200x16xf32, #tpu.memory_space<vmem>>, %arg9: memref<!tpu.dma_semaphore, #tpu.memory_space<semaphore_mem>>, %arg10: memref<!tpu.dma_semaphore, #tpu.memory_space<semaphore_mem>>, %arg11: memref<!tpu.dma_semaphore, #tpu.memory_space<semaphore_mem>>) attributes {dimension_semantics = [#tpu.dimension_semantics<core_parallel>, #tpu.dimension_semantics<subcore_parallel>], iteration_bounds = array<i64: 2, 16>, scalar_prefetch = 0 : i64, scratch_operands = 7 : i64, tpu.core_type = #tpu.core_type<sc_vector_subcore>, window_params = [{transform_indices = #map}, {transform_indices = #map1}, {transform_indices = #map}]} {
    "tpu.region"() ({
      %run_scoped3A = tpu.sem_alloc : memref<!tpu.dma_semaphore, #tpu.memory_space<semaphore_mem>>
      %dma_start3A_41 = arith.constant 0 : i32
      %dma_start3A_42 = tpu.memref_slice %arg3[%arg1, %dma_start3A_41] : memref<16x30012xf32, #tpu.memory_space<hbm>> -> memref<1x30012xf32, #tpu.memory_space<hbm>>
      %dma_start3A_43 = tpu.memref_squeeze %dma_start3A_42 : memref<1x30012xf32, #tpu.memory_space<hbm>> -> memref<30012xf32, #tpu.memory_space<hbm>>
      %dma_start3A_44 = arith.constant 0 : i32
      %dma_start3A_45 = tpu.memref_slice %arg3[%arg1, %dma_start3A_44] : memref<16x30012xf32, #tpu.memory_space<hbm>> -> memref<1x30012xf32, #tpu.memory_space<hbm>>
      %dma_start3A_46 = tpu.memref_squeeze %dma_start3A_45 : memref<1x30012xf32, #tpu.memory_space<hbm>> -> memref<30012xf32, #tpu.memory_space<hbm>>
      tpu.enqueue_dma source(%dma_start3A_46 : memref<30012xf32, #tpu.memory_space<hbm>>) target(%arg5 : memref<30012xf32, #tpu.memory_space<vmem>>) target_semaphore(%run_scoped3A : memref<!tpu.dma_semaphore, #tpu.memory_space<semaphore_mem>>)
      %dma_wait3A_47 = arith.constant 0 : i32
      %dma_wait3A_48 = tpu.memref_slice %arg3[%arg1, %dma_wait3A_47] : memref<16x30012xf32, #tpu.memory_space<hbm>> -> memref<1x30012xf32, #tpu.memory_space<hbm>>
      %dma_wait3A_49 = tpu.memref_squeeze %dma_wait3A_48 : memref<1x30012xf32, #tpu.memory_space<hbm>> -> memref<30012xf32, #tpu.memory_space<hbm>>
      %dma_wait3A_50 = arith.constant 0 : i32
      %dma_wait3A_51 = tpu.memref_slice %arg3[%arg1, %dma_wait3A_50] : memref<16x30012xf32, #tpu.memory_space<hbm>> -> memref<1x30012xf32, #tpu.memory_space<hbm>>
      %dma_wait3A_52 = tpu.memref_squeeze %dma_wait3A_51 : memref<1x30012xf32, #tpu.memory_space<hbm>> -> memref<30012xf32, #tpu.memory_space<hbm>>
      tpu.wait_dma2 semaphore(%run_scoped3A : memref<!tpu.dma_semaphore, #tpu.memory_space<semaphore_mem>>) src(%dma_wait3A_52 : memref<30012xf32, #tpu.memory_space<hbm>>) dst(%arg5 : memref<30012xf32, #tpu.memory_space<vmem>>)
      tpu.yield
    }) : () -> ()
    %iota3A = tpu.iota {dimensions = array<i32: 0>} : vector<16xi32>
    %jit3A = arith.constant 3 : i32
    %eq3A = arith.constant 0 : i32
    %eq3A_0 = arith.cmpi eq, %jit3A, %eq3A : i32
    %jit3A_1 = arith.constant 1 : i32
    %select_n3A = arith.select %eq3A_0, %jit3A_1, %jit3A : i32
    %rem3A = vector.broadcast %select_n3A : i32 to vector<16xi32>
    %rem3A_2 = arith.remsi %iota3A, %rem3A : vector<16xi32>
    %ne3A = arith.constant 0 : i32
    %ne3A_3 = vector.broadcast %ne3A : i32 to vector<16xi32>
    %ne3A_4 = arith.cmpi ne, %rem3A_2, %ne3A_3 : vector<16xi32>
    %lt3A = arith.constant 0 : i32
    %lt3A_5 = vector.broadcast %lt3A : i32 to vector<16xi32>
    %lt3A_6 = arith.cmpi slt, %rem3A_2, %lt3A_5 : vector<16xi32>
    %lt3A_7 = arith.constant 0 : i32
    %lt3A_8 = arith.cmpi slt, %select_n3A, %lt3A_7 : i32
    %ne3A_9 = vector.broadcast %lt3A_8 : i1 to vector<16xi1>
    %ne3A_10 = vector.broadcast %ne3A_9 : vector<16xi1> to vector<16xi1>
    %ne3A_11 = arith.xori %lt3A_6, %ne3A_10 : vector<16xi1>
    %and3A = arith.andi %ne3A_11, %ne3A_4 : vector<16xi1>
    %add3A = vector.broadcast %select_n3A : i32 to vector<16xi32>
    %add3A_12 = arith.addi %rem3A_2, %add3A : vector<16xi32>
    %select_n3A_13 = arith.select %and3A, %add3A_12, %rem3A_2 : vector<16xi1>, vector<16xi32>
    %mul3A = arith.constant 10004 : i32
    %mul3A_14 = vector.broadcast %mul3A : i32 to vector<16xi32>
    %mul3A_15 = arith.muli %select_n3A_13, %mul3A_14 : vector<16xi32>
    %mul3A_16 = arith.constant 2400 : i32
    %mul3A_17 = arith.muli %arg0, %mul3A_16 : i32
    %add3A_18 = arith.constant 0 : i32
    %add3A_19 = arith.addi %mul3A_17, %add3A_18 : i32
    %multiple_of3A = tpu.assume_multiple %add3A_19, 8 : i32
    %dma_start3A = arith.constant 0 : i32
    %dma_start3A_20 = tpu.memref_slice %arg2[%arg1, %multiple_of3A, %dma_start3A] : memref<16x4800x65xi32, #tpu.memory_space<hbm>> -> memref<1x200x65xi32, #tpu.memory_space<hbm>>
    %dma_start3A_21 = tpu.memref_squeeze %dma_start3A_20 : memref<1x200x65xi32, #tpu.memory_space<hbm>> -> memref<200x65xi32, #tpu.memory_space<hbm>>
    %dma_start3A_22 = arith.constant 0 : i32
    %dma_start3A_23 = tpu.memref_slice %arg2[%arg1, %multiple_of3A, %dma_start3A_22] : memref<16x4800x65xi32, #tpu.memory_space<hbm>> -> memref<1x200x65xi32, #tpu.memory_space<hbm>>
    %dma_start3A_24 = tpu.memref_squeeze %dma_start3A_23 : memref<1x200x65xi32, #tpu.memory_space<hbm>> -> memref<200x65xi32, #tpu.memory_space<hbm>>
    tpu.enqueue_dma source(%dma_start3A_24 : memref<200x65xi32, #tpu.memory_space<hbm>>) target(%arg6 : memref<200x65xi32, #tpu.memory_space<vmem>>) target_semaphore(%arg9 : memref<!tpu.dma_semaphore, #tpu.memory_space<semaphore_mem>>)
    %scan3A = arith.constant 0 : i32
    %scan3A_25 = arith.constant 0 : i32
    %scan3A_26 = arith.constant 12 : i32
    %scan3A_27 = arith.addi %scan3A_25, %scan3A_26 : i32
    %scan3A_28 = arith.constant 1 : i32
    %scan3A_29 = scf.for %scan3A_41 = %scan3A_25 to %scan3A_27 step %scan3A_28 iter_args(%scan3A_42 = %scan3A) -> (i32)  : i32 {
      %add3A_43 = arith.constant 1 : i32
      %add3A_44 = arith.addi %scan3A_41, %add3A_43 : i32
      %lt3A_45 = arith.constant 12 : i32
      %lt3A_46 = arith.cmpi slt, %add3A_44, %lt3A_45 : i32
      %convert_element_type3A = arith.extui %lt3A_46 : i1 to i32
      %cond3A = arith.constant 0 : i32
      %cond3A_47 = arith.cmpi ne, %convert_element_type3A, %cond3A : i32
      scf.if %cond3A_47 {
        %add3A_107 = arith.constant 1 : i32
        %add3A_108 = arith.addi %scan3A_41, %add3A_107 : i32
        %jit3A_109 = arith.constant 2 : i32
        %eq3A_110 = arith.constant 0 : i32
        %eq3A_111 = arith.cmpi eq, %jit3A_109, %eq3A_110 : i32
        %jit3A_112 = arith.constant 1 : i32
        %select_n3A_113 = arith.select %eq3A_111, %jit3A_112, %jit3A_109 : i32
        %rem3A_114 = arith.remsi %add3A_108, %select_n3A_113 : i32
        %ne3A_115 = arith.constant 0 : i32
        %ne3A_116 = arith.cmpi ne, %rem3A_114, %ne3A_115 : i32
        %lt3A_117 = arith.constant 0 : i32
        %lt3A_118 = arith.cmpi slt, %rem3A_114, %lt3A_117 : i32
        %lt3A_119 = arith.constant 0 : i32
        %lt3A_120 = arith.cmpi slt, %select_n3A_113, %lt3A_119 : i32
        %ne3A_121 = arith.xori %lt3A_118, %lt3A_120 : i1
        %and3A_122 = arith.andi %ne3A_121, %ne3A_116 : i1
        %add3A_123 = arith.addi %rem3A_114, %select_n3A_113 : i32
        %select_n3A_124 = arith.select %and3A_122, %add3A_123, %rem3A_114 : i32
        %eq3A_125 = arith.constant 0 : i32
        %eq3A_126 = arith.cmpi eq, %select_n3A_124, %eq3A_125 : i32
        %convert_element_type3A_127 = arith.extui %eq3A_126 : i1 to i32
        %cond3A_128 = arith.constant 0 : i32
        %cond3A_129 = arith.cmpi ne, %convert_element_type3A_127, %cond3A_128 : i32
        scf.if %cond3A_129 {
          %add3A_153 = arith.constant 1 : i32
          %add3A_154 = arith.addi %scan3A_41, %add3A_153 : i32
          %mul3A_155 = arith.constant 2400 : i32
          %mul3A_156 = arith.muli %arg0, %mul3A_155 : i32
          %mul3A_157 = arith.constant 200 : i32
          %mul3A_158 = arith.muli %add3A_154, %mul3A_157 : i32
          %add3A_159 = arith.addi %mul3A_156, %mul3A_158 : i32
          %multiple_of3A_160 = tpu.assume_multiple %add3A_159, 8 : i32
          %dma_start3A_161 = arith.constant 0 : i32
          %dma_start3A_162 = tpu.memref_slice %arg2[%arg1, %multiple_of3A_160, %dma_start3A_161] : memref<16x4800x65xi32, #tpu.memory_space<hbm>> -> memref<1x200x65xi32, #tpu.memory_space<hbm>>
          %dma_start3A_163 = tpu.memref_squeeze %dma_start3A_162 : memref<1x200x65xi32, #tpu.memory_space<hbm>> -> memref<200x65xi32, #tpu.memory_space<hbm>>
          %dma_start3A_164 = arith.constant 0 : i32
          %dma_start3A_165 = tpu.memref_slice %arg2[%arg1, %multiple_of3A_160, %dma_start3A_164] : memref<16x4800x65xi32, #tpu.memory_space<hbm>> -> memref<1x200x65xi32, #tpu.memory_space<hbm>>
          %dma_start3A_166 = tpu.memref_squeeze %dma_start3A_165 : memref<1x200x65xi32, #tpu.memory_space<hbm>> -> memref<200x65xi32, #tpu.memory_space<hbm>>
          tpu.enqueue_dma source(%dma_start3A_166 : memref<200x65xi32, #tpu.memory_space<hbm>>) target(%arg6 : memref<200x65xi32, #tpu.memory_space<vmem>>) target_semaphore(%arg9 : memref<!tpu.dma_semaphore, #tpu.memory_space<semaphore_mem>>)
        } else {
        }
        %add3A_130 = arith.constant 1 : i32
        %add3A_131 = arith.addi %scan3A_41, %add3A_130 : i32
        %jit3A_132 = arith.constant 2 : i32
        %eq3A_133 = arith.constant 0 : i32
        %eq3A_134 = arith.cmpi eq, %jit3A_132, %eq3A_133 : i32
        %jit3A_135 = arith.constant 1 : i32
        %select_n3A_136 = arith.select %eq3A_134, %jit3A_135, %jit3A_132 : i32
        %rem3A_137 = arith.remsi %add3A_131, %select_n3A_136 : i32
        %ne3A_138 = arith.constant 0 : i32
        %ne3A_139 = arith.cmpi ne, %rem3A_137, %ne3A_138 : i32
        %lt3A_140 = arith.constant 0 : i32
        %lt3A_141 = arith.cmpi slt, %rem3A_137, %lt3A_140 : i32
        %lt3A_142 = arith.constant 0 : i32
        %lt3A_143 = arith.cmpi slt, %select_n3A_136, %lt3A_142 : i32
        %ne3A_144 = arith.xori %lt3A_141, %lt3A_143 : i1
        %and3A_145 = arith.andi %ne3A_144, %ne3A_139 : i1
        %add3A_146 = arith.addi %rem3A_137, %select_n3A_136 : i32
        %select_n3A_147 = arith.select %and3A_145, %add3A_146, %rem3A_137 : i32
        %eq3A_148 = arith.constant 1 : i32
        %eq3A_149 = arith.cmpi eq, %select_n3A_147, %eq3A_148 : i32
        %convert_element_type3A_150 = arith.extui %eq3A_149 : i1 to i32
        %cond3A_151 = arith.constant 0 : i32
        %cond3A_152 = arith.cmpi ne, %convert_element_type3A_150, %cond3A_151 : i32
        scf.if %cond3A_152 {
          %add3A_153 = arith.constant 1 : i32
          %add3A_154 = arith.addi %scan3A_41, %add3A_153 : i32
          %mul3A_155 = arith.constant 2400 : i32
          %mul3A_156 = arith.muli %arg0, %mul3A_155 : i32
          %mul3A_157 = arith.constant 200 : i32
          %mul3A_158 = arith.muli %add3A_154, %mul3A_157 : i32
          %add3A_159 = arith.addi %mul3A_156, %mul3A_158 : i32
          %multiple_of3A_160 = tpu.assume_multiple %add3A_159, 8 : i32
          %dma_start3A_161 = arith.constant 0 : i32
          %dma_start3A_162 = tpu.memref_slice %arg2[%arg1, %multiple_of3A_160, %dma_start3A_161] : memref<16x4800x65xi32, #tpu.memory_space<hbm>> -> memref<1x200x65xi32, #tpu.memory_space<hbm>>
          %dma_start3A_163 = tpu.memref_squeeze %dma_start3A_162 : memref<1x200x65xi32, #tpu.memory_space<hbm>> -> memref<200x65xi32, #tpu.memory_space<hbm>>
          %dma_start3A_164 = arith.constant 0 : i32
          %dma_start3A_165 = tpu.memref_slice %arg2[%arg1, %multiple_of3A_160, %dma_start3A_164] : memref<16x4800x65xi32, #tpu.memory_space<hbm>> -> memref<1x200x65xi32, #tpu.memory_space<hbm>>
          %dma_start3A_166 = tpu.memref_squeeze %dma_start3A_165 : memref<1x200x65xi32, #tpu.memory_space<hbm>> -> memref<200x65xi32, #tpu.memory_space<hbm>>
          tpu.enqueue_dma source(%dma_start3A_166 : memref<200x65xi32, #tpu.memory_space<hbm>>) target(%arg7 : memref<200x65xi32, #tpu.memory_space<vmem>>) target_semaphore(%arg10 : memref<!tpu.dma_semaphore, #tpu.memory_space<semaphore_mem>>)
        } else {
        }
      } else {
      }
      %ge3A = arith.constant 1 : i32
      %ge3A_48 = arith.cmpi sge, %scan3A_41, %ge3A : i32
      %convert_element_type3A_49 = arith.extui %ge3A_48 : i1 to i32
      %cond3A_50 = arith.constant 0 : i32
      %cond3A_51 = arith.cmpi ne, %convert_element_type3A_49, %cond3A_50 : i32
      scf.if %cond3A_51 {
        %mul3A_107 = arith.constant 2400 : i32
        %mul3A_108 = arith.muli %arg0, %mul3A_107 : i32
        %add3A_109 = arith.constant 0 : i32
        %add3A_110 = arith.addi %mul3A_108, %add3A_109 : i32
        %multiple_of3A_111 = tpu.assume_multiple %add3A_110, 8 : i32
        %dma_wait3A_112 = arith.constant 0 : i32
        %dma_wait3A_113 = tpu.memref_slice %arg4[%arg1, %multiple_of3A_111, %dma_wait3A_112] : memref<16x4800x16xf32, #tpu.memory_space<hbm>> -> memref<1x200x16xf32, #tpu.memory_space<hbm>>
        %dma_wait3A_114 = tpu.memref_squeeze %dma_wait3A_113 : memref<1x200x16xf32, #tpu.memory_space<hbm>> -> memref<200x16xf32, #tpu.memory_space<hbm>>
        %dma_wait3A_115 = arith.constant 0 : i32
        %dma_wait3A_116 = tpu.memref_slice %arg4[%arg1, %multiple_of3A_111, %dma_wait3A_115] : memref<16x4800x16xf32, #tpu.memory_space<hbm>> -> memref<1x200x16xf32, #tpu.memory_space<hbm>>
        %dma_wait3A_117 = tpu.memref_squeeze %dma_wait3A_116 : memref<1x200x16xf32, #tpu.memory_space<hbm>> -> memref<200x16xf32, #tpu.memory_space<hbm>>
        tpu.wait_dma2 semaphore(%arg11 : memref<!tpu.dma_semaphore, #tpu.memory_space<semaphore_mem>>) src(%arg8 : memref<200x16xf32, #tpu.memory_space<vmem>>) dst(%dma_wait3A_117 : memref<200x16xf32, #tpu.memory_space<hbm>>)
      } else {
      }
      %jit3A_52 = arith.constant 2 : i32
      %eq3A_53 = arith.constant 0 : i32
      %eq3A_54 = arith.cmpi eq, %jit3A_52, %eq3A_53 : i32
      %jit3A_55 = arith.constant 1 : i32
      %select_n3A_56 = arith.select %eq3A_54, %jit3A_55, %jit3A_52 : i32
      %rem3A_57 = arith.remsi %scan3A_41, %select_n3A_56 : i32
      %ne3A_58 = arith.constant 0 : i32
      %ne3A_59 = arith.cmpi ne, %rem3A_57, %ne3A_58 : i32
      %lt3A_60 = arith.constant 0 : i32
      %lt3A_61 = arith.cmpi slt, %rem3A_57, %lt3A_60 : i32
      %lt3A_62 = arith.constant 0 : i32
      %lt3A_63 = arith.cmpi slt, %select_n3A_56, %lt3A_62 : i32
      %ne3A_64 = arith.xori %lt3A_61, %lt3A_63 : i1
      %and3A_65 = arith.andi %ne3A_64, %ne3A_59 : i1
      %add3A_66 = arith.addi %rem3A_57, %select_n3A_56 : i32
      %select_n3A_67 = arith.select %and3A_65, %add3A_66, %rem3A_57 : i32
      %eq3A_68 = arith.constant 0 : i32
      %eq3A_69 = arith.cmpi eq, %select_n3A_67, %eq3A_68 : i32
      %convert_element_type3A_70 = arith.extui %eq3A_69 : i1 to i32
      %cond3A_71 = arith.constant 0 : i32
      %cond3A_72 = arith.cmpi ne, %convert_element_type3A_70, %cond3A_71 : i32
      scf.if %cond3A_72 {
        %mul3A_107 = arith.constant 2400 : i32
        %mul3A_108 = arith.muli %arg0, %mul3A_107 : i32
        %add3A_109 = arith.constant 0 : i32
        %add3A_110 = arith.addi %mul3A_108, %add3A_109 : i32
        %multiple_of3A_111 = tpu.assume_multiple %add3A_110, 8 : i32
        %dma_wait3A_112 = arith.constant 0 : i32
        %dma_wait3A_113 = tpu.memref_slice %arg2[%arg1, %multiple_of3A_111, %dma_wait3A_112] : memref<16x4800x65xi32, #tpu.memory_space<hbm>> -> memref<1x200x65xi32, #tpu.memory_space<hbm>>
        %dma_wait3A_114 = tpu.memref_squeeze %dma_wait3A_113 : memref<1x200x65xi32, #tpu.memory_space<hbm>> -> memref<200x65xi32, #tpu.memory_space<hbm>>
        %dma_wait3A_115 = arith.constant 0 : i32
        %dma_wait3A_116 = tpu.memref_slice %arg2[%arg1, %multiple_of3A_111, %dma_wait3A_115] : memref<16x4800x65xi32, #tpu.memory_space<hbm>> -> memref<1x200x65xi32, #tpu.memory_space<hbm>>
        %dma_wait3A_117 = tpu.memref_squeeze %dma_wait3A_116 : memref<1x200x65xi32, #tpu.memory_space<hbm>> -> memref<200x65xi32, #tpu.memory_space<hbm>>
        tpu.wait_dma2 semaphore(%arg9 : memref<!tpu.dma_semaphore, #tpu.memory_space<semaphore_mem>>) src(%dma_wait3A_117 : memref<200x65xi32, #tpu.memory_space<hbm>>) dst(%arg6 : memref<200x65xi32, #tpu.memory_space<vmem>>)
        %mul3A_118 = arith.constant 2400 : i32
        %mul3A_119 = arith.muli %arg0, %mul3A_118 : i32
        %mul3A_120 = arith.constant 200 : i32
        %mul3A_121 = arith.muli %scan3A_41, %mul3A_120 : i32
        %add3A_122 = arith.addi %mul3A_119, %mul3A_121 : i32
        %multiple_of3A_123 = tpu.assume_multiple %add3A_122, 8 : i32
        %parallel_loop3A = arith.constant 0 : i32
        %parallel_loop3A_124 = arith.constant 200 : i32
        %parallel_loop3A_125 = arith.constant 1 : i32
        scf.for %parallel_loop3A_126 = %parallel_loop3A to %parallel_loop3A_124 step %parallel_loop3A_125  : i32 {
          %parallel_loop3A_127 = arith.constant 5200 : i32
          %parallel_loop3A_128 = arith.addi %parallel_loop3A_127, %multiple_of3A_123 : i32
          %parallel_loop3A_129 = arith.addi %parallel_loop3A_128, %parallel_loop3A_126 : i32
          %parallel_loop3A_130 = vector.broadcast %parallel_loop3A_129 : i32 to vector<16xi32>
          %parallel_loop3A_131 = arith.addi %parallel_loop3A_130, %mul3A_15 : vector<16xi32>
          %parallel_loop3A_132 = tpu.vector_load_idx %arg5[%parallel_loop3A_131] : memref<30012xf32, #tpu.memory_space<vmem>>[vector<16xi32>], vector<16xf32>,
          %parallel_loop3A_133 = vector.extract_strided_slice %parallel_loop3A_132 {offsets = [0], sizes = [1], strides = [1]} : vector<16xf32> to vector<1xf32>
          %parallel_loop3A_134 = vector.extract %parallel_loop3A_133[0] : f32 from vector<1xf32>
          %parallel_loop3A_135 = vector.broadcast %parallel_loop3A_134 : f32 to vector<16xf32>
          %parallel_loop3A_136 = vector.extract_strided_slice %parallel_loop3A_132 {offsets = [1], sizes = [1], strides = [1]} : vector<16xf32> to vector<1xf32>
          %parallel_loop3A_137 = vector.extract %parallel_loop3A_136[0] : f32 from vector<1xf32>
          %parallel_loop3A_138 = vector.broadcast %parallel_loop3A_137 : f32 to vector<16xf32>
          %parallel_loop3A_139 = vector.extract_strided_slice %parallel_loop3A_132 {offsets = [2], sizes = [1], strides = [1]} : vector<16xf32> to vector<1xf32>
          %parallel_loop3A_140 = vector.extract %parallel_loop3A_139[0] : f32 from vector<1xf32>
          %parallel_loop3A_141 = vector.broadcast %parallel_loop3A_140 : f32 to vector<16xf32>
          %parallel_loop3A_142 = arith.index_cast %parallel_loop3A_126 : i32 to index
          %parallel_loop3A_143 = arith.constant 0 : index
          %parallel_loop3A_144 = tpu.vector_load %arg6[%parallel_loop3A_142, %parallel_loop3A_143] {strides = array<i32>} : memref<200x65xi32, #tpu.memory_space<vmem>>, vector<16xi32>,
          %parallel_loop3A_145 = vector.extract_strided_slice %parallel_loop3A_144 {offsets = [0], sizes = [1], strides = [1]} : vector<16xi32> to vector<1xi32>
          %parallel_loop3A_146 = vector.extract %parallel_loop3A_145[0] : i32 from vector<1xi32>
          %parallel_loop3A_147 = vector.broadcast %parallel_loop3A_146 : i32 to vector<16xi32>
          %parallel_loop3A_148 = arith.addi %parallel_loop3A_147, %mul3A_15 : vector<16xi32>
          %parallel_loop3A_149 = tpu.vector_load_idx %arg5[%parallel_loop3A_148] : memref<30012xf32, #tpu.memory_space<vmem>>[vector<16xi32>], vector<16xf32>,
          %parallel_loop3A_150 = vector.extract_strided_slice %parallel_loop3A_149 {offsets = [0], sizes = [1], strides = [1]} : vector<16xf32> to vector<1xf32>
          %parallel_loop3A_151 = vector.extract %parallel_loop3A_150[0] : f32 from vector<1xf32>
          %parallel_loop3A_152 = vector.broadcast %parallel_loop3A_151 : f32 to vector<16xf32>
          %parallel_loop3A_153 = arith.subf %parallel_loop3A_152, %parallel_loop3A_135 : vector<16xf32>
          %parallel_loop3A_154 = vector.extract_strided_slice %parallel_loop3A_149 {offsets = [1], sizes = [1], strides = [1]} : vector<16xf32> to vector<1xf32>
          %parallel_loop3A_155 = vector.extract %parallel_loop3A_154[0] : f32 from vector<1xf32>
          %parallel_loop3A_156 = vector.broadcast %parallel_loop3A_155 : f32 to vector<16xf32>
          %parallel_loop3A_157 = arith.subf %parallel_loop3A_156, %parallel_loop3A_138 : vector<16xf32>
          %parallel_loop3A_158 = vector.extract_strided_slice %parallel_loop3A_149 {offsets = [2], sizes = [1], strides = [1]} : vector<16xf32> to vector<1xf32>
          %parallel_loop3A_159 = vector.extract %parallel_loop3A_158[0] : f32 from vector<1xf32>
          %parallel_loop3A_160 = vector.broadcast %parallel_loop3A_159 : f32 to vector<16xf32>
          %parallel_loop3A_161 = arith.subf %parallel_loop3A_160, %parallel_loop3A_141 : vector<16xf32>
          %parallel_loop3A_162 = arith.mulf %parallel_loop3A_153, %parallel_loop3A_153 : vector<16xf32>
          %parallel_loop3A_163 = arith.mulf %parallel_loop3A_157, %parallel_loop3A_157 : vector<16xf32>
          %parallel_loop3A_164 = arith.addf %parallel_loop3A_162, %parallel_loop3A_163 : vector<16xf32>
          %parallel_loop3A_165 = arith.mulf %parallel_loop3A_161, %parallel_loop3A_161 : vector<16xf32>
          %parallel_loop3A_166 = arith.addf %parallel_loop3A_164, %parallel_loop3A_165 : vector<16xf32>
          %parallel_loop3A_167 = vector.bitcast %parallel_loop3A_166 : vector<16xf32> to vector<16xi32>
          %parallel_loop3A_168 = arith.constant 1 : i32
          %parallel_loop3A_169 = vector.broadcast %parallel_loop3A_168 : i32 to vector<16xi32>
          %parallel_loop3A_170 = arith.shrsi %parallel_loop3A_167, %parallel_loop3A_169 : vector<16xi32>
          %parallel_loop3A_171 = arith.constant 1597463007 : i32
          %parallel_loop3A_172 = vector.broadcast %parallel_loop3A_171 : i32 to vector<16xi32>
          %parallel_loop3A_173 = arith.subi %parallel_loop3A_172, %parallel_loop3A_170 : vector<16xi32>
          %parallel_loop3A_174 = vector.bitcast %parallel_loop3A_173 : vector<16xi32> to vector<16xf32>
          %parallel_loop3A_175 = arith.constant 5.000000e-01 : f32
          %parallel_loop3A_176 = vector.broadcast %parallel_loop3A_175 : f32 to vector<16xf32>
          %parallel_loop3A_177 = arith.mulf %parallel_loop3A_176, %parallel_loop3A_166 : vector<16xf32>
          %parallel_loop3A_178 = arith.mulf %parallel_loop3A_177, %parallel_loop3A_174 : vector<16xf32>
          %parallel_loop3A_179 = arith.mulf %parallel_loop3A_178, %parallel_loop3A_174 : vector<16xf32>
          %parallel_loop3A_180 = arith.constant 1.500000e+00 : f32
          %parallel_loop3A_181 = vector.broadcast %parallel_loop3A_180 : f32 to vector<16xf32>
          %parallel_loop3A_182 = arith.subf %parallel_loop3A_181, %parallel_loop3A_179 : vector<16xf32>
          %parallel_loop3A_183 = arith.mulf %parallel_loop3A_174, %parallel_loop3A_182 : vector<16xf32>
          %parallel_loop3A_184 = arith.constant 0.000000e+00 : f32
          %parallel_loop3A_185 = vector.broadcast %parallel_loop3A_184 : f32 to vector<16xf32>
          %parallel_loop3A_186 = arith.index_cast %parallel_loop3A_126 : i32 to index
          %parallel_loop3A_187 = arith.constant 1 : index
          %parallel_loop3A_188 = tpu.vector_load %arg6[%parallel_loop3A_186, %parallel_loop3A_187] {strides = array<i32>} : memref<200x65xi32, #tpu.memory_space<vmem>>, vector<16xi32>,
          %parallel_loop3A_189 = tpu.vector_load_idx %arg5[%parallel_loop3A_188] : memref<30012xf32, #tpu.memory_space<vmem>>[vector<16xi32>], vector<16xf32>,
          %parallel_loop3A_190 = arith.constant 10004 : i32
          %parallel_loop3A_191 = vector.broadcast %parallel_loop3A_190 : i32 to vector<16xi32>
          %parallel_loop3A_192 = arith.addi %parallel_loop3A_188, %parallel_loop3A_191 : vector<16xi32>
          %parallel_loop3A_193 = tpu.vector_load_idx %arg5[%parallel_loop3A_192] : memref<30012xf32, #tpu.memory_space<vmem>>[vector<16xi32>], vector<16xf32>,
          %parallel_loop3A_194 = arith.constant 20008 : i32
          %parallel_loop3A_195 = vector.broadcast %parallel_loop3A_194 : i32 to vector<16xi32>
          %parallel_loop3A_196 = arith.addi %parallel_loop3A_188, %parallel_loop3A_195 : vector<16xi32>
          %parallel_loop3A_197 = tpu.vector_load_idx %arg5[%parallel_loop3A_196] : memref<30012xf32, #tpu.memory_space<vmem>>[vector<16xi32>], vector<16xf32>,
          %parallel_loop3A_198 = arith.subf %parallel_loop3A_189, %parallel_loop3A_135 : vector<16xf32>
          %parallel_loop3A_199 = arith.subf %parallel_loop3A_193, %parallel_loop3A_138 : vector<16xf32>
          %parallel_loop3A_200 = arith.subf %parallel_loop3A_197, %parallel_loop3A_141 : vector<16xf32>
          %parallel_loop3A_201 = arith.mulf %parallel_loop3A_198, %parallel_loop3A_153 : vector<16xf32>
          %parallel_loop3A_202 = arith.mulf %parallel_loop3A_199, %parallel_loop3A_157 : vector<16xf32>
          %parallel_loop3A_203 = arith.addf %parallel_loop3A_201, %parallel_loop3A_202 : vector<16xf32>
          %parallel_loop3A_204 = arith.mulf %parallel_loop3A_200, %parallel_loop3A_161 : vector<16xf32>
          %parallel_loop3A_205 = arith.addf %parallel_loop3A_203, %parallel_loop3A_204 : vector<16xf32>
          %parallel_loop3A_206 = arith.mulf %parallel_loop3A_198, %parallel_loop3A_198 : vector<16xf32>
          %parallel_loop3A_207 = arith.mulf %parallel_loop3A_199, %parallel_loop3A_199 : vector<16xf32>
          %parallel_loop3A_208 = arith.addf %parallel_loop3A_206, %parallel_loop3A_207 : vector<16xf32>
          %parallel_loop3A_209 = arith.mulf %parallel_loop3A_200, %parallel_loop3A_200 : vector<16xf32>
          %parallel_loop3A_210 = arith.addf %parallel_loop3A_208, %parallel_loop3A_209 : vector<16xf32>
          %parallel_loop3A_211 = vector.bitcast %parallel_loop3A_210 : vector<16xf32> to vector<16xi32>
          %parallel_loop3A_212 = arith.constant 1 : i32
          %parallel_loop3A_213 = vector.broadcast %parallel_loop3A_212 : i32 to vector<16xi32>
          %parallel_loop3A_214 = arith.shrsi %parallel_loop3A_211, %parallel_loop3A_213 : vector<16xi32>
          %parallel_loop3A_215 = arith.constant 1597463007 : i32
          %parallel_loop3A_216 = vector.broadcast %parallel_loop3A_215 : i32 to vector<16xi32>
          %parallel_loop3A_217 = arith.subi %parallel_loop3A_216, %parallel_loop3A_214 : vector<16xi32>
          %parallel_loop3A_218 = vector.bitcast %parallel_loop3A_217 : vector<16xi32> to vector<16xf32>
          %parallel_loop3A_219 = arith.constant 5.000000e-01 : f32
          %parallel_loop3A_220 = vector.broadcast %parallel_loop3A_219 : f32 to vector<16xf32>
          %parallel_loop3A_221 = arith.mulf %parallel_loop3A_220, %parallel_loop3A_210 : vector<16xf32>
          %parallel_loop3A_222 = arith.mulf %parallel_loop3A_221, %parallel_loop3A_218 : vector<16xf32>
          %parallel_loop3A_223 = arith.mulf %parallel_loop3A_222, %parallel_loop3A_218 : vector<16xf32>
          %parallel_loop3A_224 = arith.constant 1.500000e+00 : f32
          %parallel_loop3A_225 = vector.broadcast %parallel_loop3A_224 : f32 to vector<16xf32>
          %parallel_loop3A_226 = arith.subf %parallel_loop3A_225, %parallel_loop3A_223 : vector<16xf32>
          %parallel_loop3A_227 = arith.mulf %parallel_loop3A_218, %parallel_loop3A_226 : vector<16xf32>
          %parallel_loop3A_228 = arith.constant 0.000000e+00 : f32
          %parallel_loop3A_229 = vector.broadcast %parallel_loop3A_228 : f32 to vector<16xf32>
          %parallel_loop3A_230 = arith.maximumf %parallel_loop3A_205, %parallel_loop3A_229 : vector<16xf32>
          %parallel_loop3A_231 = arith.mulf %parallel_loop3A_230, %parallel_loop3A_227 : vector<16xf32>
          %parallel_loop3A_232 = arith.addf %parallel_loop3A_185, %parallel_loop3A_231 : vector<16xf32>
          %parallel_loop3A_233 = arith.index_cast %parallel_loop3A_126 : i32 to index
          %parallel_loop3A_234 = arith.constant 17 : index
          %parallel_loop3A_235 = tpu.vector_load %arg6[%parallel_loop3A_233, %parallel_loop3A_234] {strides = array<i32>} : memref<200x65xi32, #tpu.memory_space<vmem>>, vector<16xi32>,
          %parallel_loop3A_236 = tpu.vector_load_idx %arg5[%parallel_loop3A_235] : memref<30012xf32, #tpu.memory_space<vmem>>[vector<16xi32>], vector<16xf32>,
          %parallel_loop3A_237 = arith.constant 10004 : i32
          %parallel_loop3A_238 = vector.broadcast %parallel_loop3A_237 : i32 to vector<16xi32>
          %parallel_loop3A_239 = arith.addi %parallel_loop3A_235, %parallel_loop3A_238 : vector<16xi32>
          %parallel_loop3A_240 = tpu.vector_load_idx %arg5[%parallel_loop3A_239] : memref<30012xf32, #tpu.memory_space<vmem>>[vector<16xi32>], vector<16xf32>,
          %parallel_loop3A_241 = arith.constant 20008 : i32
          %parallel_loop3A_242 = vector.broadcast %parallel_loop3A_241 : i32 to vector<16xi32>
          %parallel_loop3A_243 = arith.addi %parallel_loop3A_235, %parallel_loop3A_242 : vector<16xi32>
          %parallel_loop3A_244 = tpu.vector_load_idx %arg5[%parallel_loop3A_243] : memref<30012xf32, #tpu.memory_space<vmem>>[vector<16xi32>], vector<16xf32>,
          %parallel_loop3A_245 = arith.subf %parallel_loop3A_236, %parallel_loop3A_135 : vector<16xf32>
          %parallel_loop3A_246 = arith.subf %parallel_loop3A_240, %parallel_loop3A_138 : vector<16xf32>
          %parallel_loop3A_247 = arith.subf %parallel_loop3A_244, %parallel_loop3A_141 : vector<16xf32>
          %parallel_loop3A_248 = arith.mulf %parallel_loop3A_245, %parallel_loop3A_153 : vector<16xf32>
          %parallel_loop3A_249 = arith.mulf %parallel_loop3A_246, %parallel_loop3A_157 : vector<16xf32>
          %parallel_loop3A_250 = arith.addf %parallel_loop3A_248, %parallel_loop3A_249 : vector<16xf32>
          %parallel_loop3A_251 = arith.mulf %parallel_loop3A_247, %parallel_loop3A_161 : vector<16xf32>
          %parallel_loop3A_252 = arith.addf %parallel_loop3A_250, %parallel_loop3A_251 : vector<16xf32>
          %parallel_loop3A_253 = arith.mulf %parallel_loop3A_245, %parallel_loop3A_245 : vector<16xf32>
          %parallel_loop3A_254 = arith.mulf %parallel_loop3A_246, %parallel_loop3A_246 : vector<16xf32>
          %parallel_loop3A_255 = arith.addf %parallel_loop3A_253, %parallel_loop3A_254 : vector<16xf32>
          %parallel_loop3A_256 = arith.mulf %parallel_loop3A_247, %parallel_loop3A_247 : vector<16xf32>
          %parallel_loop3A_257 = arith.addf %parallel_loop3A_255, %parallel_loop3A_256 : vector<16xf32>
          %parallel_loop3A_258 = vector.bitcast %parallel_loop3A_257 : vector<16xf32> to vector<16xi32>
          %parallel_loop3A_259 = arith.constant 1 : i32
          %parallel_loop3A_260 = vector.broadcast %parallel_loop3A_259 : i32 to vector<16xi32>
          %parallel_loop3A_261 = arith.shrsi %parallel_loop3A_258, %parallel_loop3A_260 : vector<16xi32>
          %parallel_loop3A_262 = arith.constant 1597463007 : i32
          %parallel_loop3A_263 = vector.broadcast %parallel_loop3A_262 : i32 to vector<16xi32>
          %parallel_loop3A_264 = arith.subi %parallel_loop3A_263, %parallel_loop3A_261 : vector<16xi32>
          %parallel_loop3A_265 = vector.bitcast %parallel_loop3A_264 : vector<16xi32> to vector<16xf32>
          %parallel_loop3A_266 = arith.constant 5.000000e-01 : f32
          %parallel_loop3A_267 = vector.broadcast %parallel_loop3A_266 : f32 to vector<16xf32>
          %parallel_loop3A_268 = arith.mulf %parallel_loop3A_267, %parallel_loop3A_257 : vector<16xf32>
          %parallel_loop3A_269 = arith.mulf %parallel_loop3A_268, %parallel_loop3A_265 : vector<16xf32>
          %parallel_loop3A_270 = arith.mulf %parallel_loop3A_269, %parallel_loop3A_265 : vector<16xf32>
          %parallel_loop3A_271 = arith.constant 1.500000e+00 : f32
          %parallel_loop3A_272 = vector.broadcast %parallel_loop3A_271 : f32 to vector<16xf32>
          %parallel_loop3A_273 = arith.subf %parallel_loop3A_272, %parallel_loop3A_270 : vector<16xf32>
          %parallel_loop3A_274 = arith.mulf %parallel_loop3A_265, %parallel_loop3A_273 : vector<16xf32>
          %parallel_loop3A_275 = arith.constant 0.000000e+00 : f32
          %parallel_loop3A_276 = vector.broadcast %parallel_loop3A_275 : f32 to vector<16xf32>
          %parallel_loop3A_277 = arith.maximumf %parallel_loop3A_252, %parallel_loop3A_276 : vector<16xf32>
          %parallel_loop3A_278 = arith.mulf %parallel_loop3A_277, %parallel_loop3A_274 : vector<16xf32>
          %parallel_loop3A_279 = arith.addf %parallel_loop3A_232, %parallel_loop3A_278 : vector<16xf32>
          %parallel_loop3A_280 = arith.index_cast %parallel_loop3A_126 : i32 to index
          %parallel_loop3A_281 = arith.constant 33 : index
          %parallel_loop3A_282 = tpu.vector_load %arg6[%parallel_loop3A_280, %parallel_loop3A_281] {strides = array<i32>} : memref<200x65xi32, #tpu.memory_space<vmem>>, vector<16xi32>,
          %parallel_loop3A_283 = tpu.vector_load_idx %arg5[%parallel_loop3A_282] : memref<30012xf32, #tpu.memory_space<vmem>>[vector<16xi32>], vector<16xf32>,
          %parallel_loop3A_284 = arith.constant 10004 : i32
          %parallel_loop3A_285 = vector.broadcast %parallel_loop3A_284 : i32 to vector<16xi32>
          %parallel_loop3A_286 = arith.addi %parallel_loop3A_282, %parallel_loop3A_285 : vector<16xi32>
          %parallel_loop3A_287 = tpu.vector_load_idx %arg5[%parallel_loop3A_286] : memref<30012xf32, #tpu.memory_space<vmem>>[vector<16xi32>], vector<16xf32>,
          %parallel_loop3A_288 = arith.constant 20008 : i32
          %parallel_loop3A_289 = vector.broadcast %parallel_loop3A_288 : i32 to vector<16xi32>
          %parallel_loop3A_290 = arith.addi %parallel_loop3A_282, %parallel_loop3A_289 : vector<16xi32>
          %parallel_loop3A_291 = tpu.vector_load_idx %arg5[%parallel_loop3A_290] : memref<30012xf32, #tpu.memory_space<vmem>>[vector<16xi32>], vector<16xf32>,
          %parallel_loop3A_292 = arith.subf %parallel_loop3A_283, %parallel_loop3A_135 : vector<16xf32>
          %parallel_loop3A_293 = arith.subf %parallel_loop3A_287, %parallel_loop3A_138 : vector<16xf32>
          %parallel_loop3A_294 = arith.subf %parallel_loop3A_291, %parallel_loop3A_141 : vector<16xf32>
          %parallel_loop3A_295 = arith.mulf %parallel_loop3A_292, %parallel_loop3A_153 : vector<16xf32>
          %parallel_loop3A_296 = arith.mulf %parallel_loop3A_293, %parallel_loop3A_157 : vector<16xf32>
          %parallel_loop3A_297 = arith.addf %parallel_loop3A_295, %parallel_loop3A_296 : vector<16xf32>
          %parallel_loop3A_298 = arith.mulf %parallel_loop3A_294, %parallel_loop3A_161 : vector<16xf32>
          %parallel_loop3A_299 = arith.addf %parallel_loop3A_297, %parallel_loop3A_298 : vector<16xf32>
          %parallel_loop3A_300 = arith.mulf %parallel_loop3A_292, %parallel_loop3A_292 : vector<16xf32>
          %parallel_loop3A_301 = arith.mulf %parallel_loop3A_293, %parallel_loop3A_293 : vector<16xf32>
          %parallel_loop3A_302 = arith.addf %parallel_loop3A_300, %parallel_loop3A_301 : vector<16xf32>
          %parallel_loop3A_303 = arith.mulf %parallel_loop3A_294, %parallel_loop3A_294 : vector<16xf32>
          %parallel_loop3A_304 = arith.addf %parallel_loop3A_302, %parallel_loop3A_303 : vector<16xf32>
          %parallel_loop3A_305 = vector.bitcast %parallel_loop3A_304 : vector<16xf32> to vector<16xi32>
          %parallel_loop3A_306 = arith.constant 1 : i32
          %parallel_loop3A_307 = vector.broadcast %parallel_loop3A_306 : i32 to vector<16xi32>
          %parallel_loop3A_308 = arith.shrsi %parallel_loop3A_305, %parallel_loop3A_307 : vector<16xi32>
          %parallel_loop3A_309 = arith.constant 1597463007 : i32
          %parallel_loop3A_310 = vector.broadcast %parallel_loop3A_309 : i32 to vector<16xi32>
          %parallel_loop3A_311 = arith.subi %parallel_loop3A_310, %parallel_loop3A_308 : vector<16xi32>
          %parallel_loop3A_312 = vector.bitcast %parallel_loop3A_311 : vector<16xi32> to vector<16xf32>
          %parallel_loop3A_313 = arith.constant 5.000000e-01 : f32
          %parallel_loop3A_314 = vector.broadcast %parallel_loop3A_313 : f32 to vector<16xf32>
          %parallel_loop3A_315 = arith.mulf %parallel_loop3A_314, %parallel_loop3A_304 : vector<16xf32>
          %parallel_loop3A_316 = arith.mulf %parallel_loop3A_315, %parallel_loop3A_312 : vector<16xf32>
          %parallel_loop3A_317 = arith.mulf %parallel_loop3A_316, %parallel_loop3A_312 : vector<16xf32>
          %parallel_loop3A_318 = arith.constant 1.500000e+00 : f32
          %parallel_loop3A_319 = vector.broadcast %parallel_loop3A_318 : f32 to vector<16xf32>
          %parallel_loop3A_320 = arith.subf %parallel_loop3A_319, %parallel_loop3A_317 : vector<16xf32>
          %parallel_loop3A_321 = arith.mulf %parallel_loop3A_312, %parallel_loop3A_320 : vector<16xf32>
          %parallel_loop3A_322 = arith.constant 0.000000e+00 : f32
          %parallel_loop3A_323 = vector.broadcast %parallel_loop3A_322 : f32 to vector<16xf32>
          %parallel_loop3A_324 = arith.maximumf %parallel_loop3A_299, %parallel_loop3A_323 : vector<16xf32>
          %parallel_loop3A_325 = arith.mulf %parallel_loop3A_324, %parallel_loop3A_321 : vector<16xf32>
          %parallel_loop3A_326 = arith.addf %parallel_loop3A_279, %parallel_loop3A_325 : vector<16xf32>
          %parallel_loop3A_327 = arith.index_cast %parallel_loop3A_126 : i32 to index
          %parallel_loop3A_328 = arith.constant 49 : index
          %parallel_loop3A_329 = tpu.vector_load %arg6[%parallel_loop3A_327, %parallel_loop3A_328] {strides = array<i32>} : memref<200x65xi32, #tpu.memory_space<vmem>>, vector<16xi32>,
          %parallel_loop3A_330 = tpu.vector_load_idx %arg5[%parallel_loop3A_329] : memref<30012xf32, #tpu.memory_space<vmem>>[vector<16xi32>], vector<16xf32>,
          %parallel_loop3A_331 = arith.constant 10004 : i32
          %parallel_loop3A_332 = vector.broadcast %parallel_loop3A_331 : i32 to vector<16xi32>
          %parallel_loop3A_333 = arith.addi %parallel_loop3A_329, %parallel_loop3A_332 : vector<16xi32>
          %parallel_loop3A_334 = tpu.vector_load_idx %arg5[%parallel_loop3A_333] : memref<30012xf32, #tpu.memory_space<vmem>>[vector<16xi32>], vector<16xf32>,
          %parallel_loop3A_335 = arith.constant 20008 : i32
          %parallel_loop3A_336 = vector.broadcast %parallel_loop3A_335 : i32 to vector<16xi32>
          %parallel_loop3A_337 = arith.addi %parallel_loop3A_329, %parallel_loop3A_336 : vector<16xi32>
          %parallel_loop3A_338 = tpu.vector_load_idx %arg5[%parallel_loop3A_337] : memref<30012xf32, #tpu.memory_space<vmem>>[vector<16xi32>], vector<16xf32>,
          %parallel_loop3A_339 = arith.subf %parallel_loop3A_330, %parallel_loop3A_135 : vector<16xf32>
          %parallel_loop3A_340 = arith.subf %parallel_loop3A_334, %parallel_loop3A_138 : vector<16xf32>
          %parallel_loop3A_341 = arith.subf %parallel_loop3A_338, %parallel_loop3A_141 : vector<16xf32>
          %parallel_loop3A_342 = arith.mulf %parallel_loop3A_339, %parallel_loop3A_153 : vector<16xf32>
          %parallel_loop3A_343 = arith.mulf %parallel_loop3A_340, %parallel_loop3A_157 : vector<16xf32>
          %parallel_loop3A_344 = arith.addf %parallel_loop3A_342, %parallel_loop3A_343 : vector<16xf32>
          %parallel_loop3A_345 = arith.mulf %parallel_loop3A_341, %parallel_loop3A_161 : vector<16xf32>
          %parallel_loop3A_346 = arith.addf %parallel_loop3A_344, %parallel_loop3A_345 : vector<16xf32>
          %parallel_loop3A_347 = arith.mulf %parallel_loop3A_339, %parallel_loop3A_339 : vector<16xf32>
          %parallel_loop3A_348 = arith.mulf %parallel_loop3A_340, %parallel_loop3A_340 : vector<16xf32>
          %parallel_loop3A_349 = arith.addf %parallel_loop3A_347, %parallel_loop3A_348 : vector<16xf32>
          %parallel_loop3A_350 = arith.mulf %parallel_loop3A_341, %parallel_loop3A_341 : vector<16xf32>
          %parallel_loop3A_351 = arith.addf %parallel_loop3A_349, %parallel_loop3A_350 : vector<16xf32>
          %parallel_loop3A_352 = vector.bitcast %parallel_loop3A_351 : vector<16xf32> to vector<16xi32>
          %parallel_loop3A_353 = arith.constant 1 : i32
          %parallel_loop3A_354 = vector.broadcast %parallel_loop3A_353 : i32 to vector<16xi32>
          %parallel_loop3A_355 = arith.shrsi %parallel_loop3A_352, %parallel_loop3A_354 : vector<16xi32>
          %parallel_loop3A_356 = arith.constant 1597463007 : i32
          %parallel_loop3A_357 = vector.broadcast %parallel_loop3A_356 : i32 to vector<16xi32>
          %parallel_loop3A_358 = arith.subi %parallel_loop3A_357, %parallel_loop3A_355 : vector<16xi32>
          %parallel_loop3A_359 = vector.bitcast %parallel_loop3A_358 : vector<16xi32> to vector<16xf32>
          %parallel_loop3A_360 = arith.constant 5.000000e-01 : f32
          %parallel_loop3A_361 = vector.broadcast %parallel_loop3A_360 : f32 to vector<16xf32>
          %parallel_loop3A_362 = arith.mulf %parallel_loop3A_361, %parallel_loop3A_351 : vector<16xf32>
          %parallel_loop3A_363 = arith.mulf %parallel_loop3A_362, %parallel_loop3A_359 : vector<16xf32>
          %parallel_loop3A_364 = arith.mulf %parallel_loop3A_363, %parallel_loop3A_359 : vector<16xf32>
          %parallel_loop3A_365 = arith.constant 1.500000e+00 : f32
          %parallel_loop3A_366 = vector.broadcast %parallel_loop3A_365 : f32 to vector<16xf32>
          %parallel_loop3A_367 = arith.subf %parallel_loop3A_366, %parallel_loop3A_364 : vector<16xf32>
          %parallel_loop3A_368 = arith.mulf %parallel_loop3A_359, %parallel_loop3A_367 : vector<16xf32>
          %parallel_loop3A_369 = arith.constant 0.000000e+00 : f32
          %parallel_loop3A_370 = vector.broadcast %parallel_loop3A_369 : f32 to vector<16xf32>
          %parallel_loop3A_371 = arith.maximumf %parallel_loop3A_346, %parallel_loop3A_370 : vector<16xf32>
          %parallel_loop3A_372 = arith.mulf %parallel_loop3A_371, %parallel_loop3A_368 : vector<16xf32>
          %parallel_loop3A_373 = arith.addf %parallel_loop3A_326, %parallel_loop3A_372 : vector<16xf32>
          %parallel_loop3A_374 = arith.mulf %parallel_loop3A_373, %parallel_loop3A_183 : vector<16xf32>
          %parallel_loop3A_375 = arith.index_cast %parallel_loop3A_126 : i32 to index
          %parallel_loop3A_376 = arith.constant 0 : index
          %parallel_loop3A_377 = tpu.vector_load %arg8[%parallel_loop3A_375, %parallel_loop3A_376] {strides = array<i32>} : memref<200x16xf32, #tpu.memory_space<vmem>>, vector<16xf32>,
          tpu.vector_store %arg8[%parallel_loop3A_375, %parallel_loop3A_376], %parallel_loop3A_374 {strides = array<i32>} : memref<200x16xf32, #tpu.memory_space<vmem>>, vector<16xf32>,
        } {sc.loop_unroll_factor = 8 : i64, sc.parallel_access}
      } else {
      }
      %jit3A_73 = arith.constant 2 : i32
      %eq3A_74 = arith.constant 0 : i32
      %eq3A_75 = arith.cmpi eq, %jit3A_73, %eq3A_74 : i32
      %jit3A_76 = arith.constant 1 : i32
      %select_n3A_77 = arith.select %eq3A_75, %jit3A_76, %jit3A_73 : i32
      %rem3A_78 = arith.remsi %scan3A_41, %select_n3A_77 : i32
      %ne3A_79 = arith.constant 0 : i32
      %ne3A_80 = arith.cmpi ne, %rem3A_78, %ne3A_79 : i32
      %lt3A_81 = arith.constant 0 : i32
      %lt3A_82 = arith.cmpi slt, %rem3A_78, %lt3A_81 : i32
      %lt3A_83 = arith.constant 0 : i32
      %lt3A_84 = arith.cmpi slt, %select_n3A_77, %lt3A_83 : i32
      %ne3A_85 = arith.xori %lt3A_82, %lt3A_84 : i1
      %and3A_86 = arith.andi %ne3A_85, %ne3A_80 : i1
      %add3A_87 = arith.addi %rem3A_78, %select_n3A_77 : i32
      %select_n3A_88 = arith.select %and3A_86, %add3A_87, %rem3A_78 : i32
      %eq3A_89 = arith.constant 1 : i32
      %eq3A_90 = arith.cmpi eq, %select_n3A_88, %eq3A_89 : i32
      %convert_element_type3A_91 = arith.extui %eq3A_90 : i1 to i32
      %cond3A_92 = arith.constant 0 : i32
      %cond3A_93 = arith.cmpi ne, %convert_element_type3A_91, %cond3A_92 : i32
      scf.if %cond3A_93 {
        %mul3A_107 = arith.constant 2400 : i32
        %mul3A_108 = arith.muli %arg0, %mul3A_107 : i32
        %add3A_109 = arith.constant 0 : i32
        %add3A_110 = arith.addi %mul3A_108, %add3A_109 : i32
        %multiple_of3A_111 = tpu.assume_multiple %add3A_110, 8 : i32
        %dma_wait3A_112 = arith.constant 0 : i32
        %dma_wait3A_113 = tpu.memref_slice %arg2[%arg1, %multiple_of3A_111, %dma_wait3A_112] : memref<16x4800x65xi32, #tpu.memory_space<hbm>> -> memref<1x200x65xi32, #tpu.memory_space<hbm>>
        %dma_wait3A_114 = tpu.memref_squeeze %dma_wait3A_113 : memref<1x200x65xi32, #tpu.memory_space<hbm>> -> memref<200x65xi32, #tpu.memory_space<hbm>>
        %dma_wait3A_115 = arith.constant 0 : i32
        %dma_wait3A_116 = tpu.memref_slice %arg2[%arg1, %multiple_of3A_111, %dma_wait3A_115] : memref<16x4800x65xi32, #tpu.memory_space<hbm>> -> memref<1x200x65xi32, #tpu.memory_space<hbm>>
        %dma_wait3A_117 = tpu.memref_squeeze %dma_wait3A_116 : memref<1x200x65xi32, #tpu.memory_space<hbm>> -> memref<200x65xi32, #tpu.memory_space<hbm>>
        tpu.wait_dma2 semaphore(%arg10 : memref<!tpu.dma_semaphore, #tpu.memory_space<semaphore_mem>>) src(%dma_wait3A_117 : memref<200x65xi32, #tpu.memory_space<hbm>>) dst(%arg7 : memref<200x65xi32, #tpu.memory_space<vmem>>)
        %mul3A_118 = arith.constant 2400 : i32
        %mul3A_119 = arith.muli %arg0, %mul3A_118 : i32
        %mul3A_120 = arith.constant 200 : i32
        %mul3A_121 = arith.muli %scan3A_41, %mul3A_120 : i32
        %add3A_122 = arith.addi %mul3A_119, %mul3A_121 : i32
        %multiple_of3A_123 = tpu.assume_multiple %add3A_122, 8 : i32
        %parallel_loop3A = arith.constant 0 : i32
        %parallel_loop3A_124 = arith.constant 200 : i32
        %parallel_loop3A_125 = arith.constant 1 : i32
        scf.for %parallel_loop3A_126 = %parallel_loop3A to %parallel_loop3A_124 step %parallel_loop3A_125  : i32 {
          %parallel_loop3A_127 = arith.constant 5200 : i32
          %parallel_loop3A_128 = arith.addi %parallel_loop3A_127, %multiple_of3A_123 : i32
          %parallel_loop3A_129 = arith.addi %parallel_loop3A_128, %parallel_loop3A_126 : i32
          %parallel_loop3A_130 = vector.broadcast %parallel_loop3A_129 : i32 to vector<16xi32>
          %parallel_loop3A_131 = arith.addi %parallel_loop3A_130, %mul3A_15 : vector<16xi32>
          %parallel_loop3A_132 = tpu.vector_load_idx %arg5[%parallel_loop3A_131] : memref<30012xf32, #tpu.memory_space<vmem>>[vector<16xi32>], vector<16xf32>,
          %parallel_loop3A_133 = vector.extract_strided_slice %parallel_loop3A_132 {offsets = [0], sizes = [1], strides = [1]} : vector<16xf32> to vector<1xf32>
          %parallel_loop3A_134 = vector.extract %parallel_loop3A_133[0] : f32 from vector<1xf32>
          %parallel_loop3A_135 = vector.broadcast %parallel_loop3A_134 : f32 to vector<16xf32>
          %parallel_loop3A_136 = vector.extract_strided_slice %parallel_loop3A_132 {offsets = [1], sizes = [1], strides = [1]} : vector<16xf32> to vector<1xf32>
          %parallel_loop3A_137 = vector.extract %parallel_loop3A_136[0] : f32 from vector<1xf32>
          %parallel_loop3A_138 = vector.broadcast %parallel_loop3A_137 : f32 to vector<16xf32>
          %parallel_loop3A_139 = vector.extract_strided_slice %parallel_loop3A_132 {offsets = [2], sizes = [1], strides = [1]} : vector<16xf32> to vector<1xf32>
          %parallel_loop3A_140 = vector.extract %parallel_loop3A_139[0] : f32 from vector<1xf32>
          %parallel_loop3A_141 = vector.broadcast %parallel_loop3A_140 : f32 to vector<16xf32>
          %parallel_loop3A_142 = arith.index_cast %parallel_loop3A_126 : i32 to index
          %parallel_loop3A_143 = arith.constant 0 : index
          %parallel_loop3A_144 = tpu.vector_load %arg7[%parallel_loop3A_142, %parallel_loop3A_143] {strides = array<i32>} : memref<200x65xi32, #tpu.memory_space<vmem>>, vector<16xi32>,
          %parallel_loop3A_145 = vector.extract_strided_slice %parallel_loop3A_144 {offsets = [0], sizes = [1], strides = [1]} : vector<16xi32> to vector<1xi32>
          %parallel_loop3A_146 = vector.extract %parallel_loop3A_145[0] : i32 from vector<1xi32>
          %parallel_loop3A_147 = vector.broadcast %parallel_loop3A_146 : i32 to vector<16xi32>
          %parallel_loop3A_148 = arith.addi %parallel_loop3A_147, %mul3A_15 : vector<16xi32>
          %parallel_loop3A_149 = tpu.vector_load_idx %arg5[%parallel_loop3A_148] : memref<30012xf32, #tpu.memory_space<vmem>>[vector<16xi32>], vector<16xf32>,
          %parallel_loop3A_150 = vector.extract_strided_slice %parallel_loop3A_149 {offsets = [0], sizes = [1], strides = [1]} : vector<16xf32> to vector<1xf32>
          %parallel_loop3A_151 = vector.extract %parallel_loop3A_150[0] : f32 from vector<1xf32>
          %parallel_loop3A_152 = vector.broadcast %parallel_loop3A_151 : f32 to vector<16xf32>
          %parallel_loop3A_153 = arith.subf %parallel_loop3A_152, %parallel_loop3A_135 : vector<16xf32>
          %parallel_loop3A_154 = vector.extract_strided_slice %parallel_loop3A_149 {offsets = [1], sizes = [1], strides = [1]} : vector<16xf32> to vector<1xf32>
          %parallel_loop3A_155 = vector.extract %parallel_loop3A_154[0] : f32 from vector<1xf32>
          %parallel_loop3A_156 = vector.broadcast %parallel_loop3A_155 : f32 to vector<16xf32>
          %parallel_loop3A_157 = arith.subf %parallel_loop3A_156, %parallel_loop3A_138 : vector<16xf32>
          %parallel_loop3A_158 = vector.extract_strided_slice %parallel_loop3A_149 {offsets = [2], sizes = [1], strides = [1]} : vector<16xf32> to vector<1xf32>
          %parallel_loop3A_159 = vector.extract %parallel_loop3A_158[0] : f32 from vector<1xf32>
          %parallel_loop3A_160 = vector.broadcast %parallel_loop3A_159 : f32 to vector<16xf32>
          %parallel_loop3A_161 = arith.subf %parallel_loop3A_160, %parallel_loop3A_141 : vector<16xf32>
          %parallel_loop3A_162 = arith.mulf %parallel_loop3A_153, %parallel_loop3A_153 : vector<16xf32>
          %parallel_loop3A_163 = arith.mulf %parallel_loop3A_157, %parallel_loop3A_157 : vector<16xf32>
          %parallel_loop3A_164 = arith.addf %parallel_loop3A_162, %parallel_loop3A_163 : vector<16xf32>
          %parallel_loop3A_165 = arith.mulf %parallel_loop3A_161, %parallel_loop3A_161 : vector<16xf32>
          %parallel_loop3A_166 = arith.addf %parallel_loop3A_164, %parallel_loop3A_165 : vector<16xf32>
          %parallel_loop3A_167 = vector.bitcast %parallel_loop3A_166 : vector<16xf32> to vector<16xi32>
          %parallel_loop3A_168 = arith.constant 1 : i32
          %parallel_loop3A_169 = vector.broadcast %parallel_loop3A_168 : i32 to vector<16xi32>
          %parallel_loop3A_170 = arith.shrsi %parallel_loop3A_167, %parallel_loop3A_169 : vector<16xi32>
          %parallel_loop3A_171 = arith.constant 1597463007 : i32
          %parallel_loop3A_172 = vector.broadcast %parallel_loop3A_171 : i32 to vector<16xi32>
          %parallel_loop3A_173 = arith.subi %parallel_loop3A_172, %parallel_loop3A_170 : vector<16xi32>
          %parallel_loop3A_174 = vector.bitcast %parallel_loop3A_173 : vector<16xi32> to vector<16xf32>
          %parallel_loop3A_175 = arith.constant 5.000000e-01 : f32
          %parallel_loop3A_176 = vector.broadcast %parallel_loop3A_175 : f32 to vector<16xf32>
          %parallel_loop3A_177 = arith.mulf %parallel_loop3A_176, %parallel_loop3A_166 : vector<16xf32>
          %parallel_loop3A_178 = arith.mulf %parallel_loop3A_177, %parallel_loop3A_174 : vector<16xf32>
          %parallel_loop3A_179 = arith.mulf %parallel_loop3A_178, %parallel_loop3A_174 : vector<16xf32>
          %parallel_loop3A_180 = arith.constant 1.500000e+00 : f32
          %parallel_loop3A_181 = vector.broadcast %parallel_loop3A_180 : f32 to vector<16xf32>
          %parallel_loop3A_182 = arith.subf %parallel_loop3A_181, %parallel_loop3A_179 : vector<16xf32>
          %parallel_loop3A_183 = arith.mulf %parallel_loop3A_174, %parallel_loop3A_182 : vector<16xf32>
          %parallel_loop3A_184 = arith.constant 0.000000e+00 : f32
          %parallel_loop3A_185 = vector.broadcast %parallel_loop3A_184 : f32 to vector<16xf32>
          %parallel_loop3A_186 = arith.index_cast %parallel_loop3A_126 : i32 to index
          %parallel_loop3A_187 = arith.constant 1 : index
          %parallel_loop3A_188 = tpu.vector_load %arg7[%parallel_loop3A_186, %parallel_loop3A_187] {strides = array<i32>} : memref<200x65xi32, #tpu.memory_space<vmem>>, vector<16xi32>,
          %parallel_loop3A_189 = tpu.vector_load_idx %arg5[%parallel_loop3A_188] : memref<30012xf32, #tpu.memory_space<vmem>>[vector<16xi32>], vector<16xf32>,
          %parallel_loop3A_190 = arith.constant 10004 : i32
          %parallel_loop3A_191 = vector.broadcast %parallel_loop3A_190 : i32 to vector<16xi32>
          %parallel_loop3A_192 = arith.addi %parallel_loop3A_188, %parallel_loop3A_191 : vector<16xi32>
          %parallel_loop3A_193 = tpu.vector_load_idx %arg5[%parallel_loop3A_192] : memref<30012xf32, #tpu.memory_space<vmem>>[vector<16xi32>], vector<16xf32>,
          %parallel_loop3A_194 = arith.constant 20008 : i32
          %parallel_loop3A_195 = vector.broadcast %parallel_loop3A_194 : i32 to vector<16xi32>
          %parallel_loop3A_196 = arith.addi %parallel_loop3A_188, %parallel_loop3A_195 : vector<16xi32>
          %parallel_loop3A_197 = tpu.vector_load_idx %arg5[%parallel_loop3A_196] : memref<30012xf32, #tpu.memory_space<vmem>>[vector<16xi32>], vector<16xf32>,
          %parallel_loop3A_198 = arith.subf %parallel_loop3A_189, %parallel_loop3A_135 : vector<16xf32>
          %parallel_loop3A_199 = arith.subf %parallel_loop3A_193, %parallel_loop3A_138 : vector<16xf32>
          %parallel_loop3A_200 = arith.subf %parallel_loop3A_197, %parallel_loop3A_141 : vector<16xf32>
          %parallel_loop3A_201 = arith.mulf %parallel_loop3A_198, %parallel_loop3A_153 : vector<16xf32>
          %parallel_loop3A_202 = arith.mulf %parallel_loop3A_199, %parallel_loop3A_157 : vector<16xf32>
          %parallel_loop3A_203 = arith.addf %parallel_loop3A_201, %parallel_loop3A_202 : vector<16xf32>
          %parallel_loop3A_204 = arith.mulf %parallel_loop3A_200, %parallel_loop3A_161 : vector<16xf32>
          %parallel_loop3A_205 = arith.addf %parallel_loop3A_203, %parallel_loop3A_204 : vector<16xf32>
          %parallel_loop3A_206 = arith.mulf %parallel_loop3A_198, %parallel_loop3A_198 : vector<16xf32>
          %parallel_loop3A_207 = arith.mulf %parallel_loop3A_199, %parallel_loop3A_199 : vector<16xf32>
          %parallel_loop3A_208 = arith.addf %parallel_loop3A_206, %parallel_loop3A_207 : vector<16xf32>
          %parallel_loop3A_209 = arith.mulf %parallel_loop3A_200, %parallel_loop3A_200 : vector<16xf32>
          %parallel_loop3A_210 = arith.addf %parallel_loop3A_208, %parallel_loop3A_209 : vector<16xf32>
          %parallel_loop3A_211 = vector.bitcast %parallel_loop3A_210 : vector<16xf32> to vector<16xi32>
          %parallel_loop3A_212 = arith.constant 1 : i32
          %parallel_loop3A_213 = vector.broadcast %parallel_loop3A_212 : i32 to vector<16xi32>
          %parallel_loop3A_214 = arith.shrsi %parallel_loop3A_211, %parallel_loop3A_213 : vector<16xi32>
          %parallel_loop3A_215 = arith.constant 1597463007 : i32
          %parallel_loop3A_216 = vector.broadcast %parallel_loop3A_215 : i32 to vector<16xi32>
          %parallel_loop3A_217 = arith.subi %parallel_loop3A_216, %parallel_loop3A_214 : vector<16xi32>
          %parallel_loop3A_218 = vector.bitcast %parallel_loop3A_217 : vector<16xi32> to vector<16xf32>
          %parallel_loop3A_219 = arith.constant 5.000000e-01 : f32
          %parallel_loop3A_220 = vector.broadcast %parallel_loop3A_219 : f32 to vector<16xf32>
          %parallel_loop3A_221 = arith.mulf %parallel_loop3A_220, %parallel_loop3A_210 : vector<16xf32>
          %parallel_loop3A_222 = arith.mulf %parallel_loop3A_221, %parallel_loop3A_218 : vector<16xf32>
          %parallel_loop3A_223 = arith.mulf %parallel_loop3A_222, %parallel_loop3A_218 : vector<16xf32>
          %parallel_loop3A_224 = arith.constant 1.500000e+00 : f32
          %parallel_loop3A_225 = vector.broadcast %parallel_loop3A_224 : f32 to vector<16xf32>
          %parallel_loop3A_226 = arith.subf %parallel_loop3A_225, %parallel_loop3A_223 : vector<16xf32>
          %parallel_loop3A_227 = arith.mulf %parallel_loop3A_218, %parallel_loop3A_226 : vector<16xf32>
          %parallel_loop3A_228 = arith.constant 0.000000e+00 : f32
          %parallel_loop3A_229 = vector.broadcast %parallel_loop3A_228 : f32 to vector<16xf32>
          %parallel_loop3A_230 = arith.maximumf %parallel_loop3A_205, %parallel_loop3A_229 : vector<16xf32>
          %parallel_loop3A_231 = arith.mulf %parallel_loop3A_230, %parallel_loop3A_227 : vector<16xf32>
          %parallel_loop3A_232 = arith.addf %parallel_loop3A_185, %parallel_loop3A_231 : vector<16xf32>
          %parallel_loop3A_233 = arith.index_cast %parallel_loop3A_126 : i32 to index
          %parallel_loop3A_234 = arith.constant 17 : index
          %parallel_loop3A_235 = tpu.vector_load %arg7[%parallel_loop3A_233, %parallel_loop3A_234] {strides = array<i32>} : memref<200x65xi32, #tpu.memory_space<vmem>>, vector<16xi32>,
          %parallel_loop3A_236 = tpu.vector_load_idx %arg5[%parallel_loop3A_235] : memref<30012xf32, #tpu.memory_space<vmem>>[vector<16xi32>], vector<16xf32>,
          %parallel_loop3A_237 = arith.constant 10004 : i32
          %parallel_loop3A_238 = vector.broadcast %parallel_loop3A_237 : i32 to vector<16xi32>
          %parallel_loop3A_239 = arith.addi %parallel_loop3A_235, %parallel_loop3A_238 : vector<16xi32>
          %parallel_loop3A_240 = tpu.vector_load_idx %arg5[%parallel_loop3A_239] : memref<30012xf32, #tpu.memory_space<vmem>>[vector<16xi32>], vector<16xf32>,
          %parallel_loop3A_241 = arith.constant 20008 : i32
          %parallel_loop3A_242 = vector.broadcast %parallel_loop3A_241 : i32 to vector<16xi32>
          %parallel_loop3A_243 = arith.addi %parallel_loop3A_235, %parallel_loop3A_242 : vector<16xi32>
          %parallel_loop3A_244 = tpu.vector_load_idx %arg5[%parallel_loop3A_243] : memref<30012xf32, #tpu.memory_space<vmem>>[vector<16xi32>], vector<16xf32>,
          %parallel_loop3A_245 = arith.subf %parallel_loop3A_236, %parallel_loop3A_135 : vector<16xf32>
          %parallel_loop3A_246 = arith.subf %parallel_loop3A_240, %parallel_loop3A_138 : vector<16xf32>
          %parallel_loop3A_247 = arith.subf %parallel_loop3A_244, %parallel_loop3A_141 : vector<16xf32>
          %parallel_loop3A_248 = arith.mulf %parallel_loop3A_245, %parallel_loop3A_153 : vector<16xf32>
          %parallel_loop3A_249 = arith.mulf %parallel_loop3A_246, %parallel_loop3A_157 : vector<16xf32>
          %parallel_loop3A_250 = arith.addf %parallel_loop3A_248, %parallel_loop3A_249 : vector<16xf32>
          %parallel_loop3A_251 = arith.mulf %parallel_loop3A_247, %parallel_loop3A_161 : vector<16xf32>
          %parallel_loop3A_252 = arith.addf %parallel_loop3A_250, %parallel_loop3A_251 : vector<16xf32>
          %parallel_loop3A_253 = arith.mulf %parallel_loop3A_245, %parallel_loop3A_245 : vector<16xf32>
          %parallel_loop3A_254 = arith.mulf %parallel_loop3A_246, %parallel_loop3A_246 : vector<16xf32>
          %parallel_loop3A_255 = arith.addf %parallel_loop3A_253, %parallel_loop3A_254 : vector<16xf32>
          %parallel_loop3A_256 = arith.mulf %parallel_loop3A_247, %parallel_loop3A_247 : vector<16xf32>
          %parallel_loop3A_257 = arith.addf %parallel_loop3A_255, %parallel_loop3A_256 : vector<16xf32>
          %parallel_loop3A_258 = vector.bitcast %parallel_loop3A_257 : vector<16xf32> to vector<16xi32>
          %parallel_loop3A_259 = arith.constant 1 : i32
          %parallel_loop3A_260 = vector.broadcast %parallel_loop3A_259 : i32 to vector<16xi32>
          %parallel_loop3A_261 = arith.shrsi %parallel_loop3A_258, %parallel_loop3A_260 : vector<16xi32>
          %parallel_loop3A_262 = arith.constant 1597463007 : i32
          %parallel_loop3A_263 = vector.broadcast %parallel_loop3A_262 : i32 to vector<16xi32>
          %parallel_loop3A_264 = arith.subi %parallel_loop3A_263, %parallel_loop3A_261 : vector<16xi32>
          %parallel_loop3A_265 = vector.bitcast %parallel_loop3A_264 : vector<16xi32> to vector<16xf32>
          %parallel_loop3A_266 = arith.constant 5.000000e-01 : f32
          %parallel_loop3A_267 = vector.broadcast %parallel_loop3A_266 : f32 to vector<16xf32>
          %parallel_loop3A_268 = arith.mulf %parallel_loop3A_267, %parallel_loop3A_257 : vector<16xf32>
          %parallel_loop3A_269 = arith.mulf %parallel_loop3A_268, %parallel_loop3A_265 : vector<16xf32>
          %parallel_loop3A_270 = arith.mulf %parallel_loop3A_269, %parallel_loop3A_265 : vector<16xf32>
          %parallel_loop3A_271 = arith.constant 1.500000e+00 : f32
          %parallel_loop3A_272 = vector.broadcast %parallel_loop3A_271 : f32 to vector<16xf32>
          %parallel_loop3A_273 = arith.subf %parallel_loop3A_272, %parallel_loop3A_270 : vector<16xf32>
          %parallel_loop3A_274 = arith.mulf %parallel_loop3A_265, %parallel_loop3A_273 : vector<16xf32>
          %parallel_loop3A_275 = arith.constant 0.000000e+00 : f32
          %parallel_loop3A_276 = vector.broadcast %parallel_loop3A_275 : f32 to vector<16xf32>
          %parallel_loop3A_277 = arith.maximumf %parallel_loop3A_252, %parallel_loop3A_276 : vector<16xf32>
          %parallel_loop3A_278 = arith.mulf %parallel_loop3A_277, %parallel_loop3A_274 : vector<16xf32>
          %parallel_loop3A_279 = arith.addf %parallel_loop3A_232, %parallel_loop3A_278 : vector<16xf32>
          %parallel_loop3A_280 = arith.index_cast %parallel_loop3A_126 : i32 to index
          %parallel_loop3A_281 = arith.constant 33 : index
          %parallel_loop3A_282 = tpu.vector_load %arg7[%parallel_loop3A_280, %parallel_loop3A_281] {strides = array<i32>} : memref<200x65xi32, #tpu.memory_space<vmem>>, vector<16xi32>,
          %parallel_loop3A_283 = tpu.vector_load_idx %arg5[%parallel_loop3A_282] : memref<30012xf32, #tpu.memory_space<vmem>>[vector<16xi32>], vector<16xf32>,
          %parallel_loop3A_284 = arith.constant 10004 : i32
          %parallel_loop3A_285 = vector.broadcast %parallel_loop3A_284 : i32 to vector<16xi32>
          %parallel_loop3A_286 = arith.addi %parallel_loop3A_282, %parallel_loop3A_285 : vector<16xi32>
          %parallel_loop3A_287 = tpu.vector_load_idx %arg5[%parallel_loop3A_286] : memref<30012xf32, #tpu.memory_space<vmem>>[vector<16xi32>], vector<16xf32>,
          %parallel_loop3A_288 = arith.constant 20008 : i32
          %parallel_loop3A_289 = vector.broadcast %parallel_loop3A_288 : i32 to vector<16xi32>
          %parallel_loop3A_290 = arith.addi %parallel_loop3A_282, %parallel_loop3A_289 : vector<16xi32>
          %parallel_loop3A_291 = tpu.vector_load_idx %arg5[%parallel_loop3A_290] : memref<30012xf32, #tpu.memory_space<vmem>>[vector<16xi32>], vector<16xf32>,
          %parallel_loop3A_292 = arith.subf %parallel_loop3A_283, %parallel_loop3A_135 : vector<16xf32>
          %parallel_loop3A_293 = arith.subf %parallel_loop3A_287, %parallel_loop3A_138 : vector<16xf32>
          %parallel_loop3A_294 = arith.subf %parallel_loop3A_291, %parallel_loop3A_141 : vector<16xf32>
          %parallel_loop3A_295 = arith.mulf %parallel_loop3A_292, %parallel_loop3A_153 : vector<16xf32>
          %parallel_loop3A_296 = arith.mulf %parallel_loop3A_293, %parallel_loop3A_157 : vector<16xf32>
          %parallel_loop3A_297 = arith.addf %parallel_loop3A_295, %parallel_loop3A_296 : vector<16xf32>
          %parallel_loop3A_298 = arith.mulf %parallel_loop3A_294, %parallel_loop3A_161 : vector<16xf32>
          %parallel_loop3A_299 = arith.addf %parallel_loop3A_297, %parallel_loop3A_298 : vector<16xf32>
          %parallel_loop3A_300 = arith.mulf %parallel_loop3A_292, %parallel_loop3A_292 : vector<16xf32>
          %parallel_loop3A_301 = arith.mulf %parallel_loop3A_293, %parallel_loop3A_293 : vector<16xf32>
          %parallel_loop3A_302 = arith.addf %parallel_loop3A_300, %parallel_loop3A_301 : vector<16xf32>
          %parallel_loop3A_303 = arith.mulf %parallel_loop3A_294, %parallel_loop3A_294 : vector<16xf32>
          %parallel_loop3A_304 = arith.addf %parallel_loop3A_302, %parallel_loop3A_303 : vector<16xf32>
          %parallel_loop3A_305 = vector.bitcast %parallel_loop3A_304 : vector<16xf32> to vector<16xi32>
          %parallel_loop3A_306 = arith.constant 1 : i32
          %parallel_loop3A_307 = vector.broadcast %parallel_loop3A_306 : i32 to vector<16xi32>
          %parallel_loop3A_308 = arith.shrsi %parallel_loop3A_305, %parallel_loop3A_307 : vector<16xi32>
          %parallel_loop3A_309 = arith.constant 1597463007 : i32
          %parallel_loop3A_310 = vector.broadcast %parallel_loop3A_309 : i32 to vector<16xi32>
          %parallel_loop3A_311 = arith.subi %parallel_loop3A_310, %parallel_loop3A_308 : vector<16xi32>
          %parallel_loop3A_312 = vector.bitcast %parallel_loop3A_311 : vector<16xi32> to vector<16xf32>
          %parallel_loop3A_313 = arith.constant 5.000000e-01 : f32
          %parallel_loop3A_314 = vector.broadcast %parallel_loop3A_313 : f32 to vector<16xf32>
          %parallel_loop3A_315 = arith.mulf %parallel_loop3A_314, %parallel_loop3A_304 : vector<16xf32>
          %parallel_loop3A_316 = arith.mulf %parallel_loop3A_315, %parallel_loop3A_312 : vector<16xf32>
          %parallel_loop3A_317 = arith.mulf %parallel_loop3A_316, %parallel_loop3A_312 : vector<16xf32>
          %parallel_loop3A_318 = arith.constant 1.500000e+00 : f32
          %parallel_loop3A_319 = vector.broadcast %parallel_loop3A_318 : f32 to vector<16xf32>
          %parallel_loop3A_320 = arith.subf %parallel_loop3A_319, %parallel_loop3A_317 : vector<16xf32>
          %parallel_loop3A_321 = arith.mulf %parallel_loop3A_312, %parallel_loop3A_320 : vector<16xf32>
          %parallel_loop3A_322 = arith.constant 0.000000e+00 : f32
          %parallel_loop3A_323 = vector.broadcast %parallel_loop3A_322 : f32 to vector<16xf32>
          %parallel_loop3A_324 = arith.maximumf %parallel_loop3A_299, %parallel_loop3A_323 : vector<16xf32>
          %parallel_loop3A_325 = arith.mulf %parallel_loop3A_324, %parallel_loop3A_321 : vector<16xf32>
          %parallel_loop3A_326 = arith.addf %parallel_loop3A_279, %parallel_loop3A_325 : vector<16xf32>
          %parallel_loop3A_327 = arith.index_cast %parallel_loop3A_126 : i32 to index
          %parallel_loop3A_328 = arith.constant 49 : index
          %parallel_loop3A_329 = tpu.vector_load %arg7[%parallel_loop3A_327, %parallel_loop3A_328] {strides = array<i32>} : memref<200x65xi32, #tpu.memory_space<vmem>>, vector<16xi32>,
          %parallel_loop3A_330 = tpu.vector_load_idx %arg5[%parallel_loop3A_329] : memref<30012xf32, #tpu.memory_space<vmem>>[vector<16xi32>], vector<16xf32>,
          %parallel_loop3A_331 = arith.constant 10004 : i32
          %parallel_loop3A_332 = vector.broadcast %parallel_loop3A_331 : i32 to vector<16xi32>
          %parallel_loop3A_333 = arith.addi %parallel_loop3A_329, %parallel_loop3A_332 : vector<16xi32>
          %parallel_loop3A_334 = tpu.vector_load_idx %arg5[%parallel_loop3A_333] : memref<30012xf32, #tpu.memory_space<vmem>>[vector<16xi32>], vector<16xf32>,
          %parallel_loop3A_335 = arith.constant 20008 : i32
          %parallel_loop3A_336 = vector.broadcast %parallel_loop3A_335 : i32 to vector<16xi32>
          %parallel_loop3A_337 = arith.addi %parallel_loop3A_329, %parallel_loop3A_336 : vector<16xi32>
          %parallel_loop3A_338 = tpu.vector_load_idx %arg5[%parallel_loop3A_337] : memref<30012xf32, #tpu.memory_space<vmem>>[vector<16xi32>], vector<16xf32>,
          %parallel_loop3A_339 = arith.subf %parallel_loop3A_330, %parallel_loop3A_135 : vector<16xf32>
          %parallel_loop3A_340 = arith.subf %parallel_loop3A_334, %parallel_loop3A_138 : vector<16xf32>
          %parallel_loop3A_341 = arith.subf %parallel_loop3A_338, %parallel_loop3A_141 : vector<16xf32>
          %parallel_loop3A_342 = arith.mulf %parallel_loop3A_339, %parallel_loop3A_153 : vector<16xf32>
          %parallel_loop3A_343 = arith.mulf %parallel_loop3A_340, %parallel_loop3A_157 : vector<16xf32>
          %parallel_loop3A_344 = arith.addf %parallel_loop3A_342, %parallel_loop3A_343 : vector<16xf32>
          %parallel_loop3A_345 = arith.mulf %parallel_loop3A_341, %parallel_loop3A_161 : vector<16xf32>
          %parallel_loop3A_346 = arith.addf %parallel_loop3A_344, %parallel_loop3A_345 : vector<16xf32>
          %parallel_loop3A_347 = arith.mulf %parallel_loop3A_339, %parallel_loop3A_339 : vector<16xf32>
          %parallel_loop3A_348 = arith.mulf %parallel_loop3A_340, %parallel_loop3A_340 : vector<16xf32>
          %parallel_loop3A_349 = arith.addf %parallel_loop3A_347, %parallel_loop3A_348 : vector<16xf32>
          %parallel_loop3A_350 = arith.mulf %parallel_loop3A_341, %parallel_loop3A_341 : vector<16xf32>
          %parallel_loop3A_351 = arith.addf %parallel_loop3A_349, %parallel_loop3A_350 : vector<16xf32>
          %parallel_loop3A_352 = vector.bitcast %parallel_loop3A_351 : vector<16xf32> to vector<16xi32>
          %parallel_loop3A_353 = arith.constant 1 : i32
          %parallel_loop3A_354 = vector.broadcast %parallel_loop3A_353 : i32 to vector<16xi32>
          %parallel_loop3A_355 = arith.shrsi %parallel_loop3A_352, %parallel_loop3A_354 : vector<16xi32>
          %parallel_loop3A_356 = arith.constant 1597463007 : i32
          %parallel_loop3A_357 = vector.broadcast %parallel_loop3A_356 : i32 to vector<16xi32>
          %parallel_loop3A_358 = arith.subi %parallel_loop3A_357, %parallel_loop3A_355 : vector<16xi32>
          %parallel_loop3A_359 = vector.bitcast %parallel_loop3A_358 : vector<16xi32> to vector<16xf32>
          %parallel_loop3A_360 = arith.constant 5.000000e-01 : f32
          %parallel_loop3A_361 = vector.broadcast %parallel_loop3A_360 : f32 to vector<16xf32>
          %parallel_loop3A_362 = arith.mulf %parallel_loop3A_361, %parallel_loop3A_351 : vector<16xf32>
          %parallel_loop3A_363 = arith.mulf %parallel_loop3A_362, %parallel_loop3A_359 : vector<16xf32>
          %parallel_loop3A_364 = arith.mulf %parallel_loop3A_363, %parallel_loop3A_359 : vector<16xf32>
          %parallel_loop3A_365 = arith.constant 1.500000e+00 : f32
          %parallel_loop3A_366 = vector.broadcast %parallel_loop3A_365 : f32 to vector<16xf32>
          %parallel_loop3A_367 = arith.subf %parallel_loop3A_366, %parallel_loop3A_364 : vector<16xf32>
          %parallel_loop3A_368 = arith.mulf %parallel_loop3A_359, %parallel_loop3A_367 : vector<16xf32>
          %parallel_loop3A_369 = arith.constant 0.000000e+00 : f32
          %parallel_loop3A_370 = vector.broadcast %parallel_loop3A_369 : f32 to vector<16xf32>
          %parallel_loop3A_371 = arith.maximumf %parallel_loop3A_346, %parallel_loop3A_370 : vector<16xf32>
          %parallel_loop3A_372 = arith.mulf %parallel_loop3A_371, %parallel_loop3A_368 : vector<16xf32>
          %parallel_loop3A_373 = arith.addf %parallel_loop3A_326, %parallel_loop3A_372 : vector<16xf32>
          %parallel_loop3A_374 = arith.mulf %parallel_loop3A_373, %parallel_loop3A_183 : vector<16xf32>
          %parallel_loop3A_375 = arith.index_cast %parallel_loop3A_126 : i32 to index
          %parallel_loop3A_376 = arith.constant 0 : index
          %parallel_loop3A_377 = tpu.vector_load %arg8[%parallel_loop3A_375, %parallel_loop3A_376] {strides = array<i32>} : memref<200x16xf32, #tpu.memory_space<vmem>>, vector<16xf32>,
          tpu.vector_store %arg8[%parallel_loop3A_375, %parallel_loop3A_376], %parallel_loop3A_374 {strides = array<i32>} : memref<200x16xf32, #tpu.memory_space<vmem>>, vector<16xf32>,
        } {sc.loop_unroll_factor = 8 : i64, sc.parallel_access}
      } else {
      }
      %mul3A_94 = arith.constant 2400 : i32
      %mul3A_95 = arith.muli %arg0, %mul3A_94 : i32
      %mul3A_96 = arith.constant 200 : i32
      %mul3A_97 = arith.muli %scan3A_41, %mul3A_96 : i32
      %add3A_98 = arith.addi %mul3A_95, %mul3A_97 : i32
      %multiple_of3A_99 = tpu.assume_multiple %add3A_98, 8 : i32
      %dma_start3A_100 = arith.constant 0 : i32
      %dma_start3A_101 = tpu.memref_slice %arg4[%arg1, %multiple_of3A_99, %dma_start3A_100] : memref<16x4800x16xf32, #tpu.memory_space<hbm>> -> memref<1x200x16xf32, #tpu.memory_space<hbm>>
      %dma_start3A_102 = tpu.memref_squeeze %dma_start3A_101 : memref<1x200x16xf32, #tpu.memory_space<hbm>> -> memref<200x16xf32, #tpu.memory_space<hbm>>
      %dma_start3A_103 = arith.constant 0 : i32
      %dma_start3A_104 = tpu.memref_slice %arg4[%arg1, %multiple_of3A_99, %dma_start3A_103] : memref<16x4800x16xf32, #tpu.memory_space<hbm>> -> memref<1x200x16xf32, #tpu.memory_space<hbm>>
      %dma_start3A_105 = tpu.memref_squeeze %dma_start3A_104 : memref<1x200x16xf32, #tpu.memory_space<hbm>> -> memref<200x16xf32, #tpu.memory_space<hbm>>
      tpu.enqueue_dma source(%arg8 : memref<200x16xf32, #tpu.memory_space<vmem>>) target(%dma_start3A_105 : memref<200x16xf32, #tpu.memory_space<hbm>>) target_semaphore(%arg11 : memref<!tpu.dma_semaphore, #tpu.memory_space<semaphore_mem>>)
      %scan3A_106 = arith.constant 0 : i32
      scf.yield %scan3A_106 : i32
    }
    %scan3A_30 = arith.constant 12 : i32
    %mul3A_31 = arith.constant 2400 : i32
    %mul3A_32 = arith.muli %arg0, %mul3A_31 : i32
    %add3A_33 = arith.constant 0 : i32
    %add3A_34 = arith.addi %mul3A_32, %add3A_33 : i32
    %multiple_of3A_35 = tpu.assume_multiple %add3A_34, 8 : i32
    %dma_wait3A = arith.constant 0 : i32
    %dma_wait3A_36 = tpu.memref_slice %arg4[%arg1, %multiple_of3A_35, %dma_wait3A] : memref<16x4800x16xf32, #tpu.memory_space<hbm>> -> memref<1x200x16xf32, #tpu.memory_space<hbm>>
    %dma_wait3A_37 = tpu.memref_squeeze %dma_wait3A_36 : memref<1x200x16xf32, #tpu.memory_space<hbm>> -> memref<200x16xf32, #tpu.memory_space<hbm>>
    %dma_wait3A_38 = arith.constant 0 : i32
    %dma_wait3A_39 = tpu.memref_slice %arg4[%arg1, %multiple_of3A_35, %dma_wait3A_38] : memref<16x4800x16xf32, #tpu.memory_space<hbm>> -> memref<1x200x16xf32, #tpu.memory_space<hbm>>
    %dma_wait3A_40 = tpu.memref_squeeze %dma_wait3A_39 : memref<1x200x16xf32, #tpu.memory_space<hbm>> -> memref<200x16xf32, #tpu.memory_space<hbm>>
    tpu.wait_dma2 semaphore(%arg11 : memref<!tpu.dma_semaphore, #tpu.memory_space<semaphore_mem>>) src(%arg8 : memref<200x16xf32, #tpu.memory_space<vmem>>) dst(%dma_wait3A_40 : memref<200x16xf32, #tpu.memory_space<hbm>>)
    return
  }
}

#map = affine_map<(d0, d1) -> (0, 0, 0)>
#map1 = affine_map<(d0, d1) -> (0, 0)>
module attributes {stable_mosaic.version = 14 : i64} {
  func.func @_body(%arg0: i32, %arg1: i32, %arg2: memref<16x5200x65xi32, #tpu.memory_space<hbm>>, %arg3: memref<16x30012xf32, #tpu.memory_space<hbm>>, %arg4: memref<16x5200x16xf32, #tpu.memory_space<hbm>>, %arg5: memref<30012xf32, #tpu.memory_space<vmem>>, %arg6: memref<200x65xi32, #tpu.memory_space<vmem>>, %arg7: memref<200x65xi32, #tpu.memory_space<vmem>>, %arg8: memref<200x16xf32, #tpu.memory_space<vmem>>, %arg9: memref<!tpu.dma_semaphore, #tpu.memory_space<semaphore_mem>>, %arg10: memref<!tpu.dma_semaphore, #tpu.memory_space<semaphore_mem>>, %arg11: memref<!tpu.dma_semaphore, #tpu.memory_space<semaphore_mem>>) attributes {dimension_semantics = [#tpu.dimension_semantics<core_parallel>, #tpu.dimension_semantics<subcore_parallel>], iteration_bounds = array<i64: 2, 16>, scalar_prefetch = 0 : i64, scratch_operands = 7 : i64, tpu.core_type = #tpu.core_type<sc_vector_subcore>, window_params = [{transform_indices = #map}, {transform_indices = #map1}, {transform_indices = #map}]} {
    "tpu.region"() ({
      %run_scoped3A = tpu.sem_alloc : memref<!tpu.dma_semaphore, #tpu.memory_space<semaphore_mem>>
      %dma_start3A_41 = arith.constant 0 : i32
      %dma_start3A_42 = tpu.memref_slice %arg3[%arg1, %dma_start3A_41] : memref<16x30012xf32, #tpu.memory_space<hbm>> -> memref<1x30012xf32, #tpu.memory_space<hbm>>
      %dma_start3A_43 = tpu.memref_squeeze %dma_start3A_42 : memref<1x30012xf32, #tpu.memory_space<hbm>> -> memref<30012xf32, #tpu.memory_space<hbm>>
      %dma_start3A_44 = arith.constant 0 : i32
      %dma_start3A_45 = tpu.memref_slice %arg3[%arg1, %dma_start3A_44] : memref<16x30012xf32, #tpu.memory_space<hbm>> -> memref<1x30012xf32, #tpu.memory_space<hbm>>
      %dma_start3A_46 = tpu.memref_squeeze %dma_start3A_45 : memref<1x30012xf32, #tpu.memory_space<hbm>> -> memref<30012xf32, #tpu.memory_space<hbm>>
      tpu.enqueue_dma source(%dma_start3A_46 : memref<30012xf32, #tpu.memory_space<hbm>>) target(%arg5 : memref<30012xf32, #tpu.memory_space<vmem>>) target_semaphore(%run_scoped3A : memref<!tpu.dma_semaphore, #tpu.memory_space<semaphore_mem>>)
      %dma_wait3A_47 = arith.constant 0 : i32
      %dma_wait3A_48 = tpu.memref_slice %arg3[%arg1, %dma_wait3A_47] : memref<16x30012xf32, #tpu.memory_space<hbm>> -> memref<1x30012xf32, #tpu.memory_space<hbm>>
      %dma_wait3A_49 = tpu.memref_squeeze %dma_wait3A_48 : memref<1x30012xf32, #tpu.memory_space<hbm>> -> memref<30012xf32, #tpu.memory_space<hbm>>
      %dma_wait3A_50 = arith.constant 0 : i32
      %dma_wait3A_51 = tpu.memref_slice %arg3[%arg1, %dma_wait3A_50] : memref<16x30012xf32, #tpu.memory_space<hbm>> -> memref<1x30012xf32, #tpu.memory_space<hbm>>
      %dma_wait3A_52 = tpu.memref_squeeze %dma_wait3A_51 : memref<1x30012xf32, #tpu.memory_space<hbm>> -> memref<30012xf32, #tpu.memory_space<hbm>>
      tpu.wait_dma2 semaphore(%run_scoped3A : memref<!tpu.dma_semaphore, #tpu.memory_space<semaphore_mem>>) src(%dma_wait3A_52 : memref<30012xf32, #tpu.memory_space<hbm>>) dst(%arg5 : memref<30012xf32, #tpu.memory_space<vmem>>)
      tpu.yield
    }) : () -> ()
    %iota3A = tpu.iota {dimensions = array<i32: 0>} : vector<16xi32>
    %jit3A = arith.constant 3 : i32
    %eq3A = arith.constant 0 : i32
    %eq3A_0 = arith.cmpi eq, %jit3A, %eq3A : i32
    %jit3A_1 = arith.constant 1 : i32
    %select_n3A = arith.select %eq3A_0, %jit3A_1, %jit3A : i32
    %rem3A = vector.broadcast %select_n3A : i32 to vector<16xi32>
    %rem3A_2 = arith.remsi %iota3A, %rem3A : vector<16xi32>
    %ne3A = arith.constant 0 : i32
    %ne3A_3 = vector.broadcast %ne3A : i32 to vector<16xi32>
    %ne3A_4 = arith.cmpi ne, %rem3A_2, %ne3A_3 : vector<16xi32>
    %lt3A = arith.constant 0 : i32
    %lt3A_5 = vector.broadcast %lt3A : i32 to vector<16xi32>
    %lt3A_6 = arith.cmpi slt, %rem3A_2, %lt3A_5 : vector<16xi32>
    %lt3A_7 = arith.constant 0 : i32
    %lt3A_8 = arith.cmpi slt, %select_n3A, %lt3A_7 : i32
    %ne3A_9 = vector.broadcast %lt3A_8 : i1 to vector<16xi1>
    %ne3A_10 = vector.broadcast %ne3A_9 : vector<16xi1> to vector<16xi1>
    %ne3A_11 = arith.xori %lt3A_6, %ne3A_10 : vector<16xi1>
    %and3A = arith.andi %ne3A_11, %ne3A_4 : vector<16xi1>
    %add3A = vector.broadcast %select_n3A : i32 to vector<16xi32>
    %add3A_12 = arith.addi %rem3A_2, %add3A : vector<16xi32>
    %select_n3A_13 = arith.select %and3A, %add3A_12, %rem3A_2 : vector<16xi1>, vector<16xi32>
    %mul3A = arith.constant 10004 : i32
    %mul3A_14 = vector.broadcast %mul3A : i32 to vector<16xi32>
    %mul3A_15 = arith.muli %select_n3A_13, %mul3A_14 : vector<16xi32>
    %mul3A_16 = arith.constant 2600 : i32
    %mul3A_17 = arith.muli %arg0, %mul3A_16 : i32
    %add3A_18 = arith.constant 0 : i32
    %add3A_19 = arith.addi %mul3A_17, %add3A_18 : i32
    %multiple_of3A = tpu.assume_multiple %add3A_19, 8 : i32
    %dma_start3A = arith.constant 0 : i32
    %dma_start3A_20 = tpu.memref_slice %arg2[%arg1, %multiple_of3A, %dma_start3A] : memref<16x5200x65xi32, #tpu.memory_space<hbm>> -> memref<1x200x65xi32, #tpu.memory_space<hbm>>
    %dma_start3A_21 = tpu.memref_squeeze %dma_start3A_20 : memref<1x200x65xi32, #tpu.memory_space<hbm>> -> memref<200x65xi32, #tpu.memory_space<hbm>>
    %dma_start3A_22 = arith.constant 0 : i32
    %dma_start3A_23 = tpu.memref_slice %arg2[%arg1, %multiple_of3A, %dma_start3A_22] : memref<16x5200x65xi32, #tpu.memory_space<hbm>> -> memref<1x200x65xi32, #tpu.memory_space<hbm>>
    %dma_start3A_24 = tpu.memref_squeeze %dma_start3A_23 : memref<1x200x65xi32, #tpu.memory_space<hbm>> -> memref<200x65xi32, #tpu.memory_space<hbm>>
    tpu.enqueue_dma source(%dma_start3A_24 : memref<200x65xi32, #tpu.memory_space<hbm>>) target(%arg6 : memref<200x65xi32, #tpu.memory_space<vmem>>) target_semaphore(%arg9 : memref<!tpu.dma_semaphore, #tpu.memory_space<semaphore_mem>>)
    %scan3A = arith.constant 0 : i32
    %scan3A_25 = arith.constant 0 : i32
    %scan3A_26 = arith.constant 13 : i32
    %scan3A_27 = arith.addi %scan3A_25, %scan3A_26 : i32
    %scan3A_28 = arith.constant 1 : i32
    %scan3A_29 = scf.for %scan3A_41 = %scan3A_25 to %scan3A_27 step %scan3A_28 iter_args(%scan3A_42 = %scan3A) -> (i32)  : i32 {
      %add3A_43 = arith.constant 1 : i32
      %add3A_44 = arith.addi %scan3A_41, %add3A_43 : i32
      %lt3A_45 = arith.constant 13 : i32
      %lt3A_46 = arith.cmpi slt, %add3A_44, %lt3A_45 : i32
      %convert_element_type3A = arith.extui %lt3A_46 : i1 to i32
      %cond3A = arith.constant 0 : i32
      %cond3A_47 = arith.cmpi ne, %convert_element_type3A, %cond3A : i32
      scf.if %cond3A_47 {
        %add3A_107 = arith.constant 1 : i32
        %add3A_108 = arith.addi %scan3A_41, %add3A_107 : i32
        %jit3A_109 = arith.constant 2 : i32
        %eq3A_110 = arith.constant 0 : i32
        %eq3A_111 = arith.cmpi eq, %jit3A_109, %eq3A_110 : i32
        %jit3A_112 = arith.constant 1 : i32
        %select_n3A_113 = arith.select %eq3A_111, %jit3A_112, %jit3A_109 : i32
        %rem3A_114 = arith.remsi %add3A_108, %select_n3A_113 : i32
        %ne3A_115 = arith.constant 0 : i32
        %ne3A_116 = arith.cmpi ne, %rem3A_114, %ne3A_115 : i32
        %lt3A_117 = arith.constant 0 : i32
        %lt3A_118 = arith.cmpi slt, %rem3A_114, %lt3A_117 : i32
        %lt3A_119 = arith.constant 0 : i32
        %lt3A_120 = arith.cmpi slt, %select_n3A_113, %lt3A_119 : i32
        %ne3A_121 = arith.xori %lt3A_118, %lt3A_120 : i1
        %and3A_122 = arith.andi %ne3A_121, %ne3A_116 : i1
        %add3A_123 = arith.addi %rem3A_114, %select_n3A_113 : i32
        %select_n3A_124 = arith.select %and3A_122, %add3A_123, %rem3A_114 : i32
        %eq3A_125 = arith.constant 0 : i32
        %eq3A_126 = arith.cmpi eq, %select_n3A_124, %eq3A_125 : i32
        %convert_element_type3A_127 = arith.extui %eq3A_126 : i1 to i32
        %cond3A_128 = arith.constant 0 : i32
        %cond3A_129 = arith.cmpi ne, %convert_element_type3A_127, %cond3A_128 : i32
        scf.if %cond3A_129 {
          %add3A_153 = arith.constant 1 : i32
          %add3A_154 = arith.addi %scan3A_41, %add3A_153 : i32
          %mul3A_155 = arith.constant 2600 : i32
          %mul3A_156 = arith.muli %arg0, %mul3A_155 : i32
          %mul3A_157 = arith.constant 200 : i32
          %mul3A_158 = arith.muli %add3A_154, %mul3A_157 : i32
          %add3A_159 = arith.addi %mul3A_156, %mul3A_158 : i32
          %multiple_of3A_160 = tpu.assume_multiple %add3A_159, 8 : i32
          %dma_start3A_161 = arith.constant 0 : i32
          %dma_start3A_162 = tpu.memref_slice %arg2[%arg1, %multiple_of3A_160, %dma_start3A_161] : memref<16x5200x65xi32, #tpu.memory_space<hbm>> -> memref<1x200x65xi32, #tpu.memory_space<hbm>>
          %dma_start3A_163 = tpu.memref_squeeze %dma_start3A_162 : memref<1x200x65xi32, #tpu.memory_space<hbm>> -> memref<200x65xi32, #tpu.memory_space<hbm>>
          %dma_start3A_164 = arith.constant 0 : i32
          %dma_start3A_165 = tpu.memref_slice %arg2[%arg1, %multiple_of3A_160, %dma_start3A_164] : memref<16x5200x65xi32, #tpu.memory_space<hbm>> -> memref<1x200x65xi32, #tpu.memory_space<hbm>>
          %dma_start3A_166 = tpu.memref_squeeze %dma_start3A_165 : memref<1x200x65xi32, #tpu.memory_space<hbm>> -> memref<200x65xi32, #tpu.memory_space<hbm>>
          tpu.enqueue_dma source(%dma_start3A_166 : memref<200x65xi32, #tpu.memory_space<hbm>>) target(%arg6 : memref<200x65xi32, #tpu.memory_space<vmem>>) target_semaphore(%arg9 : memref<!tpu.dma_semaphore, #tpu.memory_space<semaphore_mem>>)
        } else {
        }
        %add3A_130 = arith.constant 1 : i32
        %add3A_131 = arith.addi %scan3A_41, %add3A_130 : i32
        %jit3A_132 = arith.constant 2 : i32
        %eq3A_133 = arith.constant 0 : i32
        %eq3A_134 = arith.cmpi eq, %jit3A_132, %eq3A_133 : i32
        %jit3A_135 = arith.constant 1 : i32
        %select_n3A_136 = arith.select %eq3A_134, %jit3A_135, %jit3A_132 : i32
        %rem3A_137 = arith.remsi %add3A_131, %select_n3A_136 : i32
        %ne3A_138 = arith.constant 0 : i32
        %ne3A_139 = arith.cmpi ne, %rem3A_137, %ne3A_138 : i32
        %lt3A_140 = arith.constant 0 : i32
        %lt3A_141 = arith.cmpi slt, %rem3A_137, %lt3A_140 : i32
        %lt3A_142 = arith.constant 0 : i32
        %lt3A_143 = arith.cmpi slt, %select_n3A_136, %lt3A_142 : i32
        %ne3A_144 = arith.xori %lt3A_141, %lt3A_143 : i1
        %and3A_145 = arith.andi %ne3A_144, %ne3A_139 : i1
        %add3A_146 = arith.addi %rem3A_137, %select_n3A_136 : i32
        %select_n3A_147 = arith.select %and3A_145, %add3A_146, %rem3A_137 : i32
        %eq3A_148 = arith.constant 1 : i32
        %eq3A_149 = arith.cmpi eq, %select_n3A_147, %eq3A_148 : i32
        %convert_element_type3A_150 = arith.extui %eq3A_149 : i1 to i32
        %cond3A_151 = arith.constant 0 : i32
        %cond3A_152 = arith.cmpi ne, %convert_element_type3A_150, %cond3A_151 : i32
        scf.if %cond3A_152 {
          %add3A_153 = arith.constant 1 : i32
          %add3A_154 = arith.addi %scan3A_41, %add3A_153 : i32
          %mul3A_155 = arith.constant 2600 : i32
          %mul3A_156 = arith.muli %arg0, %mul3A_155 : i32
          %mul3A_157 = arith.constant 200 : i32
          %mul3A_158 = arith.muli %add3A_154, %mul3A_157 : i32
          %add3A_159 = arith.addi %mul3A_156, %mul3A_158 : i32
          %multiple_of3A_160 = tpu.assume_multiple %add3A_159, 8 : i32
          %dma_start3A_161 = arith.constant 0 : i32
          %dma_start3A_162 = tpu.memref_slice %arg2[%arg1, %multiple_of3A_160, %dma_start3A_161] : memref<16x5200x65xi32, #tpu.memory_space<hbm>> -> memref<1x200x65xi32, #tpu.memory_space<hbm>>
          %dma_start3A_163 = tpu.memref_squeeze %dma_start3A_162 : memref<1x200x65xi32, #tpu.memory_space<hbm>> -> memref<200x65xi32, #tpu.memory_space<hbm>>
          %dma_start3A_164 = arith.constant 0 : i32
          %dma_start3A_165 = tpu.memref_slice %arg2[%arg1, %multiple_of3A_160, %dma_start3A_164] : memref<16x5200x65xi32, #tpu.memory_space<hbm>> -> memref<1x200x65xi32, #tpu.memory_space<hbm>>
          %dma_start3A_166 = tpu.memref_squeeze %dma_start3A_165 : memref<1x200x65xi32, #tpu.memory_space<hbm>> -> memref<200x65xi32, #tpu.memory_space<hbm>>
          tpu.enqueue_dma source(%dma_start3A_166 : memref<200x65xi32, #tpu.memory_space<hbm>>) target(%arg7 : memref<200x65xi32, #tpu.memory_space<vmem>>) target_semaphore(%arg10 : memref<!tpu.dma_semaphore, #tpu.memory_space<semaphore_mem>>)
        } else {
        }
      } else {
      }
      %ge3A = arith.constant 1 : i32
      %ge3A_48 = arith.cmpi sge, %scan3A_41, %ge3A : i32
      %convert_element_type3A_49 = arith.extui %ge3A_48 : i1 to i32
      %cond3A_50 = arith.constant 0 : i32
      %cond3A_51 = arith.cmpi ne, %convert_element_type3A_49, %cond3A_50 : i32
      scf.if %cond3A_51 {
        %mul3A_107 = arith.constant 2600 : i32
        %mul3A_108 = arith.muli %arg0, %mul3A_107 : i32
        %add3A_109 = arith.constant 0 : i32
        %add3A_110 = arith.addi %mul3A_108, %add3A_109 : i32
        %multiple_of3A_111 = tpu.assume_multiple %add3A_110, 8 : i32
        %dma_wait3A_112 = arith.constant 0 : i32
        %dma_wait3A_113 = tpu.memref_slice %arg4[%arg1, %multiple_of3A_111, %dma_wait3A_112] : memref<16x5200x16xf32, #tpu.memory_space<hbm>> -> memref<1x200x16xf32, #tpu.memory_space<hbm>>
        %dma_wait3A_114 = tpu.memref_squeeze %dma_wait3A_113 : memref<1x200x16xf32, #tpu.memory_space<hbm>> -> memref<200x16xf32, #tpu.memory_space<hbm>>
        %dma_wait3A_115 = arith.constant 0 : i32
        %dma_wait3A_116 = tpu.memref_slice %arg4[%arg1, %multiple_of3A_111, %dma_wait3A_115] : memref<16x5200x16xf32, #tpu.memory_space<hbm>> -> memref<1x200x16xf32, #tpu.memory_space<hbm>>
        %dma_wait3A_117 = tpu.memref_squeeze %dma_wait3A_116 : memref<1x200x16xf32, #tpu.memory_space<hbm>> -> memref<200x16xf32, #tpu.memory_space<hbm>>
        tpu.wait_dma2 semaphore(%arg11 : memref<!tpu.dma_semaphore, #tpu.memory_space<semaphore_mem>>) src(%arg8 : memref<200x16xf32, #tpu.memory_space<vmem>>) dst(%dma_wait3A_117 : memref<200x16xf32, #tpu.memory_space<hbm>>)
      } else {
      }
      %jit3A_52 = arith.constant 2 : i32
      %eq3A_53 = arith.constant 0 : i32
      %eq3A_54 = arith.cmpi eq, %jit3A_52, %eq3A_53 : i32
      %jit3A_55 = arith.constant 1 : i32
      %select_n3A_56 = arith.select %eq3A_54, %jit3A_55, %jit3A_52 : i32
      %rem3A_57 = arith.remsi %scan3A_41, %select_n3A_56 : i32
      %ne3A_58 = arith.constant 0 : i32
      %ne3A_59 = arith.cmpi ne, %rem3A_57, %ne3A_58 : i32
      %lt3A_60 = arith.constant 0 : i32
      %lt3A_61 = arith.cmpi slt, %rem3A_57, %lt3A_60 : i32
      %lt3A_62 = arith.constant 0 : i32
      %lt3A_63 = arith.cmpi slt, %select_n3A_56, %lt3A_62 : i32
      %ne3A_64 = arith.xori %lt3A_61, %lt3A_63 : i1
      %and3A_65 = arith.andi %ne3A_64, %ne3A_59 : i1
      %add3A_66 = arith.addi %rem3A_57, %select_n3A_56 : i32
      %select_n3A_67 = arith.select %and3A_65, %add3A_66, %rem3A_57 : i32
      %eq3A_68 = arith.constant 0 : i32
      %eq3A_69 = arith.cmpi eq, %select_n3A_67, %eq3A_68 : i32
      %convert_element_type3A_70 = arith.extui %eq3A_69 : i1 to i32
      %cond3A_71 = arith.constant 0 : i32
      %cond3A_72 = arith.cmpi ne, %convert_element_type3A_70, %cond3A_71 : i32
      scf.if %cond3A_72 {
        %mul3A_107 = arith.constant 2600 : i32
        %mul3A_108 = arith.muli %arg0, %mul3A_107 : i32
        %add3A_109 = arith.constant 0 : i32
        %add3A_110 = arith.addi %mul3A_108, %add3A_109 : i32
        %multiple_of3A_111 = tpu.assume_multiple %add3A_110, 8 : i32
        %dma_wait3A_112 = arith.constant 0 : i32
        %dma_wait3A_113 = tpu.memref_slice %arg2[%arg1, %multiple_of3A_111, %dma_wait3A_112] : memref<16x5200x65xi32, #tpu.memory_space<hbm>> -> memref<1x200x65xi32, #tpu.memory_space<hbm>>
        %dma_wait3A_114 = tpu.memref_squeeze %dma_wait3A_113 : memref<1x200x65xi32, #tpu.memory_space<hbm>> -> memref<200x65xi32, #tpu.memory_space<hbm>>
        %dma_wait3A_115 = arith.constant 0 : i32
        %dma_wait3A_116 = tpu.memref_slice %arg2[%arg1, %multiple_of3A_111, %dma_wait3A_115] : memref<16x5200x65xi32, #tpu.memory_space<hbm>> -> memref<1x200x65xi32, #tpu.memory_space<hbm>>
        %dma_wait3A_117 = tpu.memref_squeeze %dma_wait3A_116 : memref<1x200x65xi32, #tpu.memory_space<hbm>> -> memref<200x65xi32, #tpu.memory_space<hbm>>
        tpu.wait_dma2 semaphore(%arg9 : memref<!tpu.dma_semaphore, #tpu.memory_space<semaphore_mem>>) src(%dma_wait3A_117 : memref<200x65xi32, #tpu.memory_space<hbm>>) dst(%arg6 : memref<200x65xi32, #tpu.memory_space<vmem>>)
        %mul3A_118 = arith.constant 2600 : i32
        %mul3A_119 = arith.muli %arg0, %mul3A_118 : i32
        %mul3A_120 = arith.constant 200 : i32
        %mul3A_121 = arith.muli %scan3A_41, %mul3A_120 : i32
        %add3A_122 = arith.addi %mul3A_119, %mul3A_121 : i32
        %multiple_of3A_123 = tpu.assume_multiple %add3A_122, 8 : i32
        %parallel_loop3A = arith.constant 0 : i32
        %parallel_loop3A_124 = arith.constant 200 : i32
        %parallel_loop3A_125 = arith.constant 1 : i32
        scf.for %parallel_loop3A_126 = %parallel_loop3A to %parallel_loop3A_124 step %parallel_loop3A_125  : i32 {
          %parallel_loop3A_127 = arith.constant 0 : i32
          %parallel_loop3A_128 = arith.addi %parallel_loop3A_127, %multiple_of3A_123 : i32
          %parallel_loop3A_129 = arith.addi %parallel_loop3A_128, %parallel_loop3A_126 : i32
          %parallel_loop3A_130 = vector.broadcast %parallel_loop3A_129 : i32 to vector<16xi32>
          %parallel_loop3A_131 = arith.addi %parallel_loop3A_130, %mul3A_15 : vector<16xi32>
          %parallel_loop3A_132 = tpu.vector_load_idx %arg5[%parallel_loop3A_131] : memref<30012xf32, #tpu.memory_space<vmem>>[vector<16xi32>], vector<16xf32>,
          %parallel_loop3A_133 = vector.extract_strided_slice %parallel_loop3A_132 {offsets = [0], sizes = [1], strides = [1]} : vector<16xf32> to vector<1xf32>
          %parallel_loop3A_134 = vector.extract %parallel_loop3A_133[0] : f32 from vector<1xf32>
          %parallel_loop3A_135 = vector.broadcast %parallel_loop3A_134 : f32 to vector<16xf32>
          %parallel_loop3A_136 = vector.extract_strided_slice %parallel_loop3A_132 {offsets = [1], sizes = [1], strides = [1]} : vector<16xf32> to vector<1xf32>
          %parallel_loop3A_137 = vector.extract %parallel_loop3A_136[0] : f32 from vector<1xf32>
          %parallel_loop3A_138 = vector.broadcast %parallel_loop3A_137 : f32 to vector<16xf32>
          %parallel_loop3A_139 = vector.extract_strided_slice %parallel_loop3A_132 {offsets = [2], sizes = [1], strides = [1]} : vector<16xf32> to vector<1xf32>
          %parallel_loop3A_140 = vector.extract %parallel_loop3A_139[0] : f32 from vector<1xf32>
          %parallel_loop3A_141 = vector.broadcast %parallel_loop3A_140 : f32 to vector<16xf32>
          %parallel_loop3A_142 = arith.index_cast %parallel_loop3A_126 : i32 to index
          %parallel_loop3A_143 = arith.constant 0 : index
          %parallel_loop3A_144 = tpu.vector_load %arg6[%parallel_loop3A_142, %parallel_loop3A_143] {strides = array<i32>} : memref<200x65xi32, #tpu.memory_space<vmem>>, vector<16xi32>,
          %parallel_loop3A_145 = vector.extract_strided_slice %parallel_loop3A_144 {offsets = [0], sizes = [1], strides = [1]} : vector<16xi32> to vector<1xi32>
          %parallel_loop3A_146 = vector.extract %parallel_loop3A_145[0] : i32 from vector<1xi32>
          %parallel_loop3A_147 = vector.broadcast %parallel_loop3A_146 : i32 to vector<16xi32>
          %parallel_loop3A_148 = arith.addi %parallel_loop3A_147, %mul3A_15 : vector<16xi32>
          %parallel_loop3A_149 = tpu.vector_load_idx %arg5[%parallel_loop3A_148] : memref<30012xf32, #tpu.memory_space<vmem>>[vector<16xi32>], vector<16xf32>,
          %parallel_loop3A_150 = vector.extract_strided_slice %parallel_loop3A_149 {offsets = [0], sizes = [1], strides = [1]} : vector<16xf32> to vector<1xf32>
          %parallel_loop3A_151 = vector.extract %parallel_loop3A_150[0] : f32 from vector<1xf32>
          %parallel_loop3A_152 = vector.broadcast %parallel_loop3A_151 : f32 to vector<16xf32>
          %parallel_loop3A_153 = arith.subf %parallel_loop3A_152, %parallel_loop3A_135 : vector<16xf32>
          %parallel_loop3A_154 = vector.extract_strided_slice %parallel_loop3A_149 {offsets = [1], sizes = [1], strides = [1]} : vector<16xf32> to vector<1xf32>
          %parallel_loop3A_155 = vector.extract %parallel_loop3A_154[0] : f32 from vector<1xf32>
          %parallel_loop3A_156 = vector.broadcast %parallel_loop3A_155 : f32 to vector<16xf32>
          %parallel_loop3A_157 = arith.subf %parallel_loop3A_156, %parallel_loop3A_138 : vector<16xf32>
          %parallel_loop3A_158 = vector.extract_strided_slice %parallel_loop3A_149 {offsets = [2], sizes = [1], strides = [1]} : vector<16xf32> to vector<1xf32>
          %parallel_loop3A_159 = vector.extract %parallel_loop3A_158[0] : f32 from vector<1xf32>
          %parallel_loop3A_160 = vector.broadcast %parallel_loop3A_159 : f32 to vector<16xf32>
          %parallel_loop3A_161 = arith.subf %parallel_loop3A_160, %parallel_loop3A_141 : vector<16xf32>
          %parallel_loop3A_162 = arith.mulf %parallel_loop3A_153, %parallel_loop3A_153 : vector<16xf32>
          %parallel_loop3A_163 = arith.mulf %parallel_loop3A_157, %parallel_loop3A_157 : vector<16xf32>
          %parallel_loop3A_164 = arith.addf %parallel_loop3A_162, %parallel_loop3A_163 : vector<16xf32>
          %parallel_loop3A_165 = arith.mulf %parallel_loop3A_161, %parallel_loop3A_161 : vector<16xf32>
          %parallel_loop3A_166 = arith.addf %parallel_loop3A_164, %parallel_loop3A_165 : vector<16xf32>
          %parallel_loop3A_167 = vector.bitcast %parallel_loop3A_166 : vector<16xf32> to vector<16xi32>
          %parallel_loop3A_168 = arith.constant 1 : i32
          %parallel_loop3A_169 = vector.broadcast %parallel_loop3A_168 : i32 to vector<16xi32>
          %parallel_loop3A_170 = arith.shrsi %parallel_loop3A_167, %parallel_loop3A_169 : vector<16xi32>
          %parallel_loop3A_171 = arith.constant 1597463007 : i32
          %parallel_loop3A_172 = vector.broadcast %parallel_loop3A_171 : i32 to vector<16xi32>
          %parallel_loop3A_173 = arith.subi %parallel_loop3A_172, %parallel_loop3A_170 : vector<16xi32>
          %parallel_loop3A_174 = vector.bitcast %parallel_loop3A_173 : vector<16xi32> to vector<16xf32>
          %parallel_loop3A_175 = arith.constant 5.000000e-01 : f32
          %parallel_loop3A_176 = vector.broadcast %parallel_loop3A_175 : f32 to vector<16xf32>
          %parallel_loop3A_177 = arith.mulf %parallel_loop3A_176, %parallel_loop3A_166 : vector<16xf32>
          %parallel_loop3A_178 = arith.mulf %parallel_loop3A_177, %parallel_loop3A_174 : vector<16xf32>
          %parallel_loop3A_179 = arith.mulf %parallel_loop3A_178, %parallel_loop3A_174 : vector<16xf32>
          %parallel_loop3A_180 = arith.constant 1.500000e+00 : f32
          %parallel_loop3A_181 = vector.broadcast %parallel_loop3A_180 : f32 to vector<16xf32>
          %parallel_loop3A_182 = arith.subf %parallel_loop3A_181, %parallel_loop3A_179 : vector<16xf32>
          %parallel_loop3A_183 = arith.mulf %parallel_loop3A_174, %parallel_loop3A_182 : vector<16xf32>
          %parallel_loop3A_184 = arith.constant 0.000000e+00 : f32
          %parallel_loop3A_185 = vector.broadcast %parallel_loop3A_184 : f32 to vector<16xf32>
          %parallel_loop3A_186 = arith.index_cast %parallel_loop3A_126 : i32 to index
          %parallel_loop3A_187 = arith.constant 1 : index
          %parallel_loop3A_188 = tpu.vector_load %arg6[%parallel_loop3A_186, %parallel_loop3A_187] {strides = array<i32>} : memref<200x65xi32, #tpu.memory_space<vmem>>, vector<16xi32>,
          %parallel_loop3A_189 = tpu.vector_load_idx %arg5[%parallel_loop3A_188] : memref<30012xf32, #tpu.memory_space<vmem>>[vector<16xi32>], vector<16xf32>,
          %parallel_loop3A_190 = arith.constant 10004 : i32
          %parallel_loop3A_191 = vector.broadcast %parallel_loop3A_190 : i32 to vector<16xi32>
          %parallel_loop3A_192 = arith.addi %parallel_loop3A_188, %parallel_loop3A_191 : vector<16xi32>
          %parallel_loop3A_193 = tpu.vector_load_idx %arg5[%parallel_loop3A_192] : memref<30012xf32, #tpu.memory_space<vmem>>[vector<16xi32>], vector<16xf32>,
          %parallel_loop3A_194 = arith.constant 20008 : i32
          %parallel_loop3A_195 = vector.broadcast %parallel_loop3A_194 : i32 to vector<16xi32>
          %parallel_loop3A_196 = arith.addi %parallel_loop3A_188, %parallel_loop3A_195 : vector<16xi32>
          %parallel_loop3A_197 = tpu.vector_load_idx %arg5[%parallel_loop3A_196] : memref<30012xf32, #tpu.memory_space<vmem>>[vector<16xi32>], vector<16xf32>,
          %parallel_loop3A_198 = arith.subf %parallel_loop3A_189, %parallel_loop3A_135 : vector<16xf32>
          %parallel_loop3A_199 = arith.subf %parallel_loop3A_193, %parallel_loop3A_138 : vector<16xf32>
          %parallel_loop3A_200 = arith.subf %parallel_loop3A_197, %parallel_loop3A_141 : vector<16xf32>
          %parallel_loop3A_201 = arith.mulf %parallel_loop3A_198, %parallel_loop3A_153 : vector<16xf32>
          %parallel_loop3A_202 = arith.mulf %parallel_loop3A_199, %parallel_loop3A_157 : vector<16xf32>
          %parallel_loop3A_203 = arith.addf %parallel_loop3A_201, %parallel_loop3A_202 : vector<16xf32>
          %parallel_loop3A_204 = arith.mulf %parallel_loop3A_200, %parallel_loop3A_161 : vector<16xf32>
          %parallel_loop3A_205 = arith.addf %parallel_loop3A_203, %parallel_loop3A_204 : vector<16xf32>
          %parallel_loop3A_206 = arith.mulf %parallel_loop3A_198, %parallel_loop3A_198 : vector<16xf32>
          %parallel_loop3A_207 = arith.mulf %parallel_loop3A_199, %parallel_loop3A_199 : vector<16xf32>
          %parallel_loop3A_208 = arith.addf %parallel_loop3A_206, %parallel_loop3A_207 : vector<16xf32>
          %parallel_loop3A_209 = arith.mulf %parallel_loop3A_200, %parallel_loop3A_200 : vector<16xf32>
          %parallel_loop3A_210 = arith.addf %parallel_loop3A_208, %parallel_loop3A_209 : vector<16xf32>
          %parallel_loop3A_211 = vector.bitcast %parallel_loop3A_210 : vector<16xf32> to vector<16xi32>
          %parallel_loop3A_212 = arith.constant 1 : i32
          %parallel_loop3A_213 = vector.broadcast %parallel_loop3A_212 : i32 to vector<16xi32>
          %parallel_loop3A_214 = arith.shrsi %parallel_loop3A_211, %parallel_loop3A_213 : vector<16xi32>
          %parallel_loop3A_215 = arith.constant 1597463007 : i32
          %parallel_loop3A_216 = vector.broadcast %parallel_loop3A_215 : i32 to vector<16xi32>
          %parallel_loop3A_217 = arith.subi %parallel_loop3A_216, %parallel_loop3A_214 : vector<16xi32>
          %parallel_loop3A_218 = vector.bitcast %parallel_loop3A_217 : vector<16xi32> to vector<16xf32>
          %parallel_loop3A_219 = arith.constant 5.000000e-01 : f32
          %parallel_loop3A_220 = vector.broadcast %parallel_loop3A_219 : f32 to vector<16xf32>
          %parallel_loop3A_221 = arith.mulf %parallel_loop3A_220, %parallel_loop3A_210 : vector<16xf32>
          %parallel_loop3A_222 = arith.mulf %parallel_loop3A_221, %parallel_loop3A_218 : vector<16xf32>
          %parallel_loop3A_223 = arith.mulf %parallel_loop3A_222, %parallel_loop3A_218 : vector<16xf32>
          %parallel_loop3A_224 = arith.constant 1.500000e+00 : f32
          %parallel_loop3A_225 = vector.broadcast %parallel_loop3A_224 : f32 to vector<16xf32>
          %parallel_loop3A_226 = arith.subf %parallel_loop3A_225, %parallel_loop3A_223 : vector<16xf32>
          %parallel_loop3A_227 = arith.mulf %parallel_loop3A_218, %parallel_loop3A_226 : vector<16xf32>
          %parallel_loop3A_228 = arith.constant 0.000000e+00 : f32
          %parallel_loop3A_229 = vector.broadcast %parallel_loop3A_228 : f32 to vector<16xf32>
          %parallel_loop3A_230 = arith.maximumf %parallel_loop3A_205, %parallel_loop3A_229 : vector<16xf32>
          %parallel_loop3A_231 = arith.mulf %parallel_loop3A_230, %parallel_loop3A_227 : vector<16xf32>
          %parallel_loop3A_232 = arith.addf %parallel_loop3A_185, %parallel_loop3A_231 : vector<16xf32>
          %parallel_loop3A_233 = arith.index_cast %parallel_loop3A_126 : i32 to index
          %parallel_loop3A_234 = arith.constant 17 : index
          %parallel_loop3A_235 = tpu.vector_load %arg6[%parallel_loop3A_233, %parallel_loop3A_234] {strides = array<i32>} : memref<200x65xi32, #tpu.memory_space<vmem>>, vector<16xi32>,
          %parallel_loop3A_236 = tpu.vector_load_idx %arg5[%parallel_loop3A_235] : memref<30012xf32, #tpu.memory_space<vmem>>[vector<16xi32>], vector<16xf32>,
          %parallel_loop3A_237 = arith.constant 10004 : i32
          %parallel_loop3A_238 = vector.broadcast %parallel_loop3A_237 : i32 to vector<16xi32>
          %parallel_loop3A_239 = arith.addi %parallel_loop3A_235, %parallel_loop3A_238 : vector<16xi32>
          %parallel_loop3A_240 = tpu.vector_load_idx %arg5[%parallel_loop3A_239] : memref<30012xf32, #tpu.memory_space<vmem>>[vector<16xi32>], vector<16xf32>,
          %parallel_loop3A_241 = arith.constant 20008 : i32
          %parallel_loop3A_242 = vector.broadcast %parallel_loop3A_241 : i32 to vector<16xi32>
          %parallel_loop3A_243 = arith.addi %parallel_loop3A_235, %parallel_loop3A_242 : vector<16xi32>
          %parallel_loop3A_244 = tpu.vector_load_idx %arg5[%parallel_loop3A_243] : memref<30012xf32, #tpu.memory_space<vmem>>[vector<16xi32>], vector<16xf32>,
          %parallel_loop3A_245 = arith.subf %parallel_loop3A_236, %parallel_loop3A_135 : vector<16xf32>
          %parallel_loop3A_246 = arith.subf %parallel_loop3A_240, %parallel_loop3A_138 : vector<16xf32>
          %parallel_loop3A_247 = arith.subf %parallel_loop3A_244, %parallel_loop3A_141 : vector<16xf32>
          %parallel_loop3A_248 = arith.mulf %parallel_loop3A_245, %parallel_loop3A_153 : vector<16xf32>
          %parallel_loop3A_249 = arith.mulf %parallel_loop3A_246, %parallel_loop3A_157 : vector<16xf32>
          %parallel_loop3A_250 = arith.addf %parallel_loop3A_248, %parallel_loop3A_249 : vector<16xf32>
          %parallel_loop3A_251 = arith.mulf %parallel_loop3A_247, %parallel_loop3A_161 : vector<16xf32>
          %parallel_loop3A_252 = arith.addf %parallel_loop3A_250, %parallel_loop3A_251 : vector<16xf32>
          %parallel_loop3A_253 = arith.mulf %parallel_loop3A_245, %parallel_loop3A_245 : vector<16xf32>
          %parallel_loop3A_254 = arith.mulf %parallel_loop3A_246, %parallel_loop3A_246 : vector<16xf32>
          %parallel_loop3A_255 = arith.addf %parallel_loop3A_253, %parallel_loop3A_254 : vector<16xf32>
          %parallel_loop3A_256 = arith.mulf %parallel_loop3A_247, %parallel_loop3A_247 : vector<16xf32>
          %parallel_loop3A_257 = arith.addf %parallel_loop3A_255, %parallel_loop3A_256 : vector<16xf32>
          %parallel_loop3A_258 = vector.bitcast %parallel_loop3A_257 : vector<16xf32> to vector<16xi32>
          %parallel_loop3A_259 = arith.constant 1 : i32
          %parallel_loop3A_260 = vector.broadcast %parallel_loop3A_259 : i32 to vector<16xi32>
          %parallel_loop3A_261 = arith.shrsi %parallel_loop3A_258, %parallel_loop3A_260 : vector<16xi32>
          %parallel_loop3A_262 = arith.constant 1597463007 : i32
          %parallel_loop3A_263 = vector.broadcast %parallel_loop3A_262 : i32 to vector<16xi32>
          %parallel_loop3A_264 = arith.subi %parallel_loop3A_263, %parallel_loop3A_261 : vector<16xi32>
          %parallel_loop3A_265 = vector.bitcast %parallel_loop3A_264 : vector<16xi32> to vector<16xf32>
          %parallel_loop3A_266 = arith.constant 5.000000e-01 : f32
          %parallel_loop3A_267 = vector.broadcast %parallel_loop3A_266 : f32 to vector<16xf32>
          %parallel_loop3A_268 = arith.mulf %parallel_loop3A_267, %parallel_loop3A_257 : vector<16xf32>
          %parallel_loop3A_269 = arith.mulf %parallel_loop3A_268, %parallel_loop3A_265 : vector<16xf32>
          %parallel_loop3A_270 = arith.mulf %parallel_loop3A_269, %parallel_loop3A_265 : vector<16xf32>
          %parallel_loop3A_271 = arith.constant 1.500000e+00 : f32
          %parallel_loop3A_272 = vector.broadcast %parallel_loop3A_271 : f32 to vector<16xf32>
          %parallel_loop3A_273 = arith.subf %parallel_loop3A_272, %parallel_loop3A_270 : vector<16xf32>
          %parallel_loop3A_274 = arith.mulf %parallel_loop3A_265, %parallel_loop3A_273 : vector<16xf32>
          %parallel_loop3A_275 = arith.constant 0.000000e+00 : f32
          %parallel_loop3A_276 = vector.broadcast %parallel_loop3A_275 : f32 to vector<16xf32>
          %parallel_loop3A_277 = arith.maximumf %parallel_loop3A_252, %parallel_loop3A_276 : vector<16xf32>
          %parallel_loop3A_278 = arith.mulf %parallel_loop3A_277, %parallel_loop3A_274 : vector<16xf32>
          %parallel_loop3A_279 = arith.addf %parallel_loop3A_232, %parallel_loop3A_278 : vector<16xf32>
          %parallel_loop3A_280 = arith.index_cast %parallel_loop3A_126 : i32 to index
          %parallel_loop3A_281 = arith.constant 33 : index
          %parallel_loop3A_282 = tpu.vector_load %arg6[%parallel_loop3A_280, %parallel_loop3A_281] {strides = array<i32>} : memref<200x65xi32, #tpu.memory_space<vmem>>, vector<16xi32>,
          %parallel_loop3A_283 = tpu.vector_load_idx %arg5[%parallel_loop3A_282] : memref<30012xf32, #tpu.memory_space<vmem>>[vector<16xi32>], vector<16xf32>,
          %parallel_loop3A_284 = arith.constant 10004 : i32
          %parallel_loop3A_285 = vector.broadcast %parallel_loop3A_284 : i32 to vector<16xi32>
          %parallel_loop3A_286 = arith.addi %parallel_loop3A_282, %parallel_loop3A_285 : vector<16xi32>
          %parallel_loop3A_287 = tpu.vector_load_idx %arg5[%parallel_loop3A_286] : memref<30012xf32, #tpu.memory_space<vmem>>[vector<16xi32>], vector<16xf32>,
          %parallel_loop3A_288 = arith.constant 20008 : i32
          %parallel_loop3A_289 = vector.broadcast %parallel_loop3A_288 : i32 to vector<16xi32>
          %parallel_loop3A_290 = arith.addi %parallel_loop3A_282, %parallel_loop3A_289 : vector<16xi32>
          %parallel_loop3A_291 = tpu.vector_load_idx %arg5[%parallel_loop3A_290] : memref<30012xf32, #tpu.memory_space<vmem>>[vector<16xi32>], vector<16xf32>,
          %parallel_loop3A_292 = arith.subf %parallel_loop3A_283, %parallel_loop3A_135 : vector<16xf32>
          %parallel_loop3A_293 = arith.subf %parallel_loop3A_287, %parallel_loop3A_138 : vector<16xf32>
          %parallel_loop3A_294 = arith.subf %parallel_loop3A_291, %parallel_loop3A_141 : vector<16xf32>
          %parallel_loop3A_295 = arith.mulf %parallel_loop3A_292, %parallel_loop3A_153 : vector<16xf32>
          %parallel_loop3A_296 = arith.mulf %parallel_loop3A_293, %parallel_loop3A_157 : vector<16xf32>
          %parallel_loop3A_297 = arith.addf %parallel_loop3A_295, %parallel_loop3A_296 : vector<16xf32>
          %parallel_loop3A_298 = arith.mulf %parallel_loop3A_294, %parallel_loop3A_161 : vector<16xf32>
          %parallel_loop3A_299 = arith.addf %parallel_loop3A_297, %parallel_loop3A_298 : vector<16xf32>
          %parallel_loop3A_300 = arith.mulf %parallel_loop3A_292, %parallel_loop3A_292 : vector<16xf32>
          %parallel_loop3A_301 = arith.mulf %parallel_loop3A_293, %parallel_loop3A_293 : vector<16xf32>
          %parallel_loop3A_302 = arith.addf %parallel_loop3A_300, %parallel_loop3A_301 : vector<16xf32>
          %parallel_loop3A_303 = arith.mulf %parallel_loop3A_294, %parallel_loop3A_294 : vector<16xf32>
          %parallel_loop3A_304 = arith.addf %parallel_loop3A_302, %parallel_loop3A_303 : vector<16xf32>
          %parallel_loop3A_305 = vector.bitcast %parallel_loop3A_304 : vector<16xf32> to vector<16xi32>
          %parallel_loop3A_306 = arith.constant 1 : i32
          %parallel_loop3A_307 = vector.broadcast %parallel_loop3A_306 : i32 to vector<16xi32>
          %parallel_loop3A_308 = arith.shrsi %parallel_loop3A_305, %parallel_loop3A_307 : vector<16xi32>
          %parallel_loop3A_309 = arith.constant 1597463007 : i32
          %parallel_loop3A_310 = vector.broadcast %parallel_loop3A_309 : i32 to vector<16xi32>
          %parallel_loop3A_311 = arith.subi %parallel_loop3A_310, %parallel_loop3A_308 : vector<16xi32>
          %parallel_loop3A_312 = vector.bitcast %parallel_loop3A_311 : vector<16xi32> to vector<16xf32>
          %parallel_loop3A_313 = arith.constant 5.000000e-01 : f32
          %parallel_loop3A_314 = vector.broadcast %parallel_loop3A_313 : f32 to vector<16xf32>
          %parallel_loop3A_315 = arith.mulf %parallel_loop3A_314, %parallel_loop3A_304 : vector<16xf32>
          %parallel_loop3A_316 = arith.mulf %parallel_loop3A_315, %parallel_loop3A_312 : vector<16xf32>
          %parallel_loop3A_317 = arith.mulf %parallel_loop3A_316, %parallel_loop3A_312 : vector<16xf32>
          %parallel_loop3A_318 = arith.constant 1.500000e+00 : f32
          %parallel_loop3A_319 = vector.broadcast %parallel_loop3A_318 : f32 to vector<16xf32>
          %parallel_loop3A_320 = arith.subf %parallel_loop3A_319, %parallel_loop3A_317 : vector<16xf32>
          %parallel_loop3A_321 = arith.mulf %parallel_loop3A_312, %parallel_loop3A_320 : vector<16xf32>
          %parallel_loop3A_322 = arith.constant 0.000000e+00 : f32
          %parallel_loop3A_323 = vector.broadcast %parallel_loop3A_322 : f32 to vector<16xf32>
          %parallel_loop3A_324 = arith.maximumf %parallel_loop3A_299, %parallel_loop3A_323 : vector<16xf32>
          %parallel_loop3A_325 = arith.mulf %parallel_loop3A_324, %parallel_loop3A_321 : vector<16xf32>
          %parallel_loop3A_326 = arith.addf %parallel_loop3A_279, %parallel_loop3A_325 : vector<16xf32>
          %parallel_loop3A_327 = arith.index_cast %parallel_loop3A_126 : i32 to index
          %parallel_loop3A_328 = arith.constant 49 : index
          %parallel_loop3A_329 = tpu.vector_load %arg6[%parallel_loop3A_327, %parallel_loop3A_328] {strides = array<i32>} : memref<200x65xi32, #tpu.memory_space<vmem>>, vector<16xi32>,
          %parallel_loop3A_330 = tpu.vector_load_idx %arg5[%parallel_loop3A_329] : memref<30012xf32, #tpu.memory_space<vmem>>[vector<16xi32>], vector<16xf32>,
          %parallel_loop3A_331 = arith.constant 10004 : i32
          %parallel_loop3A_332 = vector.broadcast %parallel_loop3A_331 : i32 to vector<16xi32>
          %parallel_loop3A_333 = arith.addi %parallel_loop3A_329, %parallel_loop3A_332 : vector<16xi32>
          %parallel_loop3A_334 = tpu.vector_load_idx %arg5[%parallel_loop3A_333] : memref<30012xf32, #tpu.memory_space<vmem>>[vector<16xi32>], vector<16xf32>,
          %parallel_loop3A_335 = arith.constant 20008 : i32
          %parallel_loop3A_336 = vector.broadcast %parallel_loop3A_335 : i32 to vector<16xi32>
          %parallel_loop3A_337 = arith.addi %parallel_loop3A_329, %parallel_loop3A_336 : vector<16xi32>
          %parallel_loop3A_338 = tpu.vector_load_idx %arg5[%parallel_loop3A_337] : memref<30012xf32, #tpu.memory_space<vmem>>[vector<16xi32>], vector<16xf32>,
          %parallel_loop3A_339 = arith.subf %parallel_loop3A_330, %parallel_loop3A_135 : vector<16xf32>
          %parallel_loop3A_340 = arith.subf %parallel_loop3A_334, %parallel_loop3A_138 : vector<16xf32>
          %parallel_loop3A_341 = arith.subf %parallel_loop3A_338, %parallel_loop3A_141 : vector<16xf32>
          %parallel_loop3A_342 = arith.mulf %parallel_loop3A_339, %parallel_loop3A_153 : vector<16xf32>
          %parallel_loop3A_343 = arith.mulf %parallel_loop3A_340, %parallel_loop3A_157 : vector<16xf32>
          %parallel_loop3A_344 = arith.addf %parallel_loop3A_342, %parallel_loop3A_343 : vector<16xf32>
          %parallel_loop3A_345 = arith.mulf %parallel_loop3A_341, %parallel_loop3A_161 : vector<16xf32>
          %parallel_loop3A_346 = arith.addf %parallel_loop3A_344, %parallel_loop3A_345 : vector<16xf32>
          %parallel_loop3A_347 = arith.mulf %parallel_loop3A_339, %parallel_loop3A_339 : vector<16xf32>
          %parallel_loop3A_348 = arith.mulf %parallel_loop3A_340, %parallel_loop3A_340 : vector<16xf32>
          %parallel_loop3A_349 = arith.addf %parallel_loop3A_347, %parallel_loop3A_348 : vector<16xf32>
          %parallel_loop3A_350 = arith.mulf %parallel_loop3A_341, %parallel_loop3A_341 : vector<16xf32>
          %parallel_loop3A_351 = arith.addf %parallel_loop3A_349, %parallel_loop3A_350 : vector<16xf32>
          %parallel_loop3A_352 = vector.bitcast %parallel_loop3A_351 : vector<16xf32> to vector<16xi32>
          %parallel_loop3A_353 = arith.constant 1 : i32
          %parallel_loop3A_354 = vector.broadcast %parallel_loop3A_353 : i32 to vector<16xi32>
          %parallel_loop3A_355 = arith.shrsi %parallel_loop3A_352, %parallel_loop3A_354 : vector<16xi32>
          %parallel_loop3A_356 = arith.constant 1597463007 : i32
          %parallel_loop3A_357 = vector.broadcast %parallel_loop3A_356 : i32 to vector<16xi32>
          %parallel_loop3A_358 = arith.subi %parallel_loop3A_357, %parallel_loop3A_355 : vector<16xi32>
          %parallel_loop3A_359 = vector.bitcast %parallel_loop3A_358 : vector<16xi32> to vector<16xf32>
          %parallel_loop3A_360 = arith.constant 5.000000e-01 : f32
          %parallel_loop3A_361 = vector.broadcast %parallel_loop3A_360 : f32 to vector<16xf32>
          %parallel_loop3A_362 = arith.mulf %parallel_loop3A_361, %parallel_loop3A_351 : vector<16xf32>
          %parallel_loop3A_363 = arith.mulf %parallel_loop3A_362, %parallel_loop3A_359 : vector<16xf32>
          %parallel_loop3A_364 = arith.mulf %parallel_loop3A_363, %parallel_loop3A_359 : vector<16xf32>
          %parallel_loop3A_365 = arith.constant 1.500000e+00 : f32
          %parallel_loop3A_366 = vector.broadcast %parallel_loop3A_365 : f32 to vector<16xf32>
          %parallel_loop3A_367 = arith.subf %parallel_loop3A_366, %parallel_loop3A_364 : vector<16xf32>
          %parallel_loop3A_368 = arith.mulf %parallel_loop3A_359, %parallel_loop3A_367 : vector<16xf32>
          %parallel_loop3A_369 = arith.constant 0.000000e+00 : f32
          %parallel_loop3A_370 = vector.broadcast %parallel_loop3A_369 : f32 to vector<16xf32>
          %parallel_loop3A_371 = arith.maximumf %parallel_loop3A_346, %parallel_loop3A_370 : vector<16xf32>
          %parallel_loop3A_372 = arith.mulf %parallel_loop3A_371, %parallel_loop3A_368 : vector<16xf32>
          %parallel_loop3A_373 = arith.addf %parallel_loop3A_326, %parallel_loop3A_372 : vector<16xf32>
          %parallel_loop3A_374 = arith.mulf %parallel_loop3A_373, %parallel_loop3A_183 : vector<16xf32>
          %parallel_loop3A_375 = arith.index_cast %parallel_loop3A_126 : i32 to index
          %parallel_loop3A_376 = arith.constant 0 : index
          %parallel_loop3A_377 = tpu.vector_load %arg8[%parallel_loop3A_375, %parallel_loop3A_376] {strides = array<i32>} : memref<200x16xf32, #tpu.memory_space<vmem>>, vector<16xf32>,
          tpu.vector_store %arg8[%parallel_loop3A_375, %parallel_loop3A_376], %parallel_loop3A_374 {strides = array<i32>} : memref<200x16xf32, #tpu.memory_space<vmem>>, vector<16xf32>,
        } {sc.loop_unroll_factor = 8 : i64, sc.parallel_access}
      } else {
      }
      %jit3A_73 = arith.constant 2 : i32
      %eq3A_74 = arith.constant 0 : i32
      %eq3A_75 = arith.cmpi eq, %jit3A_73, %eq3A_74 : i32
      %jit3A_76 = arith.constant 1 : i32
      %select_n3A_77 = arith.select %eq3A_75, %jit3A_76, %jit3A_73 : i32
      %rem3A_78 = arith.remsi %scan3A_41, %select_n3A_77 : i32
      %ne3A_79 = arith.constant 0 : i32
      %ne3A_80 = arith.cmpi ne, %rem3A_78, %ne3A_79 : i32
      %lt3A_81 = arith.constant 0 : i32
      %lt3A_82 = arith.cmpi slt, %rem3A_78, %lt3A_81 : i32
      %lt3A_83 = arith.constant 0 : i32
      %lt3A_84 = arith.cmpi slt, %select_n3A_77, %lt3A_83 : i32
      %ne3A_85 = arith.xori %lt3A_82, %lt3A_84 : i1
      %and3A_86 = arith.andi %ne3A_85, %ne3A_80 : i1
      %add3A_87 = arith.addi %rem3A_78, %select_n3A_77 : i32
      %select_n3A_88 = arith.select %and3A_86, %add3A_87, %rem3A_78 : i32
      %eq3A_89 = arith.constant 1 : i32
      %eq3A_90 = arith.cmpi eq, %select_n3A_88, %eq3A_89 : i32
      %convert_element_type3A_91 = arith.extui %eq3A_90 : i1 to i32
      %cond3A_92 = arith.constant 0 : i32
      %cond3A_93 = arith.cmpi ne, %convert_element_type3A_91, %cond3A_92 : i32
      scf.if %cond3A_93 {
        %mul3A_107 = arith.constant 2600 : i32
        %mul3A_108 = arith.muli %arg0, %mul3A_107 : i32
        %add3A_109 = arith.constant 0 : i32
        %add3A_110 = arith.addi %mul3A_108, %add3A_109 : i32
        %multiple_of3A_111 = tpu.assume_multiple %add3A_110, 8 : i32
        %dma_wait3A_112 = arith.constant 0 : i32
        %dma_wait3A_113 = tpu.memref_slice %arg2[%arg1, %multiple_of3A_111, %dma_wait3A_112] : memref<16x5200x65xi32, #tpu.memory_space<hbm>> -> memref<1x200x65xi32, #tpu.memory_space<hbm>>
        %dma_wait3A_114 = tpu.memref_squeeze %dma_wait3A_113 : memref<1x200x65xi32, #tpu.memory_space<hbm>> -> memref<200x65xi32, #tpu.memory_space<hbm>>
        %dma_wait3A_115 = arith.constant 0 : i32
        %dma_wait3A_116 = tpu.memref_slice %arg2[%arg1, %multiple_of3A_111, %dma_wait3A_115] : memref<16x5200x65xi32, #tpu.memory_space<hbm>> -> memref<1x200x65xi32, #tpu.memory_space<hbm>>
        %dma_wait3A_117 = tpu.memref_squeeze %dma_wait3A_116 : memref<1x200x65xi32, #tpu.memory_space<hbm>> -> memref<200x65xi32, #tpu.memory_space<hbm>>
        tpu.wait_dma2 semaphore(%arg10 : memref<!tpu.dma_semaphore, #tpu.memory_space<semaphore_mem>>) src(%dma_wait3A_117 : memref<200x65xi32, #tpu.memory_space<hbm>>) dst(%arg7 : memref<200x65xi32, #tpu.memory_space<vmem>>)
        %mul3A_118 = arith.constant 2600 : i32
        %mul3A_119 = arith.muli %arg0, %mul3A_118 : i32
        %mul3A_120 = arith.constant 200 : i32
        %mul3A_121 = arith.muli %scan3A_41, %mul3A_120 : i32
        %add3A_122 = arith.addi %mul3A_119, %mul3A_121 : i32
        %multiple_of3A_123 = tpu.assume_multiple %add3A_122, 8 : i32
        %parallel_loop3A = arith.constant 0 : i32
        %parallel_loop3A_124 = arith.constant 200 : i32
        %parallel_loop3A_125 = arith.constant 1 : i32
        scf.for %parallel_loop3A_126 = %parallel_loop3A to %parallel_loop3A_124 step %parallel_loop3A_125  : i32 {
          %parallel_loop3A_127 = arith.constant 0 : i32
          %parallel_loop3A_128 = arith.addi %parallel_loop3A_127, %multiple_of3A_123 : i32
          %parallel_loop3A_129 = arith.addi %parallel_loop3A_128, %parallel_loop3A_126 : i32
          %parallel_loop3A_130 = vector.broadcast %parallel_loop3A_129 : i32 to vector<16xi32>
          %parallel_loop3A_131 = arith.addi %parallel_loop3A_130, %mul3A_15 : vector<16xi32>
          %parallel_loop3A_132 = tpu.vector_load_idx %arg5[%parallel_loop3A_131] : memref<30012xf32, #tpu.memory_space<vmem>>[vector<16xi32>], vector<16xf32>,
          %parallel_loop3A_133 = vector.extract_strided_slice %parallel_loop3A_132 {offsets = [0], sizes = [1], strides = [1]} : vector<16xf32> to vector<1xf32>
          %parallel_loop3A_134 = vector.extract %parallel_loop3A_133[0] : f32 from vector<1xf32>
          %parallel_loop3A_135 = vector.broadcast %parallel_loop3A_134 : f32 to vector<16xf32>
          %parallel_loop3A_136 = vector.extract_strided_slice %parallel_loop3A_132 {offsets = [1], sizes = [1], strides = [1]} : vector<16xf32> to vector<1xf32>
          %parallel_loop3A_137 = vector.extract %parallel_loop3A_136[0] : f32 from vector<1xf32>
          %parallel_loop3A_138 = vector.broadcast %parallel_loop3A_137 : f32 to vector<16xf32>
          %parallel_loop3A_139 = vector.extract_strided_slice %parallel_loop3A_132 {offsets = [2], sizes = [1], strides = [1]} : vector<16xf32> to vector<1xf32>
          %parallel_loop3A_140 = vector.extract %parallel_loop3A_139[0] : f32 from vector<1xf32>
          %parallel_loop3A_141 = vector.broadcast %parallel_loop3A_140 : f32 to vector<16xf32>
          %parallel_loop3A_142 = arith.index_cast %parallel_loop3A_126 : i32 to index
          %parallel_loop3A_143 = arith.constant 0 : index
          %parallel_loop3A_144 = tpu.vector_load %arg7[%parallel_loop3A_142, %parallel_loop3A_143] {strides = array<i32>} : memref<200x65xi32, #tpu.memory_space<vmem>>, vector<16xi32>,
          %parallel_loop3A_145 = vector.extract_strided_slice %parallel_loop3A_144 {offsets = [0], sizes = [1], strides = [1]} : vector<16xi32> to vector<1xi32>
          %parallel_loop3A_146 = vector.extract %parallel_loop3A_145[0] : i32 from vector<1xi32>
          %parallel_loop3A_147 = vector.broadcast %parallel_loop3A_146 : i32 to vector<16xi32>
          %parallel_loop3A_148 = arith.addi %parallel_loop3A_147, %mul3A_15 : vector<16xi32>
          %parallel_loop3A_149 = tpu.vector_load_idx %arg5[%parallel_loop3A_148] : memref<30012xf32, #tpu.memory_space<vmem>>[vector<16xi32>], vector<16xf32>,
          %parallel_loop3A_150 = vector.extract_strided_slice %parallel_loop3A_149 {offsets = [0], sizes = [1], strides = [1]} : vector<16xf32> to vector<1xf32>
          %parallel_loop3A_151 = vector.extract %parallel_loop3A_150[0] : f32 from vector<1xf32>
          %parallel_loop3A_152 = vector.broadcast %parallel_loop3A_151 : f32 to vector<16xf32>
          %parallel_loop3A_153 = arith.subf %parallel_loop3A_152, %parallel_loop3A_135 : vector<16xf32>
          %parallel_loop3A_154 = vector.extract_strided_slice %parallel_loop3A_149 {offsets = [1], sizes = [1], strides = [1]} : vector<16xf32> to vector<1xf32>
          %parallel_loop3A_155 = vector.extract %parallel_loop3A_154[0] : f32 from vector<1xf32>
          %parallel_loop3A_156 = vector.broadcast %parallel_loop3A_155 : f32 to vector<16xf32>
          %parallel_loop3A_157 = arith.subf %parallel_loop3A_156, %parallel_loop3A_138 : vector<16xf32>
          %parallel_loop3A_158 = vector.extract_strided_slice %parallel_loop3A_149 {offsets = [2], sizes = [1], strides = [1]} : vector<16xf32> to vector<1xf32>
          %parallel_loop3A_159 = vector.extract %parallel_loop3A_158[0] : f32 from vector<1xf32>
          %parallel_loop3A_160 = vector.broadcast %parallel_loop3A_159 : f32 to vector<16xf32>
          %parallel_loop3A_161 = arith.subf %parallel_loop3A_160, %parallel_loop3A_141 : vector<16xf32>
          %parallel_loop3A_162 = arith.mulf %parallel_loop3A_153, %parallel_loop3A_153 : vector<16xf32>
          %parallel_loop3A_163 = arith.mulf %parallel_loop3A_157, %parallel_loop3A_157 : vector<16xf32>
          %parallel_loop3A_164 = arith.addf %parallel_loop3A_162, %parallel_loop3A_163 : vector<16xf32>
          %parallel_loop3A_165 = arith.mulf %parallel_loop3A_161, %parallel_loop3A_161 : vector<16xf32>
          %parallel_loop3A_166 = arith.addf %parallel_loop3A_164, %parallel_loop3A_165 : vector<16xf32>
          %parallel_loop3A_167 = vector.bitcast %parallel_loop3A_166 : vector<16xf32> to vector<16xi32>
          %parallel_loop3A_168 = arith.constant 1 : i32
          %parallel_loop3A_169 = vector.broadcast %parallel_loop3A_168 : i32 to vector<16xi32>
          %parallel_loop3A_170 = arith.shrsi %parallel_loop3A_167, %parallel_loop3A_169 : vector<16xi32>
          %parallel_loop3A_171 = arith.constant 1597463007 : i32
          %parallel_loop3A_172 = vector.broadcast %parallel_loop3A_171 : i32 to vector<16xi32>
          %parallel_loop3A_173 = arith.subi %parallel_loop3A_172, %parallel_loop3A_170 : vector<16xi32>
          %parallel_loop3A_174 = vector.bitcast %parallel_loop3A_173 : vector<16xi32> to vector<16xf32>
          %parallel_loop3A_175 = arith.constant 5.000000e-01 : f32
          %parallel_loop3A_176 = vector.broadcast %parallel_loop3A_175 : f32 to vector<16xf32>
          %parallel_loop3A_177 = arith.mulf %parallel_loop3A_176, %parallel_loop3A_166 : vector<16xf32>
          %parallel_loop3A_178 = arith.mulf %parallel_loop3A_177, %parallel_loop3A_174 : vector<16xf32>
          %parallel_loop3A_179 = arith.mulf %parallel_loop3A_178, %parallel_loop3A_174 : vector<16xf32>
          %parallel_loop3A_180 = arith.constant 1.500000e+00 : f32
          %parallel_loop3A_181 = vector.broadcast %parallel_loop3A_180 : f32 to vector<16xf32>
          %parallel_loop3A_182 = arith.subf %parallel_loop3A_181, %parallel_loop3A_179 : vector<16xf32>
          %parallel_loop3A_183 = arith.mulf %parallel_loop3A_174, %parallel_loop3A_182 : vector<16xf32>
          %parallel_loop3A_184 = arith.constant 0.000000e+00 : f32
          %parallel_loop3A_185 = vector.broadcast %parallel_loop3A_184 : f32 to vector<16xf32>
          %parallel_loop3A_186 = arith.index_cast %parallel_loop3A_126 : i32 to index
          %parallel_loop3A_187 = arith.constant 1 : index
          %parallel_loop3A_188 = tpu.vector_load %arg7[%parallel_loop3A_186, %parallel_loop3A_187] {strides = array<i32>} : memref<200x65xi32, #tpu.memory_space<vmem>>, vector<16xi32>,
          %parallel_loop3A_189 = tpu.vector_load_idx %arg5[%parallel_loop3A_188] : memref<30012xf32, #tpu.memory_space<vmem>>[vector<16xi32>], vector<16xf32>,
          %parallel_loop3A_190 = arith.constant 10004 : i32
          %parallel_loop3A_191 = vector.broadcast %parallel_loop3A_190 : i32 to vector<16xi32>
          %parallel_loop3A_192 = arith.addi %parallel_loop3A_188, %parallel_loop3A_191 : vector<16xi32>
          %parallel_loop3A_193 = tpu.vector_load_idx %arg5[%parallel_loop3A_192] : memref<30012xf32, #tpu.memory_space<vmem>>[vector<16xi32>], vector<16xf32>,
          %parallel_loop3A_194 = arith.constant 20008 : i32
          %parallel_loop3A_195 = vector.broadcast %parallel_loop3A_194 : i32 to vector<16xi32>
          %parallel_loop3A_196 = arith.addi %parallel_loop3A_188, %parallel_loop3A_195 : vector<16xi32>
          %parallel_loop3A_197 = tpu.vector_load_idx %arg5[%parallel_loop3A_196] : memref<30012xf32, #tpu.memory_space<vmem>>[vector<16xi32>], vector<16xf32>,
          %parallel_loop3A_198 = arith.subf %parallel_loop3A_189, %parallel_loop3A_135 : vector<16xf32>
          %parallel_loop3A_199 = arith.subf %parallel_loop3A_193, %parallel_loop3A_138 : vector<16xf32>
          %parallel_loop3A_200 = arith.subf %parallel_loop3A_197, %parallel_loop3A_141 : vector<16xf32>
          %parallel_loop3A_201 = arith.mulf %parallel_loop3A_198, %parallel_loop3A_153 : vector<16xf32>
          %parallel_loop3A_202 = arith.mulf %parallel_loop3A_199, %parallel_loop3A_157 : vector<16xf32>
          %parallel_loop3A_203 = arith.addf %parallel_loop3A_201, %parallel_loop3A_202 : vector<16xf32>
          %parallel_loop3A_204 = arith.mulf %parallel_loop3A_200, %parallel_loop3A_161 : vector<16xf32>
          %parallel_loop3A_205 = arith.addf %parallel_loop3A_203, %parallel_loop3A_204 : vector<16xf32>
          %parallel_loop3A_206 = arith.mulf %parallel_loop3A_198, %parallel_loop3A_198 : vector<16xf32>
          %parallel_loop3A_207 = arith.mulf %parallel_loop3A_199, %parallel_loop3A_199 : vector<16xf32>
          %parallel_loop3A_208 = arith.addf %parallel_loop3A_206, %parallel_loop3A_207 : vector<16xf32>
          %parallel_loop3A_209 = arith.mulf %parallel_loop3A_200, %parallel_loop3A_200 : vector<16xf32>
          %parallel_loop3A_210 = arith.addf %parallel_loop3A_208, %parallel_loop3A_209 : vector<16xf32>
          %parallel_loop3A_211 = vector.bitcast %parallel_loop3A_210 : vector<16xf32> to vector<16xi32>
          %parallel_loop3A_212 = arith.constant 1 : i32
          %parallel_loop3A_213 = vector.broadcast %parallel_loop3A_212 : i32 to vector<16xi32>
          %parallel_loop3A_214 = arith.shrsi %parallel_loop3A_211, %parallel_loop3A_213 : vector<16xi32>
          %parallel_loop3A_215 = arith.constant 1597463007 : i32
          %parallel_loop3A_216 = vector.broadcast %parallel_loop3A_215 : i32 to vector<16xi32>
          %parallel_loop3A_217 = arith.subi %parallel_loop3A_216, %parallel_loop3A_214 : vector<16xi32>
          %parallel_loop3A_218 = vector.bitcast %parallel_loop3A_217 : vector<16xi32> to vector<16xf32>
          %parallel_loop3A_219 = arith.constant 5.000000e-01 : f32
          %parallel_loop3A_220 = vector.broadcast %parallel_loop3A_219 : f32 to vector<16xf32>
          %parallel_loop3A_221 = arith.mulf %parallel_loop3A_220, %parallel_loop3A_210 : vector<16xf32>
          %parallel_loop3A_222 = arith.mulf %parallel_loop3A_221, %parallel_loop3A_218 : vector<16xf32>
          %parallel_loop3A_223 = arith.mulf %parallel_loop3A_222, %parallel_loop3A_218 : vector<16xf32>
          %parallel_loop3A_224 = arith.constant 1.500000e+00 : f32
          %parallel_loop3A_225 = vector.broadcast %parallel_loop3A_224 : f32 to vector<16xf32>
          %parallel_loop3A_226 = arith.subf %parallel_loop3A_225, %parallel_loop3A_223 : vector<16xf32>
          %parallel_loop3A_227 = arith.mulf %parallel_loop3A_218, %parallel_loop3A_226 : vector<16xf32>
          %parallel_loop3A_228 = arith.constant 0.000000e+00 : f32
          %parallel_loop3A_229 = vector.broadcast %parallel_loop3A_228 : f32 to vector<16xf32>
          %parallel_loop3A_230 = arith.maximumf %parallel_loop3A_205, %parallel_loop3A_229 : vector<16xf32>
          %parallel_loop3A_231 = arith.mulf %parallel_loop3A_230, %parallel_loop3A_227 : vector<16xf32>
          %parallel_loop3A_232 = arith.addf %parallel_loop3A_185, %parallel_loop3A_231 : vector<16xf32>
          %parallel_loop3A_233 = arith.index_cast %parallel_loop3A_126 : i32 to index
          %parallel_loop3A_234 = arith.constant 17 : index
          %parallel_loop3A_235 = tpu.vector_load %arg7[%parallel_loop3A_233, %parallel_loop3A_234] {strides = array<i32>} : memref<200x65xi32, #tpu.memory_space<vmem>>, vector<16xi32>,
          %parallel_loop3A_236 = tpu.vector_load_idx %arg5[%parallel_loop3A_235] : memref<30012xf32, #tpu.memory_space<vmem>>[vector<16xi32>], vector<16xf32>,
          %parallel_loop3A_237 = arith.constant 10004 : i32
          %parallel_loop3A_238 = vector.broadcast %parallel_loop3A_237 : i32 to vector<16xi32>
          %parallel_loop3A_239 = arith.addi %parallel_loop3A_235, %parallel_loop3A_238 : vector<16xi32>
          %parallel_loop3A_240 = tpu.vector_load_idx %arg5[%parallel_loop3A_239] : memref<30012xf32, #tpu.memory_space<vmem>>[vector<16xi32>], vector<16xf32>,
          %parallel_loop3A_241 = arith.constant 20008 : i32
          %parallel_loop3A_242 = vector.broadcast %parallel_loop3A_241 : i32 to vector<16xi32>
          %parallel_loop3A_243 = arith.addi %parallel_loop3A_235, %parallel_loop3A_242 : vector<16xi32>
          %parallel_loop3A_244 = tpu.vector_load_idx %arg5[%parallel_loop3A_243] : memref<30012xf32, #tpu.memory_space<vmem>>[vector<16xi32>], vector<16xf32>,
          %parallel_loop3A_245 = arith.subf %parallel_loop3A_236, %parallel_loop3A_135 : vector<16xf32>
          %parallel_loop3A_246 = arith.subf %parallel_loop3A_240, %parallel_loop3A_138 : vector<16xf32>
          %parallel_loop3A_247 = arith.subf %parallel_loop3A_244, %parallel_loop3A_141 : vector<16xf32>
          %parallel_loop3A_248 = arith.mulf %parallel_loop3A_245, %parallel_loop3A_153 : vector<16xf32>
          %parallel_loop3A_249 = arith.mulf %parallel_loop3A_246, %parallel_loop3A_157 : vector<16xf32>
          %parallel_loop3A_250 = arith.addf %parallel_loop3A_248, %parallel_loop3A_249 : vector<16xf32>
          %parallel_loop3A_251 = arith.mulf %parallel_loop3A_247, %parallel_loop3A_161 : vector<16xf32>
          %parallel_loop3A_252 = arith.addf %parallel_loop3A_250, %parallel_loop3A_251 : vector<16xf32>
          %parallel_loop3A_253 = arith.mulf %parallel_loop3A_245, %parallel_loop3A_245 : vector<16xf32>
          %parallel_loop3A_254 = arith.mulf %parallel_loop3A_246, %parallel_loop3A_246 : vector<16xf32>
          %parallel_loop3A_255 = arith.addf %parallel_loop3A_253, %parallel_loop3A_254 : vector<16xf32>
          %parallel_loop3A_256 = arith.mulf %parallel_loop3A_247, %parallel_loop3A_247 : vector<16xf32>
          %parallel_loop3A_257 = arith.addf %parallel_loop3A_255, %parallel_loop3A_256 : vector<16xf32>
          %parallel_loop3A_258 = vector.bitcast %parallel_loop3A_257 : vector<16xf32> to vector<16xi32>
          %parallel_loop3A_259 = arith.constant 1 : i32
          %parallel_loop3A_260 = vector.broadcast %parallel_loop3A_259 : i32 to vector<16xi32>
          %parallel_loop3A_261 = arith.shrsi %parallel_loop3A_258, %parallel_loop3A_260 : vector<16xi32>
          %parallel_loop3A_262 = arith.constant 1597463007 : i32
          %parallel_loop3A_263 = vector.broadcast %parallel_loop3A_262 : i32 to vector<16xi32>
          %parallel_loop3A_264 = arith.subi %parallel_loop3A_263, %parallel_loop3A_261 : vector<16xi32>
          %parallel_loop3A_265 = vector.bitcast %parallel_loop3A_264 : vector<16xi32> to vector<16xf32>
          %parallel_loop3A_266 = arith.constant 5.000000e-01 : f32
          %parallel_loop3A_267 = vector.broadcast %parallel_loop3A_266 : f32 to vector<16xf32>
          %parallel_loop3A_268 = arith.mulf %parallel_loop3A_267, %parallel_loop3A_257 : vector<16xf32>
          %parallel_loop3A_269 = arith.mulf %parallel_loop3A_268, %parallel_loop3A_265 : vector<16xf32>
          %parallel_loop3A_270 = arith.mulf %parallel_loop3A_269, %parallel_loop3A_265 : vector<16xf32>
          %parallel_loop3A_271 = arith.constant 1.500000e+00 : f32
          %parallel_loop3A_272 = vector.broadcast %parallel_loop3A_271 : f32 to vector<16xf32>
          %parallel_loop3A_273 = arith.subf %parallel_loop3A_272, %parallel_loop3A_270 : vector<16xf32>
          %parallel_loop3A_274 = arith.mulf %parallel_loop3A_265, %parallel_loop3A_273 : vector<16xf32>
          %parallel_loop3A_275 = arith.constant 0.000000e+00 : f32
          %parallel_loop3A_276 = vector.broadcast %parallel_loop3A_275 : f32 to vector<16xf32>
          %parallel_loop3A_277 = arith.maximumf %parallel_loop3A_252, %parallel_loop3A_276 : vector<16xf32>
          %parallel_loop3A_278 = arith.mulf %parallel_loop3A_277, %parallel_loop3A_274 : vector<16xf32>
          %parallel_loop3A_279 = arith.addf %parallel_loop3A_232, %parallel_loop3A_278 : vector<16xf32>
          %parallel_loop3A_280 = arith.index_cast %parallel_loop3A_126 : i32 to index
          %parallel_loop3A_281 = arith.constant 33 : index
          %parallel_loop3A_282 = tpu.vector_load %arg7[%parallel_loop3A_280, %parallel_loop3A_281] {strides = array<i32>} : memref<200x65xi32, #tpu.memory_space<vmem>>, vector<16xi32>,
          %parallel_loop3A_283 = tpu.vector_load_idx %arg5[%parallel_loop3A_282] : memref<30012xf32, #tpu.memory_space<vmem>>[vector<16xi32>], vector<16xf32>,
          %parallel_loop3A_284 = arith.constant 10004 : i32
          %parallel_loop3A_285 = vector.broadcast %parallel_loop3A_284 : i32 to vector<16xi32>
          %parallel_loop3A_286 = arith.addi %parallel_loop3A_282, %parallel_loop3A_285 : vector<16xi32>
          %parallel_loop3A_287 = tpu.vector_load_idx %arg5[%parallel_loop3A_286] : memref<30012xf32, #tpu.memory_space<vmem>>[vector<16xi32>], vector<16xf32>,
          %parallel_loop3A_288 = arith.constant 20008 : i32
          %parallel_loop3A_289 = vector.broadcast %parallel_loop3A_288 : i32 to vector<16xi32>
          %parallel_loop3A_290 = arith.addi %parallel_loop3A_282, %parallel_loop3A_289 : vector<16xi32>
          %parallel_loop3A_291 = tpu.vector_load_idx %arg5[%parallel_loop3A_290] : memref<30012xf32, #tpu.memory_space<vmem>>[vector<16xi32>], vector<16xf32>,
          %parallel_loop3A_292 = arith.subf %parallel_loop3A_283, %parallel_loop3A_135 : vector<16xf32>
          %parallel_loop3A_293 = arith.subf %parallel_loop3A_287, %parallel_loop3A_138 : vector<16xf32>
          %parallel_loop3A_294 = arith.subf %parallel_loop3A_291, %parallel_loop3A_141 : vector<16xf32>
          %parallel_loop3A_295 = arith.mulf %parallel_loop3A_292, %parallel_loop3A_153 : vector<16xf32>
          %parallel_loop3A_296 = arith.mulf %parallel_loop3A_293, %parallel_loop3A_157 : vector<16xf32>
          %parallel_loop3A_297 = arith.addf %parallel_loop3A_295, %parallel_loop3A_296 : vector<16xf32>
          %parallel_loop3A_298 = arith.mulf %parallel_loop3A_294, %parallel_loop3A_161 : vector<16xf32>
          %parallel_loop3A_299 = arith.addf %parallel_loop3A_297, %parallel_loop3A_298 : vector<16xf32>
          %parallel_loop3A_300 = arith.mulf %parallel_loop3A_292, %parallel_loop3A_292 : vector<16xf32>
          %parallel_loop3A_301 = arith.mulf %parallel_loop3A_293, %parallel_loop3A_293 : vector<16xf32>
          %parallel_loop3A_302 = arith.addf %parallel_loop3A_300, %parallel_loop3A_301 : vector<16xf32>
          %parallel_loop3A_303 = arith.mulf %parallel_loop3A_294, %parallel_loop3A_294 : vector<16xf32>
          %parallel_loop3A_304 = arith.addf %parallel_loop3A_302, %parallel_loop3A_303 : vector<16xf32>
          %parallel_loop3A_305 = vector.bitcast %parallel_loop3A_304 : vector<16xf32> to vector<16xi32>
          %parallel_loop3A_306 = arith.constant 1 : i32
          %parallel_loop3A_307 = vector.broadcast %parallel_loop3A_306 : i32 to vector<16xi32>
          %parallel_loop3A_308 = arith.shrsi %parallel_loop3A_305, %parallel_loop3A_307 : vector<16xi32>
          %parallel_loop3A_309 = arith.constant 1597463007 : i32
          %parallel_loop3A_310 = vector.broadcast %parallel_loop3A_309 : i32 to vector<16xi32>
          %parallel_loop3A_311 = arith.subi %parallel_loop3A_310, %parallel_loop3A_308 : vector<16xi32>
          %parallel_loop3A_312 = vector.bitcast %parallel_loop3A_311 : vector<16xi32> to vector<16xf32>
          %parallel_loop3A_313 = arith.constant 5.000000e-01 : f32
          %parallel_loop3A_314 = vector.broadcast %parallel_loop3A_313 : f32 to vector<16xf32>
          %parallel_loop3A_315 = arith.mulf %parallel_loop3A_314, %parallel_loop3A_304 : vector<16xf32>
          %parallel_loop3A_316 = arith.mulf %parallel_loop3A_315, %parallel_loop3A_312 : vector<16xf32>
          %parallel_loop3A_317 = arith.mulf %parallel_loop3A_316, %parallel_loop3A_312 : vector<16xf32>
          %parallel_loop3A_318 = arith.constant 1.500000e+00 : f32
          %parallel_loop3A_319 = vector.broadcast %parallel_loop3A_318 : f32 to vector<16xf32>
          %parallel_loop3A_320 = arith.subf %parallel_loop3A_319, %parallel_loop3A_317 : vector<16xf32>
          %parallel_loop3A_321 = arith.mulf %parallel_loop3A_312, %parallel_loop3A_320 : vector<16xf32>
          %parallel_loop3A_322 = arith.constant 0.000000e+00 : f32
          %parallel_loop3A_323 = vector.broadcast %parallel_loop3A_322 : f32 to vector<16xf32>
          %parallel_loop3A_324 = arith.maximumf %parallel_loop3A_299, %parallel_loop3A_323 : vector<16xf32>
          %parallel_loop3A_325 = arith.mulf %parallel_loop3A_324, %parallel_loop3A_321 : vector<16xf32>
          %parallel_loop3A_326 = arith.addf %parallel_loop3A_279, %parallel_loop3A_325 : vector<16xf32>
          %parallel_loop3A_327 = arith.index_cast %parallel_loop3A_126 : i32 to index
          %parallel_loop3A_328 = arith.constant 49 : index
          %parallel_loop3A_329 = tpu.vector_load %arg7[%parallel_loop3A_327, %parallel_loop3A_328] {strides = array<i32>} : memref<200x65xi32, #tpu.memory_space<vmem>>, vector<16xi32>,
          %parallel_loop3A_330 = tpu.vector_load_idx %arg5[%parallel_loop3A_329] : memref<30012xf32, #tpu.memory_space<vmem>>[vector<16xi32>], vector<16xf32>,
          %parallel_loop3A_331 = arith.constant 10004 : i32
          %parallel_loop3A_332 = vector.broadcast %parallel_loop3A_331 : i32 to vector<16xi32>
          %parallel_loop3A_333 = arith.addi %parallel_loop3A_329, %parallel_loop3A_332 : vector<16xi32>
          %parallel_loop3A_334 = tpu.vector_load_idx %arg5[%parallel_loop3A_333] : memref<30012xf32, #tpu.memory_space<vmem>>[vector<16xi32>], vector<16xf32>,
          %parallel_loop3A_335 = arith.constant 20008 : i32
          %parallel_loop3A_336 = vector.broadcast %parallel_loop3A_335 : i32 to vector<16xi32>
          %parallel_loop3A_337 = arith.addi %parallel_loop3A_329, %parallel_loop3A_336 : vector<16xi32>
          %parallel_loop3A_338 = tpu.vector_load_idx %arg5[%parallel_loop3A_337] : memref<30012xf32, #tpu.memory_space<vmem>>[vector<16xi32>], vector<16xf32>,
          %parallel_loop3A_339 = arith.subf %parallel_loop3A_330, %parallel_loop3A_135 : vector<16xf32>
          %parallel_loop3A_340 = arith.subf %parallel_loop3A_334, %parallel_loop3A_138 : vector<16xf32>
          %parallel_loop3A_341 = arith.subf %parallel_loop3A_338, %parallel_loop3A_141 : vector<16xf32>
          %parallel_loop3A_342 = arith.mulf %parallel_loop3A_339, %parallel_loop3A_153 : vector<16xf32>
          %parallel_loop3A_343 = arith.mulf %parallel_loop3A_340, %parallel_loop3A_157 : vector<16xf32>
          %parallel_loop3A_344 = arith.addf %parallel_loop3A_342, %parallel_loop3A_343 : vector<16xf32>
          %parallel_loop3A_345 = arith.mulf %parallel_loop3A_341, %parallel_loop3A_161 : vector<16xf32>
          %parallel_loop3A_346 = arith.addf %parallel_loop3A_344, %parallel_loop3A_345 : vector<16xf32>
          %parallel_loop3A_347 = arith.mulf %parallel_loop3A_339, %parallel_loop3A_339 : vector<16xf32>
          %parallel_loop3A_348 = arith.mulf %parallel_loop3A_340, %parallel_loop3A_340 : vector<16xf32>
          %parallel_loop3A_349 = arith.addf %parallel_loop3A_347, %parallel_loop3A_348 : vector<16xf32>
          %parallel_loop3A_350 = arith.mulf %parallel_loop3A_341, %parallel_loop3A_341 : vector<16xf32>
          %parallel_loop3A_351 = arith.addf %parallel_loop3A_349, %parallel_loop3A_350 : vector<16xf32>
          %parallel_loop3A_352 = vector.bitcast %parallel_loop3A_351 : vector<16xf32> to vector<16xi32>
          %parallel_loop3A_353 = arith.constant 1 : i32
          %parallel_loop3A_354 = vector.broadcast %parallel_loop3A_353 : i32 to vector<16xi32>
          %parallel_loop3A_355 = arith.shrsi %parallel_loop3A_352, %parallel_loop3A_354 : vector<16xi32>
          %parallel_loop3A_356 = arith.constant 1597463007 : i32
          %parallel_loop3A_357 = vector.broadcast %parallel_loop3A_356 : i32 to vector<16xi32>
          %parallel_loop3A_358 = arith.subi %parallel_loop3A_357, %parallel_loop3A_355 : vector<16xi32>
          %parallel_loop3A_359 = vector.bitcast %parallel_loop3A_358 : vector<16xi32> to vector<16xf32>
          %parallel_loop3A_360 = arith.constant 5.000000e-01 : f32
          %parallel_loop3A_361 = vector.broadcast %parallel_loop3A_360 : f32 to vector<16xf32>
          %parallel_loop3A_362 = arith.mulf %parallel_loop3A_361, %parallel_loop3A_351 : vector<16xf32>
          %parallel_loop3A_363 = arith.mulf %parallel_loop3A_362, %parallel_loop3A_359 : vector<16xf32>
          %parallel_loop3A_364 = arith.mulf %parallel_loop3A_363, %parallel_loop3A_359 : vector<16xf32>
          %parallel_loop3A_365 = arith.constant 1.500000e+00 : f32
          %parallel_loop3A_366 = vector.broadcast %parallel_loop3A_365 : f32 to vector<16xf32>
          %parallel_loop3A_367 = arith.subf %parallel_loop3A_366, %parallel_loop3A_364 : vector<16xf32>
          %parallel_loop3A_368 = arith.mulf %parallel_loop3A_359, %parallel_loop3A_367 : vector<16xf32>
          %parallel_loop3A_369 = arith.constant 0.000000e+00 : f32
          %parallel_loop3A_370 = vector.broadcast %parallel_loop3A_369 : f32 to vector<16xf32>
          %parallel_loop3A_371 = arith.maximumf %parallel_loop3A_346, %parallel_loop3A_370 : vector<16xf32>
          %parallel_loop3A_372 = arith.mulf %parallel_loop3A_371, %parallel_loop3A_368 : vector<16xf32>
          %parallel_loop3A_373 = arith.addf %parallel_loop3A_326, %parallel_loop3A_372 : vector<16xf32>
          %parallel_loop3A_374 = arith.mulf %parallel_loop3A_373, %parallel_loop3A_183 : vector<16xf32>
          %parallel_loop3A_375 = arith.index_cast %parallel_loop3A_126 : i32 to index
          %parallel_loop3A_376 = arith.constant 0 : index
          %parallel_loop3A_377 = tpu.vector_load %arg8[%parallel_loop3A_375, %parallel_loop3A_376] {strides = array<i32>} : memref<200x16xf32, #tpu.memory_space<vmem>>, vector<16xf32>,
          tpu.vector_store %arg8[%parallel_loop3A_375, %parallel_loop3A_376], %parallel_loop3A_374 {strides = array<i32>} : memref<200x16xf32, #tpu.memory_space<vmem>>, vector<16xf32>,
        } {sc.loop_unroll_factor = 8 : i64, sc.parallel_access}
      } else {
      }
      %mul3A_94 = arith.constant 2600 : i32
      %mul3A_95 = arith.muli %arg0, %mul3A_94 : i32
      %mul3A_96 = arith.constant 200 : i32
      %mul3A_97 = arith.muli %scan3A_41, %mul3A_96 : i32
      %add3A_98 = arith.addi %mul3A_95, %mul3A_97 : i32
      %multiple_of3A_99 = tpu.assume_multiple %add3A_98, 8 : i32
      %dma_start3A_100 = arith.constant 0 : i32
      %dma_start3A_101 = tpu.memref_slice %arg4[%arg1, %multiple_of3A_99, %dma_start3A_100] : memref<16x5200x16xf32, #tpu.memory_space<hbm>> -> memref<1x200x16xf32, #tpu.memory_space<hbm>>
      %dma_start3A_102 = tpu.memref_squeeze %dma_start3A_101 : memref<1x200x16xf32, #tpu.memory_space<hbm>> -> memref<200x16xf32, #tpu.memory_space<hbm>>
      %dma_start3A_103 = arith.constant 0 : i32
      %dma_start3A_104 = tpu.memref_slice %arg4[%arg1, %multiple_of3A_99, %dma_start3A_103] : memref<16x5200x16xf32, #tpu.memory_space<hbm>> -> memref<1x200x16xf32, #tpu.memory_space<hbm>>
      %dma_start3A_105 = tpu.memref_squeeze %dma_start3A_104 : memref<1x200x16xf32, #tpu.memory_space<hbm>> -> memref<200x16xf32, #tpu.memory_space<hbm>>
      tpu.enqueue_dma source(%arg8 : memref<200x16xf32, #tpu.memory_space<vmem>>) target(%dma_start3A_105 : memref<200x16xf32, #tpu.memory_space<hbm>>) target_semaphore(%arg11 : memref<!tpu.dma_semaphore, #tpu.memory_space<semaphore_mem>>)
      %scan3A_106 = arith.constant 0 : i32
      scf.yield %scan3A_106 : i32
    }
    %scan3A_30 = arith.constant 13 : i32
    %mul3A_31 = arith.constant 2600 : i32
    %mul3A_32 = arith.muli %arg0, %mul3A_31 : i32
    %add3A_33 = arith.constant 0 : i32
    %add3A_34 = arith.addi %mul3A_32, %add3A_33 : i32
    %multiple_of3A_35 = tpu.assume_multiple %add3A_34, 8 : i32
    %dma_wait3A = arith.constant 0 : i32
    %dma_wait3A_36 = tpu.memref_slice %arg4[%arg1, %multiple_of3A_35, %dma_wait3A] : memref<16x5200x16xf32, #tpu.memory_space<hbm>> -> memref<1x200x16xf32, #tpu.memory_space<hbm>>
    %dma_wait3A_37 = tpu.memref_squeeze %dma_wait3A_36 : memref<1x200x16xf32, #tpu.memory_space<hbm>> -> memref<200x16xf32, #tpu.memory_space<hbm>>
    %dma_wait3A_38 = arith.constant 0 : i32
    %dma_wait3A_39 = tpu.memref_slice %arg4[%arg1, %multiple_of3A_35, %dma_wait3A_38] : memref<16x5200x16xf32, #tpu.memory_space<hbm>> -> memref<1x200x16xf32, #tpu.memory_space<hbm>>
    %dma_wait3A_40 = tpu.memref_squeeze %dma_wait3A_39 : memref<1x200x16xf32, #tpu.memory_space<hbm>> -> memref<200x16xf32, #tpu.memory_space<hbm>>
    tpu.wait_dma2 semaphore(%arg11 : memref<!tpu.dma_semaphore, #tpu.memory_space<semaphore_mem>>) src(%arg8 : memref<200x16xf32, #tpu.memory_space<vmem>>) dst(%dma_wait3A_40 : memref<200x16xf32, #tpu.memory_space<hbm>>)
    return
  }
}

</mosaic_0001>

<sc_bundles>
// kernel: _atom_conv.4.cloned.1.call-start
scs
__scs_entry_jumppad:
0x0: {  	(pc) =	sbr.rel $0x88, $3  }
0x1: {  	(tag) =	ssettag $0x0;
	lr =	simm.s32 $0x1  }
0x2: {  	[smem:$0x3F9F] =	sst lr;
	_ =	strace $0xD0000000  }
0x3: {  	_ = 	snop  }
0x4: {  	_ = 	snop  }
0x5: {  	_ = 	snop  }
0x6: {  	_ = 	snop  }
0x7: {  	_ = 	snop  }
__scs_overlays_trampoline_lowered:
0x8: {  	[smem:$0x3FAE] =	sst s0  }
0x9: {  	[smem:$0x3FAF] =	sst s1  }
0xa: {  	[smem:$0x3FB0] =	sst s2  }
0xb: {  	[smem:$0x3FB1] =	sst s3  }
0xc: {  	[smem:$0x3FB2] =	sst s4  }
0xd: {  	[smem:$0x3FB3] =	sst s5  }
0xe: {  	[smem:$0x3FB4] =	sst s6  }
0xf: {  	[smem:$0x3FB5] =	sst s7  }
0x10: {  	[smem:$0x3FB6] =	sst s8  }
0x11: {  	[smem:$0x3FB7] =	sst s9;
	s0 =	simm.s32 @!p0 $0x0  }
0x12: {  	s1 =	sld [smem:$0x3F9D];
	s0 =	simm.s32 @p0 $0x1  }
0x13: {  	[smem:$0x3FB8] =	sst s0;
	s0 =	simm.s32 @!p1 $0x0  }
0x14: {  	s2 =	sld [smem:$0x3F9C];
	s0 =	simm.s32 @p1 $0x1  }
0x15: {  	[smem:$0x3FB9] =	sst s0;
	s0 =	simm.s32 @!p2 $0x0  }
0x16: {  	s3 =	sld [smem:$0x3FDB];
	s0 =	simm.s32 @p2 $0x1  }
0x17: {  	s4 =	simm.s32 $0x1BF5;
	[smem:$0x3FBB] =	sst s0  }
0x18: {  	s0 =	sld [smem:$0x3F9E];
	_ =	swait.ge [sflag:s4], $0x0  }
0x19: {  	s7 =	sld [smem:$0x3F9F]  }
0x1a: {  	s8 =	sadd.s32 $0xFFFFE003, lr  }
0x1b: {  	s9 =	sadd.s32 $0xFFFFFEF7, lr;
	s5 =	simm.s32 $0xFFFFFFFF;
	p2 =	slt.u32 s8, $0xFFFFF086  }
0x1c: {  	p1 =	slt.u32 s9, $0xF7A;
	s5 =	simm.s32 @!p2 $0x0  }
0x1d: {  	s5 =	simm.s32 @p1 $0x1;
	p0 =	seq.s32 s7, s2  }
0x1e: {  	s7 =	smul.u32 @!p0 $0xF7A, s2;
	p2 =	seq.s32 @!p0 s5, $0x0  }
0x1f: {  	s9 =	smul.u32 $0xF7A, s1;
	s8 =	simm.s32 @!p0 $0x1BF5;
	p2 =	por !p2, p0  }
0x20: {  	[sflag:s8] =	ssyncset.s32 @!p0 $0xFFFFF086;
	s6 =	sadd.s32 @!p0 s3, s7;
	s7 =	simm.s32 @!p0 $0x108  }
0x21: {  	s3 =	sadd.s32 s3, s9;
	s6 =	sadd.s32 @!p0 $0x88, s6;
	s7 =	simm.s32 @p2 $0x1082  }
0x22: {  	[simem:s7], [sflag:s8] =	dma.local @!p0 [hbm:s6], $0xF7A  }
0x23: {  	s9 =	sor.u32 $0xD0000000, s2;
	s6 =	simm.s32 $0x108;
	_ =	swait.ge @!p0 [sflag:s8], $0x0  }
0x24: {  	s3 =	sadd.s32 $0x88, s3;
	s6 =	simm.s32 @!p1 $0x1082;
	[sflag:s4] =	ssyncset.s32 $0xFFFFF086  }
0x25: {  	[simem:s6], [sflag:s4] =	dma.local [hbm:s3], $0xF7A  }
0x26: {  	[smem:$0x3F9F] =	sst s1;
	(tag) =	ssettag s2;
	_ =	strace s9  }
0x27: {  	s1 =	sld [smem:$0x3FAF]  }
0x28: {  	s2 =	sld [smem:$0x3FB0]  }
0x29: {  	s4 =	sld [smem:$0x3FB2]  }
0x2a: {  	p0 =	seq.s32 s5, $0x0;
	s5 =	sld [smem:$0x3FB3]  }
0x2b: {  	s6 =	sld [smem:$0x3FB4]  }
0x2c: {  	s7 =	sld [smem:$0x3FB5]  }
0x2d: {  	s3 =	simm.s32 $0x108;
	s8 =	sld [smem:$0x3FB6]  }
0x2e: {  	s3 =	simm.s32 @!p0 $0x1082;
	s9 =	sld [smem:$0x3FB7]  }
0x2f: {  	lr =	sadd.s32 s0, s3;
	s0 =	sld [smem:$0x3FAE]  }
0x30: {  	s3 =	sld [smem:$0x3FB1]  }
0x31: {  	[smem:$0x3FBA] =	sst s10  }
0x32: {  	s10 =	sld [smem:$0x3FB8];
	_ =	sdelay $0x3  }
0x33: {  	p0 =	seq.s32 s10, $0x1;
	s10 =	sld [smem:$0x3FBA];
	_ =	sdelay $0x3  }
0x34: {  	[smem:$0x3FBA] =	sst s10  }
0x35: {  	s10 =	sld [smem:$0x3FB9];
	_ =	sdelay $0x3  }
0x36: {  	p1 =	seq.s32 s10, $0x1;
	s10 =	sld [smem:$0x3FBA];
	_ =	sdelay $0x3  }
0x37: {  	[smem:$0x3FBA] =	sst s10  }
0x38: {  	s10 =	sld [smem:$0x3FBB]  }
0x39: {  	_ = 	snop;
	(pc) =	sbr.ind lr, $3  }
0x3a: {  	_ = 	snop  }
0x3b: {  	_ = 	snop  }
0x3c: {  	p2 =	seq.s32 s10, $0x1;
	s10 =	sld [smem:$0x3FBA]  }
0x3d: {  	_ =	shalt  }
0x3e: {  	_ =	shalt  }
0x3f: {  	_ =	shalt  }
0x40: {  	_ =	shalt  }
0x41: {  	_ =	shalt  }
0x42: {  	_ =	shalt  }
0x43: {  	_ =	shalt  }
0x44: {  	_ =	shalt  }
0x45: {  	_ =	shalt  }
0x46: {  	_ =	shalt  }
0x47: {  	_ =	shalt  }
0x48: {  	_ =	shalt  }
0x49: {  	_ =	shalt  }
0x4a: {  	_ =	shalt  }
0x4b: {  	_ =	shalt  }
0x4c: {  	_ =	shalt  }
0x4d: {  	_ =	shalt  }
0x4e: {  	_ =	shalt  }
0x4f: {  	_ =	shalt  }
0x50: {  	_ =	shalt  }
0x51: {  	_ =	shalt  }
0x52: {  	_ =	shalt  }
0x53: {  	_ =	shalt  }
0x54: {  	_ =	shalt  }
0x55: {  	_ =	shalt  }
0x56: {  	_ =	shalt  }
0x57: {  	_ =	shalt  }
0x58: {  	_ =	shalt  }
0x59: {  	_ =	shalt  }
0x5a: {  	_ =	shalt  }
0x5b: {  	_ =	shalt  }
0x5c: {  	_ =	shalt  }
0x5d: {  	_ =	shalt  }
0x5e: {  	_ =	shalt  }
0x5f: {  	_ =	shalt  }
0x60: {  	_ =	shalt  }
0x61: {  	_ =	shalt  }
0x62: {  	_ =	shalt  }
0x63: {  	_ =	shalt  }
0x64: {  	_ =	shalt  }
0x65: {  	_ =	shalt  }
0x66: {  	_ =	shalt  }
0x67: {  	_ =	shalt  }
0x68: {  	_ =	shalt  }
0x69: {  	_ =	shalt  }
0x6a: {  	_ =	shalt  }
0x6b: {  	_ =	shalt  }
0x6c: {  	_ =	shalt  }
0x6d: {  	_ =	shalt  }
0x6e: {  	_ =	shalt  }
0x6f: {  	_ =	shalt  }
0x70: {  	_ =	shalt  }
0x71: {  	_ =	shalt  }
0x72: {  	_ =	shalt  }
0x73: {  	_ =	shalt  }
0x74: {  	_ =	shalt  }
0x75: {  	_ =	shalt  }
0x76: {  	_ =	shalt  }
0x77: {  	_ =	shalt  }
0x78: {  	_ =	shalt  }
0x79: {  	_ =	shalt  }
0x7a: {  	_ =	shalt  }
0x7b: {  	_ =	shalt  }
0x7c: {  	_ =	shalt  }
0x7d: {  	_ =	shalt  }
0x7e: {  	_ =	shalt  }
0x7f: {  	_ =	shalt  }
0x80: {  	_ =	shalt  }
0x81: {  	_ =	shalt  }
0x82: {  	_ =	shalt  }
0x83: {  	_ =	shalt  }
0x84: {  	_ =	shalt  }
0x85: {  	_ =	shalt  }
0x86: {  	_ =	shalt  }
0x87: {  	_ =	shalt  }
.Lfunc_end0:
.L_simem_size_0:
called_computation_lowered:
.L_overlay_start_0:
0x88: {  	s2 =	sld [smem:$0x3FD9]  }
0x89: {  	s3 =	sld [smem:$0x3FFE];
	_ =	sdelay $0x1  }
0x8a: {  	s1 =	srdreg.scid  }
0x8b: {  	s0 =	sand.u32 $0x1, s1  }
0x8c: {  	s17 =	sshll.u32 s0, $0xA;
	s2 =	sadd.s32 s3, s2  }
0x8d: {  	s2 =	sadd.s32 s2, s17  }
0x8e: {  	[smem:$0x3FC6] =	sst s2  }
0x8f: {  	_ = 	snop  }
0x90: {  	s2 =	sld [smem:$0x3FC8];
	(tm) =	ssettm $0x1  }
0x91: {  	s18 =	sld [smem:$0x3FFB];
	_ =	sdelay $0x3  }
0x92: {  	_ =	strace s18  }
0x93: {  	s3 =	sld [smem:$0x3FFC];
	_ =	sdelay $0x3  }
0x94: {  	_ =	strace s3  }
0x95: {  	s3 =	sld [smem:$0x3FFD];
	_ =	sdelay $0x3  }
0x96: {  	_ =	strace s3  }
0x97: {  	_ =	strace $0x8FFFFFFF  }
0x98: {  	s19 =	sld [smem:$0x3FDB];
	_ =	sdelay $0x1  }
0x99: {  	s4 =	simm.s32 $_scs_section_size  }
0x9a: {  	s5 =	simm.s32 $_size__tile_overlayer_lowered;
	s6 =	simm.s32 $_tile_overlayer_lowered  }
0x9b: {  	s22 =	simm.s32 $0x1BFF;
	s21 =	sshll.u32 s6, $0x1;
	s3 =	sadd.s32 s4, s19  }
0x9c: {  	s7 =	simm.s32 $0x0;
	s20 =	sshll.u32 s5, $0x1;
	s5 =	sadd.s32 s21, s3  }
0x9d: {  	[timem:s7], [sflag:s22] =	dma.local [hbm:s5], s20  }
0x9e: {  	_ =	swait.ge [sflag:s22], s20  }
0x9f: {  	s4 =	ssub.s32 $0x0, s20;
	[sflag:s22] =	ssyncset.done $0x0  }
0xa0: {  	[sflag:s22] =	ssyncadd.s32 s4;
	_ =	sdelay $0x1  }
0xa1: {  	s23 =	simm.s32 $0x1B8B  }
0xa2: {  	_ =	swait.ge [sflag:s23], $0x1  }
0xa3: {  	[sflag:s23] =	ssyncset.done $0x0  }
0xa4: {  	s25 =	simm.s32 $0x1B8E;
	s24 =	sld [smem:$0x3FFE];
	[sflag:s23] =	ssyncadd.s32 $0xFFFFFFFF  }
0xa5: {  	s26 =	simm.s32 $execute0_lowered;
	[smem:$0x3FD2] =	sst s25  }
0xa6: {  	s5 =	sshll.u32 s26, $0x1;
	_ =	strace $0x80000046;
	[dreg:$0x1] =	wrdreg $0xFFFFFFFF  }
0xa7: {  	s28 =	simm.s32 $_size_execute0_lowered;
	s3 =	sadd.s32 s3, s5;
	[dreg:$0x0] =	wrdreg $0x0  }
0xa8: {  	s5 =	sshll.u32 s28, $0x1;
	[dreg:$0x2] =	wrdreg s3  }
0xa9: {  	[dreg:$0x3] =	wrdreg s5  }
0xaa: {  	[dreg:$0x4] =	wrdreg $0xC0  }
0xab: {  	_ =	task [dreg:s7], $0x5FFFF  }
0xac: {  	[dreg:$0x1] =	wrdreg $0xFFFFFFFF  }
0xad: {  	[dreg:$0x0] =	wrdreg $0x60  }
0xae: {  	[dreg:$0x2] =	wrdreg s24  }
0xaf: {  	[dreg:$0x3] =	wrdreg s2  }
0xb0: {  	[dreg:$0x4] =	wrdreg $0x9  }
0xb1: {  	_ =	task.clear_ibuf [dreg:s7], $0x5FFFF;
	_ =	strace $0x90000046  }
0xb2: {  	s29 =	simm.s32 $0x9;
	_ =	strace $0x80000048  }
0xb3: {  	_ =	swait.ge [sflag:s29], $0x1  }
0xb4: {  	[sflag:s29] =	ssyncadd.s32 $0xFFFFFFFF  }
0xb5: {  	_ =	strace $0x90000048  }
0xb6: {  	_ =	sfence  }
0xb7: {  	s30 =	sld [smem:$0x0];
	_ =	sdelay $0x2  }
0xb8: {  	s31 =	sshll.u32 s1, $0xD;
	s1 =	sshrl.u32 s1, $0x2  }
0xb9: {  	s3 =	sand.u32 $0x4000, s31;
	s1 =	sadd.s32 s1, s30  }
0xba: {  	s0 =	sor.u32 s3, s0;
	s1 =	sshll.u32 s1, $0x11  }
0xbb: {  	s0 =	sor.u32 s1, s0  }
0xbc: {  	s0 =	sadd.s32 $0x8F2B, s0  }
0xbd: {  	[sflag:s0] =	ssyncadd.remote.s32 $0x1  }
0xbe: {  	_ =	sfence.sel $0xFFFF  }
0xbf: {  	[dreg:$0x0] =	wrdreg $0xFFFFFFFF;
	(pc) =	sbr.abs _section_cstart, $3  }
0xc0: {  	[dreg:$0x1] =	wrdreg $0xFFFFFFFF  }
0xc1: {  	_ =	task.clear_ibuf [dreg:s7], $0x2FFFF;
	_ =	strace $0x9FFFFFFF  }
0xc2: {  	(tm) =	ssettm $0x7FFFFFFF  }
0xc3: {  	_ =	shalt  }
tec
execute0_lowered:
.L_overlay_start_1:
0x0: {  	(tag) =	ssettag $0x1  }
0x1: {  	s5 =	rddreg [dreg:$0x0]  }
0x2: {  	s6 =	rddreg [dreg:$0x1]  }
0x3: {  	s0 =	rddreg [dreg:$0x2];
	s2 =	simm.s32 $0x0;
	s1 =	stileid.u32  }
0x4: {  	v0 =	vimm.s32 $0x0;
	vm0 =	vcmask $0x704;
	s4 =	srdreg.scid;
	s12 =	simm.s32 $0x4;
	s13 =	simm.s32 $0x7580  }
0x5: {  	vm7 =	vcmask $0xB08;
	s14 =	simm.s32 $0x2;
	s15 =	simm.s32 $0x13D80;
	s16 =	simm.s32 $0x3;
	v0 =	vsel vm0, $0x2714, v0  }
0x6: {  	vm8 =	vcmask $0x1310;
	s17 =	simm.s32 $0x1;
	s18 =	simm.s32 $0x0;
	s3 =	sshrl.u32 s1, $0x3;
	v0 =	vsel vm7, $0x4E28, v0  }
0x7: {  	vm9 =	vcmask $0x1714;
	[smem:$0x7FF] =	sst s2;
	s8 =	sand.u32 $0x1, s4;
	s7 =	smul.u32 $0x3AC00, s3;
	v0 =	vsel vm8, $0x2714, v0  }
0x8: {  	vm10 =	vcmask $0x1F1C;
	s4 =	sadd.s32 $0xC00, s5;
	s5 =	sadd.s32 $0x145C00, s5;
	s3 =	smul.u32 $0xA2800, s1;
	v0 =	vsel vm9, $0x4E28, v0  }
0x9: {  	vm11 =	vcmask $0x2320;
	s9 =	sshll.u32 s1, $0x7;
	_ =	strace $0x80000047;
	s10 =	smul.u32 $0x51400, s8;
	v0 =	vsel vm10, $0x2714, v0  }
.Ltmp0:
0xa: {  	vm12 =	vcmask $0x2B28;
	s9 =	sand.u32 $0x380, s9;
	s11 =	ssub.s32 $0x2, s8;
	v0 =	vsel vm11, $0x4E28, v0;
	(pc) =	sbr.rel .LBB2_1-.Ltmp0, $4  }
0xb: {  	vm13 =	vcmask $0x2F2C;
	s31 =	sshrl.u32 s11, $0x1;
	s7 =	sor.u32 s9, s7;
	s10 =	sadd.s32 s10, s3;
	v0 =	vsel vm12, $0x2714, v0  }
0xc: {  	vm14 =	vcmask $0x3734;
	s9 =	ssub.s32 s11, s31;
	s11 =	simm.s32 $0x400;
	s7 =	sshrl.u32 s7, $0x3;
	v0 =	vsel vm13, $0x4E28, v0  }
0xd: {  	vm15 =	vcmask $0x3B38;
	s10 =	sshrl.u32 s10, $0x3;
	s9 =	smax.u32 s9, $0x1;
	s6 =	sadd.s32 s6, s7;
	v0 =	vsel vm14, $0x2714, v0  }
0xe: {  	s7 =	smul.u32 $0xA28, s8;
	s8 =	sadd.s32 s4, s10;
	s10 =	simm.s32 $0x80;
	v0 =	vsel vm15, $0x4E28, v0  }
.LBB2_9:
0xf: {  	s18 =	sadd.s32 $0x1, s18  }
0x10: {  	p0 =	sne.s32 s18, s9  }
.Ltmp1:
0x11: {  	_ = 	snop;
	(pc) =	sbr.rel @!p0 .LBB2_10-.Ltmp1, $4  }
0x12: {  	_ = 	snop  }
0x13: {  	_ =	swait.ge [sflag:s16], $0x6400  }
0x14: {  	[sflag:s16] =	ssyncset.done $0x0  }
0x15: {  	[sflag:s16] =	ssyncadd.s32 $0xFFFF9C00  }
.LBB2_1:
0x16: {  	[tilespmem:s2], [sflag:$0x4] =	stream.strided.gather [hbm4b:s6+s10], $0x7580, s11, s10, $0x38;
	[tilespmem:$0x1A180] =	vst v63  }
.Ltmp2:
0x17: {  	_ = 	snop;
	(pc) =	sbr.rel .LBB2_2-.Ltmp2, $4  }
0x18: {  	_ =	swait.ge [sflag:s12], $0x7580  }
0x19: {  	[sflag:s12] =	ssyncset.done $0x0  }
0x1a: {  	s20 =	simm.s32 $0x0;
	s19 =	smov.u32 s7;
	[sflag:s12] =	ssyncadd.s32 $0xFFFF8A80  }
0x1b: {  	[tilespmem:s13], [sflag:$0x1] =	stream.linear.gather [hbm4b:s8+s2], $0x6400, $0x38;
	[tilespmem:$0x1A180] =	vst v63  }
.LBB2_8:
0x1c: {  	p0 =	sne.s32 s20, $0xD  }
.Ltmp3:
0x1d: {  	s21 =	sshll.u32 s21, $0x7;
	(pc) =	sbr.rel @!p0 .LBB2_9-.Ltmp3, $4  }
0x1e: {  	s21 =	sadd.s32 s3, s21  }
0x1f: {  	s21 =	sshrl.u32 s21, $0x3  }
0x20: {  	s19 =	sadd.s32 $0xC8, s19;
	s21 =	sadd.s32 s5, s21  }
0x21: {  	[hbm4b:s21+s2] =	stream.linear.scatter [tilespmem:s15], [sflag:$0x3], $0x6400, $0x38;
	[tilespmem:$0x1A180] =	vst v63  }
.LBB2_2:
0x22: {  	s21 =	smov.u32 s20  }
0x23: {  	s20 =	sadd.s32 $0x1, s20;
	p0 =	seq.s32 s21, $0xC  }
0x24: {  	s22 =	smul.u32 @!p0 $0xC8, s20;
	_ =	sdelay $0x1  }
0x25: {  	s22 =	sadd.s32 @!p0 s7, s22  }
0x26: {  	s23 =	sand.u32 @!p0 $0x1, s20;
	s22 =	sshll.u32 @!p0 s22, $0x7  }
0x27: {  	p1 =	seq.s32 @!p0 s23, $0x1;
	s22 =	sadd.s32 @!p0 s3, s22  }
0x28: {  	p2 =	por p1, p0;
	s22 =	sshrl.u32 @!p0 s22, $0x3  }
0x29: {  	s23 =	simm.s32 @!p2 $0x0;
	s24 =	simm.s32 @!p2 $0x7580;
	s22 =	sadd.s32 @!p0 s4, s22  }
0x2a: {  	[tilespmem:s24], [sflag:$0x1] =	stream.linear.gather @!p2 [hbm4b:s22+s23], $0x6400, $0x38;
	[tilespmem:$0x1A180] =	vst v63  }
0x2b: {  	s23 =	sand.u32 @!p2 $0x1, s21  }
0x2c: {  	p2 =	seq.s32 @!p2 s23, $0x1  }
0x2d: {  	p1 =	por @!p0 p1, !p2  }
0x2e: {  	p0 =	por p0, !p1  }
0x2f: {  	s23 =	simm.s32 @!p0 $0x0;
	s24 =	simm.s32 @!p0 $0xD980;
	p1 =	seq.s32 @!p0 s21, $0x0  }
0x30: {  	[tilespmem:s24], [sflag:$0x2] =	stream.linear.gather @!p0 [hbm4b:s22+s23], $0x6400, $0x38;
	[tilespmem:$0x1A180] =	vst v63  }
0x31: {  	p0 =	por p0, !p1  }
0x32: {  	s22 =	sand.u32 @p0 $0x1, s21  }
0x33: {  	p1 =	seq.s32 @p0 s22, $0x0  }
0x34: {  	p1 =	por !p0, p1  }
.Ltmp4:
0x35: {  	_ = 	snop;
	(pc) =	sbr.rel @!p1 .LBB2_6-.Ltmp4, $4  }
0x36: {  	s23 =	simm.s32 @p0 $0x3  }
0x37: {  	s21 =	smul.u32 $0xC8, s21;
	_ =	swait.ge @p0 [sflag:s23], $0x6400  }
0x38: {  	[sflag:s23] =	ssyncset.done @p0 $0x0  }
0x39: {  	s21 =	sadd.s32 s7, s21;
	[sflag:s23] =	ssyncadd.s32 @p0 $0xFFFF9C00  }
0x3a: {  	_ =	swait.ge [sflag:s17], $0x6400  }
0x3b: {  	s22 =	simm.s32 @!p0 $0x0;
	s23 =	simm.s32 $0xFFFFFFF8;
	[sflag:s17] =	ssyncset.done $0x0  }
0x3c: {  	s24 =	simm.s32 $0x13F80;
	s25 =	simm.s32 $0x7780;
	[sflag:s17] =	ssyncadd.s32 $0xFFFF9C00  }
.LBB2_4:
0x3d: {  	v1 =	vld [tilespmem:s25+$0xFFFFFE01]  }
0x3e: {  	s26 =	sadd.s32 s23, s19;
	v2 =	vld.msk [tilespmem:s25+$0xFFFFFE00 ss:$0x0], $0xffff  }
0x3f: {  	v8 =	vld [tilespmem:s25+$0xFFFFFE11];
	s28 =	sadd.s32 $0x8, s26  }
0x40: {  	v3 =	vadd.s32 s28, v0;
	_ =	sdelay $0x2  }
0x41: {  	v13 =	vld [tilespmem:s25+$0xFFFFFE21];
	v4 =	vadd.s32 $0x2714, v1  }
0x42: {  	v52 =	vld [tilespmem:s25+$0xFFFFFE31];
	v2 =	vadd.s32 v0, v2  }
0x43: {  	v5 =	vadd.s32 $0x4E28, v1;
	v3 =	vld.idx.msk [tilespmem:v3+s2+$0x0], $0xffff  }
0x44: {  	v12 =	vadd.s32 $0x2714, v8;
	v1 =	vld.idx.msk [tilespmem:v1+s2+$0x0], $0xffff  }
0x45: {  	v16 =	vadd.s32 $0x4E28, v8;
	v8 =	vld.idx.msk [tilespmem:v8+s2+$0x0], $0xffff  }
0x46: {  	v18 =	vadd.s32 $0x2714, v13;
	v4 =	vld.idx.msk [tilespmem:v4+s2+$0x0], $0xffff  }
0x47: {  	v19 =	vadd.s32 $0x4E28, v13;
	v2 =	vld.idx.msk [tilespmem:v2+s2+$0x0], $0xffff  }
0x48: {  	v21 =	vadd.s32 $0x4E28, v52;
	v5 =	vld.idx.msk [tilespmem:v5+s2+$0x0], $0xffff  }
0x49: {  	v12 =	vld.idx.msk [tilespmem:v12+s2+$0x0], $0xffff;
	v6 =	vbroadcast v3, $0x0  }
0x4a: {  	v16 =	vld.idx.msk [tilespmem:v16+s2+$0x0], $0xffff;
	v7 =	vbroadcast v3, $0x1  }
0x4b: {  	v18 =	vld.idx.msk [tilespmem:v18+s2+$0x0], $0xffff;
	v9 =	vbroadcast v3, $0x2;
	v1 =	vsub.f32 v1, v6  }
0x4c: {  	v19 =	vld.idx.msk [tilespmem:v19+s2+$0x0], $0xffff;
	v8 =	vsub.f32 v8, v6;
	v4 =	vsub.f32 v4, v7  }
0x4d: {  	v58 =	vadd.s32 $0x2714, v52;
	v21 =	vld.idx.msk [tilespmem:v21+s2+$0x0], $0xffff;
	v2 =	vsub.f32 v2, v3;
	v3 =	vsub.f32 v5, v9  }
0x4e: {  	v28 =	vld [tilespmem:s25+$0xFFFFFE81];
	v12 =	vsub.f32 v12, v7;
	v48 =	vmul.f32 v1, v1;
	v57 =	vmul.f32 v8, v8  }
0x4f: {  	v56 =	vsub.f32 v16, v9;
	v10 =	vmul.f32 v4, v4;
	v11 =	vmul.f32 v2, v2  }
0x50: {  	v18 =	vsub.f32 v18, v7;
	v49 =	vmul.f32 v3, v3;
	v17 =	vbroadcast v2, $0x0  }
0x51: {  	v60 =	vsub.f32 v19, v9;
	v50 =	vbroadcast v2, $0x1;
	v2 =	vbroadcast v2, $0x2  }
0x52: {  	v9 =	vsub.f32 v21, v9;
	v20 =	vmul.f32 v12, v12;
	v59 =	vmul.f32 v56, v56  }
0x53: {  	v32 =	vadd.s32 $0x2714, v28;
	v62 =	vmul.f32 v18, v18;
	v63 =	vmul.f32 v60, v60  }
0x54: {  	v36 =	vadd.s32 $0x4E28, v28;
	v29 =	vmul.f32 v9, v9;
	v14 =	vbroadcast v11, $0x0  }
0x55: {  	v5 =	vadd.f32 v10, v48;
	v15 =	vbroadcast v11, $0x1;
	v11 =	vbroadcast v11, $0x2  }
0x56: {  	v1 =	vmul.f32 v1, v17;
	v4 =	vmul.f32 v4, v50;
	v16 =	vadd.f32 v20, v57  }
0x57: {  	v8 =	vmul.f32 v8, v17;
	v12 =	vmul.f32 v12, v50;
	v5 =	vadd.f32 v49, v5  }
0x58: {  	v54 =	vld.idx.msk [tilespmem:v13+s2+$0x0], $0xffff;
	v3 =	vmul.f32 v3, v2;
	v14 =	vadd.f32 v15, v14;
	v1 =	vadd.f32 v4, v1  }
0x59: {  	v8 =	vadd.f32 v12, v8;
	v51 =	vshra.s32 v5, $0x1;
	v5 =	vmul.f32 $5.000000000e-01, v5  }
0x5a: {  	v4 =	vmul.f32 v56, v2;
	v11 =	vadd.f32 v14, v11;
	v14 =	vld.idx.msk [tilespmem:v52+s2+$0x0], $0xffff;
	v15 =	vsub.s32 $0x5F3759DF, v51  }
0x5b: {  	v43 =	vld [tilespmem:s25+$0xFFFFFE91];
	v18 =	vmul.f32 v18, v50;
	v1 =	vadd.f32 v3, v1;
	v5 =	vmul.f32 v15, v5  }
0x5c: {  	v24 =	vld.msk [tilespmem:s25+$0xFFFFFE80 ss:$0x0], $0xffff;
	v4 =	vadd.f32 v4, v8;
	v55 =	vshra.s32 v11, $0x1;
	v11 =	vmul.f32 $5.000000000e-01, v11  }
0x5d: {  	v13 =	vsub.s32 $0x5F3759DF, v55;
	v53 =	vmul.f32 v15, v5;
	v5 =	vsub.f32 v54, v6  }
0x5e: {  	v1 =	vmax.f32 v1, $0.0e+00;
	v4 =	vmax.f32 v4, $0.0e+00;
	v11 =	vmul.f32 v13, v11  }
0x5f: {  	v51 =	vld [tilespmem:s25+$0xFFFFFEA1];
	v6 =	vsub.f32 v14, v6;
	v3 =	vsub.f32 $1.500000000e+00, v53;
	v61 =	vmul.f32 v5, v5  }
0x60: {  	v55 =	vadd.s32 $0x4E28, v43;
	v11 =	vmul.f32 v13, v11;
	v5 =	vmul.f32 v5, v17  }
0x61: {  	v14 =	vadd.s32 v0, v24;
	v26 =	vmul.f32 v6, v6;
	v3 =	vmul.f32 v15, v3;
	v15 =	vld.idx.msk [tilespmem:v58+s2+$0x0], $0xffff  }
0x62: {  	v6 =	vmul.f32 v6, v17;
	v19 =	vadd.f32 v62, v61;
	v5 =	vadd.f32 v18, v5  }
0x63: {  	v42 =	vsub.f32 $1.500000000e+00, v11;
	v1 =	vmul.f32 v3, v1;
	v3 =	vadd.f32 v59, v16  }
0x64: {  	v61 =	vadd.s32 $0x4E28, v51;
	v19 =	vadd.f32 v63, v19;
	v16 =	vmul.f32 v60, v2  }
0x65: {  	v2 =	vmul.f32 v9, v2;
	v22 =	vshra.s32 v3, $0x1;
	v3 =	vmul.f32 $5.000000000e-01, v3  }
0x66: {  	s29 =	sadd.s32 $0x9, s26;
	v23 =	vshra.s32 v19, $0x1;
	v25 =	vmul.f32 $5.000000000e-01, v19;
	v7 =	vsub.f32 v15, v7  }
0x67: {  	v22 =	vsub.s32 $0x5F3759DF, v22;
	v12 =	vsub.s32 $0x5F3759DF, v23;
	v23 =	vadd.s32 s29, v0  }
0x68: {  	v60 =	vadd.s32 $0x2714, v51;
	v63 =	vld [tilespmem:s25+$0xFFFFFEB1];
	v3 =	vmul.f32 v22, v3;
	v27 =	vmul.f32 v7, v7  }
0x69: {  	v41 =	vld.idx.msk [tilespmem:v32+s2+$0x0], $0xffff;
	v5 =	vadd.f32 v16, v5;
	v15 =	vmul.f32 v12, v25;
	v7 =	vmul.f32 v7, v50  }
0x6a: {  	v14 =	vld.idx.msk [tilespmem:v14+s2+$0x0], $0xffff;
	v1 =	vadd.f32 $0.0e+00, v1;
	v3 =	vmul.f32 v22, v3;
	v19 =	vadd.f32 v27, v26  }
0x6b: {  	v5 =	vmax.f32 v5, $0.0e+00;
	v25 =	vld.msk [tilespmem:s25+$0xFFFFFF00 ss:$0x0], $0xffff;
	v30 =	vmul.f32 v12, v15;
	v6 =	vadd.f32 v7, v6  }
0x6c: {  	v50 =	vadd.s32 $0x2714, v43;
	v3 =	vsub.f32 $1.500000000e+00, v3;
	v35 =	vld.idx.msk [tilespmem:v23+s2+$0x0], $0xffff;
	v31 =	vadd.f32 v29, v19  }
0x6d: {  	v45 =	vld.idx.msk [tilespmem:v36+s2+$0x0], $0xffff;
	v24 =	vadd.s32 $0x4E28, v63;
	v8 =	vsub.f32 $1.500000000e+00, v30;
	v2 =	vadd.f32 v2, v6  }
0x6e: {  	v20 =	vld.idx.msk [tilespmem:v55+s2+$0x0], $0xffff;
	v3 =	vmul.f32 v22, v3;
	v33 =	vshra.s32 v31, $0x1;
	v15 =	vmul.f32 $5.000000000e-01, v31  }
0x6f: {  	v16 =	vld.idx.msk [tilespmem:v51+s2+$0x0], $0xffff;
	v38 =	vmul.f32 v12, v8;
	v2 =	vmax.f32 v2, $0.0e+00;
	v34 =	vsub.s32 $0x5F3759DF, v33  }
0x70: {  	v3 =	vmul.f32 v3, v4;
	v4 =	vld.idx.msk [tilespmem:v43+s2+$0x0], $0xffff;
	v43 =	vadd.s32 v0, v25;
	v37 =	vmul.f32 v34, v15  }
0x71: {  	v46 =	vbroadcast v35, $0x0;
	v47 =	vbroadcast v35, $0x1;
	v48 =	vsub.f32 v14, v35  }
0x72: {  	v49 =	vbroadcast v35, $0x2;
	v35 =	vadd.s32 $0x2714, v63;
	v1 =	vadd.f32 v3, v1  }
0x73: {  	v3 =	vmul.f32 v38, v5;
	v40 =	vmul.f32 v34, v37;
	v9 =	vsub.f32 v41, v47  }
0x74: {  	v59 =	vld.idx.msk [tilespmem:v50+s2+$0x0], $0xffff;
	v14 =	vmul.f32 v48, v48;
	v6 =	vsub.f32 v45, v49;
	v18 =	vbroadcast v48, $0x1  }
0x75: {  	v15 =	vld.idx.msk [tilespmem:v60+s2+$0x0], $0xffff;
	v5 =	vbroadcast v48, $0x2;
	v29 =	vsub.f32 v20, v49;
	v16 =	vsub.f32 v16, v46  }
0x76: {  	v39 =	vld.idx.msk [tilespmem:v28+s2+$0x0], $0xffff;
	v3 =	vadd.f32 v3, v1;
	v52 =	vmul.f32 v9, v9;
	v53 =	vbroadcast v14, $0x0  }
0x77: {  	v22 =	vld.idx.msk [tilespmem:v63+s2+$0x0], $0xffff;
	v44 =	vsub.f32 $1.500000000e+00, v40;
	v54 =	vbroadcast v14, $0x1;
	v56 =	vmul.f32 v6, v6  }
0x78: {  	v41 =	vld.idx.msk [tilespmem:v24+s2+$0x0], $0xffff;
	v57 =	vbroadcast v14, $0x2;
	v9 =	vmul.f32 v9, v18;
	v4 =	vsub.f32 v4, v46  }
0x79: {  	v14 =	vsub.f32 v59, v47;
	v6 =	vmul.f32 v6, v5;
	v36 =	vmul.f32 v16, v16  }
0x7a: {  	v40 =	vmul.f32 v29, v5;
	v15 =	vsub.f32 v15, v47;
	v1 =	vmul.f32 v34, v44  }
0x7b: {  	v8 =	vsub.f32 v39, v46;
	v30 =	vmul.f32 v4, v4;
	v31 =	vmul.f32 v14, v14  }
0x7c: {  	v7 =	vsub.f32 v22, v46;
	v23 =	vld.idx.msk [tilespmem:v35+s2+$0x0], $0xffff;
	v34 =	vmul.f32 v29, v29;
	v37 =	vmul.f32 v15, v15  }
0x7d: {  	v44 =	vld [tilespmem:s25+$0xFFFFFF01];
	v12 =	vsub.f32 v41, v49;
	v2 =	vmul.f32 v1, v2;
	v1 =	vmul.f32 v8, v8  }
0x7e: {  	v14 =	vmul.f32 v14, v18;
	v45 =	vmul.f32 v15, v18;
	v33 =	vadd.f32 v31, v30  }
0x7f: {  	v20 =	vadd.f32 v37, v36;
	v50 =	vmul.f32 v12, v12;
	v17 =	vadd.f32 v52, v1  }
0x80: {  	s30 =	sadd.s32 $0xA, s26;
	v1 =	vmul.f32 v13, v42;
	v3 =	vadd.f32 v2, v3;
	v2 =	vadd.f32 v54, v53  }
0x81: {  	v42 =	vadd.s32 s30, v0;
	v11 =	vsub.f32 v23, v47;
	v47 =	vmul.f32 v7, v7  }
0x82: {  	v54 =	vadd.s32 $0x2714, v44;
	v58 =	vadd.f32 v56, v17;
	v17 =	vbroadcast v48, $0x0  }
0x83: {  	v10 =	vadd.f32 v2, v57;
	v48 =	vmul.f32 v11, v11;
	v11 =	vmul.f32 v11, v18  }
0x84: {  	v57 =	vadd.s32 $0x4E28, v44;
	v1 =	vmul.f32 v3, v1;
	v13 =	vmul.f32 $5.000000000e-01, v58  }
0x85: {  	v2 =	vshra.s32 v58, $0x1;
	v8 =	vmul.f32 v8, v17;
	v4 =	vmul.f32 v4, v17  }
0x86: {  	v28 =	vld.idx.msk [tilespmem:v61+s2+$0x0], $0xffff;
	v16 =	vmul.f32 v16, v17;
	v7 =	vmul.f32 v7, v17;
	v62 =	vsub.s32 $0x5F3759DF, v2  }
0x87: {  	v61 =	vld [tilespmem:s25+$0xFFFFFF11];
	v2 =	vshra.s32 v10, $0x1;
	v10 =	vmul.f32 $5.000000000e-01, v10;
	v8 =	vadd.f32 v9, v8  }
0x88: {  	v13 =	vmul.f32 v62, v13;
	v9 =	vadd.f32 v34, v33;
	v4 =	vadd.f32 v14, v4  }
0x89: {  	v2 =	vsub.s32 $0x5F3759DF, v2;
	v14 =	vadd.f32 v45, v16;
	v7 =	vadd.f32 v11, v7  }
0x8a: {  	v51 =	vld.idx.msk [tilespmem:v42+s2+$0x0], $0xffff;
	v10 =	vmul.f32 v2, v10;
	v27 =	vmul.f32 v62, v13;
	v6 =	vadd.f32 v6, v8  }
0x8b: {  	v42 =	vld [tilespmem:s25+$0xFFFFFF31];
	v13 =	vsub.f32 v28, v49;
	v38 =	vshra.s32 v9, $0x1;
	v9 =	vmul.f32 $5.000000000e-01, v9  }
0x8c: {  	v4 =	vadd.f32 v40, v4;
	v49 =	vadd.f32 v48, v47;
	v28 =	vadd.s32 $0x4E28, v61  }
0x8d: {  	v58 =	vld.idx.msk [tilespmem:v44+s2+$0x0], $0xffff;
	v10 =	vmul.f32 v2, v10;
	v32 =	vsub.f32 $1.500000000e+00, v27;
	v6 =	vmax.f32 v6, $0.0e+00  }
0x8e: {  	v39 =	vmul.f32 v13, v13;
	v13 =	vmul.f32 v13, v5;
	v4 =	vmax.f32 v4, $0.0e+00  }
0x8f: {  	v55 =	vadd.f32 v50, v49;
	v5 =	vmul.f32 v12, v5;
	v11 =	vbroadcast v51, $0x0  }
0x90: {  	v27 =	vadd.s32 $0x2714, v61;
	v47 =	vadd.s32 $0x2714, v42;
	v10 =	vsub.f32 $1.500000000e+00, v10  }
0x91: {  	v8 =	vmul.f32 v62, v32;
	v20 =	vadd.f32 v39, v20;
	v13 =	vadd.f32 v13, v14  }
0x92: {  	v16 =	vshra.s32 v55, $0x1;
	v14 =	vmul.f32 $5.000000000e-01, v55;
	v19 =	vsub.f32 v58, v11  }
0x93: {  	v60 =	vsub.s32 $0x5F3759DF, v16;
	v2 =	vmul.f32 v2, v10;
	v6 =	vmul.f32 v8, v6  }
0x94: {  	v62 =	vld.idx.msk [tilespmem:v54+s2+$0x0], $0xffff;
	v8 =	vsub.s32 $0x5F3759DF, v38;
	v21 =	vshra.s32 v20, $0x1;
	v20 =	vmul.f32 $5.000000000e-01, v20  }
0x95: {  	v40 =	vld [tilespmem:s25+$0xFFFFFF21];
	v14 =	vmul.f32 v60, v14;
	v29 =	vmul.f32 v19, v19;
	v21 =	vsub.s32 $0x5F3759DF, v21  }
0x96: {  	v53 =	vld.idx.msk [tilespmem:v43+s2+$0x0], $0xffff;
	v50 =	vadd.s32 $0x4E28, v42;
	v9 =	vmul.f32 v8, v9;
	v46 =	vmul.f32 v21, v20  }
0x97: {  	v3 =	vadd.f32 v5, v7;
	v63 =	vmul.f32 v60, v14;
	v14 =	vbroadcast v51, $0x1  }
0x98: {  	v13 =	vmax.f32 v13, $0.0e+00;
	v9 =	vmul.f32 v8, v9;
	v15 =	vmul.f32 v21, v46  }
0x99: {  	v55 =	vld.msk [tilespmem:s25+$0xFFFFFF80 ss:$0x0], $0xffff;
	v3 =	vmax.f32 v3, $0.0e+00;
	v16 =	vsub.f32 v62, v14;
	v31 =	vsub.f32 $1.500000000e+00, v63  }
0x9a: {  	v38 =	vld.idx.msk [tilespmem:v28+s2+$0x0], $0xffff;
	v20 =	vbroadcast v51, $0x2;
	v9 =	vsub.f32 $1.500000000e+00, v9;
	v52 =	vsub.f32 $1.500000000e+00, v15  }
0x9b: {  	v36 =	vld.idx.msk [tilespmem:v27+s2+$0x0], $0xffff;
	v15 =	vsub.f32 v53, v51;
	v30 =	vmul.f32 v16, v16;
	v5 =	vmul.f32 v60, v31  }
0x9c: {  	v27 =	vadd.s32 $0x4E28, v40;
	v58 =	vld.idx.msk [tilespmem:v50+s2+$0x0], $0xffff;
	v8 =	vmul.f32 v8, v9;
	v56 =	vmul.f32 v21, v52  }
0x9d: {  	v6 =	vadd.f32 $0.0e+00, v6;
	v22 =	vld.idx.msk [tilespmem:v40+s2+$0x0], $0xffff;
	v24 =	vmul.f32 v15, v15;
	v21 =	vbroadcast v15, $0x1  }
0x9e: {  	s31 =	sadd.s32 $0xB, s26;
	v32 =	vld.idx.msk [tilespmem:v61+s2+$0x0], $0xffff;
	v10 =	vadd.s32 v0, v55;
	v3 =	vmul.f32 v5, v3;
	v4 =	vmul.f32 v8, v4  }
0x9f: {  	v63 =	vadd.s32 s31, v0;
	v9 =	vld.idx.msk [tilespmem:v57+s2+$0x0], $0xffff;
	v8 =	vbroadcast v15, $0x0;
	v15 =	vbroadcast v15, $0x2  }
0xa0: {  	v34 =	vadd.f32 v30, v29;
	v59 =	vmul.f32 v56, v13;
	v25 =	vbroadcast v24, $0x0  }
0xa1: {  	v30 =	vsub.f32 v58, v20;
	v26 =	vbroadcast v24, $0x1;
	v12 =	vbroadcast v24, $0x2  }
0xa2: {  	v52 =	vld.idx.msk [tilespmem:v27+s2+$0x0], $0xffff;
	v16 =	vmul.f32 v16, v21;
	v13 =	vsub.f32 v38, v20;
	v56 =	vsub.f32 v22, v11  }
0xa3: {  	v4 =	vadd.f32 v4, v6;
	v19 =	vmul.f32 v19, v8;
	v6 =	vsub.f32 v32, v11  }
0xa4: {  	v17 =	vadd.f32 v26, v25;
	v9 =	vsub.f32 v9, v20;
	v45 =	vmul.f32 v13, v13  }
0xa5: {  	v26 =	vadd.s32 $0x2714, v40;
	v61 =	vmul.f32 v56, v56;
	v13 =	vmul.f32 v13, v15  }
0xa6: {  	v4 =	vadd.f32 v59, v4;
	v16 =	vadd.f32 v16, v19;
	v43 =	vmul.f32 v6, v6  }
0xa7: {  	v6 =	vmul.f32 v6, v8;
	v60 =	vsub.f32 v52, v20;
	v33 =	vadd.f32 v17, v12  }
0xa8: {  	v35 =	vmul.f32 v9, v9;
	v17 =	vsub.f32 v36, v14;
	v9 =	vmul.f32 v9, v15  }
0xa9: {  	v19 =	vld.idx.msk [tilespmem:v42+s2+$0x0], $0xffff;
	v36 =	vmul.f32 v30, v30;
	v3 =	vadd.f32 v3, v4;
	v29 =	vmul.f32 v60, v60  }
0xaa: {  	v37 =	vshra.s32 v33, $0x1;
	v12 =	vadd.f32 v35, v34;
	v7 =	vmul.f32 $5.000000000e-01, v33  }
0xab: {  	v44 =	vmul.f32 v17, v17;
	v9 =	vadd.f32 v9, v16;
	v17 =	vmul.f32 v17, v21  }
0xac: {  	v34 =	vmul.f32 v56, v8;
	v39 =	vsub.s32 $0x5F3759DF, v37;
	v2 =	vmul.f32 v3, v2  }
0xad: {  	v54 =	vld.idx.msk [tilespmem:v47+s2+$0x0], $0xffff;
	v41 =	vshra.s32 v12, $0x1;
	v12 =	vmul.f32 $5.000000000e-01, v12;
	v24 =	vadd.f32 v44, v43  }
0xae: {  	v49 =	vld.idx.msk [tilespmem:v26+s2+$0x0], $0xffff;
	v7 =	vmul.f32 v39, v7;
	v11 =	vsub.f32 v19, v11;
	v23 =	vsub.s32 $0x5F3759DF, v41  }
0xaf: {  	v37 =	vld.idx.msk [tilespmem:v63+s2+$0x0], $0xffff;
	v9 =	vmax.f32 v9, $0.0e+00;
	v6 =	vadd.f32 v17, v6;
	v12 =	vmul.f32 v23, v12  }
0xb0: {  	v10 =	vld.idx.msk [tilespmem:v10+s2+$0x0], $0xffff;
	v46 =	vadd.f32 v45, v24;
	v7 =	vmul.f32 v39, v7;
	v31 =	vmul.f32 v11, v11  }
0xb1: {  	v6 =	vadd.f32 v13, v6;
	v8 =	vmul.f32 v11, v8;
	v12 =	vmul.f32 v23, v12  }
0xb2: {  	v48 =	vshra.s32 v46, $0x1;
	v5 =	vmul.f32 $5.000000000e-01, v46;
	v53 =	vsub.f32 $1.500000000e+00, v7  }
0xb3: {  	v57 =	vsub.f32 v49, v14;
	v49 =	vmul.f32 v30, v15;
	v51 =	vsub.s32 $0x5F3759DF, v48  }
0xb4: {  	v7 =	vsub.f32 v54, v14;
	v16 =	vbroadcast v37, $0x0;
	v5 =	vmul.f32 v51, v5  }
0xb5: {  	v10 =	vsub.f32 v10, v37;
	v3 =	vmul.f32 v39, v53;
	v62 =	vmul.f32 v57, v57  }
0xb6: {  	v46 =	vld [tilespmem:s25+$0xFFFFFF91];
	v12 =	vsub.f32 $1.500000000e+00, v12;
	v32 =	vmul.f32 v7, v7;
	v17 =	vmul.f32 v57, v21  }
0xb7: {  	v6 =	vmax.f32 v6, $0.0e+00;
	v7 =	vmul.f32 v7, v21;
	v48 =	vmul.f32 v10, v10  }
0xb8: {  	v12 =	vmul.f32 v23, v12;
	v5 =	vmul.f32 v51, v5;
	v28 =	vadd.f32 v62, v61  }
0xb9: {  	v35 =	vadd.f32 v32, v31;
	v40 =	vadd.f32 v17, v34;
	v52 =	vbroadcast v48, $0x1  }
0xba: {  	v39 =	vld [tilespmem:s25+$0xFFFFFF81];
	v7 =	vadd.f32 v7, v8;
	v55 =	vbroadcast v48, $0x2;
	v17 =	vbroadcast v37, $0x1  }
0xbb: {  	v34 =	vbroadcast v10, $0x0;
	v53 =	vadd.s32 $0x2714, v46;
	v56 =	vadd.s32 $0x4E28, v46  }
0xbc: {  	v9 =	vmul.f32 v12, v9;
	v59 =	vsub.f32 $1.500000000e+00, v5;
	v33 =	vadd.f32 v29, v28  }
0xbd: {  	v14 =	vadd.f32 v36, v35;
	v5 =	vmul.f32 v60, v15;
	v60 =	vbroadcast v37, $0x2  }
0xbe: {  	v7 =	vadd.f32 v49, v7;
	v35 =	vbroadcast v10, $0x1;
	v10 =	vbroadcast v10, $0x2  }
0xbf: {  	v45 =	vadd.s32 $0x2714, v39;
	v47 =	vadd.s32 $0x4E28, v39;
	v4 =	vmul.f32 v51, v59  }
0xc0: {  	v31 =	vld [tilespmem:s25+$0xFFFFFFA1];
	v38 =	vshra.s32 v33, $0x1;
	v12 =	vmul.f32 $5.000000000e-01, v33;
	v41 =	vshra.s32 v14, $0x1  }
0xc1: {  	v14 =	vmul.f32 $5.000000000e-01, v14;
	v51 =	vbroadcast v48, $0x0;
	v20 =	vsub.s32 $0x5F3759DF, v38  }
0xc2: {  	v9 =	vadd.f32 $0.0e+00, v9;
	v43 =	vsub.s32 $0x5F3759DF, v41;
	v38 =	vld [tilespmem:s25+$0xFFFFFFB1];
	v12 =	vmul.f32 v20, v12  }
0xc3: {  	v5 =	vadd.f32 v5, v40;
	v44 =	vmul.f32 v43, v14;
	v50 =	vld.idx.msk [tilespmem:v39+s2+$0x0], $0xffff;
	v54 =	vadd.f32 v52, v51  }
0xc4: {  	v7 =	vmax.f32 v7, $0.0e+00;
	v4 =	vmul.f32 v4, v6;
	v62 =	vld.idx.msk [tilespmem:v53+s2+$0x0], $0xffff;
	v42 =	vmul.f32 v20, v12  }
0xc5: {  	v37 =	vadd.s32 $0x2714, v31;
	v6 =	vmul.f32 v43, v44;
	v13 =	vld.idx.msk [tilespmem:v45+s2+$0x0], $0xffff;
	v58 =	vadd.f32 v54, v55  }
0xc6: {  	v5 =	vmax.f32 v5, $0.0e+00;
	v4 =	vadd.f32 v4, v9;
	v11 =	vld.idx.msk [tilespmem:v47+s2+$0x0], $0xffff;
	v9 =	vsub.f32 $1.500000000e+00, v42  }
0xc7: {  	v12 =	vld.idx.msk [tilespmem:v56+s2+$0x0], $0xffff;
	v6 =	vsub.f32 $1.500000000e+00, v6;
	v29 =	vshra.s32 v58, $0x1;
	v30 =	vmul.f32 $5.000000000e-01, v58  }
0xc8: {  	v59 =	vld.idx.msk [tilespmem:v46+s2+$0x0], $0xffff;
	v42 =	vadd.s32 $0x4E28, v31;
	v44 =	vadd.s32 $0x2714, v38;
	v61 =	vsub.f32 v50, v16  }
0xc9: {  	v45 =	vadd.s32 $0x4E28, v38;
	v14 =	vsub.f32 v62, v17;
	v9 =	vmul.f32 v20, v9  }
0xca: {  	v19 =	vld.idx.msk [tilespmem:v37+s2+$0x0], $0xffff;
	v6 =	vmul.f32 v43, v6;
	v13 =	vsub.f32 v13, v17;
	v32 =	vmul.f32 v61, v61  }
0xcb: {  	v11 =	vsub.f32 v11, v60;
	v40 =	vmul.f32 v14, v14;
	v14 =	vmul.f32 v14, v35  }
0xcc: {  	v12 =	vsub.f32 v12, v60;
	v5 =	vmul.f32 v9, v5;
	v57 =	vmul.f32 v6, v7  }
0xcd: {  	s29 =	sadd.s32 $0xC, s26;
	v7 =	vsub.f32 v59, v16;
	v9 =	vmul.f32 v61, v34;
	v33 =	vmul.f32 v13, v13  }
0xce: {  	v59 =	vadd.s32 s29, v0;
	v36 =	vmul.f32 v11, v11;
	v43 =	vmul.f32 v12, v12  }
0xcf: {  	v6 =	vld.idx.msk [tilespmem:v31+s2+$0x0], $0xffff;
	v13 =	vmul.f32 v13, v35;
	v11 =	vmul.f32 v11, v10;
	v48 =	vsub.f32 v19, v17  }
0xd0: {  	v22 =	vld.idx.msk [tilespmem:v38+s2+$0x0], $0xffff;
	v12 =	vmul.f32 v12, v10;
	v4 =	vadd.f32 v5, v4;
	v39 =	vmul.f32 v7, v7  }
0xd1: {  	v26 =	vld.idx.msk [tilespmem:v42+s2+$0x0], $0xffff;
	v7 =	vmul.f32 v7, v34;
	v18 =	vadd.f32 v33, v32;
	v9 =	vadd.f32 v13, v9  }
0xd2: {  	v53 =	vmul.f32 v48, v48;
	v63 =	vadd.f32 v57, v4;
	v23 =	vadd.f32 v40, v39  }
0xd3: {  	v49 =	vld.idx.msk [tilespmem:v44+s2+$0x0], $0xffff;
	v15 =	vmul.f32 v48, v35;
	v7 =	vadd.f32 v14, v7;
	v18 =	vadd.f32 v36, v18  }
0xd4: {  	v4 =	vsub.s32 $0x5F3759DF, v29;
	v9 =	vadd.f32 v11, v9;
	v6 =	vsub.f32 v6, v16  }
0xd5: {  	v5 =	vmul.f32 v4, v30;
	v16 =	vsub.f32 v22, v16;
	v23 =	vadd.f32 v43, v23  }
0xd6: {  	v13 =	vld.idx.msk [tilespmem:v45+s2+$0x0], $0xffff;
	v3 =	vmul.f32 v63, v3;
	v51 =	vsub.f32 v26, v60;
	v7 =	vadd.f32 v12, v7  }
0xd7: {  	v5 =	vmul.f32 v4, v5;
	v41 =	vshra.s32 v18, $0x1;
	v18 =	vmul.f32 $5.000000000e-01, v18  }
0xd8: {  	v33 =	vld [tilespmem:s25+$0x11];
	v17 =	vsub.f32 v49, v17;
	v52 =	vmul.f32 v6, v6;
	v6 =	vmul.f32 v6, v34  }
0xd9: {  	v9 =	vmax.f32 v9, $0.0e+00;
	v58 =	vmul.f32 v16, v16;
	v34 =	vmul.f32 v16, v34  }
0xda: {  	v57 =	vld [tilespmem:s25+$0x1];
	v25 =	vsub.s32 $0x5F3759DF, v41;
	v46 =	vshra.s32 v23, $0x1;
	v23 =	vmul.f32 $5.000000000e-01, v23  }
0xdb: {  	v29 =	vld.idx.msk [tilespmem:v59+s2+$0x0], $0xffff;
	v56 =	vmul.f32 v51, v51;
	v8 =	vsub.f32 v13, v60;
	v19 =	vmul.f32 v17, v17  }
0xdc: {  	v7 =	vmax.f32 v7, $0.0e+00;
	v28 =	vmul.f32 v51, v10;
	v35 =	vmul.f32 v17, v35  }
0xdd: {  	v39 =	vadd.s32 $0x2714, v33;
	v41 =	vadd.s32 $0x4E28, v33;
	v5 =	vsub.f32 $1.500000000e+00, v5  }
0xde: {  	v18 =	vmul.f32 v25, v18;
	v47 =	vsub.s32 $0x5F3759DF, v46;
	v55 =	vadd.f32 v53, v52  }
0xdf: {  	v63 =	vadd.s32 $0x2714, v57;
	v6 =	vadd.f32 v15, v6;
	v23 =	vmul.f32 v47, v23  }
0xe0: {  	v30 =	vadd.s32 $0x4E28, v57;
	v61 =	vmul.f32 v8, v8;
	v15 =	vbroadcast v29, $0x0  }
0xe1: {  	v46 =	vld [tilespmem:s25+$0x21];
	v13 =	vadd.f32 v19, v58;
	v17 =	vbroadcast v29, $0x1;
	v8 =	vmul.f32 v8, v10  }
0xe2: {  	v60 =	vld.msk [tilespmem:s25+$0x0 ss:$0x0], $0xffff;
	v21 =	vbroadcast v29, $0x2;
	v18 =	vmul.f32 v25, v18;
	v14 =	vadd.f32 v56, v55  }
0xe3: {  	v6 =	vadd.f32 v28, v6;
	v4 =	vmul.f32 v4, v5;
	v50 =	vmul.f32 v47, v23  }
0xe4: {  	v13 =	vadd.f32 v61, v13;
	v18 =	vsub.f32 $1.500000000e+00, v18;
	v24 =	vshra.s32 v14, $0x1  }
0xe5: {  	v23 =	vld.idx.msk [tilespmem:v33+s2+$0x0], $0xffff;
	v14 =	vmul.f32 $5.000000000e-01, v14;
	v6 =	vmax.f32 v6, $0.0e+00;
	v54 =	vsub.f32 $1.500000000e+00, v50  }
0xe6: {  	v10 =	vld.idx.msk [tilespmem:v41+s2+$0x0], $0xffff;
	v24 =	vsub.s32 $0x5F3759DF, v24;
	v31 =	vshra.s32 v13, $0x1;
	v53 =	vadd.s32 $0x4E28, v46  }
0xe7: {  	v13 =	vmul.f32 $5.000000000e-01, v13;
	v36 =	vld.idx.msk [tilespmem:v30+s2+$0x0], $0xffff;
	v18 =	vmul.f32 v25, v18;
	v25 =	vadd.s32 v0, v60  }
0xe8: {  	v62 =	vmul.f32 v24, v14;
	v32 =	vsub.s32 $0x5F3759DF, v31;
	v14 =	vld.idx.msk [tilespmem:v63+s2+$0x0], $0xffff;
	v11 =	vmul.f32 v47, v54  }
0xe9: {  	v52 =	vadd.s32 $0x2714, v46;
	v13 =	vmul.f32 v32, v13;
	v9 =	vmul.f32 v18, v9  }
0xea: {  	v12 =	vmul.f32 v24, v62;
	v18 =	vld.idx.msk [tilespmem:v57+s2+$0x0], $0xffff;
	v23 =	vsub.f32 v23, v15;
	v7 =	vmul.f32 v11, v7  }
0xeb: {  	v13 =	vmul.f32 v32, v13;
	v10 =	vsub.f32 v10, v21;
	v9 =	vadd.f32 $0.0e+00, v9;
	v62 =	vld.idx.msk [tilespmem:v53+s2+$0x0], $0xffff  }
0xec: {  	v12 =	vsub.f32 $1.500000000e+00, v12;
	v42 =	vsub.f32 v36, v21;
	v54 =	vmul.f32 v23, v23;
	v37 =	vld.idx.msk [tilespmem:v25+s2+$0x0], $0xffff  }
0xed: {  	v38 =	vsub.f32 $1.500000000e+00, v13;
	v14 =	vsub.f32 v14, v17;
	v13 =	vld.idx.msk [tilespmem:v39+s2+$0x0], $0xffff;
	v58 =	vmul.f32 v10, v10  }
0xee: {  	v25 =	vld.idx.msk [tilespmem:v52+s2+$0x0], $0xffff;
	v7 =	vadd.f32 v7, v9;
	v12 =	vmul.f32 v24, v12;
	v9 =	vadd.f32 v35, v34  }
0xef: {  	v48 =	vmul.f32 v42, v42;
	v18 =	vsub.f32 v18, v15;
	v40 =	vmul.f32 v32, v38  }
0xf0: {  	v44 =	vmul.f32 v14, v14;
	v8 =	vadd.f32 v8, v9;
	v6 =	vmul.f32 v12, v6  }
0xf1: {  	v43 =	vmul.f32 v18, v18;
	v16 =	vsub.f32 v62, v21;
	v45 =	vsub.f32 v37, v29  }
0xf2: {  	v8 =	vmax.f32 v8, $0.0e+00;
	v6 =	vadd.f32 v6, v7;
	v13 =	vsub.f32 v13, v17  }
0xf3: {  	v34 =	vsub.f32 v25, v17;
	v8 =	vmul.f32 v40, v8;
	v40 =	vmul.f32 v16, v16  }
0xf4: {  	v47 =	vadd.f32 v44, v43;
	v7 =	vbroadcast v45, $0x0;
	v20 =	vmul.f32 v45, v45  }
0xf5: {  	v56 =	vld.idx.msk [tilespmem:v46+s2+$0x0], $0xffff;
	v22 =	vbroadcast v45, $0x1;
	v12 =	vbroadcast v45, $0x2  }
0xf6: {  	v62 =	vld [tilespmem:s25+$0x91];
	v28 =	vmul.f32 v13, v13;
	v37 =	vmul.f32 v34, v34;
	v9 =	vadd.f32 v48, v47  }
0xf7: {  	s30 =	sadd.s32 $0xD, s26;
	v29 =	vld [tilespmem:s25+$0x31];
	v6 =	vadd.f32 v8, v6;
	v49 =	vbroadcast v20, $0x0;
	v50 =	vbroadcast v20, $0x1  }
0xf8: {  	v48 =	vadd.s32 s30, v0;
	v20 =	vbroadcast v20, $0x2;
	v55 =	vmul.f32 v18, v7  }
0xf9: {  	v14 =	vmul.f32 v14, v22;
	v57 =	vadd.f32 v28, v54;
	v11 =	vmul.f32 v42, v12  }
0xfa: {  	v18 =	vsub.f32 v56, v15;
	v23 =	vmul.f32 v23, v7;
	v13 =	vmul.f32 v13, v22  }
0xfb: {  	v44 =	vld [tilespmem:s25+$0x81];
	v10 =	vmul.f32 v10, v12;
	v16 =	vmul.f32 v16, v12;
	v31 =	vadd.s32 $0x2714, v62  }
0xfc: {  	v45 =	vld.msk [tilespmem:s25+$0x80 ss:$0x0], $0xffff;
	v51 =	vshra.s32 v9, $0x1;
	v9 =	vmul.f32 $5.000000000e-01, v9;
	v32 =	vadd.s32 $0x2714, v29  }
0xfd: {  	v35 =	vadd.s32 $0x4E28, v29;
	v4 =	vmul.f32 v6, v4;
	v8 =	vadd.f32 v50, v49  }
0xfe: {  	v24 =	vsub.s32 $0x5F3759DF, v51;
	v60 =	vadd.f32 v14, v55;
	v61 =	vadd.f32 v58, v57  }
0xff: {  	v36 =	vmul.f32 v18, v18;
	v13 =	vadd.f32 v13, v23;
	v18 =	vmul.f32 v18, v7  }
0x100: {  	v51 =	vadd.s32 $0x2714, v44;
	v53 =	vadd.s32 $0x4E28, v44;
	v9 =	vmul.f32 v24, v9  }
0x101: {  	v52 =	vadd.s32 v0, v45;
	v59 =	vadd.f32 v8, v20;
	v8 =	vadd.f32 v11, v60  }
0x102: {  	v33 =	vshra.s32 v61, $0x1;
	v14 =	vmul.f32 $5.000000000e-01, v61;
	v38 =	vld.idx.msk [tilespmem:v29+s2+$0x0], $0xffff;
	v39 =	vadd.f32 v37, v36  }
0x103: {  	v10 =	vadd.f32 v10, v13;
	v55 =	vld.idx.msk [tilespmem:v48+s2+$0x0], $0xffff;
	v9 =	vmul.f32 v24, v9;
	v11 =	vsub.s32 $0x5F3759DF, v33  }
0x104: {  	v63 =	vshra.s32 v59, $0x1;
	v5 =	vmul.f32 $5.000000000e-01, v59;
	v14 =	vmul.f32 v11, v14;
	v20 =	vld.idx.msk [tilespmem:v32+s2+$0x0], $0xffff  }
0x105: {  	v37 =	vadd.s32 $0x4E28, v62;
	v41 =	vld.idx.msk [tilespmem:v35+s2+$0x0], $0xffff;
	v9 =	vsub.f32 $1.500000000e+00, v9;
	v19 =	vsub.s32 $0x5F3759DF, v63  }
0x106: {  	v8 =	vmax.f32 v8, $0.0e+00;
	v32 =	vld [tilespmem:s25+$0xA1];
	v14 =	vmul.f32 v11, v14;
	v5 =	vmul.f32 v19, v5  }
0x107: {  	v10 =	vmax.f32 v10, $0.0e+00;
	v9 =	vmul.f32 v24, v9;
	v15 =	vsub.f32 v38, v15  }
0x108: {  	v24 =	vmul.f32 v34, v22;
	v42 =	vsub.f32 $1.500000000e+00, v14;
	v5 =	vmul.f32 v19, v5  }
0x109: {  	v8 =	vmul.f32 v9, v8;
	v9 =	vadd.f32 v40, v39;
	v17 =	vsub.f32 v20, v17  }
0x10a: {  	v61 =	vld.idx.msk [tilespmem:v53+s2+$0x0], $0xffff;
	v21 =	vsub.f32 v41, v21;
	v46 =	vmul.f32 v15, v15;
	v18 =	vadd.f32 v24, v18  }
0x10b: {  	v57 =	vld.idx.msk [tilespmem:v44+s2+$0x0], $0xffff;
	v7 =	vmul.f32 v15, v7;
	v15 =	vbroadcast v55, $0x2;
	v45 =	vadd.s32 $0x4E28, v32  }
0x10c: {  	v58 =	vld.idx.msk [tilespmem:v51+s2+$0x0], $0xffff;
	v11 =	vmul.f32 v11, v42;
	v5 =	vsub.f32 $1.500000000e+00, v5;
	v8 =	vadd.f32 $0.0e+00, v8  }
0x10d: {  	v44 =	vld.idx.msk [tilespmem:v37+s2+$0x0], $0xffff;
	v43 =	vshra.s32 v9, $0x1;
	v9 =	vmul.f32 $5.000000000e-01, v9;
	v47 =	vmul.f32 v17, v17  }
0x10e: {  	v59 =	vld.idx.msk [tilespmem:v52+s2+$0x0], $0xffff;
	v50 =	vmul.f32 v21, v21;
	v16 =	vadd.f32 v16, v18;
	v60 =	vmul.f32 v17, v22  }
0x10f: {  	v17 =	vbroadcast v55, $0x1;
	v12 =	vmul.f32 v21, v12;
	v63 =	vsub.f32 v61, v15  }
0x110: {  	v14 =	vsub.s32 $0x5F3759DF, v43;
	v10 =	vmul.f32 v11, v10;
	v5 =	vmul.f32 v19, v5  }
0x111: {  	v42 =	vld.idx.msk [tilespmem:v31+s2+$0x0], $0xffff;
	v43 =	vadd.s32 $0x2714, v32;
	v49 =	vadd.f32 v47, v46;
	v7 =	vadd.f32 v60, v7  }
0x112: {  	v9 =	vmul.f32 v14, v9;
	v18 =	vsub.f32 v58, v17;
	v47 =	vsub.f32 v44, v15  }
0x113: {  	v34 =	vmul.f32 v63, v63;
	v8 =	vadd.f32 v10, v8;
	v10 =	vsub.f32 v59, v55  }
0x114: {  	v46 =	vld [tilespmem:s25+$0xB1];
	v9 =	vmul.f32 v14, v9;
	v13 =	vadd.f32 v50, v49;
	v29 =	vmul.f32 v18, v18  }
0x115: {  	v7 =	vadd.f32 v12, v7;
	v51 =	vmul.f32 v47, v47;
	v30 =	vmul.f32 v10, v10  }
0x116: {  	v19 =	vsub.f32 v42, v17;
	v21 =	vbroadcast v10, $0x0;
	v22 =	vbroadcast v10, $0x1  }
0x117: {  	v10 =	vbroadcast v10, $0x2;
	v9 =	vsub.f32 $1.500000000e+00, v9;
	v54 =	vshra.s32 v13, $0x1  }
0x118: {  	v25 =	vld.idx.msk [tilespmem:v45+s2+$0x0], $0xffff;
	v13 =	vmul.f32 $5.000000000e-01, v13;
	v49 =	vmul.f32 v19, v19;
	v56 =	vsub.s32 $0x5F3759DF, v54  }
0x119: {  	v61 =	vld [tilespmem:s25+$0x101];
	v35 =	vbroadcast v30, $0x0;
	v36 =	vbroadcast v30, $0x1;
	v52 =	vadd.s32 $0x2714, v46  }
0x11a: {  	v20 =	vld.idx.msk [tilespmem:v43+s2+$0x0], $0xffff;
	v53 =	vadd.s32 $0x4E28, v46;
	v9 =	vmul.f32 v14, v9;
	v13 =	vmul.f32 v56, v13  }
0x11b: {  	v40 =	vld.idx.msk [tilespmem:v62+s2+$0x0], $0xffff;
	v16 =	vmax.f32 v16, $0.0e+00;
	v39 =	vbroadcast v30, $0x2;
	v12 =	vmul.f32 v63, v10  }
0x11c: {  	v7 =	vmax.f32 v7, $0.0e+00;
	v63 =	vld.msk [tilespmem:s25+$0x100 ss:$0x0], $0xffff;
	v9 =	vmul.f32 v9, v16;
	v13 =	vmul.f32 v56, v13  }
0x11d: {  	v23 =	vld.idx.msk [tilespmem:v32+s2+$0x0], $0xffff;
	v18 =	vmul.f32 v18, v22;
	v19 =	vmul.f32 v19, v22;
	v54 =	vsub.f32 v25, v15  }
0x11e: {  	v8 =	vadd.f32 v9, v8;
	v9 =	vbroadcast v55, $0x0;
	v13 =	vsub.f32 $1.500000000e+00, v13;
	v24 =	vld.idx.msk [tilespmem:v52+s2+$0x0], $0xffff  }
0x11f: {  	v38 =	vadd.f32 v36, v35;
	v35 =	vadd.s32 $0x2714, v61;
	v20 =	vsub.f32 v20, v17;
	v59 =	vld.idx.msk [tilespmem:v53+s2+$0x0], $0xffff  }
0x120: {  	v58 =	vmul.f32 v54, v54;
	v14 =	vsub.f32 v57, v9;
	v11 =	vmul.f32 v56, v13  }
0x121: {  	v36 =	vadd.s32 v0, v63;
	v13 =	vsub.f32 v40, v9;
	v56 =	vmul.f32 v20, v20  }
0x122: {  	v23 =	vsub.f32 v23, v9;
	v28 =	vmul.f32 v14, v14;
	v7 =	vmul.f32 v11, v7  }
0x123: {  	v14 =	vmul.f32 v14, v21;
	v48 =	vmul.f32 v13, v13;
	v17 =	vsub.f32 v24, v17  }
0x124: {  	v13 =	vmul.f32 v13, v21;
	v15 =	vsub.f32 v59, v15;
	v33 =	vadd.f32 v29, v28  }
0x125: {  	v55 =	vmul.f32 v23, v23;
	v6 =	vadd.f32 v7, v8;
	v8 =	vadd.f32 v38, v39  }
0x126: {  	v20 =	vmul.f32 v20, v22;
	v14 =	vadd.f32 v18, v14;
	v50 =	vadd.f32 v49, v48  }
0x127: {  	v26 =	vld.idx.msk [tilespmem:v46+s2+$0x0], $0xffff;
	v62 =	vmul.f32 v23, v21;
	v25 =	vadd.f32 v56, v55;
	v13 =	vadd.f32 v19, v13  }
0x128: {  	v18 =	vmul.f32 v47, v10;
	v38 =	vadd.s32 $0x4E28, v61;
	v24 =	vmul.f32 v17, v17  }
0x129: {  	v40 =	vmul.f32 v15, v15;
	v17 =	vmul.f32 v17, v22;
	v11 =	vadd.f32 v34, v33  }
0x12a: {  	v7 =	vshra.s32 v8, $0x1;
	v12 =	vadd.f32 v12, v14;
	v14 =	vadd.f32 v51, v50  }
0x12b: {  	s31 =	sadd.s32 $0xE, s26;
	v8 =	vmul.f32 $5.000000000e-01, v8;
	v60 =	vadd.f32 v58, v25;
	v13 =	vadd.f32 v18, v13  }
0x12c: {  	v33 =	vadd.s32 s31, v0;
	v18 =	vadd.f32 v20, v62;
	v34 =	vsub.f32 v26, v9  }
0x12d: {  	v7 =	vsub.s32 $0x5F3759DF, v7;
	v41 =	vshra.s32 v11, $0x1;
	v11 =	vmul.f32 $5.000000000e-01, v11  }
0x12e: {  	v49 =	vld [tilespmem:s25+$0x111];
	v8 =	vmul.f32 v7, v8;
	v12 =	vmax.f32 v12, $0.0e+00;
	v57 =	vshra.s32 v14, $0x1  }
0x12f: {  	v51 =	vld [tilespmem:s25+$0x121];
	v14 =	vmul.f32 $5.000000000e-01, v14;
	v32 =	vshra.s32 v60, $0x1;
	v16 =	vsub.s32 $0x5F3759DF, v41  }
0x130: {  	v37 =	vmul.f32 v34, v34;
	v29 =	vsub.s32 $0x5F3759DF, v57;
	v11 =	vmul.f32 v16, v11  }
0x131: {  	v13 =	vmax.f32 v13, $0.0e+00;
	v14 =	vmul.f32 v29, v14;
	v8 =	vmul.f32 v7, v8  }
0x132: {  	v46 =	vmul.f32 v34, v21;
	v27 =	vsub.s32 $0x5F3759DF, v32;
	v28 =	vld.idx.msk [tilespmem:v33+s2+$0x0], $0xffff;
	v11 =	vmul.f32 v16, v11  }
0x133: {  	v39 =	vadd.f32 v24, v37;
	v14 =	vmul.f32 v29, v14;
	v9 =	vsub.f32 $1.500000000e+00, v8  }
0x134: {  	v42 =	vld.idx.msk [tilespmem:v35+s2+$0x0], $0xffff;
	v56 =	vadd.s32 $0x4E28, v49;
	v57 =	vadd.s32 $0x2714, v51;
	v11 =	vsub.f32 $1.500000000e+00, v11  }
0x135: {  	v41 =	vld.idx.msk [tilespmem:v61+s2+$0x0], $0xffff;
	v44 =	vadd.f32 v40, v39;
	v14 =	vsub.f32 $1.500000000e+00, v14;
	v7 =	vmul.f32 v7, v9  }
0x136: {  	v45 =	vld.idx.msk [tilespmem:v36+s2+$0x0], $0xffff;
	v32 =	vadd.s32 $0x4E28, v51;
	v11 =	vmul.f32 v16, v11;
	v16 =	vmul.f32 v54, v10  }
0x137: {  	v48 =	vshra.s32 v44, $0x1;
	v14 =	vmul.f32 v29, v14;
	v20 =	vbroadcast v28, $0x0  }
0x138: {  	v23 =	vld.idx.msk [tilespmem:v49+s2+$0x0], $0xffff;
	v19 =	vsub.s32 $0x5F3759DF, v48;
	v21 =	vbroadcast v28, $0x1;
	v22 =	vbroadcast v28, $0x2  }
0x139: {  	v10 =	vmul.f32 v15, v10;
	v54 =	vadd.s32 $0x2714, v49;
	v11 =	vmul.f32 v11, v12  }
0x13a: {  	v36 =	vld [tilespmem:s25+$0x131];
	v12 =	vmul.f32 $5.000000000e-01, v60;
	v16 =	vadd.f32 v16, v18;
	v24 =	vsub.f32 v41, v20  }
0x13b: {  	v49 =	vld [tilespmem:s25+$0x181];
	v13 =	vmul.f32 v14, v13;
	v14 =	vsub.f32 v42, v21;
	v18 =	vsub.f32 v45, v28  }
0x13c: {  	v12 =	vmul.f32 v27, v12;
	v43 =	vmax.f32 v16, $0.0e+00;
	v16 =	vmul.f32 $5.000000000e-01, v44  }
0x13d: {  	v47 =	vld.idx.msk [tilespmem:v38+s2+$0x0], $0xffff;
	v61 =	vsub.f32 v23, v20;
	v52 =	vmul.f32 v24, v24;
	v53 =	vmul.f32 v14, v14  }
0x13e: {  	v60 =	vld.idx.msk [tilespmem:v57+s2+$0x0], $0xffff;
	v11 =	vadd.f32 $0.0e+00, v11;
	v28 =	vmul.f32 v18, v18;
	v29 =	vbroadcast v18, $0x1  }
0x13f: {  	v45 =	vadd.s32 $0x2714, v36;
	v34 =	vmul.f32 v61, v61;
	v26 =	vld.idx.msk [tilespmem:v54+s2+$0x0], $0xffff;
	v12 =	vmul.f32 v27, v12  }
0x140: {  	v57 =	vadd.s32 $0x4E28, v49;
	v11 =	vadd.f32 v13, v11;
	v50 =	vmul.f32 v19, v16;
	v16 =	vld.idx.msk [tilespmem:v51+s2+$0x0], $0xffff  }
0x141: {  	v30 =	vbroadcast v28, $0x0;
	v33 =	vbroadcast v28, $0x1;
	v12 =	vsub.f32 $1.500000000e+00, v12  }
0x142: {  	v13 =	vsub.f32 v47, v22;
	v58 =	vmul.f32 v14, v29;
	v15 =	vmul.f32 v19, v50  }
0x143: {  	v25 =	vbroadcast v28, $0x2;
	v47 =	vadd.s32 $0x4E28, v36;
	v12 =	vmul.f32 v27, v12  }
0x144: {  	v55 =	vmul.f32 v13, v13;
	v15 =	vsub.f32 $1.500000000e+00, v15;
	v62 =	vsub.f32 v26, v21  }
0x145: {  	v16 =	vsub.f32 v16, v20;
	v8 =	vmul.f32 v12, v43;
	v12 =	vadd.f32 v17, v46  }
0x146: {  	v17 =	vadd.f32 v53, v52;
	v15 =	vmul.f32 v19, v15;
	v35 =	vmul.f32 v62, v62  }
0x147: {  	v19 =	vsub.f32 v60, v21;
	v23 =	vmul.f32 v62, v29;
	v38 =	vmul.f32 v16, v16  }
0x148: {  	v63 =	vld.idx.msk [tilespmem:v32+s2+$0x0], $0xffff;
	v10 =	vadd.f32 v10, v12;
	v12 =	vbroadcast v18, $0x0;
	v17 =	vadd.f32 v55, v17  }
0x149: {  	s26 =	sadd.s32 $0xF, s26;
	v46 =	vld.msk [tilespmem:s25+$0x180 ss:$0x0], $0xffff;
	v18 =	vbroadcast v18, $0x2;
	v8 =	vadd.f32 v8, v11;
	v26 =	vadd.f32 v35, v34  }
0x14a: {  	v27 =	vld.idx.msk [tilespmem:v56+s2+$0x0], $0xffff;
	v39 =	vmul.f32 v19, v19;
	v19 =	vmul.f32 v19, v29;
	v34 =	vadd.s32 s26, v0  }
0x14b: {  	v52 =	vld [tilespmem:s25+$0x191];
	v55 =	vadd.s32 $0x2714, v49;
	v31 =	vshra.s32 v17, $0x1;
	v17 =	vmul.f32 $5.000000000e-01, v17  }
0x14c: {  	v28 =	vld.idx.msk [tilespmem:v36+s2+$0x0], $0xffff;
	v24 =	vmul.f32 v24, v12;
	v10 =	vmax.f32 v10, $0.0e+00;
	v13 =	vmul.f32 v13, v18  }
0x14d: {  	v40 =	vmul.f32 v61, v12;
	v42 =	vadd.f32 v39, v38;
	v16 =	vmul.f32 v16, v12  }
0x14e: {  	v31 =	vsub.s32 $0x5F3759DF, v31;
	v10 =	vmul.f32 v15, v10;
	v51 =	vadd.s32 v0, v46  }
0x14f: {  	v59 =	vmul.f32 v31, v17;
	v17 =	vadd.f32 v33, v30;
	v11 =	vadd.f32 v58, v24  }
0x150: {  	v61 =	vadd.s32 $0x2714, v52;
	v33 =	vsub.f32 v27, v22;
	v24 =	vsub.f32 v63, v22  }
0x151: {  	v16 =	vadd.f32 v19, v16;
	v58 =	vsub.f32 v28, v20;
	v60 =	vld.idx.msk [tilespmem:v34+s2+$0x0], $0xffff;
	v34 =	vadd.s32 $0x4E28, v52  }
0x152: {  	v8 =	vadd.f32 v10, v8;
	v14 =	vmul.f32 v31, v59;
	v37 =	vmul.f32 v33, v33  }
0x153: {  	v11 =	vadd.f32 v13, v11;
	v43 =	vmul.f32 v24, v24;
	v53 =	vmul.f32 v24, v18  }
0x154: {  	v12 =	vmul.f32 v58, v12;
	v32 =	vsub.f32 $1.500000000e+00, v14;
	v41 =	vadd.f32 v37, v26  }
0x155: {  	v11 =	vmax.f32 v11, $0.0e+00;
	v26 =	vadd.f32 v43, v42;
	v14 =	vmul.f32 v33, v18;
	v42 =	vld [tilespmem:s25+$0x1A1]  }
0x156: {  	v16 =	vadd.f32 v53, v16;
	v13 =	vmul.f32 v31, v32;
	v44 =	vshra.s32 v41, $0x1  }
0x157: {  	v15 =	vmul.f32 $5.000000000e-01, v41;
	v48 =	vshra.s32 v26, $0x1;
	v26 =	vmul.f32 $5.000000000e-01, v26;
	v31 =	vld.idx.msk [tilespmem:v45+s2+$0x0], $0xffff  }
0x158: {  	v30 =	vsub.s32 $0x5F3759DF, v44;
	v32 =	vsub.s32 $0x5F3759DF, v48;
	v11 =	vmul.f32 v13, v11  }
0x159: {  	v13 =	vadd.f32 v23, v40;
	v15 =	vmul.f32 v30, v15;
	v26 =	vmul.f32 v32, v26;
	v23 =	vld.idx.msk [tilespmem:v47+s2+$0x0], $0xffff  }
0x15a: {  	v63 =	vld.idx.msk [tilespmem:v49+s2+$0x0], $0xffff;
	v17 =	vadd.f32 v17, v25;
	v16 =	vmax.f32 v16, $0.0e+00;
	v48 =	vadd.s32 $0x2714, v42  }
0x15b: {  	v38 =	vld.idx.msk [tilespmem:v52+s2+$0x0], $0xffff;
	v15 =	vmul.f32 v30, v15;
	v13 =	vadd.f32 v14, v13;
	v54 =	vmul.f32 v32, v26  }
0x15c: {  	v37 =	vld.idx.msk [tilespmem:v57+s2+$0x0], $0xffff;
	v11 =	vadd.f32 $0.0e+00, v11;
	v59 =	vsub.f32 v31, v21;
	v21 =	vbroadcast v60, $0x2  }
0x15d: {  	v52 =	vld [tilespmem:s25+$0x1B1];
	v50 =	vsub.f32 $1.500000000e+00, v15;
	v13 =	vmax.f32 v13, $0.0e+00;
	v56 =	vsub.f32 $1.500000000e+00, v54  }
0x15e: {  	v15 =	vld.idx.msk [tilespmem:v51+s2+$0x0], $0xffff;
	v22 =	vsub.f32 v23, v22;
	v62 =	vmul.f32 v59, v29;
	v20 =	vmul.f32 v59, v59  }
0x15f: {  	v51 =	vadd.s32 $0x4E28, v42;
	v25 =	vld.idx.msk [tilespmem:v42+s2+$0x0], $0xffff;
	v14 =	vmul.f32 v30, v50;
	v19 =	vmul.f32 v32, v56  }
0x160: {  	v35 =	vadd.f32 v62, v12;
	v36 =	vmul.f32 v22, v18;
	v12 =	vbroadcast v60, $0x0  }
0x161: {  	v41 =	vmul.f32 v22, v22;
	v18 =	vsub.f32 v37, v21;
	v13 =	vmul.f32 v14, v13  }
0x162: {  	v32 =	vmul.f32 v19, v16;
	v14 =	vmul.f32 v58, v58;
	v10 =	vadd.f32 v36, v35  }
0x163: {  	v33 =	vld.idx.msk [tilespmem:v55+s2+$0x0], $0xffff;
	v15 =	vsub.f32 v15, v60;
	v40 =	vsub.f32 v63, v12;
	v45 =	vmul.f32 v18, v18  }
0x164: {  	v39 =	vld.idx.msk [tilespmem:v61+s2+$0x0], $0xffff;
	v62 =	vsub.f32 v25, v12;
	v36 =	vadd.s32 $0x4E28, v52;
	v11 =	vadd.f32 v13, v11  }
0x165: {  	v27 =	vld.idx.msk [tilespmem:v48+s2+$0x0], $0xffff;
	v13 =	vbroadcast v60, $0x1;
	v14 =	vadd.f32 v20, v14;
	v60 =	vadd.s32 $0x2714, v52  }
0x166: {  	v31 =	vld.idx.msk [tilespmem:v52+s2+$0x0], $0xffff;
	v52 =	vshra.s32 v17, $0x1;
	v17 =	vmul.f32 $5.000000000e-01, v17;
	v22 =	vbroadcast v15, $0x0  }
0x167: {  	v43 =	vmul.f32 v40, v40;
	v28 =	vbroadcast v15, $0x1;
	v9 =	vadd.f32 v32, v11  }
0x168: {  	v19 =	vld.idx.msk [tilespmem:v34+s2+$0x0], $0xffff;
	v29 =	vmul.f32 v15, v15;
	v16 =	vsub.f32 v33, v13;
	v11 =	vsub.f32 v38, v12  }
0x169: {  	v15 =	vbroadcast v15, $0x2;
	v23 =	vsub.f32 v39, v13;
	v14 =	vadd.f32 v41, v14  }
0x16a: {  	v58 =	vld.idx.msk [tilespmem:v51+s2+$0x0], $0xffff;
	v63 =	vsub.f32 v27, v13;
	v39 =	vmul.f32 v62, v62;
	v44 =	vmul.f32 v16, v16  }
0x16b: {  	v12 =	vsub.f32 v31, v12;
	v24 =	vmul.f32 v40, v22;
	v53 =	vbroadcast v29, $0x0  }
0x16c: {  	v18 =	vmul.f32 v18, v15;
	v41 =	vbroadcast v29, $0x1;
	v26 =	vadd.f32 v44, v43  }
0x16d: {  	v19 =	vsub.f32 v19, v21;
	v29 =	vbroadcast v29, $0x2;
	v46 =	vmul.f32 v11, v11  }
0x16e: {  	v47 =	vmul.f32 v23, v23;
	v16 =	vmul.f32 v16, v28;
	v26 =	vadd.f32 v45, v26  }
0x16f: {  	v11 =	vmul.f32 v11, v22;
	v56 =	vmul.f32 v23, v28;
	v38 =	vsub.f32 v58, v21  }
0x170: {  	v40 =	vmul.f32 v63, v63;
	v50 =	vshra.s32 v26, $0x1;
	v26 =	vmul.f32 $5.000000000e-01, v26  }
0x171: {  	v23 =	vmul.f32 v62, v22;
	v25 =	vmul.f32 v63, v28;
	v32 =	vsub.s32 $0x5F3759DF, v50  }
0x172: {  	v49 =	vmul.f32 v19, v19;
	v30 =	vadd.f32 v47, v46;
	v54 =	vmul.f32 v32, v26  }
0x173: {  	v19 =	vmul.f32 v19, v15;
	v16 =	vadd.f32 v16, v24;
	v11 =	vadd.f32 v56, v11  }
0x174: {  	v42 =	vmul.f32 v38, v38;
	v30 =	vadd.f32 v49, v30;
	v24 =	vmul.f32 v32, v54  }
0x175: {  	v23 =	vadd.f32 v25, v23;
	v47 =	vmul.f32 v12, v12;
	v20 =	vmul.f32 v38, v15  }
0x176: {  	v55 =	vshra.s32 v30, $0x1;
	v30 =	vmul.f32 $5.000000000e-01, v30;
	v59 =	vsub.f32 $1.500000000e+00, v24;
	v24 =	vld.idx.msk [tilespmem:v60+s2+$0x0], $0xffff  }
0x177: {  	v12 =	vmul.f32 v12, v22;
	v22 =	vsub.s32 $0x5F3759DF, v52;
	v26 =	vsub.s32 $0x5F3759DF, v55  }
0x178: {  	v43 =	vld.idx.msk [tilespmem:v36+s2+$0x0], $0xffff;
	v17 =	vmul.f32 v22, v17;
	v16 =	vadd.f32 v18, v16;
	v57 =	vmul.f32 v26, v30  }
0x179: {  	v11 =	vadd.f32 v19, v11;
	v45 =	vshra.s32 v14, $0x1;
	v14 =	vmul.f32 $5.000000000e-01, v14  }
0x17a: {  	v27 =	vsub.s32 $0x5F3759DF, v45;
	v56 =	vmul.f32 v22, v17;
	v61 =	vmul.f32 v26, v57  }
0x17b: {  	v16 =	vmax.f32 v16, $0.0e+00;
	v18 =	vmul.f32 v32, v59;
	v13 =	vsub.f32 v24, v13  }
0x17c: {  	v14 =	vmul.f32 v27, v14;
	v30 =	vadd.f32 v40, v39;
	v37 =	vsub.f32 $1.500000000e+00, v61  }
0x17d: {  	v16 =	vmul.f32 v18, v16;
	v18 =	vsub.f32 v43, v21;
	v48 =	vmul.f32 v13, v13  }
0x17e: {  	v11 =	vmax.f32 v11, $0.0e+00;
	v14 =	vmul.f32 v27, v14;
	v44 =	vadd.f32 v42, v30  }
0x17f: {  	v19 =	vmul.f32 v26, v37;
	v49 =	vmul.f32 v18, v18;
	v21 =	vadd.f32 v48, v47  }
0x180: {  	v50 =	vadd.f32 v20, v23;
	v14 =	vsub.f32 $1.500000000e+00, v14;
	v46 =	vshra.s32 v44, $0x1  }
0x181: {  	v11 =	vmul.f32 v19, v11;
	v19 =	vmul.f32 $5.000000000e-01, v44;
	v21 =	vadd.f32 v49, v21  }
0x182: {  	v14 =	vmul.f32 v27, v14;
	v26 =	vadd.f32 v41, v53;
	v24 =	vsub.s32 $0x5F3759DF, v46  }
0x183: {  	v19 =	vmul.f32 v24, v19;
	v51 =	vshra.s32 v21, $0x1;
	v21 =	vmul.f32 $5.000000000e-01, v21  }
0x184: {  	v26 =	vadd.f32 v26, v29;
	v13 =	vmul.f32 v13, v28;
	v20 =	vsub.s32 $0x5F3759DF, v51  }
0x185: {  	v16 =	vadd.f32 $0.0e+00, v16;
	v19 =	vmul.f32 v24, v19;
	v21 =	vmul.f32 v20, v21  }
0x186: {  	v53 =	vshra.s32 v26, $0x1;
	v54 =	vmul.f32 $5.000000000e-01, v26;
	v12 =	vadd.f32 v13, v12  }
0x187: {  	v13 =	vsub.s32 $0x5F3759DF, v53;
	v19 =	vsub.f32 $1.500000000e+00, v19;
	v21 =	vmul.f32 v20, v21  }
0x188: {  	v15 =	vmul.f32 v18, v15;
	v55 =	vmul.f32 v13, v54  }
0x189: {  	v11 =	vadd.f32 v11, v16;
	v19 =	vmul.f32 v24, v19;
	v21 =	vsub.f32 $1.500000000e+00, v21  }
0x18a: {  	v16 =	vmax.f32 v50, $0.0e+00;
	v12 =	vadd.f32 v15, v12;
	v18 =	vmul.f32 v13, v55  }
0x18b: {  	v10 =	vmax.f32 v10, $0.0e+00;
	v16 =	vmul.f32 v19, v16;
	v57 =	vmul.f32 v20, v21  }
0x18c: {  	[tilespmem:s24+$0xFFFFFE00] =	vst v1;
	v58 =	vsub.f32 $1.500000000e+00, v56;
	v1 =	vmul.f32 v14, v10;
	v12 =	vmax.f32 v12, $0.0e+00  }
0x18d: {  	s23 =	sadd.s32 $0x8, s23;
	[tilespmem:s24+$0xFFFFFE80] =	vst v2;
	v60 =	vsub.f32 $1.500000000e+00, v18;
	v2 =	vadd.f32 v16, v11;
	v59 =	vmul.f32 v57, v12  }
0x18e: {  	p0 =	slt.u32 s23, $0xC0;
	[tilespmem:s24+$0xFFFFFF00] =	vst v3;
	v3 =	vmul.f32 v6, v5;
	v61 =	vmul.f32 v22, v58;
	v1 =	vadd.f32 v1, v9  }
.Ltmp5:
0x18f: {  	[tilespmem:s24+$0xFFFFFF80] =	vst v4;
	v62 =	vmul.f32 v8, v7;
	v63 =	vmul.f32 v13, v60;
	v2 =	vadd.f32 v59, v2;
	(pc) =	sbr.rel @p0 .LBB2_4-.Ltmp5, $4  }
0x190: {  	[tilespmem:s24+$0x0] =	vst v3;
	v1 =	vmul.f32 v1, v61  }
0x191: {  	[tilespmem:s24+$0x80] =	vst v62;
	v2 =	vmul.f32 v2, v63  }
0x192: {  	[tilespmem:s24+$0x100] =	vst v1  }
0x193: {  	s25 =	sadd.s32 $0x400, s25;
	[tilespmem:s24+$0x180] =	vst v2;
	s24 =	sadd.s32 $0x400, s24  }
0x194: {  	p0 =	seq.s32 s22, $0x0  }
.Ltmp6:
0x195: {  	_ = 	snop;
	(pc) =	sbr.rel @p0 .LBB2_8-.Ltmp6, $1  }
0x196: {  	_ =	sdelay $0x3  }
.LBB2_6:
0x197: {  	_ =	swait.ge [sflag:s14], $0x6400  }
0x198: {  	s22 =	simm.s32 $0xFFFFFFF8;
	[sflag:s14] =	ssyncset.done $0x0  }
0x199: {  	s23 =	simm.s32 $0x13F80;
	s24 =	simm.s32 $0xDB80;
	[sflag:s14] =	ssyncadd.s32 $0xFFFF9C00  }
.LBB2_7:
0x19a: {  	v1 =	vld [tilespmem:s24+$0xFFFFFE01]  }
0x19b: {  	s25 =	sadd.s32 s22, s21;
	v2 =	vld.msk [tilespmem:s24+$0xFFFFFE00 ss:$0x0], $0xffff  }
0x19c: {  	v8 =	vld [tilespmem:s24+$0xFFFFFE11];
	s26 =	sadd.s32 $0x8, s25  }
0x19d: {  	v3 =	vadd.s32 s26, v0;
	_ =	sdelay $0x2  }
0x19e: {  	v13 =	vld [tilespmem:s24+$0xFFFFFE21];
	v4 =	vadd.s32 $0x2714, v1  }
0x19f: {  	v52 =	vld [tilespmem:s24+$0xFFFFFE31];
	v2 =	vadd.s32 v0, v2  }
0x1a0: {  	v5 =	vadd.s32 $0x4E28, v1;
	v3 =	vld.idx.msk [tilespmem:v3+s2+$0x0], $0xffff  }
0x1a1: {  	v12 =	vadd.s32 $0x2714, v8;
	v1 =	vld.idx.msk [tilespmem:v1+s2+$0x0], $0xffff  }
0x1a2: {  	v16 =	vadd.s32 $0x4E28, v8;
	v8 =	vld.idx.msk [tilespmem:v8+s2+$0x0], $0xffff  }
0x1a3: {  	v18 =	vadd.s32 $0x2714, v13;
	v4 =	vld.idx.msk [tilespmem:v4+s2+$0x0], $0xffff  }
0x1a4: {  	v19 =	vadd.s32 $0x4E28, v13;
	v2 =	vld.idx.msk [tilespmem:v2+s2+$0x0], $0xffff  }
0x1a5: {  	v21 =	vadd.s32 $0x4E28, v52;
	v5 =	vld.idx.msk [tilespmem:v5+s2+$0x0], $0xffff  }
0x1a6: {  	v12 =	vld.idx.msk [tilespmem:v12+s2+$0x0], $0xffff;
	v6 =	vbroadcast v3, $0x0  }
0x1a7: {  	v16 =	vld.idx.msk [tilespmem:v16+s2+$0x0], $0xffff;
	v7 =	vbroadcast v3, $0x1  }
0x1a8: {  	v18 =	vld.idx.msk [tilespmem:v18+s2+$0x0], $0xffff;
	v9 =	vbroadcast v3, $0x2;
	v1 =	vsub.f32 v1, v6  }
0x1a9: {  	v19 =	vld.idx.msk [tilespmem:v19+s2+$0x0], $0xffff;
	v8 =	vsub.f32 v8, v6;
	v4 =	vsub.f32 v4, v7  }
0x1aa: {  	v58 =	vadd.s32 $0x2714, v52;
	v21 =	vld.idx.msk [tilespmem:v21+s2+$0x0], $0xffff;
	v2 =	vsub.f32 v2, v3;
	v3 =	vsub.f32 v5, v9  }
0x1ab: {  	v28 =	vld [tilespmem:s24+$0xFFFFFE81];
	v12 =	vsub.f32 v12, v7;
	v48 =	vmul.f32 v1, v1;
	v57 =	vmul.f32 v8, v8  }
0x1ac: {  	v56 =	vsub.f32 v16, v9;
	v10 =	vmul.f32 v4, v4;
	v11 =	vmul.f32 v2, v2  }
0x1ad: {  	v18 =	vsub.f32 v18, v7;
	v49 =	vmul.f32 v3, v3;
	v17 =	vbroadcast v2, $0x0  }
0x1ae: {  	v60 =	vsub.f32 v19, v9;
	v50 =	vbroadcast v2, $0x1;
	v2 =	vbroadcast v2, $0x2  }
0x1af: {  	v9 =	vsub.f32 v21, v9;
	v20 =	vmul.f32 v12, v12;
	v59 =	vmul.f32 v56, v56  }
0x1b0: {  	v32 =	vadd.s32 $0x2714, v28;
	v62 =	vmul.f32 v18, v18;
	v63 =	vmul.f32 v60, v60  }
0x1b1: {  	v36 =	vadd.s32 $0x4E28, v28;
	v29 =	vmul.f32 v9, v9;
	v14 =	vbroadcast v11, $0x0  }
0x1b2: {  	v5 =	vadd.f32 v10, v48;
	v15 =	vbroadcast v11, $0x1;
	v11 =	vbroadcast v11, $0x2  }
0x1b3: {  	v1 =	vmul.f32 v1, v17;
	v4 =	vmul.f32 v4, v50;
	v16 =	vadd.f32 v20, v57  }
0x1b4: {  	v8 =	vmul.f32 v8, v17;
	v12 =	vmul.f32 v12, v50;
	v5 =	vadd.f32 v49, v5  }
0x1b5: {  	v54 =	vld.idx.msk [tilespmem:v13+s2+$0x0], $0xffff;
	v3 =	vmul.f32 v3, v2;
	v14 =	vadd.f32 v15, v14;
	v1 =	vadd.f32 v4, v1  }
0x1b6: {  	v8 =	vadd.f32 v12, v8;
	v51 =	vshra.s32 v5, $0x1;
	v5 =	vmul.f32 $5.000000000e-01, v5  }
0x1b7: {  	v4 =	vmul.f32 v56, v2;
	v11 =	vadd.f32 v14, v11;
	v14 =	vld.idx.msk [tilespmem:v52+s2+$0x0], $0xffff;
	v15 =	vsub.s32 $0x5F3759DF, v51  }
0x1b8: {  	v43 =	vld [tilespmem:s24+$0xFFFFFE91];
	v18 =	vmul.f32 v18, v50;
	v1 =	vadd.f32 v3, v1;
	v5 =	vmul.f32 v15, v5  }
0x1b9: {  	v24 =	vld.msk [tilespmem:s24+$0xFFFFFE80 ss:$0x0], $0xffff;
	v4 =	vadd.f32 v4, v8;
	v55 =	vshra.s32 v11, $0x1;
	v11 =	vmul.f32 $5.000000000e-01, v11  }
0x1ba: {  	v13 =	vsub.s32 $0x5F3759DF, v55;
	v53 =	vmul.f32 v15, v5;
	v5 =	vsub.f32 v54, v6  }
0x1bb: {  	v1 =	vmax.f32 v1, $0.0e+00;
	v4 =	vmax.f32 v4, $0.0e+00;
	v11 =	vmul.f32 v13, v11  }
0x1bc: {  	v51 =	vld [tilespmem:s24+$0xFFFFFEA1];
	v6 =	vsub.f32 v14, v6;
	v3 =	vsub.f32 $1.500000000e+00, v53;
	v61 =	vmul.f32 v5, v5  }
0x1bd: {  	v55 =	vadd.s32 $0x4E28, v43;
	v11 =	vmul.f32 v13, v11;
	v5 =	vmul.f32 v5, v17  }
0x1be: {  	v14 =	vadd.s32 v0, v24;
	v26 =	vmul.f32 v6, v6;
	v3 =	vmul.f32 v15, v3;
	v15 =	vld.idx.msk [tilespmem:v58+s2+$0x0], $0xffff  }
0x1bf: {  	v6 =	vmul.f32 v6, v17;
	v19 =	vadd.f32 v62, v61;
	v5 =	vadd.f32 v18, v5  }
0x1c0: {  	v42 =	vsub.f32 $1.500000000e+00, v11;
	v1 =	vmul.f32 v3, v1;
	v3 =	vadd.f32 v59, v16  }
0x1c1: {  	v61 =	vadd.s32 $0x4E28, v51;
	v19 =	vadd.f32 v63, v19;
	v16 =	vmul.f32 v60, v2  }
0x1c2: {  	v2 =	vmul.f32 v9, v2;
	v22 =	vshra.s32 v3, $0x1;
	v3 =	vmul.f32 $5.000000000e-01, v3  }
0x1c3: {  	s30 =	sadd.s32 $0x9, s25;
	v23 =	vshra.s32 v19, $0x1;
	v25 =	vmul.f32 $5.000000000e-01, v19;
	v7 =	vsub.f32 v15, v7  }
0x1c4: {  	v22 =	vsub.s32 $0x5F3759DF, v22;
	v12 =	vsub.s32 $0x5F3759DF, v23;
	v23 =	vadd.s32 s30, v0  }
0x1c5: {  	v60 =	vadd.s32 $0x2714, v51;
	v63 =	vld [tilespmem:s24+$0xFFFFFEB1];
	v3 =	vmul.f32 v22, v3;
	v27 =	vmul.f32 v7, v7  }
0x1c6: {  	v41 =	vld.idx.msk [tilespmem:v32+s2+$0x0], $0xffff;
	v5 =	vadd.f32 v16, v5;
	v15 =	vmul.f32 v12, v25;
	v7 =	vmul.f32 v7, v50  }
0x1c7: {  	v14 =	vld.idx.msk [tilespmem:v14+s2+$0x0], $0xffff;
	v1 =	vadd.f32 $0.0e+00, v1;
	v3 =	vmul.f32 v22, v3;
	v19 =	vadd.f32 v27, v26  }
0x1c8: {  	v5 =	vmax.f32 v5, $0.0e+00;
	v25 =	vld.msk [tilespmem:s24+$0xFFFFFF00 ss:$0x0], $0xffff;
	v30 =	vmul.f32 v12, v15;
	v6 =	vadd.f32 v7, v6  }
0x1c9: {  	v50 =	vadd.s32 $0x2714, v43;
	v3 =	vsub.f32 $1.500000000e+00, v3;
	v35 =	vld.idx.msk [tilespmem:v23+s2+$0x0], $0xffff;
	v31 =	vadd.f32 v29, v19  }
0x1ca: {  	v45 =	vld.idx.msk [tilespmem:v36+s2+$0x0], $0xffff;
	v24 =	vadd.s32 $0x4E28, v63;
	v8 =	vsub.f32 $1.500000000e+00, v30;
	v2 =	vadd.f32 v2, v6  }
0x1cb: {  	v20 =	vld.idx.msk [tilespmem:v55+s2+$0x0], $0xffff;
	v3 =	vmul.f32 v22, v3;
	v33 =	vshra.s32 v31, $0x1;
	v15 =	vmul.f32 $5.000000000e-01, v31  }
0x1cc: {  	v16 =	vld.idx.msk [tilespmem:v51+s2+$0x0], $0xffff;
	v38 =	vmul.f32 v12, v8;
	v2 =	vmax.f32 v2, $0.0e+00;
	v34 =	vsub.s32 $0x5F3759DF, v33  }
0x1cd: {  	v3 =	vmul.f32 v3, v4;
	v4 =	vld.idx.msk [tilespmem:v43+s2+$0x0], $0xffff;
	v43 =	vadd.s32 v0, v25;
	v37 =	vmul.f32 v34, v15  }
0x1ce: {  	v46 =	vbroadcast v35, $0x0;
	v47 =	vbroadcast v35, $0x1;
	v48 =	vsub.f32 v14, v35  }
0x1cf: {  	v49 =	vbroadcast v35, $0x2;
	v35 =	vadd.s32 $0x2714, v63;
	v1 =	vadd.f32 v3, v1  }
0x1d0: {  	v3 =	vmul.f32 v38, v5;
	v40 =	vmul.f32 v34, v37;
	v9 =	vsub.f32 v41, v47  }
0x1d1: {  	v59 =	vld.idx.msk [tilespmem:v50+s2+$0x0], $0xffff;
	v14 =	vmul.f32 v48, v48;
	v6 =	vsub.f32 v45, v49;
	v18 =	vbroadcast v48, $0x1  }
0x1d2: {  	v15 =	vld.idx.msk [tilespmem:v60+s2+$0x0], $0xffff;
	v5 =	vbroadcast v48, $0x2;
	v29 =	vsub.f32 v20, v49;
	v16 =	vsub.f32 v16, v46  }
0x1d3: {  	v39 =	vld.idx.msk [tilespmem:v28+s2+$0x0], $0xffff;
	v3 =	vadd.f32 v3, v1;
	v52 =	vmul.f32 v9, v9;
	v53 =	vbroadcast v14, $0x0  }
0x1d4: {  	v22 =	vld.idx.msk [tilespmem:v63+s2+$0x0], $0xffff;
	v44 =	vsub.f32 $1.500000000e+00, v40;
	v54 =	vbroadcast v14, $0x1;
	v56 =	vmul.f32 v6, v6  }
0x1d5: {  	v41 =	vld.idx.msk [tilespmem:v24+s2+$0x0], $0xffff;
	v57 =	vbroadcast v14, $0x2;
	v9 =	vmul.f32 v9, v18;
	v4 =	vsub.f32 v4, v46  }
0x1d6: {  	v14 =	vsub.f32 v59, v47;
	v6 =	vmul.f32 v6, v5;
	v36 =	vmul.f32 v16, v16  }
0x1d7: {  	v40 =	vmul.f32 v29, v5;
	v15 =	vsub.f32 v15, v47;
	v1 =	vmul.f32 v34, v44  }
0x1d8: {  	v8 =	vsub.f32 v39, v46;
	v30 =	vmul.f32 v4, v4;
	v31 =	vmul.f32 v14, v14  }
0x1d9: {  	v7 =	vsub.f32 v22, v46;
	v23 =	vld.idx.msk [tilespmem:v35+s2+$0x0], $0xffff;
	v34 =	vmul.f32 v29, v29;
	v37 =	vmul.f32 v15, v15  }
0x1da: {  	v44 =	vld [tilespmem:s24+$0xFFFFFF01];
	v12 =	vsub.f32 v41, v49;
	v2 =	vmul.f32 v1, v2;
	v1 =	vmul.f32 v8, v8  }
0x1db: {  	v14 =	vmul.f32 v14, v18;
	v45 =	vmul.f32 v15, v18;
	v33 =	vadd.f32 v31, v30  }
0x1dc: {  	v20 =	vadd.f32 v37, v36;
	v50 =	vmul.f32 v12, v12;
	v17 =	vadd.f32 v52, v1  }
0x1dd: {  	s31 =	sadd.s32 $0xA, s25;
	v1 =	vmul.f32 v13, v42;
	v3 =	vadd.f32 v2, v3;
	v2 =	vadd.f32 v54, v53  }
0x1de: {  	v42 =	vadd.s32 s31, v0;
	v11 =	vsub.f32 v23, v47;
	v47 =	vmul.f32 v7, v7  }
0x1df: {  	v54 =	vadd.s32 $0x2714, v44;
	v58 =	vadd.f32 v56, v17;
	v17 =	vbroadcast v48, $0x0  }
0x1e0: {  	v10 =	vadd.f32 v2, v57;
	v48 =	vmul.f32 v11, v11;
	v11 =	vmul.f32 v11, v18  }
0x1e1: {  	v57 =	vadd.s32 $0x4E28, v44;
	v1 =	vmul.f32 v3, v1;
	v13 =	vmul.f32 $5.000000000e-01, v58  }
0x1e2: {  	v2 =	vshra.s32 v58, $0x1;
	v8 =	vmul.f32 v8, v17;
	v4 =	vmul.f32 v4, v17  }
0x1e3: {  	v28 =	vld.idx.msk [tilespmem:v61+s2+$0x0], $0xffff;
	v16 =	vmul.f32 v16, v17;
	v7 =	vmul.f32 v7, v17;
	v62 =	vsub.s32 $0x5F3759DF, v2  }
0x1e4: {  	v61 =	vld [tilespmem:s24+$0xFFFFFF11];
	v2 =	vshra.s32 v10, $0x1;
	v10 =	vmul.f32 $5.000000000e-01, v10;
	v8 =	vadd.f32 v9, v8  }
0x1e5: {  	v13 =	vmul.f32 v62, v13;
	v9 =	vadd.f32 v34, v33;
	v4 =	vadd.f32 v14, v4  }
0x1e6: {  	v2 =	vsub.s32 $0x5F3759DF, v2;
	v14 =	vadd.f32 v45, v16;
	v7 =	vadd.f32 v11, v7  }
0x1e7: {  	v51 =	vld.idx.msk [tilespmem:v42+s2+$0x0], $0xffff;
	v10 =	vmul.f32 v2, v10;
	v27 =	vmul.f32 v62, v13;
	v6 =	vadd.f32 v6, v8  }
0x1e8: {  	v42 =	vld [tilespmem:s24+$0xFFFFFF31];
	v13 =	vsub.f32 v28, v49;
	v38 =	vshra.s32 v9, $0x1;
	v9 =	vmul.f32 $5.000000000e-01, v9  }
0x1e9: {  	v4 =	vadd.f32 v40, v4;
	v49 =	vadd.f32 v48, v47;
	v28 =	vadd.s32 $0x4E28, v61  }
0x1ea: {  	v58 =	vld.idx.msk [tilespmem:v44+s2+$0x0], $0xffff;
	v10 =	vmul.f32 v2, v10;
	v32 =	vsub.f32 $1.500000000e+00, v27;
	v6 =	vmax.f32 v6, $0.0e+00  }
0x1eb: {  	v39 =	vmul.f32 v13, v13;
	v13 =	vmul.f32 v13, v5;
	v4 =	vmax.f32 v4, $0.0e+00  }
0x1ec: {  	v55 =	vadd.f32 v50, v49;
	v5 =	vmul.f32 v12, v5;
	v11 =	vbroadcast v51, $0x0  }
0x1ed: {  	v27 =	vadd.s32 $0x2714, v61;
	v47 =	vadd.s32 $0x2714, v42;
	v10 =	vsub.f32 $1.500000000e+00, v10  }
0x1ee: {  	v8 =	vmul.f32 v62, v32;
	v20 =	vadd.f32 v39, v20;
	v13 =	vadd.f32 v13, v14  }
0x1ef: {  	v16 =	vshra.s32 v55, $0x1;
	v14 =	vmul.f32 $5.000000000e-01, v55;
	v19 =	vsub.f32 v58, v11  }
0x1f0: {  	v60 =	vsub.s32 $0x5F3759DF, v16;
	v2 =	vmul.f32 v2, v10;
	v6 =	vmul.f32 v8, v6  }
0x1f1: {  	v62 =	vld.idx.msk [tilespmem:v54+s2+$0x0], $0xffff;
	v8 =	vsub.s32 $0x5F3759DF, v38;
	v21 =	vshra.s32 v20, $0x1;
	v20 =	vmul.f32 $5.000000000e-01, v20  }
0x1f2: {  	v40 =	vld [tilespmem:s24+$0xFFFFFF21];
	v14 =	vmul.f32 v60, v14;
	v29 =	vmul.f32 v19, v19;
	v21 =	vsub.s32 $0x5F3759DF, v21  }
0x1f3: {  	v53 =	vld.idx.msk [tilespmem:v43+s2+$0x0], $0xffff;
	v50 =	vadd.s32 $0x4E28, v42;
	v9 =	vmul.f32 v8, v9;
	v46 =	vmul.f32 v21, v20  }
0x1f4: {  	v3 =	vadd.f32 v5, v7;
	v63 =	vmul.f32 v60, v14;
	v14 =	vbroadcast v51, $0x1  }
0x1f5: {  	v13 =	vmax.f32 v13, $0.0e+00;
	v9 =	vmul.f32 v8, v9;
	v15 =	vmul.f32 v21, v46  }
0x1f6: {  	v55 =	vld.msk [tilespmem:s24+$0xFFFFFF80 ss:$0x0], $0xffff;
	v3 =	vmax.f32 v3, $0.0e+00;
	v16 =	vsub.f32 v62, v14;
	v31 =	vsub.f32 $1.500000000e+00, v63  }
0x1f7: {  	v38 =	vld.idx.msk [tilespmem:v28+s2+$0x0], $0xffff;
	v20 =	vbroadcast v51, $0x2;
	v9 =	vsub.f32 $1.500000000e+00, v9;
	v52 =	vsub.f32 $1.500000000e+00, v15  }
0x1f8: {  	v36 =	vld.idx.msk [tilespmem:v27+s2+$0x0], $0xffff;
	v15 =	vsub.f32 v53, v51;
	v30 =	vmul.f32 v16, v16;
	v5 =	vmul.f32 v60, v31  }
0x1f9: {  	v27 =	vadd.s32 $0x4E28, v40;
	v58 =	vld.idx.msk [tilespmem:v50+s2+$0x0], $0xffff;
	v8 =	vmul.f32 v8, v9;
	v56 =	vmul.f32 v21, v52  }
0x1fa: {  	v6 =	vadd.f32 $0.0e+00, v6;
	v22 =	vld.idx.msk [tilespmem:v40+s2+$0x0], $0xffff;
	v24 =	vmul.f32 v15, v15;
	v21 =	vbroadcast v15, $0x1  }
0x1fb: {  	s28 =	sadd.s32 $0xB, s25;
	v32 =	vld.idx.msk [tilespmem:v61+s2+$0x0], $0xffff;
	v10 =	vadd.s32 v0, v55;
	v3 =	vmul.f32 v5, v3;
	v4 =	vmul.f32 v8, v4  }
0x1fc: {  	v63 =	vadd.s32 s28, v0;
	v9 =	vld.idx.msk [tilespmem:v57+s2+$0x0], $0xffff;
	v8 =	vbroadcast v15, $0x0;
	v15 =	vbroadcast v15, $0x2  }
0x1fd: {  	v34 =	vadd.f32 v30, v29;
	v59 =	vmul.f32 v56, v13;
	v25 =	vbroadcast v24, $0x0  }
0x1fe: {  	v30 =	vsub.f32 v58, v20;
	v26 =	vbroadcast v24, $0x1;
	v12 =	vbroadcast v24, $0x2  }
0x1ff: {  	v52 =	vld.idx.msk [tilespmem:v27+s2+$0x0], $0xffff;
	v16 =	vmul.f32 v16, v21;
	v13 =	vsub.f32 v38, v20;
	v56 =	vsub.f32 v22, v11  }
0x200: {  	v4 =	vadd.f32 v4, v6;
	v19 =	vmul.f32 v19, v8;
	v6 =	vsub.f32 v32, v11  }
0x201: {  	v17 =	vadd.f32 v26, v25;
	v9 =	vsub.f32 v9, v20;
	v45 =	vmul.f32 v13, v13  }
0x202: {  	v26 =	vadd.s32 $0x2714, v40;
	v61 =	vmul.f32 v56, v56;
	v13 =	vmul.f32 v13, v15  }
0x203: {  	v4 =	vadd.f32 v59, v4;
	v16 =	vadd.f32 v16, v19;
	v43 =	vmul.f32 v6, v6  }
0x204: {  	v6 =	vmul.f32 v6, v8;
	v60 =	vsub.f32 v52, v20;
	v33 =	vadd.f32 v17, v12  }
0x205: {  	v35 =	vmul.f32 v9, v9;
	v17 =	vsub.f32 v36, v14;
	v9 =	vmul.f32 v9, v15  }
0x206: {  	v19 =	vld.idx.msk [tilespmem:v42+s2+$0x0], $0xffff;
	v36 =	vmul.f32 v30, v30;
	v3 =	vadd.f32 v3, v4;
	v29 =	vmul.f32 v60, v60  }
0x207: {  	v37 =	vshra.s32 v33, $0x1;
	v12 =	vadd.f32 v35, v34;
	v7 =	vmul.f32 $5.000000000e-01, v33  }
0x208: {  	v44 =	vmul.f32 v17, v17;
	v9 =	vadd.f32 v9, v16;
	v17 =	vmul.f32 v17, v21  }
0x209: {  	v34 =	vmul.f32 v56, v8;
	v39 =	vsub.s32 $0x5F3759DF, v37;
	v2 =	vmul.f32 v3, v2  }
0x20a: {  	v54 =	vld.idx.msk [tilespmem:v47+s2+$0x0], $0xffff;
	v41 =	vshra.s32 v12, $0x1;
	v12 =	vmul.f32 $5.000000000e-01, v12;
	v24 =	vadd.f32 v44, v43  }
0x20b: {  	v49 =	vld.idx.msk [tilespmem:v26+s2+$0x0], $0xffff;
	v7 =	vmul.f32 v39, v7;
	v11 =	vsub.f32 v19, v11;
	v23 =	vsub.s32 $0x5F3759DF, v41  }
0x20c: {  	v37 =	vld.idx.msk [tilespmem:v63+s2+$0x0], $0xffff;
	v9 =	vmax.f32 v9, $0.0e+00;
	v6 =	vadd.f32 v17, v6;
	v12 =	vmul.f32 v23, v12  }
0x20d: {  	v10 =	vld.idx.msk [tilespmem:v10+s2+$0x0], $0xffff;
	v46 =	vadd.f32 v45, v24;
	v7 =	vmul.f32 v39, v7;
	v31 =	vmul.f32 v11, v11  }
0x20e: {  	v6 =	vadd.f32 v13, v6;
	v8 =	vmul.f32 v11, v8;
	v12 =	vmul.f32 v23, v12  }
0x20f: {  	v48 =	vshra.s32 v46, $0x1;
	v5 =	vmul.f32 $5.000000000e-01, v46;
	v53 =	vsub.f32 $1.500000000e+00, v7  }
0x210: {  	v57 =	vsub.f32 v49, v14;
	v49 =	vmul.f32 v30, v15;
	v51 =	vsub.s32 $0x5F3759DF, v48  }
0x211: {  	v7 =	vsub.f32 v54, v14;
	v16 =	vbroadcast v37, $0x0;
	v5 =	vmul.f32 v51, v5  }
0x212: {  	v10 =	vsub.f32 v10, v37;
	v3 =	vmul.f32 v39, v53;
	v62 =	vmul.f32 v57, v57  }
0x213: {  	v46 =	vld [tilespmem:s24+$0xFFFFFF91];
	v12 =	vsub.f32 $1.500000000e+00, v12;
	v32 =	vmul.f32 v7, v7;
	v17 =	vmul.f32 v57, v21  }
0x214: {  	v6 =	vmax.f32 v6, $0.0e+00;
	v7 =	vmul.f32 v7, v21;
	v48 =	vmul.f32 v10, v10  }
0x215: {  	v12 =	vmul.f32 v23, v12;
	v5 =	vmul.f32 v51, v5;
	v28 =	vadd.f32 v62, v61  }
0x216: {  	v35 =	vadd.f32 v32, v31;
	v40 =	vadd.f32 v17, v34;
	v52 =	vbroadcast v48, $0x1  }
0x217: {  	v39 =	vld [tilespmem:s24+$0xFFFFFF81];
	v7 =	vadd.f32 v7, v8;
	v55 =	vbroadcast v48, $0x2;
	v17 =	vbroadcast v37, $0x1  }
0x218: {  	v34 =	vbroadcast v10, $0x0;
	v53 =	vadd.s32 $0x2714, v46;
	v56 =	vadd.s32 $0x4E28, v46  }
0x219: {  	v9 =	vmul.f32 v12, v9;
	v59 =	vsub.f32 $1.500000000e+00, v5;
	v33 =	vadd.f32 v29, v28  }
0x21a: {  	v14 =	vadd.f32 v36, v35;
	v5 =	vmul.f32 v60, v15;
	v60 =	vbroadcast v37, $0x2  }
0x21b: {  	v7 =	vadd.f32 v49, v7;
	v35 =	vbroadcast v10, $0x1;
	v10 =	vbroadcast v10, $0x2  }
0x21c: {  	v45 =	vadd.s32 $0x2714, v39;
	v47 =	vadd.s32 $0x4E28, v39;
	v4 =	vmul.f32 v51, v59  }
0x21d: {  	v31 =	vld [tilespmem:s24+$0xFFFFFFA1];
	v38 =	vshra.s32 v33, $0x1;
	v12 =	vmul.f32 $5.000000000e-01, v33;
	v41 =	vshra.s32 v14, $0x1  }
0x21e: {  	v14 =	vmul.f32 $5.000000000e-01, v14;
	v51 =	vbroadcast v48, $0x0;
	v20 =	vsub.s32 $0x5F3759DF, v38  }
0x21f: {  	v9 =	vadd.f32 $0.0e+00, v9;
	v43 =	vsub.s32 $0x5F3759DF, v41;
	v38 =	vld [tilespmem:s24+$0xFFFFFFB1];
	v12 =	vmul.f32 v20, v12  }
0x220: {  	v5 =	vadd.f32 v5, v40;
	v44 =	vmul.f32 v43, v14;
	v50 =	vld.idx.msk [tilespmem:v39+s2+$0x0], $0xffff;
	v54 =	vadd.f32 v52, v51  }
0x221: {  	v7 =	vmax.f32 v7, $0.0e+00;
	v4 =	vmul.f32 v4, v6;
	v62 =	vld.idx.msk [tilespmem:v53+s2+$0x0], $0xffff;
	v42 =	vmul.f32 v20, v12  }
0x222: {  	v37 =	vadd.s32 $0x2714, v31;
	v6 =	vmul.f32 v43, v44;
	v13 =	vld.idx.msk [tilespmem:v45+s2+$0x0], $0xffff;
	v58 =	vadd.f32 v54, v55  }
0x223: {  	v5 =	vmax.f32 v5, $0.0e+00;
	v4 =	vadd.f32 v4, v9;
	v11 =	vld.idx.msk [tilespmem:v47+s2+$0x0], $0xffff;
	v9 =	vsub.f32 $1.500000000e+00, v42  }
0x224: {  	v12 =	vld.idx.msk [tilespmem:v56+s2+$0x0], $0xffff;
	v6 =	vsub.f32 $1.500000000e+00, v6;
	v29 =	vshra.s32 v58, $0x1;
	v30 =	vmul.f32 $5.000000000e-01, v58  }
0x225: {  	v59 =	vld.idx.msk [tilespmem:v46+s2+$0x0], $0xffff;
	v42 =	vadd.s32 $0x4E28, v31;
	v44 =	vadd.s32 $0x2714, v38;
	v61 =	vsub.f32 v50, v16  }
0x226: {  	v45 =	vadd.s32 $0x4E28, v38;
	v14 =	vsub.f32 v62, v17;
	v9 =	vmul.f32 v20, v9  }
0x227: {  	v19 =	vld.idx.msk [tilespmem:v37+s2+$0x0], $0xffff;
	v6 =	vmul.f32 v43, v6;
	v13 =	vsub.f32 v13, v17;
	v32 =	vmul.f32 v61, v61  }
0x228: {  	v11 =	vsub.f32 v11, v60;
	v40 =	vmul.f32 v14, v14;
	v14 =	vmul.f32 v14, v35  }
0x229: {  	v12 =	vsub.f32 v12, v60;
	v5 =	vmul.f32 v9, v5;
	v57 =	vmul.f32 v6, v7  }
0x22a: {  	s29 =	sadd.s32 $0xC, s25;
	v7 =	vsub.f32 v59, v16;
	v9 =	vmul.f32 v61, v34;
	v33 =	vmul.f32 v13, v13  }
0x22b: {  	v59 =	vadd.s32 s29, v0;
	v36 =	vmul.f32 v11, v11;
	v43 =	vmul.f32 v12, v12  }
0x22c: {  	v6 =	vld.idx.msk [tilespmem:v31+s2+$0x0], $0xffff;
	v13 =	vmul.f32 v13, v35;
	v11 =	vmul.f32 v11, v10;
	v48 =	vsub.f32 v19, v17  }
0x22d: {  	v22 =	vld.idx.msk [tilespmem:v38+s2+$0x0], $0xffff;
	v12 =	vmul.f32 v12, v10;
	v4 =	vadd.f32 v5, v4;
	v39 =	vmul.f32 v7, v7  }
0x22e: {  	v26 =	vld.idx.msk [tilespmem:v42+s2+$0x0], $0xffff;
	v7 =	vmul.f32 v7, v34;
	v18 =	vadd.f32 v33, v32;
	v9 =	vadd.f32 v13, v9  }
0x22f: {  	v53 =	vmul.f32 v48, v48;
	v63 =	vadd.f32 v57, v4;
	v23 =	vadd.f32 v40, v39  }
0x230: {  	v49 =	vld.idx.msk [tilespmem:v44+s2+$0x0], $0xffff;
	v15 =	vmul.f32 v48, v35;
	v7 =	vadd.f32 v14, v7;
	v18 =	vadd.f32 v36, v18  }
0x231: {  	v4 =	vsub.s32 $0x5F3759DF, v29;
	v9 =	vadd.f32 v11, v9;
	v6 =	vsub.f32 v6, v16  }
0x232: {  	v5 =	vmul.f32 v4, v30;
	v16 =	vsub.f32 v22, v16;
	v23 =	vadd.f32 v43, v23  }
0x233: {  	v13 =	vld.idx.msk [tilespmem:v45+s2+$0x0], $0xffff;
	v3 =	vmul.f32 v63, v3;
	v51 =	vsub.f32 v26, v60;
	v7 =	vadd.f32 v12, v7  }
0x234: {  	v5 =	vmul.f32 v4, v5;
	v41 =	vshra.s32 v18, $0x1;
	v18 =	vmul.f32 $5.000000000e-01, v18  }
0x235: {  	v33 =	vld [tilespmem:s24+$0x11];
	v17 =	vsub.f32 v49, v17;
	v52 =	vmul.f32 v6, v6;
	v6 =	vmul.f32 v6, v34  }
0x236: {  	v9 =	vmax.f32 v9, $0.0e+00;
	v58 =	vmul.f32 v16, v16;
	v34 =	vmul.f32 v16, v34  }
0x237: {  	v57 =	vld [tilespmem:s24+$0x1];
	v25 =	vsub.s32 $0x5F3759DF, v41;
	v46 =	vshra.s32 v23, $0x1;
	v23 =	vmul.f32 $5.000000000e-01, v23  }
0x238: {  	v29 =	vld.idx.msk [tilespmem:v59+s2+$0x0], $0xffff;
	v56 =	vmul.f32 v51, v51;
	v8 =	vsub.f32 v13, v60;
	v19 =	vmul.f32 v17, v17  }
0x239: {  	v7 =	vmax.f32 v7, $0.0e+00;
	v28 =	vmul.f32 v51, v10;
	v35 =	vmul.f32 v17, v35  }
0x23a: {  	v39 =	vadd.s32 $0x2714, v33;
	v41 =	vadd.s32 $0x4E28, v33;
	v5 =	vsub.f32 $1.500000000e+00, v5  }
0x23b: {  	v18 =	vmul.f32 v25, v18;
	v47 =	vsub.s32 $0x5F3759DF, v46;
	v55 =	vadd.f32 v53, v52  }
0x23c: {  	v63 =	vadd.s32 $0x2714, v57;
	v6 =	vadd.f32 v15, v6;
	v23 =	vmul.f32 v47, v23  }
0x23d: {  	v30 =	vadd.s32 $0x4E28, v57;
	v61 =	vmul.f32 v8, v8;
	v15 =	vbroadcast v29, $0x0  }
0x23e: {  	v46 =	vld [tilespmem:s24+$0x21];
	v13 =	vadd.f32 v19, v58;
	v17 =	vbroadcast v29, $0x1;
	v8 =	vmul.f32 v8, v10  }
0x23f: {  	v60 =	vld.msk [tilespmem:s24+$0x0 ss:$0x0], $0xffff;
	v21 =	vbroadcast v29, $0x2;
	v18 =	vmul.f32 v25, v18;
	v14 =	vadd.f32 v56, v55  }
0x240: {  	v6 =	vadd.f32 v28, v6;
	v4 =	vmul.f32 v4, v5;
	v50 =	vmul.f32 v47, v23  }
0x241: {  	v13 =	vadd.f32 v61, v13;
	v18 =	vsub.f32 $1.500000000e+00, v18;
	v24 =	vshra.s32 v14, $0x1  }
0x242: {  	v23 =	vld.idx.msk [tilespmem:v33+s2+$0x0], $0xffff;
	v14 =	vmul.f32 $5.000000000e-01, v14;
	v6 =	vmax.f32 v6, $0.0e+00;
	v54 =	vsub.f32 $1.500000000e+00, v50  }
0x243: {  	v10 =	vld.idx.msk [tilespmem:v41+s2+$0x0], $0xffff;
	v24 =	vsub.s32 $0x5F3759DF, v24;
	v31 =	vshra.s32 v13, $0x1;
	v53 =	vadd.s32 $0x4E28, v46  }
0x244: {  	v13 =	vmul.f32 $5.000000000e-01, v13;
	v36 =	vld.idx.msk [tilespmem:v30+s2+$0x0], $0xffff;
	v18 =	vmul.f32 v25, v18;
	v25 =	vadd.s32 v0, v60  }
0x245: {  	v62 =	vmul.f32 v24, v14;
	v32 =	vsub.s32 $0x5F3759DF, v31;
	v14 =	vld.idx.msk [tilespmem:v63+s2+$0x0], $0xffff;
	v11 =	vmul.f32 v47, v54  }
0x246: {  	v52 =	vadd.s32 $0x2714, v46;
	v13 =	vmul.f32 v32, v13;
	v9 =	vmul.f32 v18, v9  }
0x247: {  	v12 =	vmul.f32 v24, v62;
	v18 =	vld.idx.msk [tilespmem:v57+s2+$0x0], $0xffff;
	v23 =	vsub.f32 v23, v15;
	v7 =	vmul.f32 v11, v7  }
0x248: {  	v13 =	vmul.f32 v32, v13;
	v10 =	vsub.f32 v10, v21;
	v9 =	vadd.f32 $0.0e+00, v9;
	v62 =	vld.idx.msk [tilespmem:v53+s2+$0x0], $0xffff  }
0x249: {  	v12 =	vsub.f32 $1.500000000e+00, v12;
	v42 =	vsub.f32 v36, v21;
	v54 =	vmul.f32 v23, v23;
	v37 =	vld.idx.msk [tilespmem:v25+s2+$0x0], $0xffff  }
0x24a: {  	v38 =	vsub.f32 $1.500000000e+00, v13;
	v14 =	vsub.f32 v14, v17;
	v13 =	vld.idx.msk [tilespmem:v39+s2+$0x0], $0xffff;
	v58 =	vmul.f32 v10, v10  }
0x24b: {  	v25 =	vld.idx.msk [tilespmem:v52+s2+$0x0], $0xffff;
	v7 =	vadd.f32 v7, v9;
	v12 =	vmul.f32 v24, v12;
	v9 =	vadd.f32 v35, v34  }
0x24c: {  	v48 =	vmul.f32 v42, v42;
	v18 =	vsub.f32 v18, v15;
	v40 =	vmul.f32 v32, v38  }
0x24d: {  	v44 =	vmul.f32 v14, v14;
	v8 =	vadd.f32 v8, v9;
	v6 =	vmul.f32 v12, v6  }
0x24e: {  	v43 =	vmul.f32 v18, v18;
	v16 =	vsub.f32 v62, v21;
	v45 =	vsub.f32 v37, v29  }
0x24f: {  	v8 =	vmax.f32 v8, $0.0e+00;
	v6 =	vadd.f32 v6, v7;
	v13 =	vsub.f32 v13, v17  }
0x250: {  	v34 =	vsub.f32 v25, v17;
	v8 =	vmul.f32 v40, v8;
	v40 =	vmul.f32 v16, v16  }
0x251: {  	v47 =	vadd.f32 v44, v43;
	v7 =	vbroadcast v45, $0x0;
	v20 =	vmul.f32 v45, v45  }
0x252: {  	v56 =	vld.idx.msk [tilespmem:v46+s2+$0x0], $0xffff;
	v22 =	vbroadcast v45, $0x1;
	v12 =	vbroadcast v45, $0x2  }
0x253: {  	v62 =	vld [tilespmem:s24+$0x91];
	v28 =	vmul.f32 v13, v13;
	v37 =	vmul.f32 v34, v34;
	v9 =	vadd.f32 v48, v47  }
0x254: {  	s30 =	sadd.s32 $0xD, s25;
	v29 =	vld [tilespmem:s24+$0x31];
	v6 =	vadd.f32 v8, v6;
	v49 =	vbroadcast v20, $0x0;
	v50 =	vbroadcast v20, $0x1  }
0x255: {  	v48 =	vadd.s32 s30, v0;
	v20 =	vbroadcast v20, $0x2;
	v55 =	vmul.f32 v18, v7  }
0x256: {  	v14 =	vmul.f32 v14, v22;
	v57 =	vadd.f32 v28, v54;
	v11 =	vmul.f32 v42, v12  }
0x257: {  	v18 =	vsub.f32 v56, v15;
	v23 =	vmul.f32 v23, v7;
	v13 =	vmul.f32 v13, v22  }
0x258: {  	v44 =	vld [tilespmem:s24+$0x81];
	v10 =	vmul.f32 v10, v12;
	v16 =	vmul.f32 v16, v12;
	v31 =	vadd.s32 $0x2714, v62  }
0x259: {  	v45 =	vld.msk [tilespmem:s24+$0x80 ss:$0x0], $0xffff;
	v51 =	vshra.s32 v9, $0x1;
	v9 =	vmul.f32 $5.000000000e-01, v9;
	v32 =	vadd.s32 $0x2714, v29  }
0x25a: {  	v35 =	vadd.s32 $0x4E28, v29;
	v4 =	vmul.f32 v6, v4;
	v8 =	vadd.f32 v50, v49  }
0x25b: {  	v24 =	vsub.s32 $0x5F3759DF, v51;
	v60 =	vadd.f32 v14, v55;
	v61 =	vadd.f32 v58, v57  }
0x25c: {  	v36 =	vmul.f32 v18, v18;
	v13 =	vadd.f32 v13, v23;
	v18 =	vmul.f32 v18, v7  }
0x25d: {  	v51 =	vadd.s32 $0x2714, v44;
	v53 =	vadd.s32 $0x4E28, v44;
	v9 =	vmul.f32 v24, v9  }
0x25e: {  	v52 =	vadd.s32 v0, v45;
	v59 =	vadd.f32 v8, v20;
	v8 =	vadd.f32 v11, v60  }
0x25f: {  	v33 =	vshra.s32 v61, $0x1;
	v14 =	vmul.f32 $5.000000000e-01, v61;
	v38 =	vld.idx.msk [tilespmem:v29+s2+$0x0], $0xffff;
	v39 =	vadd.f32 v37, v36  }
0x260: {  	v10 =	vadd.f32 v10, v13;
	v55 =	vld.idx.msk [tilespmem:v48+s2+$0x0], $0xffff;
	v9 =	vmul.f32 v24, v9;
	v11 =	vsub.s32 $0x5F3759DF, v33  }
0x261: {  	v63 =	vshra.s32 v59, $0x1;
	v5 =	vmul.f32 $5.000000000e-01, v59;
	v14 =	vmul.f32 v11, v14;
	v20 =	vld.idx.msk [tilespmem:v32+s2+$0x0], $0xffff  }
0x262: {  	v37 =	vadd.s32 $0x4E28, v62;
	v41 =	vld.idx.msk [tilespmem:v35+s2+$0x0], $0xffff;
	v9 =	vsub.f32 $1.500000000e+00, v9;
	v19 =	vsub.s32 $0x5F3759DF, v63  }
0x263: {  	v8 =	vmax.f32 v8, $0.0e+00;
	v32 =	vld [tilespmem:s24+$0xA1];
	v14 =	vmul.f32 v11, v14;
	v5 =	vmul.f32 v19, v5  }
0x264: {  	v10 =	vmax.f32 v10, $0.0e+00;
	v9 =	vmul.f32 v24, v9;
	v15 =	vsub.f32 v38, v15  }
0x265: {  	v24 =	vmul.f32 v34, v22;
	v42 =	vsub.f32 $1.500000000e+00, v14;
	v5 =	vmul.f32 v19, v5  }
0x266: {  	v8 =	vmul.f32 v9, v8;
	v9 =	vadd.f32 v40, v39;
	v17 =	vsub.f32 v20, v17  }
0x267: {  	v61 =	vld.idx.msk [tilespmem:v53+s2+$0x0], $0xffff;
	v21 =	vsub.f32 v41, v21;
	v46 =	vmul.f32 v15, v15;
	v18 =	vadd.f32 v24, v18  }
0x268: {  	v57 =	vld.idx.msk [tilespmem:v44+s2+$0x0], $0xffff;
	v7 =	vmul.f32 v15, v7;
	v15 =	vbroadcast v55, $0x2;
	v45 =	vadd.s32 $0x4E28, v32  }
0x269: {  	v58 =	vld.idx.msk [tilespmem:v51+s2+$0x0], $0xffff;
	v11 =	vmul.f32 v11, v42;
	v5 =	vsub.f32 $1.500000000e+00, v5;
	v8 =	vadd.f32 $0.0e+00, v8  }
0x26a: {  	v44 =	vld.idx.msk [tilespmem:v37+s2+$0x0], $0xffff;
	v43 =	vshra.s32 v9, $0x1;
	v9 =	vmul.f32 $5.000000000e-01, v9;
	v47 =	vmul.f32 v17, v17  }
0x26b: {  	v59 =	vld.idx.msk [tilespmem:v52+s2+$0x0], $0xffff;
	v50 =	vmul.f32 v21, v21;
	v16 =	vadd.f32 v16, v18;
	v60 =	vmul.f32 v17, v22  }
0x26c: {  	v17 =	vbroadcast v55, $0x1;
	v12 =	vmul.f32 v21, v12;
	v63 =	vsub.f32 v61, v15  }
0x26d: {  	v14 =	vsub.s32 $0x5F3759DF, v43;
	v10 =	vmul.f32 v11, v10;
	v5 =	vmul.f32 v19, v5  }
0x26e: {  	v42 =	vld.idx.msk [tilespmem:v31+s2+$0x0], $0xffff;
	v43 =	vadd.s32 $0x2714, v32;
	v49 =	vadd.f32 v47, v46;
	v7 =	vadd.f32 v60, v7  }
0x26f: {  	v9 =	vmul.f32 v14, v9;
	v18 =	vsub.f32 v58, v17;
	v47 =	vsub.f32 v44, v15  }
0x270: {  	v34 =	vmul.f32 v63, v63;
	v8 =	vadd.f32 v10, v8;
	v10 =	vsub.f32 v59, v55  }
0x271: {  	v46 =	vld [tilespmem:s24+$0xB1];
	v9 =	vmul.f32 v14, v9;
	v13 =	vadd.f32 v50, v49;
	v29 =	vmul.f32 v18, v18  }
0x272: {  	v7 =	vadd.f32 v12, v7;
	v51 =	vmul.f32 v47, v47;
	v30 =	vmul.f32 v10, v10  }
0x273: {  	v19 =	vsub.f32 v42, v17;
	v21 =	vbroadcast v10, $0x0;
	v22 =	vbroadcast v10, $0x1  }
0x274: {  	v10 =	vbroadcast v10, $0x2;
	v9 =	vsub.f32 $1.500000000e+00, v9;
	v54 =	vshra.s32 v13, $0x1  }
0x275: {  	v25 =	vld.idx.msk [tilespmem:v45+s2+$0x0], $0xffff;
	v13 =	vmul.f32 $5.000000000e-01, v13;
	v49 =	vmul.f32 v19, v19;
	v56 =	vsub.s32 $0x5F3759DF, v54  }
0x276: {  	v61 =	vld [tilespmem:s24+$0x101];
	v35 =	vbroadcast v30, $0x0;
	v36 =	vbroadcast v30, $0x1;
	v52 =	vadd.s32 $0x2714, v46  }
0x277: {  	v20 =	vld.idx.msk [tilespmem:v43+s2+$0x0], $0xffff;
	v53 =	vadd.s32 $0x4E28, v46;
	v9 =	vmul.f32 v14, v9;
	v13 =	vmul.f32 v56, v13  }
0x278: {  	v40 =	vld.idx.msk [tilespmem:v62+s2+$0x0], $0xffff;
	v16 =	vmax.f32 v16, $0.0e+00;
	v39 =	vbroadcast v30, $0x2;
	v12 =	vmul.f32 v63, v10  }
0x279: {  	v7 =	vmax.f32 v7, $0.0e+00;
	v63 =	vld.msk [tilespmem:s24+$0x100 ss:$0x0], $0xffff;
	v9 =	vmul.f32 v9, v16;
	v13 =	vmul.f32 v56, v13  }
0x27a: {  	v23 =	vld.idx.msk [tilespmem:v32+s2+$0x0], $0xffff;
	v18 =	vmul.f32 v18, v22;
	v19 =	vmul.f32 v19, v22;
	v54 =	vsub.f32 v25, v15  }
0x27b: {  	v8 =	vadd.f32 v9, v8;
	v9 =	vbroadcast v55, $0x0;
	v13 =	vsub.f32 $1.500000000e+00, v13;
	v24 =	vld.idx.msk [tilespmem:v52+s2+$0x0], $0xffff  }
0x27c: {  	v38 =	vadd.f32 v36, v35;
	v35 =	vadd.s32 $0x2714, v61;
	v20 =	vsub.f32 v20, v17;
	v59 =	vld.idx.msk [tilespmem:v53+s2+$0x0], $0xffff  }
0x27d: {  	v58 =	vmul.f32 v54, v54;
	v14 =	vsub.f32 v57, v9;
	v11 =	vmul.f32 v56, v13  }
0x27e: {  	v36 =	vadd.s32 v0, v63;
	v13 =	vsub.f32 v40, v9;
	v56 =	vmul.f32 v20, v20  }
0x27f: {  	v23 =	vsub.f32 v23, v9;
	v28 =	vmul.f32 v14, v14;
	v7 =	vmul.f32 v11, v7  }
0x280: {  	v14 =	vmul.f32 v14, v21;
	v48 =	vmul.f32 v13, v13;
	v17 =	vsub.f32 v24, v17  }
0x281: {  	v13 =	vmul.f32 v13, v21;
	v15 =	vsub.f32 v59, v15;
	v33 =	vadd.f32 v29, v28  }
0x282: {  	v55 =	vmul.f32 v23, v23;
	v6 =	vadd.f32 v7, v8;
	v8 =	vadd.f32 v38, v39  }
0x283: {  	v20 =	vmul.f32 v20, v22;
	v14 =	vadd.f32 v18, v14;
	v50 =	vadd.f32 v49, v48  }
0x284: {  	v26 =	vld.idx.msk [tilespmem:v46+s2+$0x0], $0xffff;
	v62 =	vmul.f32 v23, v21;
	v25 =	vadd.f32 v56, v55;
	v13 =	vadd.f32 v19, v13  }
0x285: {  	v18 =	vmul.f32 v47, v10;
	v38 =	vadd.s32 $0x4E28, v61;
	v24 =	vmul.f32 v17, v17  }
0x286: {  	v40 =	vmul.f32 v15, v15;
	v17 =	vmul.f32 v17, v22;
	v11 =	vadd.f32 v34, v33  }
0x287: {  	v7 =	vshra.s32 v8, $0x1;
	v12 =	vadd.f32 v12, v14;
	v14 =	vadd.f32 v51, v50  }
0x288: {  	s31 =	sadd.s32 $0xE, s25;
	v8 =	vmul.f32 $5.000000000e-01, v8;
	v60 =	vadd.f32 v58, v25;
	v13 =	vadd.f32 v18, v13  }
0x289: {  	v33 =	vadd.s32 s31, v0;
	v18 =	vadd.f32 v20, v62;
	v34 =	vsub.f32 v26, v9  }
0x28a: {  	v7 =	vsub.s32 $0x5F3759DF, v7;
	v41 =	vshra.s32 v11, $0x1;
	v11 =	vmul.f32 $5.000000000e-01, v11  }
0x28b: {  	v49 =	vld [tilespmem:s24+$0x111];
	v8 =	vmul.f32 v7, v8;
	v12 =	vmax.f32 v12, $0.0e+00;
	v57 =	vshra.s32 v14, $0x1  }
0x28c: {  	v51 =	vld [tilespmem:s24+$0x121];
	v14 =	vmul.f32 $5.000000000e-01, v14;
	v32 =	vshra.s32 v60, $0x1;
	v16 =	vsub.s32 $0x5F3759DF, v41  }
0x28d: {  	v37 =	vmul.f32 v34, v34;
	v29 =	vsub.s32 $0x5F3759DF, v57;
	v11 =	vmul.f32 v16, v11  }
0x28e: {  	v13 =	vmax.f32 v13, $0.0e+00;
	v14 =	vmul.f32 v29, v14;
	v8 =	vmul.f32 v7, v8  }
0x28f: {  	v46 =	vmul.f32 v34, v21;
	v27 =	vsub.s32 $0x5F3759DF, v32;
	v28 =	vld.idx.msk [tilespmem:v33+s2+$0x0], $0xffff;
	v11 =	vmul.f32 v16, v11  }
0x290: {  	v39 =	vadd.f32 v24, v37;
	v14 =	vmul.f32 v29, v14;
	v9 =	vsub.f32 $1.500000000e+00, v8  }
0x291: {  	v42 =	vld.idx.msk [tilespmem:v35+s2+$0x0], $0xffff;
	v56 =	vadd.s32 $0x4E28, v49;
	v57 =	vadd.s32 $0x2714, v51;
	v11 =	vsub.f32 $1.500000000e+00, v11  }
0x292: {  	v41 =	vld.idx.msk [tilespmem:v61+s2+$0x0], $0xffff;
	v44 =	vadd.f32 v40, v39;
	v14 =	vsub.f32 $1.500000000e+00, v14;
	v7 =	vmul.f32 v7, v9  }
0x293: {  	v45 =	vld.idx.msk [tilespmem:v36+s2+$0x0], $0xffff;
	v32 =	vadd.s32 $0x4E28, v51;
	v11 =	vmul.f32 v16, v11;
	v16 =	vmul.f32 v54, v10  }
0x294: {  	v48 =	vshra.s32 v44, $0x1;
	v14 =	vmul.f32 v29, v14;
	v20 =	vbroadcast v28, $0x0  }
0x295: {  	v23 =	vld.idx.msk [tilespmem:v49+s2+$0x0], $0xffff;
	v19 =	vsub.s32 $0x5F3759DF, v48;
	v21 =	vbroadcast v28, $0x1;
	v22 =	vbroadcast v28, $0x2  }
0x296: {  	v10 =	vmul.f32 v15, v10;
	v54 =	vadd.s32 $0x2714, v49;
	v11 =	vmul.f32 v11, v12  }
0x297: {  	v36 =	vld [tilespmem:s24+$0x131];
	v12 =	vmul.f32 $5.000000000e-01, v60;
	v16 =	vadd.f32 v16, v18;
	v24 =	vsub.f32 v41, v20  }
0x298: {  	v49 =	vld [tilespmem:s24+$0x181];
	v13 =	vmul.f32 v14, v13;
	v14 =	vsub.f32 v42, v21;
	v18 =	vsub.f32 v45, v28  }
0x299: {  	v12 =	vmul.f32 v27, v12;
	v43 =	vmax.f32 v16, $0.0e+00;
	v16 =	vmul.f32 $5.000000000e-01, v44  }
0x29a: {  	v47 =	vld.idx.msk [tilespmem:v38+s2+$0x0], $0xffff;
	v61 =	vsub.f32 v23, v20;
	v52 =	vmul.f32 v24, v24;
	v53 =	vmul.f32 v14, v14  }
0x29b: {  	v60 =	vld.idx.msk [tilespmem:v57+s2+$0x0], $0xffff;
	v11 =	vadd.f32 $0.0e+00, v11;
	v28 =	vmul.f32 v18, v18;
	v29 =	vbroadcast v18, $0x1  }
0x29c: {  	v45 =	vadd.s32 $0x2714, v36;
	v34 =	vmul.f32 v61, v61;
	v26 =	vld.idx.msk [tilespmem:v54+s2+$0x0], $0xffff;
	v12 =	vmul.f32 v27, v12  }
0x29d: {  	v57 =	vadd.s32 $0x4E28, v49;
	v11 =	vadd.f32 v13, v11;
	v50 =	vmul.f32 v19, v16;
	v16 =	vld.idx.msk [tilespmem:v51+s2+$0x0], $0xffff  }
0x29e: {  	v30 =	vbroadcast v28, $0x0;
	v33 =	vbroadcast v28, $0x1;
	v12 =	vsub.f32 $1.500000000e+00, v12  }
0x29f: {  	v13 =	vsub.f32 v47, v22;
	v58 =	vmul.f32 v14, v29;
	v15 =	vmul.f32 v19, v50  }
0x2a0: {  	v25 =	vbroadcast v28, $0x2;
	v47 =	vadd.s32 $0x4E28, v36;
	v12 =	vmul.f32 v27, v12  }
0x2a1: {  	v55 =	vmul.f32 v13, v13;
	v15 =	vsub.f32 $1.500000000e+00, v15;
	v62 =	vsub.f32 v26, v21  }
0x2a2: {  	v16 =	vsub.f32 v16, v20;
	v8 =	vmul.f32 v12, v43;
	v12 =	vadd.f32 v17, v46  }
0x2a3: {  	v17 =	vadd.f32 v53, v52;
	v15 =	vmul.f32 v19, v15;
	v35 =	vmul.f32 v62, v62  }
0x2a4: {  	v19 =	vsub.f32 v60, v21;
	v23 =	vmul.f32 v62, v29;
	v38 =	vmul.f32 v16, v16  }
0x2a5: {  	v63 =	vld.idx.msk [tilespmem:v32+s2+$0x0], $0xffff;
	v10 =	vadd.f32 v10, v12;
	v12 =	vbroadcast v18, $0x0;
	v17 =	vadd.f32 v55, v17  }
0x2a6: {  	s25 =	sadd.s32 $0xF, s25;
	v46 =	vld.msk [tilespmem:s24+$0x180 ss:$0x0], $0xffff;
	v18 =	vbroadcast v18, $0x2;
	v8 =	vadd.f32 v8, v11;
	v26 =	vadd.f32 v35, v34  }
0x2a7: {  	v27 =	vld.idx.msk [tilespmem:v56+s2+$0x0], $0xffff;
	v39 =	vmul.f32 v19, v19;
	v19 =	vmul.f32 v19, v29;
	v34 =	vadd.s32 s25, v0  }
0x2a8: {  	v52 =	vld [tilespmem:s24+$0x191];
	v55 =	vadd.s32 $0x2714, v49;
	v31 =	vshra.s32 v17, $0x1;
	v17 =	vmul.f32 $5.000000000e-01, v17  }
0x2a9: {  	v28 =	vld.idx.msk [tilespmem:v36+s2+$0x0], $0xffff;
	v24 =	vmul.f32 v24, v12;
	v10 =	vmax.f32 v10, $0.0e+00;
	v13 =	vmul.f32 v13, v18  }
0x2aa: {  	v40 =	vmul.f32 v61, v12;
	v42 =	vadd.f32 v39, v38;
	v16 =	vmul.f32 v16, v12  }
0x2ab: {  	v31 =	vsub.s32 $0x5F3759DF, v31;
	v10 =	vmul.f32 v15, v10;
	v51 =	vadd.s32 v0, v46  }
0x2ac: {  	v59 =	vmul.f32 v31, v17;
	v17 =	vadd.f32 v33, v30;
	v11 =	vadd.f32 v58, v24  }
0x2ad: {  	v61 =	vadd.s32 $0x2714, v52;
	v33 =	vsub.f32 v27, v22;
	v24 =	vsub.f32 v63, v22  }
0x2ae: {  	v16 =	vadd.f32 v19, v16;
	v58 =	vsub.f32 v28, v20;
	v60 =	vld.idx.msk [tilespmem:v34+s2+$0x0], $0xffff;
	v34 =	vadd.s32 $0x4E28, v52  }
0x2af: {  	v8 =	vadd.f32 v10, v8;
	v14 =	vmul.f32 v31, v59;
	v37 =	vmul.f32 v33, v33  }
0x2b0: {  	v11 =	vadd.f32 v13, v11;
	v43 =	vmul.f32 v24, v24;
	v53 =	vmul.f32 v24, v18  }
0x2b1: {  	v12 =	vmul.f32 v58, v12;
	v32 =	vsub.f32 $1.500000000e+00, v14;
	v41 =	vadd.f32 v37, v26  }
0x2b2: {  	v11 =	vmax.f32 v11, $0.0e+00;
	v26 =	vadd.f32 v43, v42;
	v14 =	vmul.f32 v33, v18;
	v42 =	vld [tilespmem:s24+$0x1A1]  }
0x2b3: {  	v16 =	vadd.f32 v53, v16;
	v13 =	vmul.f32 v31, v32;
	v44 =	vshra.s32 v41, $0x1  }
0x2b4: {  	v15 =	vmul.f32 $5.000000000e-01, v41;
	v48 =	vshra.s32 v26, $0x1;
	v26 =	vmul.f32 $5.000000000e-01, v26;
	v31 =	vld.idx.msk [tilespmem:v45+s2+$0x0], $0xffff  }
0x2b5: {  	v30 =	vsub.s32 $0x5F3759DF, v44;
	v32 =	vsub.s32 $0x5F3759DF, v48;
	v11 =	vmul.f32 v13, v11  }
0x2b6: {  	v13 =	vadd.f32 v23, v40;
	v15 =	vmul.f32 v30, v15;
	v26 =	vmul.f32 v32, v26;
	v23 =	vld.idx.msk [tilespmem:v47+s2+$0x0], $0xffff  }
0x2b7: {  	v63 =	vld.idx.msk [tilespmem:v49+s2+$0x0], $0xffff;
	v17 =	vadd.f32 v17, v25;
	v16 =	vmax.f32 v16, $0.0e+00;
	v48 =	vadd.s32 $0x2714, v42  }
0x2b8: {  	v38 =	vld.idx.msk [tilespmem:v52+s2+$0x0], $0xffff;
	v15 =	vmul.f32 v30, v15;
	v13 =	vadd.f32 v14, v13;
	v54 =	vmul.f32 v32, v26  }
0x2b9: {  	v37 =	vld.idx.msk [tilespmem:v57+s2+$0x0], $0xffff;
	v11 =	vadd.f32 $0.0e+00, v11;
	v59 =	vsub.f32 v31, v21;
	v21 =	vbroadcast v60, $0x2  }
0x2ba: {  	v52 =	vld [tilespmem:s24+$0x1B1];
	v50 =	vsub.f32 $1.500000000e+00, v15;
	v13 =	vmax.f32 v13, $0.0e+00;
	v56 =	vsub.f32 $1.500000000e+00, v54  }
0x2bb: {  	v15 =	vld.idx.msk [tilespmem:v51+s2+$0x0], $0xffff;
	v22 =	vsub.f32 v23, v22;
	v62 =	vmul.f32 v59, v29;
	v20 =	vmul.f32 v59, v59  }
0x2bc: {  	v51 =	vadd.s32 $0x4E28, v42;
	v25 =	vld.idx.msk [tilespmem:v42+s2+$0x0], $0xffff;
	v14 =	vmul.f32 v30, v50;
	v19 =	vmul.f32 v32, v56  }
0x2bd: {  	v35 =	vadd.f32 v62, v12;
	v36 =	vmul.f32 v22, v18;
	v12 =	vbroadcast v60, $0x0  }
0x2be: {  	v41 =	vmul.f32 v22, v22;
	v18 =	vsub.f32 v37, v21;
	v13 =	vmul.f32 v14, v13  }
0x2bf: {  	v32 =	vmul.f32 v19, v16;
	v14 =	vmul.f32 v58, v58;
	v10 =	vadd.f32 v36, v35  }
0x2c0: {  	v33 =	vld.idx.msk [tilespmem:v55+s2+$0x0], $0xffff;
	v15 =	vsub.f32 v15, v60;
	v40 =	vsub.f32 v63, v12;
	v45 =	vmul.f32 v18, v18  }
0x2c1: {  	v39 =	vld.idx.msk [tilespmem:v61+s2+$0x0], $0xffff;
	v62 =	vsub.f32 v25, v12;
	v36 =	vadd.s32 $0x4E28, v52;
	v11 =	vadd.f32 v13, v11  }
0x2c2: {  	v27 =	vld.idx.msk [tilespmem:v48+s2+$0x0], $0xffff;
	v13 =	vbroadcast v60, $0x1;
	v14 =	vadd.f32 v20, v14;
	v60 =	vadd.s32 $0x2714, v52  }
0x2c3: {  	v31 =	vld.idx.msk [tilespmem:v52+s2+$0x0], $0xffff;
	v52 =	vshra.s32 v17, $0x1;
	v17 =	vmul.f32 $5.000000000e-01, v17;
	v22 =	vbroadcast v15, $0x0  }
0x2c4: {  	v43 =	vmul.f32 v40, v40;
	v28 =	vbroadcast v15, $0x1;
	v9 =	vadd.f32 v32, v11  }
0x2c5: {  	v19 =	vld.idx.msk [tilespmem:v34+s2+$0x0], $0xffff;
	v29 =	vmul.f32 v15, v15;
	v16 =	vsub.f32 v33, v13;
	v11 =	vsub.f32 v38, v12  }
0x2c6: {  	v15 =	vbroadcast v15, $0x2;
	v23 =	vsub.f32 v39, v13;
	v14 =	vadd.f32 v41, v14  }
0x2c7: {  	v58 =	vld.idx.msk [tilespmem:v51+s2+$0x0], $0xffff;
	v63 =	vsub.f32 v27, v13;
	v39 =	vmul.f32 v62, v62;
	v44 =	vmul.f32 v16, v16  }
0x2c8: {  	v12 =	vsub.f32 v31, v12;
	v24 =	vmul.f32 v40, v22;
	v53 =	vbroadcast v29, $0x0  }
0x2c9: {  	v18 =	vmul.f32 v18, v15;
	v41 =	vbroadcast v29, $0x1;
	v26 =	vadd.f32 v44, v43  }
0x2ca: {  	v19 =	vsub.f32 v19, v21;
	v29 =	vbroadcast v29, $0x2;
	v46 =	vmul.f32 v11, v11  }
0x2cb: {  	v47 =	vmul.f32 v23, v23;
	v16 =	vmul.f32 v16, v28;
	v26 =	vadd.f32 v45, v26  }
0x2cc: {  	v11 =	vmul.f32 v11, v22;
	v56 =	vmul.f32 v23, v28;
	v38 =	vsub.f32 v58, v21  }
0x2cd: {  	v40 =	vmul.f32 v63, v63;
	v50 =	vshra.s32 v26, $0x1;
	v26 =	vmul.f32 $5.000000000e-01, v26  }
0x2ce: {  	v23 =	vmul.f32 v62, v22;
	v25 =	vmul.f32 v63, v28;
	v32 =	vsub.s32 $0x5F3759DF, v50  }
0x2cf: {  	v49 =	vmul.f32 v19, v19;
	v30 =	vadd.f32 v47, v46;
	v54 =	vmul.f32 v32, v26  }
0x2d0: {  	v19 =	vmul.f32 v19, v15;
	v16 =	vadd.f32 v16, v24;
	v11 =	vadd.f32 v56, v11  }
0x2d1: {  	v42 =	vmul.f32 v38, v38;
	v30 =	vadd.f32 v49, v30;
	v24 =	vmul.f32 v32, v54  }
0x2d2: {  	v23 =	vadd.f32 v25, v23;
	v47 =	vmul.f32 v12, v12;
	v20 =	vmul.f32 v38, v15  }
0x2d3: {  	v55 =	vshra.s32 v30, $0x1;
	v30 =	vmul.f32 $5.000000000e-01, v30;
	v59 =	vsub.f32 $1.500000000e+00, v24;
	v24 =	vld.idx.msk [tilespmem:v60+s2+$0x0], $0xffff  }
0x2d4: {  	v12 =	vmul.f32 v12, v22;
	v22 =	vsub.s32 $0x5F3759DF, v52;
	v26 =	vsub.s32 $0x5F3759DF, v55  }
0x2d5: {  	v43 =	vld.idx.msk [tilespmem:v36+s2+$0x0], $0xffff;
	v17 =	vmul.f32 v22, v17;
	v16 =	vadd.f32 v18, v16;
	v57 =	vmul.f32 v26, v30  }
0x2d6: {  	v11 =	vadd.f32 v19, v11;
	v45 =	vshra.s32 v14, $0x1;
	v14 =	vmul.f32 $5.000000000e-01, v14  }
0x2d7: {  	v27 =	vsub.s32 $0x5F3759DF, v45;
	v56 =	vmul.f32 v22, v17;
	v61 =	vmul.f32 v26, v57  }
0x2d8: {  	v16 =	vmax.f32 v16, $0.0e+00;
	v18 =	vmul.f32 v32, v59;
	v13 =	vsub.f32 v24, v13  }
0x2d9: {  	v14 =	vmul.f32 v27, v14;
	v30 =	vadd.f32 v40, v39;
	v37 =	vsub.f32 $1.500000000e+00, v61  }
0x2da: {  	v16 =	vmul.f32 v18, v16;
	v18 =	vsub.f32 v43, v21;
	v48 =	vmul.f32 v13, v13  }
0x2db: {  	v11 =	vmax.f32 v11, $0.0e+00;
	v14 =	vmul.f32 v27, v14;
	v44 =	vadd.f32 v42, v30  }
0x2dc: {  	v19 =	vmul.f32 v26, v37;
	v49 =	vmul.f32 v18, v18;
	v21 =	vadd.f32 v48, v47  }
0x2dd: {  	v50 =	vadd.f32 v20, v23;
	v14 =	vsub.f32 $1.500000000e+00, v14;
	v46 =	vshra.s32 v44, $0x1  }
0x2de: {  	v11 =	vmul.f32 v19, v11;
	v19 =	vmul.f32 $5.000000000e-01, v44;
	v21 =	vadd.f32 v49, v21  }
0x2df: {  	v14 =	vmul.f32 v27, v14;
	v26 =	vadd.f32 v41, v53;
	v24 =	vsub.s32 $0x5F3759DF, v46  }
0x2e0: {  	v19 =	vmul.f32 v24, v19;
	v51 =	vshra.s32 v21, $0x1;
	v21 =	vmul.f32 $5.000000000e-01, v21  }
0x2e1: {  	v26 =	vadd.f32 v26, v29;
	v13 =	vmul.f32 v13, v28;
	v20 =	vsub.s32 $0x5F3759DF, v51  }
0x2e2: {  	v16 =	vadd.f32 $0.0e+00, v16;
	v19 =	vmul.f32 v24, v19;
	v21 =	vmul.f32 v20, v21  }
0x2e3: {  	v53 =	vshra.s32 v26, $0x1;
	v54 =	vmul.f32 $5.000000000e-01, v26;
	v12 =	vadd.f32 v13, v12  }
0x2e4: {  	v13 =	vsub.s32 $0x5F3759DF, v53;
	v19 =	vsub.f32 $1.500000000e+00, v19;
	v21 =	vmul.f32 v20, v21  }
0x2e5: {  	v15 =	vmul.f32 v18, v15;
	v55 =	vmul.f32 v13, v54  }
0x2e6: {  	v11 =	vadd.f32 v11, v16;
	v19 =	vmul.f32 v24, v19;
	v21 =	vsub.f32 $1.500000000e+00, v21  }
0x2e7: {  	v16 =	vmax.f32 v50, $0.0e+00;
	v12 =	vadd.f32 v15, v12;
	v18 =	vmul.f32 v13, v55  }
0x2e8: {  	v10 =	vmax.f32 v10, $0.0e+00;
	v16 =	vmul.f32 v19, v16;
	v57 =	vmul.f32 v20, v21  }
0x2e9: {  	[tilespmem:s23+$0xFFFFFE00] =	vst v1;
	v58 =	vsub.f32 $1.500000000e+00, v56;
	v1 =	vmul.f32 v14, v10;
	v12 =	vmax.f32 v12, $0.0e+00  }
0x2ea: {  	s22 =	sadd.s32 $0x8, s22;
	[tilespmem:s23+$0xFFFFFE80] =	vst v2;
	v60 =	vsub.f32 $1.500000000e+00, v18;
	v2 =	vadd.f32 v16, v11;
	v59 =	vmul.f32 v57, v12  }
0x2eb: {  	p0 =	slt.u32 s22, $0xC0;
	[tilespmem:s23+$0xFFFFFF00] =	vst v3;
	v3 =	vmul.f32 v6, v5;
	v61 =	vmul.f32 v22, v58;
	v1 =	vadd.f32 v1, v9  }
.Ltmp7:
0x2ec: {  	[tilespmem:s23+$0xFFFFFF80] =	vst v4;
	v62 =	vmul.f32 v8, v7;
	v63 =	vmul.f32 v13, v60;
	v2 =	vadd.f32 v59, v2;
	(pc) =	sbr.rel @p0 .LBB2_7-.Ltmp7, $4  }
0x2ed: {  	[tilespmem:s23+$0x0] =	vst v3;
	v1 =	vmul.f32 v1, v61  }
0x2ee: {  	[tilespmem:s23+$0x80] =	vst v62;
	v2 =	vmul.f32 v2, v63  }
0x2ef: {  	[tilespmem:s23+$0x100] =	vst v1  }
0x2f0: {  	s24 =	sadd.s32 $0x400, s24;
	[tilespmem:s23+$0x180] =	vst v2;
	s23 =	sadd.s32 $0x400, s23  }
.Ltmp8:
0x2f1: {  	_ = 	snop;
	(pc) =	sbr.rel .LBB2_8-.Ltmp8, $1  }
0x2f2: {  	_ =	sdelay $0x3  }
.LBB2_10:
0x2f3: {  	_ =	sfence.sel $0x180000  }
0x2f4: {  	[bflag:$0x0] =	sbarrier.arrive $0xFFFF  }
0x2f5: {  	p0 =	sne.s32 s1, $0x0;
	_ =	strace $0x90000047  }
0x2f6: {  	s0 =	sadd.s32 @!p0 $0x100000, s0;
	[bflag:$0x2] =	sbarrier.arrive $0xFFFF  }
0x2f7: {  	[sflag:s0] =	ssyncadd.tile.s32 @!p0 $0x1;
	_ =	shalt  }
.Lfunc_end2:
_tile_overlayer_lowered:
.L_overlay_start_2:
0x2f8: {  	(tag) =	ssettag $0x2  }
0x2f9: {  	s0 =	rddreg [dreg:$0x0];
	s2 =	stileid.u32  }
0x2fa: {  	s1 =	rddreg [dreg:$0x1];
	p0 =	sne.s32 s2, $0x0  }
0x2fb: {  	s3 =	rddreg [dreg:$0x2];
	[bflag:$0x3] =	sbarrier.arrive $0xFFFF;
	s2 =	simm.s32 @!p0 $0x1C04  }
0x2fc: {  	[timem:s3], [sflag:s2] =	dma.local @!p0 [hbm:s0], s1  }
0x2fd: {  	s0 =	simm.s32 @!p0 $0x4  }
0x2fe: {  	_ =	swait.ge @!p0 [sflag:s0], s1  }
0x2ff: {  	s1 =	ssub.s32 @!p0 $0x0, s1;
	[sflag:s0] =	ssyncset.done @!p0 $0x0  }
0x300: {  	[sflag:s0] =	ssyncadd.s32 @!p0 s1  }
0x301: {  	[bflag:$0x3] =	sbarrier.arrive $0xFFFF  }
0x302: {  	_ =	shalt  }

// kernel: _atom_conv.7.cloned.1.call-start
scs
__scs_entry_jumppad:
0x0: {  	(pc) =	sbr.rel $0x88, $3  }
0x1: {  	(tag) =	ssettag $0x0;
	lr =	simm.s32 $0x1  }
0x2: {  	[smem:$0x3F9F] =	sst lr;
	_ =	strace $0xD0000000  }
0x3: {  	_ = 	snop  }
0x4: {  	_ = 	snop  }
0x5: {  	_ = 	snop  }
0x6: {  	_ = 	snop  }
0x7: {  	_ = 	snop  }
__scs_overlays_trampoline_lowered:
0x8: {  	[smem:$0x3FAE] =	sst s0  }
0x9: {  	[smem:$0x3FAF] =	sst s1  }
0xa: {  	[smem:$0x3FB0] =	sst s2  }
0xb: {  	[smem:$0x3FB1] =	sst s3  }
0xc: {  	[smem:$0x3FB2] =	sst s4  }
0xd: {  	[smem:$0x3FB3] =	sst s5  }
0xe: {  	[smem:$0x3FB4] =	sst s6  }
0xf: {  	[smem:$0x3FB5] =	sst s7  }
0x10: {  	[smem:$0x3FB6] =	sst s8  }
0x11: {  	[smem:$0x3FB7] =	sst s9;
	s0 =	simm.s32 @!p0 $0x0  }
0x12: {  	s1 =	sld [smem:$0x3F9D];
	s0 =	simm.s32 @p0 $0x1  }
0x13: {  	[smem:$0x3FB8] =	sst s0;
	s0 =	simm.s32 @!p1 $0x0  }
0x14: {  	s2 =	sld [smem:$0x3F9C];
	s0 =	simm.s32 @p1 $0x1  }
0x15: {  	[smem:$0x3FB9] =	sst s0;
	s0 =	simm.s32 @!p2 $0x0  }
0x16: {  	s3 =	sld [smem:$0x3FDB];
	s0 =	simm.s32 @p2 $0x1  }
0x17: {  	s4 =	simm.s32 $0x1BF5;
	[smem:$0x3FBB] =	sst s0  }
0x18: {  	s0 =	sld [smem:$0x3F9E];
	_ =	swait.ge [sflag:s4], $0x0  }
0x19: {  	s7 =	sld [smem:$0x3F9F]  }
0x1a: {  	s8 =	sadd.s32 $0xFFFFE003, lr  }
0x1b: {  	s9 =	sadd.s32 $0xFFFFFEF7, lr;
	s5 =	simm.s32 $0xFFFFFFFF;
	p2 =	slt.u32 s8, $0xFFFFF086  }
0x1c: {  	p1 =	slt.u32 s9, $0xF7A;
	s5 =	simm.s32 @!p2 $0x0  }
0x1d: {  	s5 =	simm.s32 @p1 $0x1;
	p0 =	seq.s32 s7, s2  }
0x1e: {  	s7 =	smul.u32 @!p0 $0xF7A, s2;
	p2 =	seq.s32 @!p0 s5, $0x0  }
0x1f: {  	s9 =	smul.u32 $0xF7A, s1;
	s8 =	simm.s32 @!p0 $0x1BF5;
	p2 =	por !p2, p0  }
0x20: {  	[sflag:s8] =	ssyncset.s32 @!p0 $0xFFFFF086;
	s6 =	sadd.s32 @!p0 s3, s7;
	s7 =	simm.s32 @!p0 $0x108  }
0x21: {  	s3 =	sadd.s32 s3, s9;
	s6 =	sadd.s32 @!p0 $0x88, s6;
	s7 =	simm.s32 @p2 $0x1082  }
0x22: {  	[simem:s7], [sflag:s8] =	dma.local @!p0 [hbm:s6], $0xF7A  }
0x23: {  	s9 =	sor.u32 $0xD0000000, s2;
	s6 =	simm.s32 $0x108;
	_ =	swait.ge @!p0 [sflag:s8], $0x0  }
0x24: {  	s3 =	sadd.s32 $0x88, s3;
	s6 =	simm.s32 @!p1 $0x1082;
	[sflag:s4] =	ssyncset.s32 $0xFFFFF086  }
0x25: {  	[simem:s6], [sflag:s4] =	dma.local [hbm:s3], $0xF7A  }
0x26: {  	[smem:$0x3F9F] =	sst s1;
	(tag) =	ssettag s2;
	_ =	strace s9  }
0x27: {  	s1 =	sld [smem:$0x3FAF]  }
0x28: {  	s2 =	sld [smem:$0x3FB0]  }
0x29: {  	s4 =	sld [smem:$0x3FB2]  }
0x2a: {  	p0 =	seq.s32 s5, $0x0;
	s5 =	sld [smem:$0x3FB3]  }
0x2b: {  	s6 =	sld [smem:$0x3FB4]  }
0x2c: {  	s7 =	sld [smem:$0x3FB5]  }
0x2d: {  	s3 =	simm.s32 $0x108;
	s8 =	sld [smem:$0x3FB6]  }
0x2e: {  	s3 =	simm.s32 @!p0 $0x1082;
	s9 =	sld [smem:$0x3FB7]  }
0x2f: {  	lr =	sadd.s32 s0, s3;
	s0 =	sld [smem:$0x3FAE]  }
0x30: {  	s3 =	sld [smem:$0x3FB1]  }
0x31: {  	[smem:$0x3FBA] =	sst s10  }
0x32: {  	s10 =	sld [smem:$0x3FB8];
	_ =	sdelay $0x3  }
0x33: {  	p0 =	seq.s32 s10, $0x1;
	s10 =	sld [smem:$0x3FBA];
	_ =	sdelay $0x3  }
0x34: {  	[smem:$0x3FBA] =	sst s10  }
0x35: {  	s10 =	sld [smem:$0x3FB9];
	_ =	sdelay $0x3  }
0x36: {  	p1 =	seq.s32 s10, $0x1;
	s10 =	sld [smem:$0x3FBA];
	_ =	sdelay $0x3  }
0x37: {  	[smem:$0x3FBA] =	sst s10  }
0x38: {  	s10 =	sld [smem:$0x3FBB]  }
0x39: {  	_ = 	snop;
	(pc) =	sbr.ind lr, $3  }
0x3a: {  	_ = 	snop  }
0x3b: {  	_ = 	snop  }
0x3c: {  	p2 =	seq.s32 s10, $0x1;
	s10 =	sld [smem:$0x3FBA]  }
0x3d: {  	_ =	shalt  }
0x3e: {  	_ =	shalt  }
0x3f: {  	_ =	shalt  }
0x40: {  	_ =	shalt  }
0x41: {  	_ =	shalt  }
0x42: {  	_ =	shalt  }
0x43: {  	_ =	shalt  }
0x44: {  	_ =	shalt  }
0x45: {  	_ =	shalt  }
0x46: {  	_ =	shalt  }
0x47: {  	_ =	shalt  }
0x48: {  	_ =	shalt  }
0x49: {  	_ =	shalt  }
0x4a: {  	_ =	shalt  }
0x4b: {  	_ =	shalt  }
0x4c: {  	_ =	shalt  }
0x4d: {  	_ =	shalt  }
0x4e: {  	_ =	shalt  }
0x4f: {  	_ =	shalt  }
0x50: {  	_ =	shalt  }
0x51: {  	_ =	shalt  }
0x52: {  	_ =	shalt  }
0x53: {  	_ =	shalt  }
0x54: {  	_ =	shalt  }
0x55: {  	_ =	shalt  }
0x56: {  	_ =	shalt  }
0x57: {  	_ =	shalt  }
0x58: {  	_ =	shalt  }
0x59: {  	_ =	shalt  }
0x5a: {  	_ =	shalt  }
0x5b: {  	_ =	shalt  }
0x5c: {  	_ =	shalt  }
0x5d: {  	_ =	shalt  }
0x5e: {  	_ =	shalt  }
0x5f: {  	_ =	shalt  }
0x60: {  	_ =	shalt  }
0x61: {  	_ =	shalt  }
0x62: {  	_ =	shalt  }
0x63: {  	_ =	shalt  }
0x64: {  	_ =	shalt  }
0x65: {  	_ =	shalt  }
0x66: {  	_ =	shalt  }
0x67: {  	_ =	shalt  }
0x68: {  	_ =	shalt  }
0x69: {  	_ =	shalt  }
0x6a: {  	_ =	shalt  }
0x6b: {  	_ =	shalt  }
0x6c: {  	_ =	shalt  }
0x6d: {  	_ =	shalt  }
0x6e: {  	_ =	shalt  }
0x6f: {  	_ =	shalt  }
0x70: {  	_ =	shalt  }
0x71: {  	_ =	shalt  }
0x72: {  	_ =	shalt  }
0x73: {  	_ =	shalt  }
0x74: {  	_ =	shalt  }
0x75: {  	_ =	shalt  }
0x76: {  	_ =	shalt  }
0x77: {  	_ =	shalt  }
0x78: {  	_ =	shalt  }
0x79: {  	_ =	shalt  }
0x7a: {  	_ =	shalt  }
0x7b: {  	_ =	shalt  }
0x7c: {  	_ =	shalt  }
0x7d: {  	_ =	shalt  }
0x7e: {  	_ =	shalt  }
0x7f: {  	_ =	shalt  }
0x80: {  	_ =	shalt  }
0x81: {  	_ =	shalt  }
0x82: {  	_ =	shalt  }
0x83: {  	_ =	shalt  }
0x84: {  	_ =	shalt  }
0x85: {  	_ =	shalt  }
0x86: {  	_ =	shalt  }
0x87: {  	_ =	shalt  }
.Lfunc_end0:
.L_simem_size_0:
called_computation.1_lowered:
.L_overlay_start_0:
0x88: {  	s2 =	sld [smem:$0x3FD9]  }
0x89: {  	s3 =	sld [smem:$0x3FFE];
	_ =	sdelay $0x1  }
0x8a: {  	s1 =	srdreg.scid  }
0x8b: {  	s0 =	sand.u32 $0x1, s1  }
0x8c: {  	s17 =	sshll.u32 s0, $0xA;
	s2 =	sadd.s32 s3, s2  }
0x8d: {  	s2 =	sadd.s32 s2, s17  }
0x8e: {  	[smem:$0x3FC6] =	sst s2  }
0x8f: {  	_ = 	snop  }
0x90: {  	s18 =	sld [smem:$0x3FC8];
	(tm) =	ssettm $0x1  }
0x91: {  	s19 =	sld [smem:$0x3FFB];
	_ =	sdelay $0x3  }
0x92: {  	_ =	strace s19  }
0x93: {  	s2 =	sld [smem:$0x3FFC];
	_ =	sdelay $0x3  }
0x94: {  	_ =	strace s2  }
0x95: {  	s2 =	sld [smem:$0x3FFD];
	_ =	sdelay $0x3  }
0x96: {  	_ =	strace s2  }
0x97: {  	_ =	strace $0x8FFFFFFF  }
0x98: {  	s20 =	sld [smem:$0x3FDB];
	_ =	sdelay $0x1  }
0x99: {  	s4 =	simm.s32 $_scs_section_size  }
0x9a: {  	s5 =	simm.s32 $_size__tile_overlayer_lowered;
	s6 =	simm.s32 $_tile_overlayer_lowered  }
0x9b: {  	s7 =	simm.s32 $0x1BFF;
	s21 =	sshll.u32 s6, $0x1;
	s4 =	sadd.s32 s4, s20  }
0x9c: {  	s22 =	simm.s32 $0x0;
	s5 =	sshll.u32 s5, $0x1;
	s6 =	sadd.s32 s21, s4  }
0x9d: {  	[timem:s22], [sflag:s7] =	dma.local [hbm:s6], s5  }
0x9e: {  	_ =	swait.ge [sflag:s7], s5  }
0x9f: {  	s5 =	ssub.s32 $0x0, s5;
	[sflag:s7] =	ssyncset.done $0x0  }
0xa0: {  	[sflag:s7] =	ssyncadd.s32 s5;
	_ =	sdelay $0x1  }
0xa1: {  	s23 =	simm.s32 $0x1B8B  }
0xa2: {  	_ =	swait.ge [sflag:s23], $0x1  }
0xa3: {  	[sflag:s23] =	ssyncset.done $0x0  }
0xa4: {  	[sflag:s23] =	ssyncadd.s32 $0xFFFFFFFF  }
0xa5: {  	s5 =	sld [smem:$0x0]  }
0xa6: {  	s6 =	sand.u32 $0xFFFFFFFE, s1  }
0xa7: {  	p0 =	sne.s32 s1, s6  }
0xa8: {  	s6 =	sshll.u32 @p0 s6, $0xE  }
0xa9: {  	s6 =	sadd.s32 @p0 $0x11B8D, s6;
	s7 =	sshll.u32 @p0 s5, $0x11  }
0xaa: {  	s6 =	sor.u32 @p0 s7, s6  }
0xab: {  	[sflag:s6] =	ssyncadd.remote.s32 @p0 $0x1;
	_ =	sdelay $0x1  }
0xac: {  	s6 =	simm.s32 @p0 $0x1B8D  }
0xad: {  	_ =	swait.eq @p0 [sflag:s6], $0x1  }
0xae: {  	[sflag:s6] =	ssyncadd.s32 @p0 $0xFFFFFFFF  }
0xaf: {  	s7 =	sshll.u32 @!p0 s1, $0xE  }
0xb0: {  	s7 =	sor.u32 @!p0 $0x4000, s7;
	s6 =	simm.s32 @!p0 $0x1B8D  }
0xb1: {  	s5 =	sshll.u32 @!p0 s5, $0x11;
	s7 =	sadd.s32 @!p0 $0x11B8D, s7;
	_ =	swait.eq @!p0 [sflag:s6], $0x1  }
0xb2: {  	s5 =	sor.u32 @!p0 s5, s7;
	[sflag:s6] =	ssyncadd.s32 @!p0 $0xFFFFFFFF  }
0xb3: {  	s25 =	simm.s32 $0x1B8E;
	s24 =	sld [smem:$0x3FFE];
	[sflag:s5] =	ssyncadd.remote.s32 @!p0 $0x1  }
0xb4: {  	s26 =	simm.s32 $execute0_lowered;
	[smem:$0x3FD2] =	sst s25  }
0xb5: {  	s6 =	sshll.u32 s26, $0x1;
	_ =	strace $0x80000049;
	[dreg:$0x1] =	wrdreg $0xFFFFFFFF  }
0xb6: {  	s28 =	simm.s32 $_size_execute0_lowered;
	s4 =	sadd.s32 s4, s6;
	[dreg:$0x0] =	wrdreg $0x0  }
0xb7: {  	s6 =	sshll.u32 s28, $0x1;
	[dreg:$0x2] =	wrdreg s4  }
0xb8: {  	[dreg:$0x3] =	wrdreg s6  }
0xb9: {  	[dreg:$0x4] =	wrdreg $0xC0  }
0xba: {  	_ =	task [dreg:s22], $0x5FFFF  }
0xbb: {  	[dreg:$0x1] =	wrdreg $0xFFFFFFFF  }
0xbc: {  	[dreg:$0x0] =	wrdreg $0x60  }
0xbd: {  	[dreg:$0x2] =	wrdreg s24  }
0xbe: {  	[dreg:$0x3] =	wrdreg s18  }
0xbf: {  	[dreg:$0x4] =	wrdreg $0xA  }
0xc0: {  	_ =	task.clear_ibuf [dreg:s22], $0x5FFFF;
	_ =	strace $0x90000049  }
0xc1: {  	s29 =	simm.s32 $0xA;
	_ =	strace $0x8000004B  }
0xc2: {  	_ =	swait.ge [sflag:s29], $0x1  }
0xc3: {  	[sflag:s29] =	ssyncadd.s32 $0xFFFFFFFF  }
0xc4: {  	_ =	strace $0x9000004B  }
0xc5: {  	_ =	sfence  }
0xc6: {  	s30 =	sld [smem:$0x0];
	_ =	sdelay $0x2  }
0xc7: {  	s31 =	sshll.u32 s1, $0xD;
	s1 =	sshrl.u32 s1, $0x2  }
0xc8: {  	s4 =	sand.u32 $0x4000, s31;
	s1 =	sadd.s32 s1, s30  }
0xc9: {  	s0 =	sor.u32 s4, s0;
	s1 =	sshll.u32 s1, $0x11  }
0xca: {  	s0 =	sor.u32 s1, s0  }
0xcb: {  	s0 =	sadd.s32 $0x8F2B, s0  }
0xcc: {  	[sflag:s0] =	ssyncadd.remote.s32 $0x1  }
0xcd: {  	_ =	sfence.sel $0xFFFF  }
0xce: {  	[dreg:$0x0] =	wrdreg $0xFFFFFFFF;
	(pc) =	sbr.abs _section_cstart, $3  }
0xcf: {  	[dreg:$0x1] =	wrdreg $0xFFFFFFFF  }
0xd0: {  	_ =	task.clear_ibuf [dreg:s22], $0x2FFFF;
	_ =	strace $0x9FFFFFFF  }
0xd1: {  	(tm) =	ssettm $0x7FFFFFFF  }
tec
execute0_lowered:
.L_overlay_start_1:
0x0: {  	(tag) =	ssettag $0x1  }
0x1: {  	s5 =	rddreg [dreg:$0x0]  }
0x2: {  	s7 =	rddreg [dreg:$0x1]  }
0x3: {  	s0 =	rddreg [dreg:$0x2]  }
0x4: {  	s2 =	simm.s32 $0x0;
	s1 =	stileid.u32;
	s6 =	srdreg.scid  }
0x5: {  	v0 =	vimm.s32 $0x0;
	vm0 =	vcmask $0x704;
	s13 =	simm.s32 $0x4;
	s14 =	simm.s32 $0x7580;
	s15 =	simm.s32 $0x2  }
0x6: {  	vm7 =	vcmask $0xB08;
	s16 =	simm.s32 $0x13D80;
	s17 =	simm.s32 $0x3;
	s4 =	sshrl.u32 s1, $0x3;
	v0 =	vsel vm0, $0x2714, v0  }
0x7: {  	vm8 =	vcmask $0x1310;
	s18 =	simm.s32 $0x1;
	s19 =	simm.s32 $0x0;
	s8 =	smul.u32 $0x3AC00, s4;
	v0 =	vsel vm7, $0x4E28, v0  }
0x8: {  	vm9 =	vcmask $0x1714;
	[smem:$0x7FF] =	sst s2;
	s6 =	sand.u32 $0x1, s6;
	s4 =	smul.u32 $0x96000, s1;
	v0 =	vsel vm8, $0x2714, v0  }
0x9: {  	vm10 =	vcmask $0x1F1C;
	s3 =	sadd.s32 $0x28AC00, s5;
	s9 =	sshll.u32 s1, $0x7;
	s11 =	smul.u32 $0x4B000, s6;
	v0 =	vsel vm9, $0x4E28, v0  }
0xa: {  	vm11 =	vcmask $0x2320;
	s5 =	sadd.s32 $0x3B6C00, s5;
	s10 =	ssub.s32 $0x2, s6;
	s6 =	smul.u32 $0x960, s6;
	v0 =	vsel vm10, $0x2714, v0  }
.Ltmp0:
0xb: {  	vm12 =	vcmask $0x2B28;
	_ =	strace $0x8000004A;
	s9 =	sand.u32 $0x380, s9;
	v0 =	vsel vm11, $0x4E28, v0;
	(pc) =	sbr.rel .LBB2_1-.Ltmp0, $4  }
0xc: {  	vm13 =	vcmask $0x2F2C;
	s12 =	sshrl.u32 s10, $0x1;
	s8 =	sor.u32 s9, s8;
	s30 =	sadd.s32 s11, s4;
	v0 =	vsel vm12, $0x2714, v0  }
0xd: {  	vm14 =	vcmask $0x3734;
	s10 =	ssub.s32 s10, s12;
	s9 =	sadd.s32 $0x1450, s6;
	s11 =	simm.s32 $0x80;
	v0 =	vsel vm13, $0x4E28, v0  }
0xe: {  	vm15 =	vcmask $0x3B38;
	s12 =	simm.s32 $0x400;
	s8 =	sshrl.u32 s8, $0x3;
	s31 =	sshrl.u32 s30, $0x3;
	v0 =	vsel vm14, $0x2714, v0  }
0xf: {  	s10 =	smax.u32 s10, $0x1;
	s7 =	sadd.s32 s7, s8;
	s8 =	sadd.s32 s3, s31;
	v0 =	vsel vm15, $0x4E28, v0  }
.LBB2_10:
0x10: {  	s19 =	sadd.s32 $0x1, s19  }
0x11: {  	p0 =	sne.s32 s19, s10  }
.Ltmp1:
0x12: {  	_ = 	snop;
	(pc) =	sbr.rel @!p0 .LBB2_11-.Ltmp1, $4  }
0x13: {  	_ = 	snop  }
0x14: {  	_ =	swait.ge [sflag:s17], $0x6400  }
0x15: {  	[sflag:s17] =	ssyncset.done $0x0  }
0x16: {  	[sflag:s17] =	ssyncadd.s32 $0xFFFF9C00  }
.LBB2_1:
0x17: {  	[tilespmem:s2], [sflag:$0x4] =	stream.strided.gather [hbm4b:s7+s11], $0x7580, s12, s11, $0x38;
	[tilespmem:$0x1A180] =	vst v63  }
.Ltmp2:
0x18: {  	_ = 	snop;
	(pc) =	sbr.rel .LBB2_2-.Ltmp2, $4  }
0x19: {  	_ =	swait.ge [sflag:s13], $0x7580  }
0x1a: {  	[sflag:s13] =	ssyncset.done $0x0  }
0x1b: {  	s20 =	smov.u32 s6;
	s23 =	simm.s32 $0x0;
	[sflag:s13] =	ssyncadd.s32 $0xFFFF8A80  }
0x1c: {  	[tilespmem:s14], [sflag:$0x1] =	stream.linear.gather [hbm4b:s8+s2], $0x6400, $0x38;
	[tilespmem:$0x1A180] =	vst v63  }
.LBB2_9:
0x1d: {  	s22 =	sadd.s32 s6, s22;
	p0 =	sne.s32 s21, $0xC  }
.Ltmp3:
0x1e: {  	s22 =	sshll.u32 s22, $0x7;
	(pc) =	sbr.rel @!p0 .LBB2_10-.Ltmp3, $4  }
0x1f: {  	s22 =	sadd.s32 s4, s22  }
0x20: {  	s22 =	sshrl.u32 s22, $0x3  }
0x21: {  	s20 =	sadd.s32 $0xC8, s20;
	s23 =	smov.u32 s21;
	s22 =	sadd.s32 s5, s22  }
0x22: {  	[hbm4b:s22+s2] =	stream.linear.scatter [tilespmem:s16], [sflag:$0x3], $0x6400, $0x38;
	[tilespmem:$0x1A180] =	vst v63  }
.LBB2_2:
0x23: {  	s21 =	sadd.s32 $0x1, s23;
	p0 =	seq.s32 s23, $0xB  }
0x24: {  	s22 =	smul.u32 @!p0 $0xC8, s21;
	_ =	sdelay $0x1  }
0x25: {  	s22 =	sadd.s32 @!p0 s6, s22  }
0x26: {  	s24 =	sand.u32 @!p0 $0x1, s21;
	s22 =	sshll.u32 @!p0 s22, $0x7  }
0x27: {  	p1 =	seq.s32 @!p0 s24, $0x1;
	s22 =	sadd.s32 @!p0 s4, s22  }
0x28: {  	p2 =	por p1, p0;
	s22 =	sshrl.u32 @!p0 s22, $0x3  }
0x29: {  	s24 =	simm.s32 @!p2 $0x0;
	s25 =	simm.s32 @!p2 $0x7580;
	s22 =	sadd.s32 @!p0 s3, s22  }
0x2a: {  	[tilespmem:s25], [sflag:$0x1] =	stream.linear.gather @!p2 [hbm4b:s22+s24], $0x6400, $0x38;
	[tilespmem:$0x1A180] =	vst v63  }
0x2b: {  	s24 =	sand.u32 @!p2 $0x1, s23  }
0x2c: {  	p2 =	seq.s32 @!p2 s24, $0x1  }
0x2d: {  	p1 =	por @!p0 p1, !p2  }
0x2e: {  	p0 =	por p0, !p1  }
0x2f: {  	s24 =	simm.s32 @!p0 $0x0;
	s25 =	simm.s32 @!p0 $0xD980;
	p1 =	seq.s32 @!p0 s23, $0x0  }
0x30: {  	[tilespmem:s25], [sflag:$0x2] =	stream.linear.gather @!p0 [hbm4b:s22+s24], $0x6400, $0x38;
	[tilespmem:$0x1A180] =	vst v63  }
0x31: {  	p0 =	por p0, !p1  }
0x32: {  	s24 =	sand.u32 @p0 $0x1, s23  }
0x33: {  	p1 =	seq.s32 @p0 s24, $0x0  }
0x34: {  	p1 =	por !p0, p1  }
.Ltmp4:
0x35: {  	_ = 	snop;
	(pc) =	sbr.rel @p1 .LBB2_4-.Ltmp4, $4  }
0x36: {  	s22 =	simm.s32 @p0 $0x3  }
0x37: {  	_ =	swait.ge @p0 [sflag:s22], $0x6400  }
0x38: {  	[sflag:s22] =	ssyncset.done @p0 $0x0  }
0x39: {  	[sflag:s22] =	ssyncadd.s32 @p0 $0xFFFF9C00;
	s22 =	smul.u32 $0xC8, s23  }
.Ltmp5:
0x3a: {  	(pc) =	sbr.rel .LBB2_7-.Ltmp5, $3  }
0x3b: {  	_ = 	snop  }
0x3c: {  	s22 =	smul.u32 $0xC8, s23;
	_ =	sdelay $0x1  }
0x3d: {  	s23 =	sadd.s32 s22, s9  }
.LBB2_4:
0x3e: {  	_ =	swait.ge [sflag:s18], $0x6400;
	s24 =	simm.s32 @!p0 $0x0  }
0x3f: {  	s25 =	simm.s32 $0xFFFFFFF8;
	s26 =	simm.s32 $0x13F80;
	[sflag:s18] =	ssyncset.done $0x0  }
0x40: {  	s28 =	simm.s32 $0x7780;
	s23 =	sadd.s32 s22, s9;
	[sflag:s18] =	ssyncadd.s32 $0xFFFF9C00  }
.LBB2_5:
0x41: {  	v1 =	vld [tilespmem:s28+$0xFFFFFE01]  }
0x42: {  	s29 =	sadd.s32 s25, s20;
	v2 =	vld.msk [tilespmem:s28+$0xFFFFFE00 ss:$0x0], $0xffff  }
0x43: {  	v8 =	vld [tilespmem:s28+$0xFFFFFE11];
	s30 =	sadd.s32 $0x1458, s29  }
0x44: {  	v3 =	vadd.s32 s30, v0;
	_ =	sdelay $0x2  }
0x45: {  	v13 =	vld [tilespmem:s28+$0xFFFFFE21];
	v4 =	vadd.s32 $0x2714, v1  }
0x46: {  	v52 =	vld [tilespmem:s28+$0xFFFFFE31];
	v2 =	vadd.s32 v0, v2  }
0x47: {  	v5 =	vadd.s32 $0x4E28, v1;
	v3 =	vld.idx.msk [tilespmem:v3+s2+$0x0], $0xffff  }
0x48: {  	v12 =	vadd.s32 $0x2714, v8;
	v1 =	vld.idx.msk [tilespmem:v1+s2+$0x0], $0xffff  }
0x49: {  	v16 =	vadd.s32 $0x4E28, v8;
	v8 =	vld.idx.msk [tilespmem:v8+s2+$0x0], $0xffff  }
0x4a: {  	v18 =	vadd.s32 $0x2714, v13;
	v4 =	vld.idx.msk [tilespmem:v4+s2+$0x0], $0xffff  }
0x4b: {  	v19 =	vadd.s32 $0x4E28, v13;
	v2 =	vld.idx.msk [tilespmem:v2+s2+$0x0], $0xffff  }
0x4c: {  	v21 =	vadd.s32 $0x4E28, v52;
	v5 =	vld.idx.msk [tilespmem:v5+s2+$0x0], $0xffff  }
0x4d: {  	v12 =	vld.idx.msk [tilespmem:v12+s2+$0x0], $0xffff;
	v6 =	vbroadcast v3, $0x0  }
0x4e: {  	v16 =	vld.idx.msk [tilespmem:v16+s2+$0x0], $0xffff;
	v7 =	vbroadcast v3, $0x1  }
0x4f: {  	v18 =	vld.idx.msk [tilespmem:v18+s2+$0x0], $0xffff;
	v9 =	vbroadcast v3, $0x2;
	v1 =	vsub.f32 v1, v6  }
0x50: {  	v19 =	vld.idx.msk [tilespmem:v19+s2+$0x0], $0xffff;
	v8 =	vsub.f32 v8, v6;
	v4 =	vsub.f32 v4, v7  }
0x51: {  	v58 =	vadd.s32 $0x2714, v52;
	v21 =	vld.idx.msk [tilespmem:v21+s2+$0x0], $0xffff;
	v2 =	vsub.f32 v2, v3;
	v3 =	vsub.f32 v5, v9  }
0x52: {  	v28 =	vld [tilespmem:s28+$0xFFFFFE81];
	v12 =	vsub.f32 v12, v7;
	v48 =	vmul.f32 v1, v1;
	v57 =	vmul.f32 v8, v8  }
0x53: {  	v56 =	vsub.f32 v16, v9;
	v10 =	vmul.f32 v4, v4;
	v11 =	vmul.f32 v2, v2  }
0x54: {  	v18 =	vsub.f32 v18, v7;
	v49 =	vmul.f32 v3, v3;
	v17 =	vbroadcast v2, $0x0  }
0x55: {  	v60 =	vsub.f32 v19, v9;
	v50 =	vbroadcast v2, $0x1;
	v2 =	vbroadcast v2, $0x2  }
0x56: {  	v9 =	vsub.f32 v21, v9;
	v20 =	vmul.f32 v12, v12;
	v59 =	vmul.f32 v56, v56  }
0x57: {  	v32 =	vadd.s32 $0x2714, v28;
	v62 =	vmul.f32 v18, v18;
	v63 =	vmul.f32 v60, v60  }
0x58: {  	v36 =	vadd.s32 $0x4E28, v28;
	v29 =	vmul.f32 v9, v9;
	v14 =	vbroadcast v11, $0x0  }
0x59: {  	v5 =	vadd.f32 v10, v48;
	v15 =	vbroadcast v11, $0x1;
	v11 =	vbroadcast v11, $0x2  }
0x5a: {  	v1 =	vmul.f32 v1, v17;
	v4 =	vmul.f32 v4, v50;
	v16 =	vadd.f32 v20, v57  }
0x5b: {  	v8 =	vmul.f32 v8, v17;
	v12 =	vmul.f32 v12, v50;
	v5 =	vadd.f32 v49, v5  }
0x5c: {  	v54 =	vld.idx.msk [tilespmem:v13+s2+$0x0], $0xffff;
	v3 =	vmul.f32 v3, v2;
	v14 =	vadd.f32 v15, v14;
	v1 =	vadd.f32 v4, v1  }
0x5d: {  	v8 =	vadd.f32 v12, v8;
	v51 =	vshra.s32 v5, $0x1;
	v5 =	vmul.f32 $5.000000000e-01, v5  }
0x5e: {  	v4 =	vmul.f32 v56, v2;
	v11 =	vadd.f32 v14, v11;
	v14 =	vld.idx.msk [tilespmem:v52+s2+$0x0], $0xffff;
	v15 =	vsub.s32 $0x5F3759DF, v51  }
0x5f: {  	v43 =	vld [tilespmem:s28+$0xFFFFFE91];
	v18 =	vmul.f32 v18, v50;
	v1 =	vadd.f32 v3, v1;
	v5 =	vmul.f32 v15, v5  }
0x60: {  	v24 =	vld.msk [tilespmem:s28+$0xFFFFFE80 ss:$0x0], $0xffff;
	v4 =	vadd.f32 v4, v8;
	v55 =	vshra.s32 v11, $0x1;
	v11 =	vmul.f32 $5.000000000e-01, v11  }
0x61: {  	v13 =	vsub.s32 $0x5F3759DF, v55;
	v53 =	vmul.f32 v15, v5;
	v5 =	vsub.f32 v54, v6  }
0x62: {  	v1 =	vmax.f32 v1, $0.0e+00;
	v4 =	vmax.f32 v4, $0.0e+00;
	v11 =	vmul.f32 v13, v11  }
0x63: {  	v51 =	vld [tilespmem:s28+$0xFFFFFEA1];
	v6 =	vsub.f32 v14, v6;
	v3 =	vsub.f32 $1.500000000e+00, v53;
	v61 =	vmul.f32 v5, v5  }
0x64: {  	v55 =	vadd.s32 $0x4E28, v43;
	v11 =	vmul.f32 v13, v11;
	v5 =	vmul.f32 v5, v17  }
0x65: {  	v14 =	vadd.s32 v0, v24;
	v26 =	vmul.f32 v6, v6;
	v3 =	vmul.f32 v15, v3;
	v15 =	vld.idx.msk [tilespmem:v58+s2+$0x0], $0xffff  }
0x66: {  	v6 =	vmul.f32 v6, v17;
	v19 =	vadd.f32 v62, v61;
	v5 =	vadd.f32 v18, v5  }
0x67: {  	v42 =	vsub.f32 $1.500000000e+00, v11;
	v1 =	vmul.f32 v3, v1;
	v3 =	vadd.f32 v59, v16  }
0x68: {  	v61 =	vadd.s32 $0x4E28, v51;
	v19 =	vadd.f32 v63, v19;
	v16 =	vmul.f32 v60, v2  }
0x69: {  	v2 =	vmul.f32 v9, v2;
	v22 =	vshra.s32 v3, $0x1;
	v3 =	vmul.f32 $5.000000000e-01, v3  }
0x6a: {  	s31 =	sadd.s32 $0x1459, s29;
	v23 =	vshra.s32 v19, $0x1;
	v25 =	vmul.f32 $5.000000000e-01, v19;
	v7 =	vsub.f32 v15, v7  }
0x6b: {  	v22 =	vsub.s32 $0x5F3759DF, v22;
	v12 =	vsub.s32 $0x5F3759DF, v23;
	v23 =	vadd.s32 s31, v0  }
0x6c: {  	v60 =	vadd.s32 $0x2714, v51;
	v63 =	vld [tilespmem:s28+$0xFFFFFEB1];
	v3 =	vmul.f32 v22, v3;
	v27 =	vmul.f32 v7, v7  }
0x6d: {  	v41 =	vld.idx.msk [tilespmem:v32+s2+$0x0], $0xffff;
	v5 =	vadd.f32 v16, v5;
	v15 =	vmul.f32 v12, v25;
	v7 =	vmul.f32 v7, v50  }
0x6e: {  	v14 =	vld.idx.msk [tilespmem:v14+s2+$0x0], $0xffff;
	v1 =	vadd.f32 $0.0e+00, v1;
	v3 =	vmul.f32 v22, v3;
	v19 =	vadd.f32 v27, v26  }
0x6f: {  	v5 =	vmax.f32 v5, $0.0e+00;
	v25 =	vld.msk [tilespmem:s28+$0xFFFFFF00 ss:$0x0], $0xffff;
	v30 =	vmul.f32 v12, v15;
	v6 =	vadd.f32 v7, v6  }
0x70: {  	v50 =	vadd.s32 $0x2714, v43;
	v3 =	vsub.f32 $1.500000000e+00, v3;
	v35 =	vld.idx.msk [tilespmem:v23+s2+$0x0], $0xffff;
	v31 =	vadd.f32 v29, v19  }
0x71: {  	v45 =	vld.idx.msk [tilespmem:v36+s2+$0x0], $0xffff;
	v24 =	vadd.s32 $0x4E28, v63;
	v8 =	vsub.f32 $1.500000000e+00, v30;
	v2 =	vadd.f32 v2, v6  }
0x72: {  	v20 =	vld.idx.msk [tilespmem:v55+s2+$0x0], $0xffff;
	v3 =	vmul.f32 v22, v3;
	v33 =	vshra.s32 v31, $0x1;
	v15 =	vmul.f32 $5.000000000e-01, v31  }
0x73: {  	v16 =	vld.idx.msk [tilespmem:v51+s2+$0x0], $0xffff;
	v38 =	vmul.f32 v12, v8;
	v2 =	vmax.f32 v2, $0.0e+00;
	v34 =	vsub.s32 $0x5F3759DF, v33  }
0x74: {  	v3 =	vmul.f32 v3, v4;
	v4 =	vld.idx.msk [tilespmem:v43+s2+$0x0], $0xffff;
	v43 =	vadd.s32 v0, v25;
	v37 =	vmul.f32 v34, v15  }
0x75: {  	v46 =	vbroadcast v35, $0x0;
	v47 =	vbroadcast v35, $0x1;
	v48 =	vsub.f32 v14, v35  }
0x76: {  	v49 =	vbroadcast v35, $0x2;
	v35 =	vadd.s32 $0x2714, v63;
	v1 =	vadd.f32 v3, v1  }
0x77: {  	v3 =	vmul.f32 v38, v5;
	v40 =	vmul.f32 v34, v37;
	v9 =	vsub.f32 v41, v47  }
0x78: {  	v59 =	vld.idx.msk [tilespmem:v50+s2+$0x0], $0xffff;
	v14 =	vmul.f32 v48, v48;
	v6 =	vsub.f32 v45, v49;
	v18 =	vbroadcast v48, $0x1  }
0x79: {  	v15 =	vld.idx.msk [tilespmem:v60+s2+$0x0], $0xffff;
	v5 =	vbroadcast v48, $0x2;
	v29 =	vsub.f32 v20, v49;
	v16 =	vsub.f32 v16, v46  }
0x7a: {  	v39 =	vld.idx.msk [tilespmem:v28+s2+$0x0], $0xffff;
	v3 =	vadd.f32 v3, v1;
	v52 =	vmul.f32 v9, v9;
	v53 =	vbroadcast v14, $0x0  }
0x7b: {  	v22 =	vld.idx.msk [tilespmem:v63+s2+$0x0], $0xffff;
	v44 =	vsub.f32 $1.500000000e+00, v40;
	v54 =	vbroadcast v14, $0x1;
	v56 =	vmul.f32 v6, v6  }
0x7c: {  	v41 =	vld.idx.msk [tilespmem:v24+s2+$0x0], $0xffff;
	v57 =	vbroadcast v14, $0x2;
	v9 =	vmul.f32 v9, v18;
	v4 =	vsub.f32 v4, v46  }
0x7d: {  	v14 =	vsub.f32 v59, v47;
	v6 =	vmul.f32 v6, v5;
	v36 =	vmul.f32 v16, v16  }
0x7e: {  	v40 =	vmul.f32 v29, v5;
	v15 =	vsub.f32 v15, v47;
	v1 =	vmul.f32 v34, v44  }
0x7f: {  	v8 =	vsub.f32 v39, v46;
	v30 =	vmul.f32 v4, v4;
	v31 =	vmul.f32 v14, v14  }
0x80: {  	v7 =	vsub.f32 v22, v46;
	v23 =	vld.idx.msk [tilespmem:v35+s2+$0x0], $0xffff;
	v34 =	vmul.f32 v29, v29;
	v37 =	vmul.f32 v15, v15  }
0x81: {  	v44 =	vld [tilespmem:s28+$0xFFFFFF01];
	v12 =	vsub.f32 v41, v49;
	v2 =	vmul.f32 v1, v2;
	v1 =	vmul.f32 v8, v8  }
0x82: {  	v14 =	vmul.f32 v14, v18;
	v45 =	vmul.f32 v15, v18;
	v33 =	vadd.f32 v31, v30  }
0x83: {  	v20 =	vadd.f32 v37, v36;
	v50 =	vmul.f32 v12, v12;
	v17 =	vadd.f32 v52, v1  }
0x84: {  	s31 =	sadd.s32 $0x145A, s29;
	v1 =	vmul.f32 v13, v42;
	v3 =	vadd.f32 v2, v3;
	v2 =	vadd.f32 v54, v53  }
0x85: {  	v42 =	vadd.s32 s31, v0;
	v11 =	vsub.f32 v23, v47;
	v47 =	vmul.f32 v7, v7  }
0x86: {  	v54 =	vadd.s32 $0x2714, v44;
	v58 =	vadd.f32 v56, v17;
	v17 =	vbroadcast v48, $0x0  }
0x87: {  	v10 =	vadd.f32 v2, v57;
	v48 =	vmul.f32 v11, v11;
	v11 =	vmul.f32 v11, v18  }
0x88: {  	v57 =	vadd.s32 $0x4E28, v44;
	v1 =	vmul.f32 v3, v1;
	v13 =	vmul.f32 $5.000000000e-01, v58  }
0x89: {  	v2 =	vshra.s32 v58, $0x1;
	v8 =	vmul.f32 v8, v17;
	v4 =	vmul.f32 v4, v17  }
0x8a: {  	v28 =	vld.idx.msk [tilespmem:v61+s2+$0x0], $0xffff;
	v16 =	vmul.f32 v16, v17;
	v7 =	vmul.f32 v7, v17;
	v62 =	vsub.s32 $0x5F3759DF, v2  }
0x8b: {  	v61 =	vld [tilespmem:s28+$0xFFFFFF11];
	v2 =	vshra.s32 v10, $0x1;
	v10 =	vmul.f32 $5.000000000e-01, v10;
	v8 =	vadd.f32 v9, v8  }
0x8c: {  	v13 =	vmul.f32 v62, v13;
	v9 =	vadd.f32 v34, v33;
	v4 =	vadd.f32 v14, v4  }
0x8d: {  	v2 =	vsub.s32 $0x5F3759DF, v2;
	v14 =	vadd.f32 v45, v16;
	v7 =	vadd.f32 v11, v7  }
0x8e: {  	v51 =	vld.idx.msk [tilespmem:v42+s2+$0x0], $0xffff;
	v10 =	vmul.f32 v2, v10;
	v27 =	vmul.f32 v62, v13;
	v6 =	vadd.f32 v6, v8  }
0x8f: {  	v42 =	vld [tilespmem:s28+$0xFFFFFF31];
	v13 =	vsub.f32 v28, v49;
	v38 =	vshra.s32 v9, $0x1;
	v9 =	vmul.f32 $5.000000000e-01, v9  }
0x90: {  	v4 =	vadd.f32 v40, v4;
	v49 =	vadd.f32 v48, v47;
	v28 =	vadd.s32 $0x4E28, v61  }
0x91: {  	v58 =	vld.idx.msk [tilespmem:v44+s2+$0x0], $0xffff;
	v10 =	vmul.f32 v2, v10;
	v32 =	vsub.f32 $1.500000000e+00, v27;
	v6 =	vmax.f32 v6, $0.0e+00  }
0x92: {  	v39 =	vmul.f32 v13, v13;
	v13 =	vmul.f32 v13, v5;
	v4 =	vmax.f32 v4, $0.0e+00  }
0x93: {  	v55 =	vadd.f32 v50, v49;
	v5 =	vmul.f32 v12, v5;
	v11 =	vbroadcast v51, $0x0  }
0x94: {  	v27 =	vadd.s32 $0x2714, v61;
	v47 =	vadd.s32 $0x2714, v42;
	v10 =	vsub.f32 $1.500000000e+00, v10  }
0x95: {  	v8 =	vmul.f32 v62, v32;
	v20 =	vadd.f32 v39, v20;
	v13 =	vadd.f32 v13, v14  }
0x96: {  	v16 =	vshra.s32 v55, $0x1;
	v14 =	vmul.f32 $5.000000000e-01, v55;
	v19 =	vsub.f32 v58, v11  }
0x97: {  	v60 =	vsub.s32 $0x5F3759DF, v16;
	v2 =	vmul.f32 v2, v10;
	v6 =	vmul.f32 v8, v6  }
0x98: {  	v62 =	vld.idx.msk [tilespmem:v54+s2+$0x0], $0xffff;
	v8 =	vsub.s32 $0x5F3759DF, v38;
	v21 =	vshra.s32 v20, $0x1;
	v20 =	vmul.f32 $5.000000000e-01, v20  }
0x99: {  	v40 =	vld [tilespmem:s28+$0xFFFFFF21];
	v14 =	vmul.f32 v60, v14;
	v29 =	vmul.f32 v19, v19;
	v21 =	vsub.s32 $0x5F3759DF, v21  }
0x9a: {  	v53 =	vld.idx.msk [tilespmem:v43+s2+$0x0], $0xffff;
	v50 =	vadd.s32 $0x4E28, v42;
	v9 =	vmul.f32 v8, v9;
	v46 =	vmul.f32 v21, v20  }
0x9b: {  	v3 =	vadd.f32 v5, v7;
	v63 =	vmul.f32 v60, v14;
	v14 =	vbroadcast v51, $0x1  }
0x9c: {  	v13 =	vmax.f32 v13, $0.0e+00;
	v9 =	vmul.f32 v8, v9;
	v15 =	vmul.f32 v21, v46  }
0x9d: {  	v55 =	vld.msk [tilespmem:s28+$0xFFFFFF80 ss:$0x0], $0xffff;
	v3 =	vmax.f32 v3, $0.0e+00;
	v16 =	vsub.f32 v62, v14;
	v31 =	vsub.f32 $1.500000000e+00, v63  }
0x9e: {  	v38 =	vld.idx.msk [tilespmem:v28+s2+$0x0], $0xffff;
	v20 =	vbroadcast v51, $0x2;
	v9 =	vsub.f32 $1.500000000e+00, v9;
	v52 =	vsub.f32 $1.500000000e+00, v15  }
0x9f: {  	v36 =	vld.idx.msk [tilespmem:v27+s2+$0x0], $0xffff;
	v15 =	vsub.f32 v53, v51;
	v30 =	vmul.f32 v16, v16;
	v5 =	vmul.f32 v60, v31  }
0xa0: {  	v27 =	vadd.s32 $0x4E28, v40;
	v58 =	vld.idx.msk [tilespmem:v50+s2+$0x0], $0xffff;
	v8 =	vmul.f32 v8, v9;
	v56 =	vmul.f32 v21, v52  }
0xa1: {  	v6 =	vadd.f32 $0.0e+00, v6;
	v22 =	vld.idx.msk [tilespmem:v40+s2+$0x0], $0xffff;
	v24 =	vmul.f32 v15, v15;
	v21 =	vbroadcast v15, $0x1  }
0xa2: {  	s31 =	sadd.s32 $0x145B, s29;
	v32 =	vld.idx.msk [tilespmem:v61+s2+$0x0], $0xffff;
	v10 =	vadd.s32 v0, v55;
	v3 =	vmul.f32 v5, v3;
	v4 =	vmul.f32 v8, v4  }
0xa3: {  	v63 =	vadd.s32 s31, v0;
	v9 =	vld.idx.msk [tilespmem:v57+s2+$0x0], $0xffff;
	v8 =	vbroadcast v15, $0x0;
	v15 =	vbroadcast v15, $0x2  }
0xa4: {  	v34 =	vadd.f32 v30, v29;
	v59 =	vmul.f32 v56, v13;
	v25 =	vbroadcast v24, $0x0  }
0xa5: {  	v30 =	vsub.f32 v58, v20;
	v26 =	vbroadcast v24, $0x1;
	v12 =	vbroadcast v24, $0x2  }
0xa6: {  	v52 =	vld.idx.msk [tilespmem:v27+s2+$0x0], $0xffff;
	v16 =	vmul.f32 v16, v21;
	v13 =	vsub.f32 v38, v20;
	v56 =	vsub.f32 v22, v11  }
0xa7: {  	v4 =	vadd.f32 v4, v6;
	v19 =	vmul.f32 v19, v8;
	v6 =	vsub.f32 v32, v11  }
0xa8: {  	v17 =	vadd.f32 v26, v25;
	v9 =	vsub.f32 v9, v20;
	v45 =	vmul.f32 v13, v13  }
0xa9: {  	v26 =	vadd.s32 $0x2714, v40;
	v61 =	vmul.f32 v56, v56;
	v13 =	vmul.f32 v13, v15  }
0xaa: {  	v4 =	vadd.f32 v59, v4;
	v16 =	vadd.f32 v16, v19;
	v43 =	vmul.f32 v6, v6  }
0xab: {  	v6 =	vmul.f32 v6, v8;
	v60 =	vsub.f32 v52, v20;
	v33 =	vadd.f32 v17, v12  }
0xac: {  	v35 =	vmul.f32 v9, v9;
	v17 =	vsub.f32 v36, v14;
	v9 =	vmul.f32 v9, v15  }
0xad: {  	v19 =	vld.idx.msk [tilespmem:v42+s2+$0x0], $0xffff;
	v36 =	vmul.f32 v30, v30;
	v3 =	vadd.f32 v3, v4;
	v29 =	vmul.f32 v60, v60  }
0xae: {  	v37 =	vshra.s32 v33, $0x1;
	v12 =	vadd.f32 v35, v34;
	v7 =	vmul.f32 $5.000000000e-01, v33  }
0xaf: {  	v44 =	vmul.f32 v17, v17;
	v9 =	vadd.f32 v9, v16;
	v17 =	vmul.f32 v17, v21  }
0xb0: {  	v34 =	vmul.f32 v56, v8;
	v39 =	vsub.s32 $0x5F3759DF, v37;
	v2 =	vmul.f32 v3, v2  }
0xb1: {  	v54 =	vld.idx.msk [tilespmem:v47+s2+$0x0], $0xffff;
	v41 =	vshra.s32 v12, $0x1;
	v12 =	vmul.f32 $5.000000000e-01, v12;
	v24 =	vadd.f32 v44, v43  }
0xb2: {  	v49 =	vld.idx.msk [tilespmem:v26+s2+$0x0], $0xffff;
	v7 =	vmul.f32 v39, v7;
	v11 =	vsub.f32 v19, v11;
	v23 =	vsub.s32 $0x5F3759DF, v41  }
0xb3: {  	v37 =	vld.idx.msk [tilespmem:v63+s2+$0x0], $0xffff;
	v9 =	vmax.f32 v9, $0.0e+00;
	v6 =	vadd.f32 v17, v6;
	v12 =	vmul.f32 v23, v12  }
0xb4: {  	v10 =	vld.idx.msk [tilespmem:v10+s2+$0x0], $0xffff;
	v46 =	vadd.f32 v45, v24;
	v7 =	vmul.f32 v39, v7;
	v31 =	vmul.f32 v11, v11  }
0xb5: {  	v6 =	vadd.f32 v13, v6;
	v8 =	vmul.f32 v11, v8;
	v12 =	vmul.f32 v23, v12  }
0xb6: {  	v48 =	vshra.s32 v46, $0x1;
	v5 =	vmul.f32 $5.000000000e-01, v46;
	v53 =	vsub.f32 $1.500000000e+00, v7  }
0xb7: {  	v57 =	vsub.f32 v49, v14;
	v49 =	vmul.f32 v30, v15;
	v51 =	vsub.s32 $0x5F3759DF, v48  }
0xb8: {  	v7 =	vsub.f32 v54, v14;
	v16 =	vbroadcast v37, $0x0;
	v5 =	vmul.f32 v51, v5  }
0xb9: {  	v10 =	vsub.f32 v10, v37;
	v3 =	vmul.f32 v39, v53;
	v62 =	vmul.f32 v57, v57  }
0xba: {  	v46 =	vld [tilespmem:s28+$0xFFFFFF91];
	v12 =	vsub.f32 $1.500000000e+00, v12;
	v32 =	vmul.f32 v7, v7;
	v17 =	vmul.f32 v57, v21  }
0xbb: {  	v6 =	vmax.f32 v6, $0.0e+00;
	v7 =	vmul.f32 v7, v21;
	v48 =	vmul.f32 v10, v10  }
0xbc: {  	v12 =	vmul.f32 v23, v12;
	v5 =	vmul.f32 v51, v5;
	v28 =	vadd.f32 v62, v61  }
0xbd: {  	v35 =	vadd.f32 v32, v31;
	v40 =	vadd.f32 v17, v34;
	v52 =	vbroadcast v48, $0x1  }
0xbe: {  	v39 =	vld [tilespmem:s28+$0xFFFFFF81];
	v7 =	vadd.f32 v7, v8;
	v55 =	vbroadcast v48, $0x2;
	v17 =	vbroadcast v37, $0x1  }
0xbf: {  	v34 =	vbroadcast v10, $0x0;
	v53 =	vadd.s32 $0x2714, v46;
	v56 =	vadd.s32 $0x4E28, v46  }
0xc0: {  	v9 =	vmul.f32 v12, v9;
	v59 =	vsub.f32 $1.500000000e+00, v5;
	v33 =	vadd.f32 v29, v28  }
0xc1: {  	v14 =	vadd.f32 v36, v35;
	v5 =	vmul.f32 v60, v15;
	v60 =	vbroadcast v37, $0x2  }
0xc2: {  	v7 =	vadd.f32 v49, v7;
	v35 =	vbroadcast v10, $0x1;
	v10 =	vbroadcast v10, $0x2  }
0xc3: {  	v45 =	vadd.s32 $0x2714, v39;
	v47 =	vadd.s32 $0x4E28, v39;
	v4 =	vmul.f32 v51, v59  }
0xc4: {  	v31 =	vld [tilespmem:s28+$0xFFFFFFA1];
	v38 =	vshra.s32 v33, $0x1;
	v12 =	vmul.f32 $5.000000000e-01, v33;
	v41 =	vshra.s32 v14, $0x1  }
0xc5: {  	v14 =	vmul.f32 $5.000000000e-01, v14;
	v51 =	vbroadcast v48, $0x0;
	v20 =	vsub.s32 $0x5F3759DF, v38  }
0xc6: {  	v9 =	vadd.f32 $0.0e+00, v9;
	v43 =	vsub.s32 $0x5F3759DF, v41;
	v38 =	vld [tilespmem:s28+$0xFFFFFFB1];
	v12 =	vmul.f32 v20, v12  }
0xc7: {  	v5 =	vadd.f32 v5, v40;
	v44 =	vmul.f32 v43, v14;
	v50 =	vld.idx.msk [tilespmem:v39+s2+$0x0], $0xffff;
	v54 =	vadd.f32 v52, v51  }
0xc8: {  	v7 =	vmax.f32 v7, $0.0e+00;
	v4 =	vmul.f32 v4, v6;
	v62 =	vld.idx.msk [tilespmem:v53+s2+$0x0], $0xffff;
	v42 =	vmul.f32 v20, v12  }
0xc9: {  	v37 =	vadd.s32 $0x2714, v31;
	v6 =	vmul.f32 v43, v44;
	v13 =	vld.idx.msk [tilespmem:v45+s2+$0x0], $0xffff;
	v58 =	vadd.f32 v54, v55  }
0xca: {  	v5 =	vmax.f32 v5, $0.0e+00;
	v4 =	vadd.f32 v4, v9;
	v11 =	vld.idx.msk [tilespmem:v47+s2+$0x0], $0xffff;
	v9 =	vsub.f32 $1.500000000e+00, v42  }
0xcb: {  	v12 =	vld.idx.msk [tilespmem:v56+s2+$0x0], $0xffff;
	v6 =	vsub.f32 $1.500000000e+00, v6;
	v29 =	vshra.s32 v58, $0x1;
	v30 =	vmul.f32 $5.000000000e-01, v58  }
0xcc: {  	v59 =	vld.idx.msk [tilespmem:v46+s2+$0x0], $0xffff;
	v42 =	vadd.s32 $0x4E28, v31;
	v44 =	vadd.s32 $0x2714, v38;
	v61 =	vsub.f32 v50, v16  }
0xcd: {  	v45 =	vadd.s32 $0x4E28, v38;
	v14 =	vsub.f32 v62, v17;
	v9 =	vmul.f32 v20, v9  }
0xce: {  	v19 =	vld.idx.msk [tilespmem:v37+s2+$0x0], $0xffff;
	v6 =	vmul.f32 v43, v6;
	v13 =	vsub.f32 v13, v17;
	v32 =	vmul.f32 v61, v61  }
0xcf: {  	v11 =	vsub.f32 v11, v60;
	v40 =	vmul.f32 v14, v14;
	v14 =	vmul.f32 v14, v35  }
0xd0: {  	v12 =	vsub.f32 v12, v60;
	v5 =	vmul.f32 v9, v5;
	v57 =	vmul.f32 v6, v7  }
0xd1: {  	s31 =	sadd.s32 $0x145C, s29;
	v7 =	vsub.f32 v59, v16;
	v9 =	vmul.f32 v61, v34;
	v33 =	vmul.f32 v13, v13  }
0xd2: {  	v59 =	vadd.s32 s31, v0;
	v36 =	vmul.f32 v11, v11;
	v43 =	vmul.f32 v12, v12  }
0xd3: {  	v6 =	vld.idx.msk [tilespmem:v31+s2+$0x0], $0xffff;
	v13 =	vmul.f32 v13, v35;
	v11 =	vmul.f32 v11, v10;
	v48 =	vsub.f32 v19, v17  }
0xd4: {  	v22 =	vld.idx.msk [tilespmem:v38+s2+$0x0], $0xffff;
	v12 =	vmul.f32 v12, v10;
	v4 =	vadd.f32 v5, v4;
	v39 =	vmul.f32 v7, v7  }
0xd5: {  	v26 =	vld.idx.msk [tilespmem:v42+s2+$0x0], $0xffff;
	v7 =	vmul.f32 v7, v34;
	v18 =	vadd.f32 v33, v32;
	v9 =	vadd.f32 v13, v9  }
0xd6: {  	v53 =	vmul.f32 v48, v48;
	v63 =	vadd.f32 v57, v4;
	v23 =	vadd.f32 v40, v39  }
0xd7: {  	v49 =	vld.idx.msk [tilespmem:v44+s2+$0x0], $0xffff;
	v15 =	vmul.f32 v48, v35;
	v7 =	vadd.f32 v14, v7;
	v18 =	vadd.f32 v36, v18  }
0xd8: {  	v4 =	vsub.s32 $0x5F3759DF, v29;
	v9 =	vadd.f32 v11, v9;
	v6 =	vsub.f32 v6, v16  }
0xd9: {  	v5 =	vmul.f32 v4, v30;
	v16 =	vsub.f32 v22, v16;
	v23 =	vadd.f32 v43, v23  }
0xda: {  	v13 =	vld.idx.msk [tilespmem:v45+s2+$0x0], $0xffff;
	v3 =	vmul.f32 v63, v3;
	v51 =	vsub.f32 v26, v60;
	v7 =	vadd.f32 v12, v7  }
0xdb: {  	v5 =	vmul.f32 v4, v5;
	v41 =	vshra.s32 v18, $0x1;
	v18 =	vmul.f32 $5.000000000e-01, v18  }
0xdc: {  	v33 =	vld [tilespmem:s28+$0x11];
	v17 =	vsub.f32 v49, v17;
	v52 =	vmul.f32 v6, v6;
	v6 =	vmul.f32 v6, v34  }
0xdd: {  	v9 =	vmax.f32 v9, $0.0e+00;
	v58 =	vmul.f32 v16, v16;
	v34 =	vmul.f32 v16, v34  }
0xde: {  	v57 =	vld [tilespmem:s28+$0x1];
	v25 =	vsub.s32 $0x5F3759DF, v41;
	v46 =	vshra.s32 v23, $0x1;
	v23 =	vmul.f32 $5.000000000e-01, v23  }
0xdf: {  	v29 =	vld.idx.msk [tilespmem:v59+s2+$0x0], $0xffff;
	v56 =	vmul.f32 v51, v51;
	v8 =	vsub.f32 v13, v60;
	v19 =	vmul.f32 v17, v17  }
0xe0: {  	v7 =	vmax.f32 v7, $0.0e+00;
	v28 =	vmul.f32 v51, v10;
	v35 =	vmul.f32 v17, v35  }
0xe1: {  	v39 =	vadd.s32 $0x2714, v33;
	v41 =	vadd.s32 $0x4E28, v33;
	v5 =	vsub.f32 $1.500000000e+00, v5  }
0xe2: {  	v18 =	vmul.f32 v25, v18;
	v47 =	vsub.s32 $0x5F3759DF, v46;
	v55 =	vadd.f32 v53, v52  }
0xe3: {  	v63 =	vadd.s32 $0x2714, v57;
	v6 =	vadd.f32 v15, v6;
	v23 =	vmul.f32 v47, v23  }
0xe4: {  	v30 =	vadd.s32 $0x4E28, v57;
	v61 =	vmul.f32 v8, v8;
	v15 =	vbroadcast v29, $0x0  }
0xe5: {  	v46 =	vld [tilespmem:s28+$0x21];
	v13 =	vadd.f32 v19, v58;
	v17 =	vbroadcast v29, $0x1;
	v8 =	vmul.f32 v8, v10  }
0xe6: {  	v60 =	vld.msk [tilespmem:s28+$0x0 ss:$0x0], $0xffff;
	v21 =	vbroadcast v29, $0x2;
	v18 =	vmul.f32 v25, v18;
	v14 =	vadd.f32 v56, v55  }
0xe7: {  	v6 =	vadd.f32 v28, v6;
	v4 =	vmul.f32 v4, v5;
	v50 =	vmul.f32 v47, v23  }
0xe8: {  	v13 =	vadd.f32 v61, v13;
	v18 =	vsub.f32 $1.500000000e+00, v18;
	v24 =	vshra.s32 v14, $0x1  }
0xe9: {  	v23 =	vld.idx.msk [tilespmem:v33+s2+$0x0], $0xffff;
	v14 =	vmul.f32 $5.000000000e-01, v14;
	v6 =	vmax.f32 v6, $0.0e+00;
	v54 =	vsub.f32 $1.500000000e+00, v50  }
0xea: {  	v10 =	vld.idx.msk [tilespmem:v41+s2+$0x0], $0xffff;
	v24 =	vsub.s32 $0x5F3759DF, v24;
	v31 =	vshra.s32 v13, $0x1;
	v53 =	vadd.s32 $0x4E28, v46  }
0xeb: {  	v13 =	vmul.f32 $5.000000000e-01, v13;
	v36 =	vld.idx.msk [tilespmem:v30+s2+$0x0], $0xffff;
	v18 =	vmul.f32 v25, v18;
	v25 =	vadd.s32 v0, v60  }
0xec: {  	v62 =	vmul.f32 v24, v14;
	v32 =	vsub.s32 $0x5F3759DF, v31;
	v14 =	vld.idx.msk [tilespmem:v63+s2+$0x0], $0xffff;
	v11 =	vmul.f32 v47, v54  }
0xed: {  	v52 =	vadd.s32 $0x2714, v46;
	v13 =	vmul.f32 v32, v13;
	v9 =	vmul.f32 v18, v9  }
0xee: {  	v12 =	vmul.f32 v24, v62;
	v18 =	vld.idx.msk [tilespmem:v57+s2+$0x0], $0xffff;
	v23 =	vsub.f32 v23, v15;
	v7 =	vmul.f32 v11, v7  }
0xef: {  	v13 =	vmul.f32 v32, v13;
	v10 =	vsub.f32 v10, v21;
	v9 =	vadd.f32 $0.0e+00, v9;
	v62 =	vld.idx.msk [tilespmem:v53+s2+$0x0], $0xffff  }
0xf0: {  	v12 =	vsub.f32 $1.500000000e+00, v12;
	v42 =	vsub.f32 v36, v21;
	v54 =	vmul.f32 v23, v23;
	v37 =	vld.idx.msk [tilespmem:v25+s2+$0x0], $0xffff  }
0xf1: {  	v38 =	vsub.f32 $1.500000000e+00, v13;
	v14 =	vsub.f32 v14, v17;
	v13 =	vld.idx.msk [tilespmem:v39+s2+$0x0], $0xffff;
	v58 =	vmul.f32 v10, v10  }
0xf2: {  	v25 =	vld.idx.msk [tilespmem:v52+s2+$0x0], $0xffff;
	v7 =	vadd.f32 v7, v9;
	v12 =	vmul.f32 v24, v12;
	v9 =	vadd.f32 v35, v34  }
0xf3: {  	v48 =	vmul.f32 v42, v42;
	v18 =	vsub.f32 v18, v15;
	v40 =	vmul.f32 v32, v38  }
0xf4: {  	v44 =	vmul.f32 v14, v14;
	v8 =	vadd.f32 v8, v9;
	v6 =	vmul.f32 v12, v6  }
0xf5: {  	v43 =	vmul.f32 v18, v18;
	v16 =	vsub.f32 v62, v21;
	v45 =	vsub.f32 v37, v29  }
0xf6: {  	v8 =	vmax.f32 v8, $0.0e+00;
	v6 =	vadd.f32 v6, v7;
	v13 =	vsub.f32 v13, v17  }
0xf7: {  	v34 =	vsub.f32 v25, v17;
	v8 =	vmul.f32 v40, v8;
	v40 =	vmul.f32 v16, v16  }
0xf8: {  	v47 =	vadd.f32 v44, v43;
	v7 =	vbroadcast v45, $0x0;
	v20 =	vmul.f32 v45, v45  }
0xf9: {  	v56 =	vld.idx.msk [tilespmem:v46+s2+$0x0], $0xffff;
	v22 =	vbroadcast v45, $0x1;
	v12 =	vbroadcast v45, $0x2  }
0xfa: {  	v62 =	vld [tilespmem:s28+$0x91];
	v28 =	vmul.f32 v13, v13;
	v37 =	vmul.f32 v34, v34;
	v9 =	vadd.f32 v48, v47  }
0xfb: {  	s31 =	sadd.s32 $0x145D, s29;
	v29 =	vld [tilespmem:s28+$0x31];
	v6 =	vadd.f32 v8, v6;
	v49 =	vbroadcast v20, $0x0;
	v50 =	vbroadcast v20, $0x1  }
0xfc: {  	v48 =	vadd.s32 s31, v0;
	v20 =	vbroadcast v20, $0x2;
	v55 =	vmul.f32 v18, v7  }
0xfd: {  	v14 =	vmul.f32 v14, v22;
	v57 =	vadd.f32 v28, v54;
	v11 =	vmul.f32 v42, v12  }
0xfe: {  	v18 =	vsub.f32 v56, v15;
	v23 =	vmul.f32 v23, v7;
	v13 =	vmul.f32 v13, v22  }
0xff: {  	v44 =	vld [tilespmem:s28+$0x81];
	v10 =	vmul.f32 v10, v12;
	v16 =	vmul.f32 v16, v12;
	v31 =	vadd.s32 $0x2714, v62  }
0x100: {  	v45 =	vld.msk [tilespmem:s28+$0x80 ss:$0x0], $0xffff;
	v51 =	vshra.s32 v9, $0x1;
	v9 =	vmul.f32 $5.000000000e-01, v9;
	v32 =	vadd.s32 $0x2714, v29  }
0x101: {  	v35 =	vadd.s32 $0x4E28, v29;
	v4 =	vmul.f32 v6, v4;
	v8 =	vadd.f32 v50, v49  }
0x102: {  	v24 =	vsub.s32 $0x5F3759DF, v51;
	v60 =	vadd.f32 v14, v55;
	v61 =	vadd.f32 v58, v57  }
0x103: {  	v36 =	vmul.f32 v18, v18;
	v13 =	vadd.f32 v13, v23;
	v18 =	vmul.f32 v18, v7  }
0x104: {  	v51 =	vadd.s32 $0x2714, v44;
	v53 =	vadd.s32 $0x4E28, v44;
	v9 =	vmul.f32 v24, v9  }
0x105: {  	v52 =	vadd.s32 v0, v45;
	v59 =	vadd.f32 v8, v20;
	v8 =	vadd.f32 v11, v60  }
0x106: {  	v33 =	vshra.s32 v61, $0x1;
	v14 =	vmul.f32 $5.000000000e-01, v61;
	v38 =	vld.idx.msk [tilespmem:v29+s2+$0x0], $0xffff;
	v39 =	vadd.f32 v37, v36  }
0x107: {  	v10 =	vadd.f32 v10, v13;
	v55 =	vld.idx.msk [tilespmem:v48+s2+$0x0], $0xffff;
	v9 =	vmul.f32 v24, v9;
	v11 =	vsub.s32 $0x5F3759DF, v33  }
0x108: {  	v63 =	vshra.s32 v59, $0x1;
	v5 =	vmul.f32 $5.000000000e-01, v59;
	v14 =	vmul.f32 v11, v14;
	v20 =	vld.idx.msk [tilespmem:v32+s2+$0x0], $0xffff  }
0x109: {  	v37 =	vadd.s32 $0x4E28, v62;
	v41 =	vld.idx.msk [tilespmem:v35+s2+$0x0], $0xffff;
	v9 =	vsub.f32 $1.500000000e+00, v9;
	v19 =	vsub.s32 $0x5F3759DF, v63  }
0x10a: {  	v8 =	vmax.f32 v8, $0.0e+00;
	v32 =	vld [tilespmem:s28+$0xA1];
	v14 =	vmul.f32 v11, v14;
	v5 =	vmul.f32 v19, v5  }
0x10b: {  	v10 =	vmax.f32 v10, $0.0e+00;
	v9 =	vmul.f32 v24, v9;
	v15 =	vsub.f32 v38, v15  }
0x10c: {  	v24 =	vmul.f32 v34, v22;
	v42 =	vsub.f32 $1.500000000e+00, v14;
	v5 =	vmul.f32 v19, v5  }
0x10d: {  	v8 =	vmul.f32 v9, v8;
	v9 =	vadd.f32 v40, v39;
	v17 =	vsub.f32 v20, v17  }
0x10e: {  	v61 =	vld.idx.msk [tilespmem:v53+s2+$0x0], $0xffff;
	v21 =	vsub.f32 v41, v21;
	v46 =	vmul.f32 v15, v15;
	v18 =	vadd.f32 v24, v18  }
0x10f: {  	v57 =	vld.idx.msk [tilespmem:v44+s2+$0x0], $0xffff;
	v7 =	vmul.f32 v15, v7;
	v15 =	vbroadcast v55, $0x2;
	v45 =	vadd.s32 $0x4E28, v32  }
0x110: {  	v58 =	vld.idx.msk [tilespmem:v51+s2+$0x0], $0xffff;
	v11 =	vmul.f32 v11, v42;
	v5 =	vsub.f32 $1.500000000e+00, v5;
	v8 =	vadd.f32 $0.0e+00, v8  }
0x111: {  	v44 =	vld.idx.msk [tilespmem:v37+s2+$0x0], $0xffff;
	v43 =	vshra.s32 v9, $0x1;
	v9 =	vmul.f32 $5.000000000e-01, v9;
	v47 =	vmul.f32 v17, v17  }
0x112: {  	v59 =	vld.idx.msk [tilespmem:v52+s2+$0x0], $0xffff;
	v50 =	vmul.f32 v21, v21;
	v16 =	vadd.f32 v16, v18;
	v60 =	vmul.f32 v17, v22  }
0x113: {  	v17 =	vbroadcast v55, $0x1;
	v12 =	vmul.f32 v21, v12;
	v63 =	vsub.f32 v61, v15  }
0x114: {  	v14 =	vsub.s32 $0x5F3759DF, v43;
	v10 =	vmul.f32 v11, v10;
	v5 =	vmul.f32 v19, v5  }
0x115: {  	v42 =	vld.idx.msk [tilespmem:v31+s2+$0x0], $0xffff;
	v43 =	vadd.s32 $0x2714, v32;
	v49 =	vadd.f32 v47, v46;
	v7 =	vadd.f32 v60, v7  }
0x116: {  	v9 =	vmul.f32 v14, v9;
	v18 =	vsub.f32 v58, v17;
	v47 =	vsub.f32 v44, v15  }
0x117: {  	v34 =	vmul.f32 v63, v63;
	v8 =	vadd.f32 v10, v8;
	v10 =	vsub.f32 v59, v55  }
0x118: {  	v46 =	vld [tilespmem:s28+$0xB1];
	v9 =	vmul.f32 v14, v9;
	v13 =	vadd.f32 v50, v49;
	v29 =	vmul.f32 v18, v18  }
0x119: {  	v7 =	vadd.f32 v12, v7;
	v51 =	vmul.f32 v47, v47;
	v30 =	vmul.f32 v10, v10  }
0x11a: {  	v19 =	vsub.f32 v42, v17;
	v21 =	vbroadcast v10, $0x0;
	v22 =	vbroadcast v10, $0x1  }
0x11b: {  	v10 =	vbroadcast v10, $0x2;
	v9 =	vsub.f32 $1.500000000e+00, v9;
	v54 =	vshra.s32 v13, $0x1  }
0x11c: {  	v25 =	vld.idx.msk [tilespmem:v45+s2+$0x0], $0xffff;
	v13 =	vmul.f32 $5.000000000e-01, v13;
	v49 =	vmul.f32 v19, v19;
	v56 =	vsub.s32 $0x5F3759DF, v54  }
0x11d: {  	v61 =	vld [tilespmem:s28+$0x101];
	v35 =	vbroadcast v30, $0x0;
	v36 =	vbroadcast v30, $0x1;
	v52 =	vadd.s32 $0x2714, v46  }
0x11e: {  	v20 =	vld.idx.msk [tilespmem:v43+s2+$0x0], $0xffff;
	v53 =	vadd.s32 $0x4E28, v46;
	v9 =	vmul.f32 v14, v9;
	v13 =	vmul.f32 v56, v13  }
0x11f: {  	v40 =	vld.idx.msk [tilespmem:v62+s2+$0x0], $0xffff;
	v16 =	vmax.f32 v16, $0.0e+00;
	v39 =	vbroadcast v30, $0x2;
	v12 =	vmul.f32 v63, v10  }
0x120: {  	v7 =	vmax.f32 v7, $0.0e+00;
	v63 =	vld.msk [tilespmem:s28+$0x100 ss:$0x0], $0xffff;
	v9 =	vmul.f32 v9, v16;
	v13 =	vmul.f32 v56, v13  }
0x121: {  	v23 =	vld.idx.msk [tilespmem:v32+s2+$0x0], $0xffff;
	v18 =	vmul.f32 v18, v22;
	v19 =	vmul.f32 v19, v22;
	v54 =	vsub.f32 v25, v15  }
0x122: {  	v8 =	vadd.f32 v9, v8;
	v9 =	vbroadcast v55, $0x0;
	v13 =	vsub.f32 $1.500000000e+00, v13;
	v24 =	vld.idx.msk [tilespmem:v52+s2+$0x0], $0xffff  }
0x123: {  	v38 =	vadd.f32 v36, v35;
	v35 =	vadd.s32 $0x2714, v61;
	v20 =	vsub.f32 v20, v17;
	v59 =	vld.idx.msk [tilespmem:v53+s2+$0x0], $0xffff  }
0x124: {  	v58 =	vmul.f32 v54, v54;
	v14 =	vsub.f32 v57, v9;
	v11 =	vmul.f32 v56, v13  }
0x125: {  	v36 =	vadd.s32 v0, v63;
	v13 =	vsub.f32 v40, v9;
	v56 =	vmul.f32 v20, v20  }
0x126: {  	v23 =	vsub.f32 v23, v9;
	v28 =	vmul.f32 v14, v14;
	v7 =	vmul.f32 v11, v7  }
0x127: {  	v14 =	vmul.f32 v14, v21;
	v48 =	vmul.f32 v13, v13;
	v17 =	vsub.f32 v24, v17  }
0x128: {  	v13 =	vmul.f32 v13, v21;
	v15 =	vsub.f32 v59, v15;
	v33 =	vadd.f32 v29, v28  }
0x129: {  	v55 =	vmul.f32 v23, v23;
	v6 =	vadd.f32 v7, v8;
	v8 =	vadd.f32 v38, v39  }
0x12a: {  	v20 =	vmul.f32 v20, v22;
	v14 =	vadd.f32 v18, v14;
	v50 =	vadd.f32 v49, v48  }
0x12b: {  	v26 =	vld.idx.msk [tilespmem:v46+s2+$0x0], $0xffff;
	v62 =	vmul.f32 v23, v21;
	v25 =	vadd.f32 v56, v55;
	v13 =	vadd.f32 v19, v13  }
0x12c: {  	v18 =	vmul.f32 v47, v10;
	v38 =	vadd.s32 $0x4E28, v61;
	v24 =	vmul.f32 v17, v17  }
0x12d: {  	v40 =	vmul.f32 v15, v15;
	v17 =	vmul.f32 v17, v22;
	v11 =	vadd.f32 v34, v33  }
0x12e: {  	v7 =	vshra.s32 v8, $0x1;
	v12 =	vadd.f32 v12, v14;
	v14 =	vadd.f32 v51, v50  }
0x12f: {  	s31 =	sadd.s32 $0x145E, s29;
	v8 =	vmul.f32 $5.000000000e-01, v8;
	v60 =	vadd.f32 v58, v25;
	v13 =	vadd.f32 v18, v13  }
0x130: {  	v33 =	vadd.s32 s31, v0;
	v18 =	vadd.f32 v20, v62;
	v34 =	vsub.f32 v26, v9  }
0x131: {  	v7 =	vsub.s32 $0x5F3759DF, v7;
	v41 =	vshra.s32 v11, $0x1;
	v11 =	vmul.f32 $5.000000000e-01, v11  }
0x132: {  	v49 =	vld [tilespmem:s28+$0x111];
	v8 =	vmul.f32 v7, v8;
	v12 =	vmax.f32 v12, $0.0e+00;
	v57 =	vshra.s32 v14, $0x1  }
0x133: {  	v51 =	vld [tilespmem:s28+$0x121];
	v14 =	vmul.f32 $5.000000000e-01, v14;
	v32 =	vshra.s32 v60, $0x1;
	v16 =	vsub.s32 $0x5F3759DF, v41  }
0x134: {  	v37 =	vmul.f32 v34, v34;
	v29 =	vsub.s32 $0x5F3759DF, v57;
	v11 =	vmul.f32 v16, v11  }
0x135: {  	v13 =	vmax.f32 v13, $0.0e+00;
	v14 =	vmul.f32 v29, v14;
	v8 =	vmul.f32 v7, v8  }
0x136: {  	v46 =	vmul.f32 v34, v21;
	v27 =	vsub.s32 $0x5F3759DF, v32;
	v28 =	vld.idx.msk [tilespmem:v33+s2+$0x0], $0xffff;
	v11 =	vmul.f32 v16, v11  }
0x137: {  	v39 =	vadd.f32 v24, v37;
	v14 =	vmul.f32 v29, v14;
	v9 =	vsub.f32 $1.500000000e+00, v8  }
0x138: {  	v42 =	vld.idx.msk [tilespmem:v35+s2+$0x0], $0xffff;
	v56 =	vadd.s32 $0x4E28, v49;
	v57 =	vadd.s32 $0x2714, v51;
	v11 =	vsub.f32 $1.500000000e+00, v11  }
0x139: {  	v41 =	vld.idx.msk [tilespmem:v61+s2+$0x0], $0xffff;
	v44 =	vadd.f32 v40, v39;
	v14 =	vsub.f32 $1.500000000e+00, v14;
	v7 =	vmul.f32 v7, v9  }
0x13a: {  	v45 =	vld.idx.msk [tilespmem:v36+s2+$0x0], $0xffff;
	v32 =	vadd.s32 $0x4E28, v51;
	v11 =	vmul.f32 v16, v11;
	v16 =	vmul.f32 v54, v10  }
0x13b: {  	v48 =	vshra.s32 v44, $0x1;
	v14 =	vmul.f32 v29, v14;
	v20 =	vbroadcast v28, $0x0  }
0x13c: {  	v23 =	vld.idx.msk [tilespmem:v49+s2+$0x0], $0xffff;
	v19 =	vsub.s32 $0x5F3759DF, v48;
	v21 =	vbroadcast v28, $0x1;
	v22 =	vbroadcast v28, $0x2  }
0x13d: {  	v10 =	vmul.f32 v15, v10;
	v54 =	vadd.s32 $0x2714, v49;
	v11 =	vmul.f32 v11, v12  }
0x13e: {  	v36 =	vld [tilespmem:s28+$0x131];
	v12 =	vmul.f32 $5.000000000e-01, v60;
	v16 =	vadd.f32 v16, v18;
	v24 =	vsub.f32 v41, v20  }
0x13f: {  	v49 =	vld [tilespmem:s28+$0x181];
	v13 =	vmul.f32 v14, v13;
	v14 =	vsub.f32 v42, v21;
	v18 =	vsub.f32 v45, v28  }
0x140: {  	v12 =	vmul.f32 v27, v12;
	v43 =	vmax.f32 v16, $0.0e+00;
	v16 =	vmul.f32 $5.000000000e-01, v44  }
0x141: {  	v47 =	vld.idx.msk [tilespmem:v38+s2+$0x0], $0xffff;
	v61 =	vsub.f32 v23, v20;
	v52 =	vmul.f32 v24, v24;
	v53 =	vmul.f32 v14, v14  }
0x142: {  	v60 =	vld.idx.msk [tilespmem:v57+s2+$0x0], $0xffff;
	v11 =	vadd.f32 $0.0e+00, v11;
	v28 =	vmul.f32 v18, v18;
	v29 =	vbroadcast v18, $0x1  }
0x143: {  	v45 =	vadd.s32 $0x2714, v36;
	v34 =	vmul.f32 v61, v61;
	v26 =	vld.idx.msk [tilespmem:v54+s2+$0x0], $0xffff;
	v12 =	vmul.f32 v27, v12  }
0x144: {  	v57 =	vadd.s32 $0x4E28, v49;
	v11 =	vadd.f32 v13, v11;
	v50 =	vmul.f32 v19, v16;
	v16 =	vld.idx.msk [tilespmem:v51+s2+$0x0], $0xffff  }
0x145: {  	v30 =	vbroadcast v28, $0x0;
	v33 =	vbroadcast v28, $0x1;
	v12 =	vsub.f32 $1.500000000e+00, v12  }
0x146: {  	v13 =	vsub.f32 v47, v22;
	v58 =	vmul.f32 v14, v29;
	v15 =	vmul.f32 v19, v50  }
0x147: {  	v25 =	vbroadcast v28, $0x2;
	v47 =	vadd.s32 $0x4E28, v36;
	v12 =	vmul.f32 v27, v12  }
0x148: {  	v55 =	vmul.f32 v13, v13;
	v15 =	vsub.f32 $1.500000000e+00, v15;
	v62 =	vsub.f32 v26, v21  }
0x149: {  	v16 =	vsub.f32 v16, v20;
	v8 =	vmul.f32 v12, v43;
	v12 =	vadd.f32 v17, v46  }
0x14a: {  	v17 =	vadd.f32 v53, v52;
	v15 =	vmul.f32 v19, v15;
	v35 =	vmul.f32 v62, v62  }
0x14b: {  	v19 =	vsub.f32 v60, v21;
	v23 =	vmul.f32 v62, v29;
	v38 =	vmul.f32 v16, v16  }
0x14c: {  	v63 =	vld.idx.msk [tilespmem:v32+s2+$0x0], $0xffff;
	v10 =	vadd.f32 v10, v12;
	v12 =	vbroadcast v18, $0x0;
	v17 =	vadd.f32 v55, v17  }
0x14d: {  	s29 =	sadd.s32 $0x145F, s29;
	v46 =	vld.msk [tilespmem:s28+$0x180 ss:$0x0], $0xffff;
	v18 =	vbroadcast v18, $0x2;
	v8 =	vadd.f32 v8, v11;
	v26 =	vadd.f32 v35, v34  }
0x14e: {  	v27 =	vld.idx.msk [tilespmem:v56+s2+$0x0], $0xffff;
	v39 =	vmul.f32 v19, v19;
	v19 =	vmul.f32 v19, v29;
	v34 =	vadd.s32 s29, v0  }
0x14f: {  	v52 =	vld [tilespmem:s28+$0x191];
	v55 =	vadd.s32 $0x2714, v49;
	v31 =	vshra.s32 v17, $0x1;
	v17 =	vmul.f32 $5.000000000e-01, v17  }
0x150: {  	v28 =	vld.idx.msk [tilespmem:v36+s2+$0x0], $0xffff;
	v24 =	vmul.f32 v24, v12;
	v10 =	vmax.f32 v10, $0.0e+00;
	v13 =	vmul.f32 v13, v18  }
0x151: {  	v40 =	vmul.f32 v61, v12;
	v42 =	vadd.f32 v39, v38;
	v16 =	vmul.f32 v16, v12  }
0x152: {  	v31 =	vsub.s32 $0x5F3759DF, v31;
	v10 =	vmul.f32 v15, v10;
	v51 =	vadd.s32 v0, v46  }
0x153: {  	v59 =	vmul.f32 v31, v17;
	v17 =	vadd.f32 v33, v30;
	v11 =	vadd.f32 v58, v24  }
0x154: {  	v61 =	vadd.s32 $0x2714, v52;
	v33 =	vsub.f32 v27, v22;
	v24 =	vsub.f32 v63, v22  }
0x155: {  	v16 =	vadd.f32 v19, v16;
	v58 =	vsub.f32 v28, v20;
	v60 =	vld.idx.msk [tilespmem:v34+s2+$0x0], $0xffff;
	v34 =	vadd.s32 $0x4E28, v52  }
0x156: {  	v8 =	vadd.f32 v10, v8;
	v14 =	vmul.f32 v31, v59;
	v37 =	vmul.f32 v33, v33  }
0x157: {  	v11 =	vadd.f32 v13, v11;
	v43 =	vmul.f32 v24, v24;
	v53 =	vmul.f32 v24, v18  }
0x158: {  	v12 =	vmul.f32 v58, v12;
	v32 =	vsub.f32 $1.500000000e+00, v14;
	v41 =	vadd.f32 v37, v26  }
0x159: {  	v11 =	vmax.f32 v11, $0.0e+00;
	v26 =	vadd.f32 v43, v42;
	v14 =	vmul.f32 v33, v18;
	v42 =	vld [tilespmem:s28+$0x1A1]  }
0x15a: {  	v16 =	vadd.f32 v53, v16;
	v13 =	vmul.f32 v31, v32;
	v44 =	vshra.s32 v41, $0x1  }
0x15b: {  	v15 =	vmul.f32 $5.000000000e-01, v41;
	v48 =	vshra.s32 v26, $0x1;
	v26 =	vmul.f32 $5.000000000e-01, v26;
	v31 =	vld.idx.msk [tilespmem:v45+s2+$0x0], $0xffff  }
0x15c: {  	v30 =	vsub.s32 $0x5F3759DF, v44;
	v32 =	vsub.s32 $0x5F3759DF, v48;
	v11 =	vmul.f32 v13, v11  }
0x15d: {  	v13 =	vadd.f32 v23, v40;
	v15 =	vmul.f32 v30, v15;
	v26 =	vmul.f32 v32, v26;
	v23 =	vld.idx.msk [tilespmem:v47+s2+$0x0], $0xffff  }
0x15e: {  	v63 =	vld.idx.msk [tilespmem:v49+s2+$0x0], $0xffff;
	v17 =	vadd.f32 v17, v25;
	v16 =	vmax.f32 v16, $0.0e+00;
	v48 =	vadd.s32 $0x2714, v42  }
0x15f: {  	v38 =	vld.idx.msk [tilespmem:v52+s2+$0x0], $0xffff;
	v15 =	vmul.f32 v30, v15;
	v13 =	vadd.f32 v14, v13;
	v54 =	vmul.f32 v32, v26  }
0x160: {  	v37 =	vld.idx.msk [tilespmem:v57+s2+$0x0], $0xffff;
	v11 =	vadd.f32 $0.0e+00, v11;
	v59 =	vsub.f32 v31, v21;
	v21 =	vbroadcast v60, $0x2  }
0x161: {  	v52 =	vld [tilespmem:s28+$0x1B1];
	v50 =	vsub.f32 $1.500000000e+00, v15;
	v13 =	vmax.f32 v13, $0.0e+00;
	v56 =	vsub.f32 $1.500000000e+00, v54  }
0x162: {  	v15 =	vld.idx.msk [tilespmem:v51+s2+$0x0], $0xffff;
	v22 =	vsub.f32 v23, v22;
	v62 =	vmul.f32 v59, v29;
	v20 =	vmul.f32 v59, v59  }
0x163: {  	v51 =	vadd.s32 $0x4E28, v42;
	v25 =	vld.idx.msk [tilespmem:v42+s2+$0x0], $0xffff;
	v14 =	vmul.f32 v30, v50;
	v19 =	vmul.f32 v32, v56  }
0x164: {  	v35 =	vadd.f32 v62, v12;
	v36 =	vmul.f32 v22, v18;
	v12 =	vbroadcast v60, $0x0  }
0x165: {  	v41 =	vmul.f32 v22, v22;
	v18 =	vsub.f32 v37, v21;
	v13 =	vmul.f32 v14, v13  }
0x166: {  	v32 =	vmul.f32 v19, v16;
	v14 =	vmul.f32 v58, v58;
	v10 =	vadd.f32 v36, v35  }
0x167: {  	v33 =	vld.idx.msk [tilespmem:v55+s2+$0x0], $0xffff;
	v15 =	vsub.f32 v15, v60;
	v40 =	vsub.f32 v63, v12;
	v45 =	vmul.f32 v18, v18  }
0x168: {  	v39 =	vld.idx.msk [tilespmem:v61+s2+$0x0], $0xffff;
	v62 =	vsub.f32 v25, v12;
	v36 =	vadd.s32 $0x4E28, v52;
	v11 =	vadd.f32 v13, v11  }
0x169: {  	v27 =	vld.idx.msk [tilespmem:v48+s2+$0x0], $0xffff;
	v13 =	vbroadcast v60, $0x1;
	v14 =	vadd.f32 v20, v14;
	v60 =	vadd.s32 $0x2714, v52  }
0x16a: {  	v31 =	vld.idx.msk [tilespmem:v52+s2+$0x0], $0xffff;
	v52 =	vshra.s32 v17, $0x1;
	v17 =	vmul.f32 $5.000000000e-01, v17;
	v22 =	vbroadcast v15, $0x0  }
0x16b: {  	v43 =	vmul.f32 v40, v40;
	v28 =	vbroadcast v15, $0x1;
	v9 =	vadd.f32 v32, v11  }
0x16c: {  	v19 =	vld.idx.msk [tilespmem:v34+s2+$0x0], $0xffff;
	v29 =	vmul.f32 v15, v15;
	v16 =	vsub.f32 v33, v13;
	v11 =	vsub.f32 v38, v12  }
0x16d: {  	v15 =	vbroadcast v15, $0x2;
	v23 =	vsub.f32 v39, v13;
	v14 =	vadd.f32 v41, v14  }
0x16e: {  	v58 =	vld.idx.msk [tilespmem:v51+s2+$0x0], $0xffff;
	v63 =	vsub.f32 v27, v13;
	v39 =	vmul.f32 v62, v62;
	v44 =	vmul.f32 v16, v16  }
0x16f: {  	v12 =	vsub.f32 v31, v12;
	v24 =	vmul.f32 v40, v22;
	v53 =	vbroadcast v29, $0x0  }
0x170: {  	v18 =	vmul.f32 v18, v15;
	v41 =	vbroadcast v29, $0x1;
	v26 =	vadd.f32 v44, v43  }
0x171: {  	v19 =	vsub.f32 v19, v21;
	v29 =	vbroadcast v29, $0x2;
	v46 =	vmul.f32 v11, v11  }
0x172: {  	v47 =	vmul.f32 v23, v23;
	v16 =	vmul.f32 v16, v28;
	v26 =	vadd.f32 v45, v26  }
0x173: {  	v11 =	vmul.f32 v11, v22;
	v56 =	vmul.f32 v23, v28;
	v38 =	vsub.f32 v58, v21  }
0x174: {  	v40 =	vmul.f32 v63, v63;
	v50 =	vshra.s32 v26, $0x1;
	v26 =	vmul.f32 $5.000000000e-01, v26  }
0x175: {  	v23 =	vmul.f32 v62, v22;
	v25 =	vmul.f32 v63, v28;
	v32 =	vsub.s32 $0x5F3759DF, v50  }
0x176: {  	v49 =	vmul.f32 v19, v19;
	v30 =	vadd.f32 v47, v46;
	v54 =	vmul.f32 v32, v26  }
0x177: {  	v19 =	vmul.f32 v19, v15;
	v16 =	vadd.f32 v16, v24;
	v11 =	vadd.f32 v56, v11  }
0x178: {  	v42 =	vmul.f32 v38, v38;
	v30 =	vadd.f32 v49, v30;
	v24 =	vmul.f32 v32, v54  }
0x179: {  	v23 =	vadd.f32 v25, v23;
	v47 =	vmul.f32 v12, v12;
	v20 =	vmul.f32 v38, v15  }
0x17a: {  	v55 =	vshra.s32 v30, $0x1;
	v30 =	vmul.f32 $5.000000000e-01, v30;
	v59 =	vsub.f32 $1.500000000e+00, v24;
	v24 =	vld.idx.msk [tilespmem:v60+s2+$0x0], $0xffff  }
0x17b: {  	v12 =	vmul.f32 v12, v22;
	v22 =	vsub.s32 $0x5F3759DF, v52;
	v26 =	vsub.s32 $0x5F3759DF, v55  }
0x17c: {  	v43 =	vld.idx.msk [tilespmem:v36+s2+$0x0], $0xffff;
	v17 =	vmul.f32 v22, v17;
	v16 =	vadd.f32 v18, v16;
	v57 =	vmul.f32 v26, v30  }
0x17d: {  	v11 =	vadd.f32 v19, v11;
	v45 =	vshra.s32 v14, $0x1;
	v14 =	vmul.f32 $5.000000000e-01, v14  }
0x17e: {  	v27 =	vsub.s32 $0x5F3759DF, v45;
	v56 =	vmul.f32 v22, v17;
	v61 =	vmul.f32 v26, v57  }
0x17f: {  	v16 =	vmax.f32 v16, $0.0e+00;
	v18 =	vmul.f32 v32, v59;
	v13 =	vsub.f32 v24, v13  }
0x180: {  	v14 =	vmul.f32 v27, v14;
	v30 =	vadd.f32 v40, v39;
	v37 =	vsub.f32 $1.500000000e+00, v61  }
0x181: {  	v16 =	vmul.f32 v18, v16;
	v18 =	vsub.f32 v43, v21;
	v48 =	vmul.f32 v13, v13  }
0x182: {  	v11 =	vmax.f32 v11, $0.0e+00;
	v14 =	vmul.f32 v27, v14;
	v44 =	vadd.f32 v42, v30  }
0x183: {  	v19 =	vmul.f32 v26, v37;
	v49 =	vmul.f32 v18, v18;
	v21 =	vadd.f32 v48, v47  }
0x184: {  	v50 =	vadd.f32 v20, v23;
	v14 =	vsub.f32 $1.500000000e+00, v14;
	v46 =	vshra.s32 v44, $0x1  }
0x185: {  	v11 =	vmul.f32 v19, v11;
	v19 =	vmul.f32 $5.000000000e-01, v44;
	v21 =	vadd.f32 v49, v21  }
0x186: {  	v14 =	vmul.f32 v27, v14;
	v26 =	vadd.f32 v41, v53;
	v24 =	vsub.s32 $0x5F3759DF, v46  }
0x187: {  	v19 =	vmul.f32 v24, v19;
	v51 =	vshra.s32 v21, $0x1;
	v21 =	vmul.f32 $5.000000000e-01, v21  }
0x188: {  	v26 =	vadd.f32 v26, v29;
	v13 =	vmul.f32 v13, v28;
	v20 =	vsub.s32 $0x5F3759DF, v51  }
0x189: {  	v16 =	vadd.f32 $0.0e+00, v16;
	v19 =	vmul.f32 v24, v19;
	v21 =	vmul.f32 v20, v21  }
0x18a: {  	v53 =	vshra.s32 v26, $0x1;
	v54 =	vmul.f32 $5.000000000e-01, v26;
	v12 =	vadd.f32 v13, v12  }
0x18b: {  	v13 =	vsub.s32 $0x5F3759DF, v53;
	v19 =	vsub.f32 $1.500000000e+00, v19;
	v21 =	vmul.f32 v20, v21  }
0x18c: {  	v15 =	vmul.f32 v18, v15;
	v55 =	vmul.f32 v13, v54  }
0x18d: {  	v11 =	vadd.f32 v11, v16;
	v19 =	vmul.f32 v24, v19;
	v21 =	vsub.f32 $1.500000000e+00, v21  }
0x18e: {  	v16 =	vmax.f32 v50, $0.0e+00;
	v12 =	vadd.f32 v15, v12;
	v18 =	vmul.f32 v13, v55  }
0x18f: {  	v10 =	vmax.f32 v10, $0.0e+00;
	v16 =	vmul.f32 v19, v16;
	v57 =	vmul.f32 v20, v21  }
0x190: {  	[tilespmem:s26+$0xFFFFFE00] =	vst v1;
	v58 =	vsub.f32 $1.500000000e+00, v56;
	v1 =	vmul.f32 v14, v10;
	v12 =	vmax.f32 v12, $0.0e+00  }
0x191: {  	s25 =	sadd.s32 $0x8, s25;
	[tilespmem:s26+$0xFFFFFE80] =	vst v2;
	v60 =	vsub.f32 $1.500000000e+00, v18;
	v2 =	vadd.f32 v16, v11;
	v59 =	vmul.f32 v57, v12  }
0x192: {  	p0 =	slt.u32 s25, $0xC0;
	[tilespmem:s26+$0xFFFFFF00] =	vst v3;
	v3 =	vmul.f32 v6, v5;
	v61 =	vmul.f32 v22, v58;
	v1 =	vadd.f32 v1, v9  }
.Ltmp6:
0x193: {  	[tilespmem:s26+$0xFFFFFF80] =	vst v4;
	v62 =	vmul.f32 v8, v7;
	v63 =	vmul.f32 v13, v60;
	v2 =	vadd.f32 v59, v2;
	(pc) =	sbr.rel @p0 .LBB2_5-.Ltmp6, $4  }
0x194: {  	[tilespmem:s26+$0x0] =	vst v3;
	v1 =	vmul.f32 v1, v61  }
0x195: {  	[tilespmem:s26+$0x80] =	vst v62;
	v2 =	vmul.f32 v2, v63  }
0x196: {  	[tilespmem:s26+$0x100] =	vst v1  }
0x197: {  	s28 =	sadd.s32 $0x400, s28;
	[tilespmem:s26+$0x180] =	vst v2;
	s26 =	sadd.s32 $0x400, s26  }
0x198: {  	p0 =	seq.s32 s24, $0x0  }
.Ltmp7:
0x199: {  	_ = 	snop;
	(pc) =	sbr.rel @p0 .LBB2_9-.Ltmp7, $1  }
0x19a: {  	_ =	sdelay $0x3  }
.LBB2_7:
0x19b: {  	_ =	swait.ge [sflag:s15], $0x6400  }
0x19c: {  	s24 =	simm.s32 $0xFFFFFFF8;
	[sflag:s15] =	ssyncset.done $0x0  }
0x19d: {  	s25 =	simm.s32 $0x13F80;
	s26 =	simm.s32 $0xDB80;
	[sflag:s15] =	ssyncadd.s32 $0xFFFF9C00  }
.LBB2_8:
0x19e: {  	v1 =	vld [tilespmem:s26+$0xFFFFFE01]  }
0x19f: {  	s28 =	sadd.s32 s24, s23;
	v2 =	vld.msk [tilespmem:s26+$0xFFFFFE00 ss:$0x0], $0xffff  }
0x1a0: {  	v8 =	vld [tilespmem:s26+$0xFFFFFE11];
	s29 =	sadd.s32 $0x8, s28  }
0x1a1: {  	v3 =	vadd.s32 s29, v0;
	_ =	sdelay $0x2  }
0x1a2: {  	v13 =	vld [tilespmem:s26+$0xFFFFFE21];
	v4 =	vadd.s32 $0x2714, v1  }
0x1a3: {  	v52 =	vld [tilespmem:s26+$0xFFFFFE31];
	v2 =	vadd.s32 v0, v2  }
0x1a4: {  	v5 =	vadd.s32 $0x4E28, v1;
	v3 =	vld.idx.msk [tilespmem:v3+s2+$0x0], $0xffff  }
0x1a5: {  	v12 =	vadd.s32 $0x2714, v8;
	v1 =	vld.idx.msk [tilespmem:v1+s2+$0x0], $0xffff  }
0x1a6: {  	v16 =	vadd.s32 $0x4E28, v8;
	v8 =	vld.idx.msk [tilespmem:v8+s2+$0x0], $0xffff  }
0x1a7: {  	v18 =	vadd.s32 $0x2714, v13;
	v4 =	vld.idx.msk [tilespmem:v4+s2+$0x0], $0xffff  }
0x1a8: {  	v19 =	vadd.s32 $0x4E28, v13;
	v2 =	vld.idx.msk [tilespmem:v2+s2+$0x0], $0xffff  }
0x1a9: {  	v21 =	vadd.s32 $0x4E28, v52;
	v5 =	vld.idx.msk [tilespmem:v5+s2+$0x0], $0xffff  }
0x1aa: {  	v12 =	vld.idx.msk [tilespmem:v12+s2+$0x0], $0xffff;
	v6 =	vbroadcast v3, $0x0  }
0x1ab: {  	v16 =	vld.idx.msk [tilespmem:v16+s2+$0x0], $0xffff;
	v7 =	vbroadcast v3, $0x1  }
0x1ac: {  	v18 =	vld.idx.msk [tilespmem:v18+s2+$0x0], $0xffff;
	v9 =	vbroadcast v3, $0x2;
	v1 =	vsub.f32 v1, v6  }
0x1ad: {  	v19 =	vld.idx.msk [tilespmem:v19+s2+$0x0], $0xffff;
	v8 =	vsub.f32 v8, v6;
	v4 =	vsub.f32 v4, v7  }
0x1ae: {  	v58 =	vadd.s32 $0x2714, v52;
	v21 =	vld.idx.msk [tilespmem:v21+s2+$0x0], $0xffff;
	v2 =	vsub.f32 v2, v3;
	v3 =	vsub.f32 v5, v9  }
0x1af: {  	v28 =	vld [tilespmem:s26+$0xFFFFFE81];
	v12 =	vsub.f32 v12, v7;
	v48 =	vmul.f32 v1, v1;
	v57 =	vmul.f32 v8, v8  }
0x1b0: {  	v56 =	vsub.f32 v16, v9;
	v10 =	vmul.f32 v4, v4;
	v11 =	vmul.f32 v2, v2  }
0x1b1: {  	v18 =	vsub.f32 v18, v7;
	v49 =	vmul.f32 v3, v3;
	v17 =	vbroadcast v2, $0x0  }
0x1b2: {  	v60 =	vsub.f32 v19, v9;
	v50 =	vbroadcast v2, $0x1;
	v2 =	vbroadcast v2, $0x2  }
0x1b3: {  	v9 =	vsub.f32 v21, v9;
	v20 =	vmul.f32 v12, v12;
	v59 =	vmul.f32 v56, v56  }
0x1b4: {  	v32 =	vadd.s32 $0x2714, v28;
	v62 =	vmul.f32 v18, v18;
	v63 =	vmul.f32 v60, v60  }
0x1b5: {  	v36 =	vadd.s32 $0x4E28, v28;
	v29 =	vmul.f32 v9, v9;
	v14 =	vbroadcast v11, $0x0  }
0x1b6: {  	v5 =	vadd.f32 v10, v48;
	v15 =	vbroadcast v11, $0x1;
	v11 =	vbroadcast v11, $0x2  }
0x1b7: {  	v1 =	vmul.f32 v1, v17;
	v4 =	vmul.f32 v4, v50;
	v16 =	vadd.f32 v20, v57  }
0x1b8: {  	v8 =	vmul.f32 v8, v17;
	v12 =	vmul.f32 v12, v50;
	v5 =	vadd.f32 v49, v5  }
0x1b9: {  	v54 =	vld.idx.msk [tilespmem:v13+s2+$0x0], $0xffff;
	v3 =	vmul.f32 v3, v2;
	v14 =	vadd.f32 v15, v14;
	v1 =	vadd.f32 v4, v1  }
0x1ba: {  	v8 =	vadd.f32 v12, v8;
	v51 =	vshra.s32 v5, $0x1;
	v5 =	vmul.f32 $5.000000000e-01, v5  }
0x1bb: {  	v4 =	vmul.f32 v56, v2;
	v11 =	vadd.f32 v14, v11;
	v14 =	vld.idx.msk [tilespmem:v52+s2+$0x0], $0xffff;
	v15 =	vsub.s32 $0x5F3759DF, v51  }
0x1bc: {  	v43 =	vld [tilespmem:s26+$0xFFFFFE91];
	v18 =	vmul.f32 v18, v50;
	v1 =	vadd.f32 v3, v1;
	v5 =	vmul.f32 v15, v5  }
0x1bd: {  	v24 =	vld.msk [tilespmem:s26+$0xFFFFFE80 ss:$0x0], $0xffff;
	v4 =	vadd.f32 v4, v8;
	v55 =	vshra.s32 v11, $0x1;
	v11 =	vmul.f32 $5.000000000e-01, v11  }
0x1be: {  	v13 =	vsub.s32 $0x5F3759DF, v55;
	v53 =	vmul.f32 v15, v5;
	v5 =	vsub.f32 v54, v6  }
0x1bf: {  	v1 =	vmax.f32 v1, $0.0e+00;
	v4 =	vmax.f32 v4, $0.0e+00;
	v11 =	vmul.f32 v13, v11  }
0x1c0: {  	v51 =	vld [tilespmem:s26+$0xFFFFFEA1];
	v6 =	vsub.f32 v14, v6;
	v3 =	vsub.f32 $1.500000000e+00, v53;
	v61 =	vmul.f32 v5, v5  }
0x1c1: {  	v55 =	vadd.s32 $0x4E28, v43;
	v11 =	vmul.f32 v13, v11;
	v5 =	vmul.f32 v5, v17  }
0x1c2: {  	v14 =	vadd.s32 v0, v24;
	v26 =	vmul.f32 v6, v6;
	v3 =	vmul.f32 v15, v3;
	v15 =	vld.idx.msk [tilespmem:v58+s2+$0x0], $0xffff  }
0x1c3: {  	v6 =	vmul.f32 v6, v17;
	v19 =	vadd.f32 v62, v61;
	v5 =	vadd.f32 v18, v5  }
0x1c4: {  	v42 =	vsub.f32 $1.500000000e+00, v11;
	v1 =	vmul.f32 v3, v1;
	v3 =	vadd.f32 v59, v16  }
0x1c5: {  	v61 =	vadd.s32 $0x4E28, v51;
	v19 =	vadd.f32 v63, v19;
	v16 =	vmul.f32 v60, v2  }
0x1c6: {  	v2 =	vmul.f32 v9, v2;
	v22 =	vshra.s32 v3, $0x1;
	v3 =	vmul.f32 $5.000000000e-01, v3  }
0x1c7: {  	s30 =	sadd.s32 $0x9, s28;
	v23 =	vshra.s32 v19, $0x1;
	v25 =	vmul.f32 $5.000000000e-01, v19;
	v7 =	vsub.f32 v15, v7  }
0x1c8: {  	v22 =	vsub.s32 $0x5F3759DF, v22;
	v12 =	vsub.s32 $0x5F3759DF, v23;
	v23 =	vadd.s32 s30, v0  }
0x1c9: {  	v60 =	vadd.s32 $0x2714, v51;
	v63 =	vld [tilespmem:s26+$0xFFFFFEB1];
	v3 =	vmul.f32 v22, v3;
	v27 =	vmul.f32 v7, v7  }
0x1ca: {  	v41 =	vld.idx.msk [tilespmem:v32+s2+$0x0], $0xffff;
	v5 =	vadd.f32 v16, v5;
	v15 =	vmul.f32 v12, v25;
	v7 =	vmul.f32 v7, v50  }
0x1cb: {  	v14 =	vld.idx.msk [tilespmem:v14+s2+$0x0], $0xffff;
	v1 =	vadd.f32 $0.0e+00, v1;
	v3 =	vmul.f32 v22, v3;
	v19 =	vadd.f32 v27, v26  }
0x1cc: {  	v5 =	vmax.f32 v5, $0.0e+00;
	v25 =	vld.msk [tilespmem:s26+$0xFFFFFF00 ss:$0x0], $0xffff;
	v30 =	vmul.f32 v12, v15;
	v6 =	vadd.f32 v7, v6  }
0x1cd: {  	v50 =	vadd.s32 $0x2714, v43;
	v3 =	vsub.f32 $1.500000000e+00, v3;
	v35 =	vld.idx.msk [tilespmem:v23+s2+$0x0], $0xffff;
	v31 =	vadd.f32 v29, v19  }
0x1ce: {  	v45 =	vld.idx.msk [tilespmem:v36+s2+$0x0], $0xffff;
	v24 =	vadd.s32 $0x4E28, v63;
	v8 =	vsub.f32 $1.500000000e+00, v30;
	v2 =	vadd.f32 v2, v6  }
0x1cf: {  	v20 =	vld.idx.msk [tilespmem:v55+s2+$0x0], $0xffff;
	v3 =	vmul.f32 v22, v3;
	v33 =	vshra.s32 v31, $0x1;
	v15 =	vmul.f32 $5.000000000e-01, v31  }
0x1d0: {  	v16 =	vld.idx.msk [tilespmem:v51+s2+$0x0], $0xffff;
	v38 =	vmul.f32 v12, v8;
	v2 =	vmax.f32 v2, $0.0e+00;
	v34 =	vsub.s32 $0x5F3759DF, v33  }
0x1d1: {  	v3 =	vmul.f32 v3, v4;
	v4 =	vld.idx.msk [tilespmem:v43+s2+$0x0], $0xffff;
	v43 =	vadd.s32 v0, v25;
	v37 =	vmul.f32 v34, v15  }
0x1d2: {  	v46 =	vbroadcast v35, $0x0;
	v47 =	vbroadcast v35, $0x1;
	v48 =	vsub.f32 v14, v35  }
0x1d3: {  	v49 =	vbroadcast v35, $0x2;
	v35 =	vadd.s32 $0x2714, v63;
	v1 =	vadd.f32 v3, v1  }
0x1d4: {  	v3 =	vmul.f32 v38, v5;
	v40 =	vmul.f32 v34, v37;
	v9 =	vsub.f32 v41, v47  }
0x1d5: {  	v59 =	vld.idx.msk [tilespmem:v50+s2+$0x0], $0xffff;
	v14 =	vmul.f32 v48, v48;
	v6 =	vsub.f32 v45, v49;
	v18 =	vbroadcast v48, $0x1  }
0x1d6: {  	v15 =	vld.idx.msk [tilespmem:v60+s2+$0x0], $0xffff;
	v5 =	vbroadcast v48, $0x2;
	v29 =	vsub.f32 v20, v49;
	v16 =	vsub.f32 v16, v46  }
0x1d7: {  	v39 =	vld.idx.msk [tilespmem:v28+s2+$0x0], $0xffff;
	v3 =	vadd.f32 v3, v1;
	v52 =	vmul.f32 v9, v9;
	v53 =	vbroadcast v14, $0x0  }
0x1d8: {  	v22 =	vld.idx.msk [tilespmem:v63+s2+$0x0], $0xffff;
	v44 =	vsub.f32 $1.500000000e+00, v40;
	v54 =	vbroadcast v14, $0x1;
	v56 =	vmul.f32 v6, v6  }
0x1d9: {  	v41 =	vld.idx.msk [tilespmem:v24+s2+$0x0], $0xffff;
	v57 =	vbroadcast v14, $0x2;
	v9 =	vmul.f32 v9, v18;
	v4 =	vsub.f32 v4, v46  }
0x1da: {  	v14 =	vsub.f32 v59, v47;
	v6 =	vmul.f32 v6, v5;
	v36 =	vmul.f32 v16, v16  }
0x1db: {  	v40 =	vmul.f32 v29, v5;
	v15 =	vsub.f32 v15, v47;
	v1 =	vmul.f32 v34, v44  }
0x1dc: {  	v8 =	vsub.f32 v39, v46;
	v30 =	vmul.f32 v4, v4;
	v31 =	vmul.f32 v14, v14  }
0x1dd: {  	v7 =	vsub.f32 v22, v46;
	v23 =	vld.idx.msk [tilespmem:v35+s2+$0x0], $0xffff;
	v34 =	vmul.f32 v29, v29;
	v37 =	vmul.f32 v15, v15  }
0x1de: {  	v44 =	vld [tilespmem:s26+$0xFFFFFF01];
	v12 =	vsub.f32 v41, v49;
	v2 =	vmul.f32 v1, v2;
	v1 =	vmul.f32 v8, v8  }
0x1df: {  	v14 =	vmul.f32 v14, v18;
	v45 =	vmul.f32 v15, v18;
	v33 =	vadd.f32 v31, v30  }
0x1e0: {  	v20 =	vadd.f32 v37, v36;
	v50 =	vmul.f32 v12, v12;
	v17 =	vadd.f32 v52, v1  }
0x1e1: {  	s31 =	sadd.s32 $0xA, s28;
	v1 =	vmul.f32 v13, v42;
	v3 =	vadd.f32 v2, v3;
	v2 =	vadd.f32 v54, v53  }
0x1e2: {  	v42 =	vadd.s32 s31, v0;
	v11 =	vsub.f32 v23, v47;
	v47 =	vmul.f32 v7, v7  }
0x1e3: {  	v54 =	vadd.s32 $0x2714, v44;
	v58 =	vadd.f32 v56, v17;
	v17 =	vbroadcast v48, $0x0  }
0x1e4: {  	v10 =	vadd.f32 v2, v57;
	v48 =	vmul.f32 v11, v11;
	v11 =	vmul.f32 v11, v18  }
0x1e5: {  	v57 =	vadd.s32 $0x4E28, v44;
	v1 =	vmul.f32 v3, v1;
	v13 =	vmul.f32 $5.000000000e-01, v58  }
0x1e6: {  	v2 =	vshra.s32 v58, $0x1;
	v8 =	vmul.f32 v8, v17;
	v4 =	vmul.f32 v4, v17  }
0x1e7: {  	v28 =	vld.idx.msk [tilespmem:v61+s2+$0x0], $0xffff;
	v16 =	vmul.f32 v16, v17;
	v7 =	vmul.f32 v7, v17;
	v62 =	vsub.s32 $0x5F3759DF, v2  }
0x1e8: {  	v61 =	vld [tilespmem:s26+$0xFFFFFF11];
	v2 =	vshra.s32 v10, $0x1;
	v10 =	vmul.f32 $5.000000000e-01, v10;
	v8 =	vadd.f32 v9, v8  }
0x1e9: {  	v13 =	vmul.f32 v62, v13;
	v9 =	vadd.f32 v34, v33;
	v4 =	vadd.f32 v14, v4  }
0x1ea: {  	v2 =	vsub.s32 $0x5F3759DF, v2;
	v14 =	vadd.f32 v45, v16;
	v7 =	vadd.f32 v11, v7  }
0x1eb: {  	v51 =	vld.idx.msk [tilespmem:v42+s2+$0x0], $0xffff;
	v10 =	vmul.f32 v2, v10;
	v27 =	vmul.f32 v62, v13;
	v6 =	vadd.f32 v6, v8  }
0x1ec: {  	v42 =	vld [tilespmem:s26+$0xFFFFFF31];
	v13 =	vsub.f32 v28, v49;
	v38 =	vshra.s32 v9, $0x1;
	v9 =	vmul.f32 $5.000000000e-01, v9  }
0x1ed: {  	v4 =	vadd.f32 v40, v4;
	v49 =	vadd.f32 v48, v47;
	v28 =	vadd.s32 $0x4E28, v61  }
0x1ee: {  	v58 =	vld.idx.msk [tilespmem:v44+s2+$0x0], $0xffff;
	v10 =	vmul.f32 v2, v10;
	v32 =	vsub.f32 $1.500000000e+00, v27;
	v6 =	vmax.f32 v6, $0.0e+00  }
0x1ef: {  	v39 =	vmul.f32 v13, v13;
	v13 =	vmul.f32 v13, v5;
	v4 =	vmax.f32 v4, $0.0e+00  }
0x1f0: {  	v55 =	vadd.f32 v50, v49;
	v5 =	vmul.f32 v12, v5;
	v11 =	vbroadcast v51, $0x0  }
0x1f1: {  	v27 =	vadd.s32 $0x2714, v61;
	v47 =	vadd.s32 $0x2714, v42;
	v10 =	vsub.f32 $1.500000000e+00, v10  }
0x1f2: {  	v8 =	vmul.f32 v62, v32;
	v20 =	vadd.f32 v39, v20;
	v13 =	vadd.f32 v13, v14  }
0x1f3: {  	v16 =	vshra.s32 v55, $0x1;
	v14 =	vmul.f32 $5.000000000e-01, v55;
	v19 =	vsub.f32 v58, v11  }
0x1f4: {  	v60 =	vsub.s32 $0x5F3759DF, v16;
	v2 =	vmul.f32 v2, v10;
	v6 =	vmul.f32 v8, v6  }
0x1f5: {  	v62 =	vld.idx.msk [tilespmem:v54+s2+$0x0], $0xffff;
	v8 =	vsub.s32 $0x5F3759DF, v38;
	v21 =	vshra.s32 v20, $0x1;
	v20 =	vmul.f32 $5.000000000e-01, v20  }
0x1f6: {  	v40 =	vld [tilespmem:s26+$0xFFFFFF21];
	v14 =	vmul.f32 v60, v14;
	v29 =	vmul.f32 v19, v19;
	v21 =	vsub.s32 $0x5F3759DF, v21  }
0x1f7: {  	v53 =	vld.idx.msk [tilespmem:v43+s2+$0x0], $0xffff;
	v50 =	vadd.s32 $0x4E28, v42;
	v9 =	vmul.f32 v8, v9;
	v46 =	vmul.f32 v21, v20  }
0x1f8: {  	v3 =	vadd.f32 v5, v7;
	v63 =	vmul.f32 v60, v14;
	v14 =	vbroadcast v51, $0x1  }
0x1f9: {  	v13 =	vmax.f32 v13, $0.0e+00;
	v9 =	vmul.f32 v8, v9;
	v15 =	vmul.f32 v21, v46  }
0x1fa: {  	v55 =	vld.msk [tilespmem:s26+$0xFFFFFF80 ss:$0x0], $0xffff;
	v3 =	vmax.f32 v3, $0.0e+00;
	v16 =	vsub.f32 v62, v14;
	v31 =	vsub.f32 $1.500000000e+00, v63  }
0x1fb: {  	v38 =	vld.idx.msk [tilespmem:v28+s2+$0x0], $0xffff;
	v20 =	vbroadcast v51, $0x2;
	v9 =	vsub.f32 $1.500000000e+00, v9;
	v52 =	vsub.f32 $1.500000000e+00, v15  }
0x1fc: {  	v36 =	vld.idx.msk [tilespmem:v27+s2+$0x0], $0xffff;
	v15 =	vsub.f32 v53, v51;
	v30 =	vmul.f32 v16, v16;
	v5 =	vmul.f32 v60, v31  }
0x1fd: {  	v27 =	vadd.s32 $0x4E28, v40;
	v58 =	vld.idx.msk [tilespmem:v50+s2+$0x0], $0xffff;
	v8 =	vmul.f32 v8, v9;
	v56 =	vmul.f32 v21, v52  }
0x1fe: {  	v6 =	vadd.f32 $0.0e+00, v6;
	v22 =	vld.idx.msk [tilespmem:v40+s2+$0x0], $0xffff;
	v24 =	vmul.f32 v15, v15;
	v21 =	vbroadcast v15, $0x1  }
0x1ff: {  	s30 =	sadd.s32 $0xB, s28;
	v32 =	vld.idx.msk [tilespmem:v61+s2+$0x0], $0xffff;
	v10 =	vadd.s32 v0, v55;
	v3 =	vmul.f32 v5, v3;
	v4 =	vmul.f32 v8, v4  }
0x200: {  	v63 =	vadd.s32 s30, v0;
	v9 =	vld.idx.msk [tilespmem:v57+s2+$0x0], $0xffff;
	v8 =	vbroadcast v15, $0x0;
	v15 =	vbroadcast v15, $0x2  }
0x201: {  	v34 =	vadd.f32 v30, v29;
	v59 =	vmul.f32 v56, v13;
	v25 =	vbroadcast v24, $0x0  }
0x202: {  	v30 =	vsub.f32 v58, v20;
	v26 =	vbroadcast v24, $0x1;
	v12 =	vbroadcast v24, $0x2  }
0x203: {  	v52 =	vld.idx.msk [tilespmem:v27+s2+$0x0], $0xffff;
	v16 =	vmul.f32 v16, v21;
	v13 =	vsub.f32 v38, v20;
	v56 =	vsub.f32 v22, v11  }
0x204: {  	v4 =	vadd.f32 v4, v6;
	v19 =	vmul.f32 v19, v8;
	v6 =	vsub.f32 v32, v11  }
0x205: {  	v17 =	vadd.f32 v26, v25;
	v9 =	vsub.f32 v9, v20;
	v45 =	vmul.f32 v13, v13  }
0x206: {  	v26 =	vadd.s32 $0x2714, v40;
	v61 =	vmul.f32 v56, v56;
	v13 =	vmul.f32 v13, v15  }
0x207: {  	v4 =	vadd.f32 v59, v4;
	v16 =	vadd.f32 v16, v19;
	v43 =	vmul.f32 v6, v6  }
0x208: {  	v6 =	vmul.f32 v6, v8;
	v60 =	vsub.f32 v52, v20;
	v33 =	vadd.f32 v17, v12  }
0x209: {  	v35 =	vmul.f32 v9, v9;
	v17 =	vsub.f32 v36, v14;
	v9 =	vmul.f32 v9, v15  }
0x20a: {  	v19 =	vld.idx.msk [tilespmem:v42+s2+$0x0], $0xffff;
	v36 =	vmul.f32 v30, v30;
	v3 =	vadd.f32 v3, v4;
	v29 =	vmul.f32 v60, v60  }
0x20b: {  	v37 =	vshra.s32 v33, $0x1;
	v12 =	vadd.f32 v35, v34;
	v7 =	vmul.f32 $5.000000000e-01, v33  }
0x20c: {  	v44 =	vmul.f32 v17, v17;
	v9 =	vadd.f32 v9, v16;
	v17 =	vmul.f32 v17, v21  }
0x20d: {  	v34 =	vmul.f32 v56, v8;
	v39 =	vsub.s32 $0x5F3759DF, v37;
	v2 =	vmul.f32 v3, v2  }
0x20e: {  	v54 =	vld.idx.msk [tilespmem:v47+s2+$0x0], $0xffff;
	v41 =	vshra.s32 v12, $0x1;
	v12 =	vmul.f32 $5.000000000e-01, v12;
	v24 =	vadd.f32 v44, v43  }
0x20f: {  	v49 =	vld.idx.msk [tilespmem:v26+s2+$0x0], $0xffff;
	v7 =	vmul.f32 v39, v7;
	v11 =	vsub.f32 v19, v11;
	v23 =	vsub.s32 $0x5F3759DF, v41  }
0x210: {  	v37 =	vld.idx.msk [tilespmem:v63+s2+$0x0], $0xffff;
	v9 =	vmax.f32 v9, $0.0e+00;
	v6 =	vadd.f32 v17, v6;
	v12 =	vmul.f32 v23, v12  }
0x211: {  	v10 =	vld.idx.msk [tilespmem:v10+s2+$0x0], $0xffff;
	v46 =	vadd.f32 v45, v24;
	v7 =	vmul.f32 v39, v7;
	v31 =	vmul.f32 v11, v11  }
0x212: {  	v6 =	vadd.f32 v13, v6;
	v8 =	vmul.f32 v11, v8;
	v12 =	vmul.f32 v23, v12  }
0x213: {  	v48 =	vshra.s32 v46, $0x1;
	v5 =	vmul.f32 $5.000000000e-01, v46;
	v53 =	vsub.f32 $1.500000000e+00, v7  }
0x214: {  	v57 =	vsub.f32 v49, v14;
	v49 =	vmul.f32 v30, v15;
	v51 =	vsub.s32 $0x5F3759DF, v48  }
0x215: {  	v7 =	vsub.f32 v54, v14;
	v16 =	vbroadcast v37, $0x0;
	v5 =	vmul.f32 v51, v5  }
0x216: {  	v10 =	vsub.f32 v10, v37;
	v3 =	vmul.f32 v39, v53;
	v62 =	vmul.f32 v57, v57  }
0x217: {  	v46 =	vld [tilespmem:s26+$0xFFFFFF91];
	v12 =	vsub.f32 $1.500000000e+00, v12;
	v32 =	vmul.f32 v7, v7;
	v17 =	vmul.f32 v57, v21  }
0x218: {  	v6 =	vmax.f32 v6, $0.0e+00;
	v7 =	vmul.f32 v7, v21;
	v48 =	vmul.f32 v10, v10  }
0x219: {  	v12 =	vmul.f32 v23, v12;
	v5 =	vmul.f32 v51, v5;
	v28 =	vadd.f32 v62, v61  }
0x21a: {  	v35 =	vadd.f32 v32, v31;
	v40 =	vadd.f32 v17, v34;
	v52 =	vbroadcast v48, $0x1  }
0x21b: {  	v39 =	vld [tilespmem:s26+$0xFFFFFF81];
	v7 =	vadd.f32 v7, v8;
	v55 =	vbroadcast v48, $0x2;
	v17 =	vbroadcast v37, $0x1  }
0x21c: {  	v34 =	vbroadcast v10, $0x0;
	v53 =	vadd.s32 $0x2714, v46;
	v56 =	vadd.s32 $0x4E28, v46  }
0x21d: {  	v9 =	vmul.f32 v12, v9;
	v59 =	vsub.f32 $1.500000000e+00, v5;
	v33 =	vadd.f32 v29, v28  }
0x21e: {  	v14 =	vadd.f32 v36, v35;
	v5 =	vmul.f32 v60, v15;
	v60 =	vbroadcast v37, $0x2  }
0x21f: {  	v7 =	vadd.f32 v49, v7;
	v35 =	vbroadcast v10, $0x1;
	v10 =	vbroadcast v10, $0x2  }
0x220: {  	v45 =	vadd.s32 $0x2714, v39;
	v47 =	vadd.s32 $0x4E28, v39;
	v4 =	vmul.f32 v51, v59  }
0x221: {  	v31 =	vld [tilespmem:s26+$0xFFFFFFA1];
	v38 =	vshra.s32 v33, $0x1;
	v12 =	vmul.f32 $5.000000000e-01, v33;
	v41 =	vshra.s32 v14, $0x1  }
0x222: {  	v14 =	vmul.f32 $5.000000000e-01, v14;
	v51 =	vbroadcast v48, $0x0;
	v20 =	vsub.s32 $0x5F3759DF, v38  }
0x223: {  	v9 =	vadd.f32 $0.0e+00, v9;
	v43 =	vsub.s32 $0x5F3759DF, v41;
	v38 =	vld [tilespmem:s26+$0xFFFFFFB1];
	v12 =	vmul.f32 v20, v12  }
0x224: {  	v5 =	vadd.f32 v5, v40;
	v44 =	vmul.f32 v43, v14;
	v50 =	vld.idx.msk [tilespmem:v39+s2+$0x0], $0xffff;
	v54 =	vadd.f32 v52, v51  }
0x225: {  	v7 =	vmax.f32 v7, $0.0e+00;
	v4 =	vmul.f32 v4, v6;
	v62 =	vld.idx.msk [tilespmem:v53+s2+$0x0], $0xffff;
	v42 =	vmul.f32 v20, v12  }
0x226: {  	v37 =	vadd.s32 $0x2714, v31;
	v6 =	vmul.f32 v43, v44;
	v13 =	vld.idx.msk [tilespmem:v45+s2+$0x0], $0xffff;
	v58 =	vadd.f32 v54, v55  }
0x227: {  	v5 =	vmax.f32 v5, $0.0e+00;
	v4 =	vadd.f32 v4, v9;
	v11 =	vld.idx.msk [tilespmem:v47+s2+$0x0], $0xffff;
	v9 =	vsub.f32 $1.500000000e+00, v42  }
0x228: {  	v12 =	vld.idx.msk [tilespmem:v56+s2+$0x0], $0xffff;
	v6 =	vsub.f32 $1.500000000e+00, v6;
	v29 =	vshra.s32 v58, $0x1;
	v30 =	vmul.f32 $5.000000000e-01, v58  }
0x229: {  	v59 =	vld.idx.msk [tilespmem:v46+s2+$0x0], $0xffff;
	v42 =	vadd.s32 $0x4E28, v31;
	v44 =	vadd.s32 $0x2714, v38;
	v61 =	vsub.f32 v50, v16  }
0x22a: {  	v45 =	vadd.s32 $0x4E28, v38;
	v14 =	vsub.f32 v62, v17;
	v9 =	vmul.f32 v20, v9  }
0x22b: {  	v19 =	vld.idx.msk [tilespmem:v37+s2+$0x0], $0xffff;
	v6 =	vmul.f32 v43, v6;
	v13 =	vsub.f32 v13, v17;
	v32 =	vmul.f32 v61, v61  }
0x22c: {  	v11 =	vsub.f32 v11, v60;
	v40 =	vmul.f32 v14, v14;
	v14 =	vmul.f32 v14, v35  }
0x22d: {  	v12 =	vsub.f32 v12, v60;
	v5 =	vmul.f32 v9, v5;
	v57 =	vmul.f32 v6, v7  }
0x22e: {  	s31 =	sadd.s32 $0xC, s28;
	v7 =	vsub.f32 v59, v16;
	v9 =	vmul.f32 v61, v34;
	v33 =	vmul.f32 v13, v13  }
0x22f: {  	v59 =	vadd.s32 s31, v0;
	v36 =	vmul.f32 v11, v11;
	v43 =	vmul.f32 v12, v12  }
0x230: {  	v6 =	vld.idx.msk [tilespmem:v31+s2+$0x0], $0xffff;
	v13 =	vmul.f32 v13, v35;
	v11 =	vmul.f32 v11, v10;
	v48 =	vsub.f32 v19, v17  }
0x231: {  	v22 =	vld.idx.msk [tilespmem:v38+s2+$0x0], $0xffff;
	v12 =	vmul.f32 v12, v10;
	v4 =	vadd.f32 v5, v4;
	v39 =	vmul.f32 v7, v7  }
0x232: {  	v26 =	vld.idx.msk [tilespmem:v42+s2+$0x0], $0xffff;
	v7 =	vmul.f32 v7, v34;
	v18 =	vadd.f32 v33, v32;
	v9 =	vadd.f32 v13, v9  }
0x233: {  	v53 =	vmul.f32 v48, v48;
	v63 =	vadd.f32 v57, v4;
	v23 =	vadd.f32 v40, v39  }
0x234: {  	v49 =	vld.idx.msk [tilespmem:v44+s2+$0x0], $0xffff;
	v15 =	vmul.f32 v48, v35;
	v7 =	vadd.f32 v14, v7;
	v18 =	vadd.f32 v36, v18  }
0x235: {  	v4 =	vsub.s32 $0x5F3759DF, v29;
	v9 =	vadd.f32 v11, v9;
	v6 =	vsub.f32 v6, v16  }
0x236: {  	v5 =	vmul.f32 v4, v30;
	v16 =	vsub.f32 v22, v16;
	v23 =	vadd.f32 v43, v23  }
0x237: {  	v13 =	vld.idx.msk [tilespmem:v45+s2+$0x0], $0xffff;
	v3 =	vmul.f32 v63, v3;
	v51 =	vsub.f32 v26, v60;
	v7 =	vadd.f32 v12, v7  }
0x238: {  	v5 =	vmul.f32 v4, v5;
	v41 =	vshra.s32 v18, $0x1;
	v18 =	vmul.f32 $5.000000000e-01, v18  }
0x239: {  	v33 =	vld [tilespmem:s26+$0x11];
	v17 =	vsub.f32 v49, v17;
	v52 =	vmul.f32 v6, v6;
	v6 =	vmul.f32 v6, v34  }
0x23a: {  	v9 =	vmax.f32 v9, $0.0e+00;
	v58 =	vmul.f32 v16, v16;
	v34 =	vmul.f32 v16, v34  }
0x23b: {  	v57 =	vld [tilespmem:s26+$0x1];
	v25 =	vsub.s32 $0x5F3759DF, v41;
	v46 =	vshra.s32 v23, $0x1;
	v23 =	vmul.f32 $5.000000000e-01, v23  }
0x23c: {  	v29 =	vld.idx.msk [tilespmem:v59+s2+$0x0], $0xffff;
	v56 =	vmul.f32 v51, v51;
	v8 =	vsub.f32 v13, v60;
	v19 =	vmul.f32 v17, v17  }
0x23d: {  	v7 =	vmax.f32 v7, $0.0e+00;
	v28 =	vmul.f32 v51, v10;
	v35 =	vmul.f32 v17, v35  }
0x23e: {  	v39 =	vadd.s32 $0x2714, v33;
	v41 =	vadd.s32 $0x4E28, v33;
	v5 =	vsub.f32 $1.500000000e+00, v5  }
0x23f: {  	v18 =	vmul.f32 v25, v18;
	v47 =	vsub.s32 $0x5F3759DF, v46;
	v55 =	vadd.f32 v53, v52  }
0x240: {  	v63 =	vadd.s32 $0x2714, v57;
	v6 =	vadd.f32 v15, v6;
	v23 =	vmul.f32 v47, v23  }
0x241: {  	v30 =	vadd.s32 $0x4E28, v57;
	v61 =	vmul.f32 v8, v8;
	v15 =	vbroadcast v29, $0x0  }
0x242: {  	v46 =	vld [tilespmem:s26+$0x21];
	v13 =	vadd.f32 v19, v58;
	v17 =	vbroadcast v29, $0x1;
	v8 =	vmul.f32 v8, v10  }
0x243: {  	v60 =	vld.msk [tilespmem:s26+$0x0 ss:$0x0], $0xffff;
	v21 =	vbroadcast v29, $0x2;
	v18 =	vmul.f32 v25, v18;
	v14 =	vadd.f32 v56, v55  }
0x244: {  	v6 =	vadd.f32 v28, v6;
	v4 =	vmul.f32 v4, v5;
	v50 =	vmul.f32 v47, v23  }
0x245: {  	v13 =	vadd.f32 v61, v13;
	v18 =	vsub.f32 $1.500000000e+00, v18;
	v24 =	vshra.s32 v14, $0x1  }
0x246: {  	v23 =	vld.idx.msk [tilespmem:v33+s2+$0x0], $0xffff;
	v14 =	vmul.f32 $5.000000000e-01, v14;
	v6 =	vmax.f32 v6, $0.0e+00;
	v54 =	vsub.f32 $1.500000000e+00, v50  }
0x247: {  	v10 =	vld.idx.msk [tilespmem:v41+s2+$0x0], $0xffff;
	v24 =	vsub.s32 $0x5F3759DF, v24;
	v31 =	vshra.s32 v13, $0x1;
	v53 =	vadd.s32 $0x4E28, v46  }
0x248: {  	v13 =	vmul.f32 $5.000000000e-01, v13;
	v36 =	vld.idx.msk [tilespmem:v30+s2+$0x0], $0xffff;
	v18 =	vmul.f32 v25, v18;
	v25 =	vadd.s32 v0, v60  }
0x249: {  	v62 =	vmul.f32 v24, v14;
	v32 =	vsub.s32 $0x5F3759DF, v31;
	v14 =	vld.idx.msk [tilespmem:v63+s2+$0x0], $0xffff;
	v11 =	vmul.f32 v47, v54  }
0x24a: {  	v52 =	vadd.s32 $0x2714, v46;
	v13 =	vmul.f32 v32, v13;
	v9 =	vmul.f32 v18, v9  }
0x24b: {  	v12 =	vmul.f32 v24, v62;
	v18 =	vld.idx.msk [tilespmem:v57+s2+$0x0], $0xffff;
	v23 =	vsub.f32 v23, v15;
	v7 =	vmul.f32 v11, v7  }
0x24c: {  	v13 =	vmul.f32 v32, v13;
	v10 =	vsub.f32 v10, v21;
	v9 =	vadd.f32 $0.0e+00, v9;
	v62 =	vld.idx.msk [tilespmem:v53+s2+$0x0], $0xffff  }
0x24d: {  	v12 =	vsub.f32 $1.500000000e+00, v12;
	v42 =	vsub.f32 v36, v21;
	v54 =	vmul.f32 v23, v23;
	v37 =	vld.idx.msk [tilespmem:v25+s2+$0x0], $0xffff  }
0x24e: {  	v38 =	vsub.f32 $1.500000000e+00, v13;
	v14 =	vsub.f32 v14, v17;
	v13 =	vld.idx.msk [tilespmem:v39+s2+$0x0], $0xffff;
	v58 =	vmul.f32 v10, v10  }
0x24f: {  	v25 =	vld.idx.msk [tilespmem:v52+s2+$0x0], $0xffff;
	v7 =	vadd.f32 v7, v9;
	v12 =	vmul.f32 v24, v12;
	v9 =	vadd.f32 v35, v34  }
0x250: {  	v48 =	vmul.f32 v42, v42;
	v18 =	vsub.f32 v18, v15;
	v40 =	vmul.f32 v32, v38  }
0x251: {  	v44 =	vmul.f32 v14, v14;
	v8 =	vadd.f32 v8, v9;
	v6 =	vmul.f32 v12, v6  }
0x252: {  	v43 =	vmul.f32 v18, v18;
	v16 =	vsub.f32 v62, v21;
	v45 =	vsub.f32 v37, v29  }
0x253: {  	v8 =	vmax.f32 v8, $0.0e+00;
	v6 =	vadd.f32 v6, v7;
	v13 =	vsub.f32 v13, v17  }
0x254: {  	v34 =	vsub.f32 v25, v17;
	v8 =	vmul.f32 v40, v8;
	v40 =	vmul.f32 v16, v16  }
0x255: {  	v47 =	vadd.f32 v44, v43;
	v7 =	vbroadcast v45, $0x0;
	v20 =	vmul.f32 v45, v45  }
0x256: {  	v56 =	vld.idx.msk [tilespmem:v46+s2+$0x0], $0xffff;
	v22 =	vbroadcast v45, $0x1;
	v12 =	vbroadcast v45, $0x2  }
0x257: {  	v62 =	vld [tilespmem:s26+$0x91];
	v28 =	vmul.f32 v13, v13;
	v37 =	vmul.f32 v34, v34;
	v9 =	vadd.f32 v48, v47  }
0x258: {  	s30 =	sadd.s32 $0xD, s28;
	v29 =	vld [tilespmem:s26+$0x31];
	v6 =	vadd.f32 v8, v6;
	v49 =	vbroadcast v20, $0x0;
	v50 =	vbroadcast v20, $0x1  }
0x259: {  	v48 =	vadd.s32 s30, v0;
	v20 =	vbroadcast v20, $0x2;
	v55 =	vmul.f32 v18, v7  }
0x25a: {  	v14 =	vmul.f32 v14, v22;
	v57 =	vadd.f32 v28, v54;
	v11 =	vmul.f32 v42, v12  }
0x25b: {  	v18 =	vsub.f32 v56, v15;
	v23 =	vmul.f32 v23, v7;
	v13 =	vmul.f32 v13, v22  }
0x25c: {  	v44 =	vld [tilespmem:s26+$0x81];
	v10 =	vmul.f32 v10, v12;
	v16 =	vmul.f32 v16, v12;
	v31 =	vadd.s32 $0x2714, v62  }
0x25d: {  	v45 =	vld.msk [tilespmem:s26+$0x80 ss:$0x0], $0xffff;
	v51 =	vshra.s32 v9, $0x1;
	v9 =	vmul.f32 $5.000000000e-01, v9;
	v32 =	vadd.s32 $0x2714, v29  }
0x25e: {  	v35 =	vadd.s32 $0x4E28, v29;
	v4 =	vmul.f32 v6, v4;
	v8 =	vadd.f32 v50, v49  }
0x25f: {  	v24 =	vsub.s32 $0x5F3759DF, v51;
	v60 =	vadd.f32 v14, v55;
	v61 =	vadd.f32 v58, v57  }
0x260: {  	v36 =	vmul.f32 v18, v18;
	v13 =	vadd.f32 v13, v23;
	v18 =	vmul.f32 v18, v7  }
0x261: {  	v51 =	vadd.s32 $0x2714, v44;
	v53 =	vadd.s32 $0x4E28, v44;
	v9 =	vmul.f32 v24, v9  }
0x262: {  	v52 =	vadd.s32 v0, v45;
	v59 =	vadd.f32 v8, v20;
	v8 =	vadd.f32 v11, v60  }
0x263: {  	v33 =	vshra.s32 v61, $0x1;
	v14 =	vmul.f32 $5.000000000e-01, v61;
	v38 =	vld.idx.msk [tilespmem:v29+s2+$0x0], $0xffff;
	v39 =	vadd.f32 v37, v36  }
0x264: {  	v10 =	vadd.f32 v10, v13;
	v55 =	vld.idx.msk [tilespmem:v48+s2+$0x0], $0xffff;
	v9 =	vmul.f32 v24, v9;
	v11 =	vsub.s32 $0x5F3759DF, v33  }
0x265: {  	v63 =	vshra.s32 v59, $0x1;
	v5 =	vmul.f32 $5.000000000e-01, v59;
	v14 =	vmul.f32 v11, v14;
	v20 =	vld.idx.msk [tilespmem:v32+s2+$0x0], $0xffff  }
0x266: {  	v37 =	vadd.s32 $0x4E28, v62;
	v41 =	vld.idx.msk [tilespmem:v35+s2+$0x0], $0xffff;
	v9 =	vsub.f32 $1.500000000e+00, v9;
	v19 =	vsub.s32 $0x5F3759DF, v63  }
0x267: {  	v8 =	vmax.f32 v8, $0.0e+00;
	v32 =	vld [tilespmem:s26+$0xA1];
	v14 =	vmul.f32 v11, v14;
	v5 =	vmul.f32 v19, v5  }
0x268: {  	v10 =	vmax.f32 v10, $0.0e+00;
	v9 =	vmul.f32 v24, v9;
	v15 =	vsub.f32 v38, v15  }
0x269: {  	v24 =	vmul.f32 v34, v22;
	v42 =	vsub.f32 $1.500000000e+00, v14;
	v5 =	vmul.f32 v19, v5  }
0x26a: {  	v8 =	vmul.f32 v9, v8;
	v9 =	vadd.f32 v40, v39;
	v17 =	vsub.f32 v20, v17  }
0x26b: {  	v61 =	vld.idx.msk [tilespmem:v53+s2+$0x0], $0xffff;
	v21 =	vsub.f32 v41, v21;
	v46 =	vmul.f32 v15, v15;
	v18 =	vadd.f32 v24, v18  }
0x26c: {  	v57 =	vld.idx.msk [tilespmem:v44+s2+$0x0], $0xffff;
	v7 =	vmul.f32 v15, v7;
	v15 =	vbroadcast v55, $0x2;
	v45 =	vadd.s32 $0x4E28, v32  }
0x26d: {  	v58 =	vld.idx.msk [tilespmem:v51+s2+$0x0], $0xffff;
	v11 =	vmul.f32 v11, v42;
	v5 =	vsub.f32 $1.500000000e+00, v5;
	v8 =	vadd.f32 $0.0e+00, v8  }
0x26e: {  	v44 =	vld.idx.msk [tilespmem:v37+s2+$0x0], $0xffff;
	v43 =	vshra.s32 v9, $0x1;
	v9 =	vmul.f32 $5.000000000e-01, v9;
	v47 =	vmul.f32 v17, v17  }
0x26f: {  	v59 =	vld.idx.msk [tilespmem:v52+s2+$0x0], $0xffff;
	v50 =	vmul.f32 v21, v21;
	v16 =	vadd.f32 v16, v18;
	v60 =	vmul.f32 v17, v22  }
0x270: {  	v17 =	vbroadcast v55, $0x1;
	v12 =	vmul.f32 v21, v12;
	v63 =	vsub.f32 v61, v15  }
0x271: {  	v14 =	vsub.s32 $0x5F3759DF, v43;
	v10 =	vmul.f32 v11, v10;
	v5 =	vmul.f32 v19, v5  }
0x272: {  	v42 =	vld.idx.msk [tilespmem:v31+s2+$0x0], $0xffff;
	v43 =	vadd.s32 $0x2714, v32;
	v49 =	vadd.f32 v47, v46;
	v7 =	vadd.f32 v60, v7  }
0x273: {  	v9 =	vmul.f32 v14, v9;
	v18 =	vsub.f32 v58, v17;
	v47 =	vsub.f32 v44, v15  }
0x274: {  	v34 =	vmul.f32 v63, v63;
	v8 =	vadd.f32 v10, v8;
	v10 =	vsub.f32 v59, v55  }
0x275: {  	v46 =	vld [tilespmem:s26+$0xB1];
	v9 =	vmul.f32 v14, v9;
	v13 =	vadd.f32 v50, v49;
	v29 =	vmul.f32 v18, v18  }
0x276: {  	v7 =	vadd.f32 v12, v7;
	v51 =	vmul.f32 v47, v47;
	v30 =	vmul.f32 v10, v10  }
0x277: {  	v19 =	vsub.f32 v42, v17;
	v21 =	vbroadcast v10, $0x0;
	v22 =	vbroadcast v10, $0x1  }
0x278: {  	v10 =	vbroadcast v10, $0x2;
	v9 =	vsub.f32 $1.500000000e+00, v9;
	v54 =	vshra.s32 v13, $0x1  }
0x279: {  	v25 =	vld.idx.msk [tilespmem:v45+s2+$0x0], $0xffff;
	v13 =	vmul.f32 $5.000000000e-01, v13;
	v49 =	vmul.f32 v19, v19;
	v56 =	vsub.s32 $0x5F3759DF, v54  }
0x27a: {  	v61 =	vld [tilespmem:s26+$0x101];
	v35 =	vbroadcast v30, $0x0;
	v36 =	vbroadcast v30, $0x1;
	v52 =	vadd.s32 $0x2714, v46  }
0x27b: {  	v20 =	vld.idx.msk [tilespmem:v43+s2+$0x0], $0xffff;
	v53 =	vadd.s32 $0x4E28, v46;
	v9 =	vmul.f32 v14, v9;
	v13 =	vmul.f32 v56, v13  }
0x27c: {  	v40 =	vld.idx.msk [tilespmem:v62+s2+$0x0], $0xffff;
	v16 =	vmax.f32 v16, $0.0e+00;
	v39 =	vbroadcast v30, $0x2;
	v12 =	vmul.f32 v63, v10  }
0x27d: {  	v7 =	vmax.f32 v7, $0.0e+00;
	v63 =	vld.msk [tilespmem:s26+$0x100 ss:$0x0], $0xffff;
	v9 =	vmul.f32 v9, v16;
	v13 =	vmul.f32 v56, v13  }
0x27e: {  	v23 =	vld.idx.msk [tilespmem:v32+s2+$0x0], $0xffff;
	v18 =	vmul.f32 v18, v22;
	v19 =	vmul.f32 v19, v22;
	v54 =	vsub.f32 v25, v15  }
0x27f: {  	v8 =	vadd.f32 v9, v8;
	v9 =	vbroadcast v55, $0x0;
	v13 =	vsub.f32 $1.500000000e+00, v13;
	v24 =	vld.idx.msk [tilespmem:v52+s2+$0x0], $0xffff  }
0x280: {  	v38 =	vadd.f32 v36, v35;
	v35 =	vadd.s32 $0x2714, v61;
	v20 =	vsub.f32 v20, v17;
	v59 =	vld.idx.msk [tilespmem:v53+s2+$0x0], $0xffff  }
0x281: {  	v58 =	vmul.f32 v54, v54;
	v14 =	vsub.f32 v57, v9;
	v11 =	vmul.f32 v56, v13  }
0x282: {  	v36 =	vadd.s32 v0, v63;
	v13 =	vsub.f32 v40, v9;
	v56 =	vmul.f32 v20, v20  }
0x283: {  	v23 =	vsub.f32 v23, v9;
	v28 =	vmul.f32 v14, v14;
	v7 =	vmul.f32 v11, v7  }
0x284: {  	v14 =	vmul.f32 v14, v21;
	v48 =	vmul.f32 v13, v13;
	v17 =	vsub.f32 v24, v17  }
0x285: {  	v13 =	vmul.f32 v13, v21;
	v15 =	vsub.f32 v59, v15;
	v33 =	vadd.f32 v29, v28  }
0x286: {  	v55 =	vmul.f32 v23, v23;
	v6 =	vadd.f32 v7, v8;
	v8 =	vadd.f32 v38, v39  }
0x287: {  	v20 =	vmul.f32 v20, v22;
	v14 =	vadd.f32 v18, v14;
	v50 =	vadd.f32 v49, v48  }
0x288: {  	v26 =	vld.idx.msk [tilespmem:v46+s2+$0x0], $0xffff;
	v62 =	vmul.f32 v23, v21;
	v25 =	vadd.f32 v56, v55;
	v13 =	vadd.f32 v19, v13  }
0x289: {  	v18 =	vmul.f32 v47, v10;
	v38 =	vadd.s32 $0x4E28, v61;
	v24 =	vmul.f32 v17, v17  }
0x28a: {  	v40 =	vmul.f32 v15, v15;
	v17 =	vmul.f32 v17, v22;
	v11 =	vadd.f32 v34, v33  }
0x28b: {  	v7 =	vshra.s32 v8, $0x1;
	v12 =	vadd.f32 v12, v14;
	v14 =	vadd.f32 v51, v50  }
0x28c: {  	s31 =	sadd.s32 $0xE, s28;
	v8 =	vmul.f32 $5.000000000e-01, v8;
	v60 =	vadd.f32 v58, v25;
	v13 =	vadd.f32 v18, v13  }
0x28d: {  	v33 =	vadd.s32 s31, v0;
	v18 =	vadd.f32 v20, v62;
	v34 =	vsub.f32 v26, v9  }
0x28e: {  	v7 =	vsub.s32 $0x5F3759DF, v7;
	v41 =	vshra.s32 v11, $0x1;
	v11 =	vmul.f32 $5.000000000e-01, v11  }
0x28f: {  	v49 =	vld [tilespmem:s26+$0x111];
	v8 =	vmul.f32 v7, v8;
	v12 =	vmax.f32 v12, $0.0e+00;
	v57 =	vshra.s32 v14, $0x1  }
0x290: {  	v51 =	vld [tilespmem:s26+$0x121];
	v14 =	vmul.f32 $5.000000000e-01, v14;
	v32 =	vshra.s32 v60, $0x1;
	v16 =	vsub.s32 $0x5F3759DF, v41  }
0x291: {  	v37 =	vmul.f32 v34, v34;
	v29 =	vsub.s32 $0x5F3759DF, v57;
	v11 =	vmul.f32 v16, v11  }
0x292: {  	v13 =	vmax.f32 v13, $0.0e+00;
	v14 =	vmul.f32 v29, v14;
	v8 =	vmul.f32 v7, v8  }
0x293: {  	v46 =	vmul.f32 v34, v21;
	v27 =	vsub.s32 $0x5F3759DF, v32;
	v28 =	vld.idx.msk [tilespmem:v33+s2+$0x0], $0xffff;
	v11 =	vmul.f32 v16, v11  }
0x294: {  	v39 =	vadd.f32 v24, v37;
	v14 =	vmul.f32 v29, v14;
	v9 =	vsub.f32 $1.500000000e+00, v8  }
0x295: {  	v42 =	vld.idx.msk [tilespmem:v35+s2+$0x0], $0xffff;
	v56 =	vadd.s32 $0x4E28, v49;
	v57 =	vadd.s32 $0x2714, v51;
	v11 =	vsub.f32 $1.500000000e+00, v11  }
0x296: {  	v41 =	vld.idx.msk [tilespmem:v61+s2+$0x0], $0xffff;
	v44 =	vadd.f32 v40, v39;
	v14 =	vsub.f32 $1.500000000e+00, v14;
	v7 =	vmul.f32 v7, v9  }
0x297: {  	v45 =	vld.idx.msk [tilespmem:v36+s2+$0x0], $0xffff;
	v32 =	vadd.s32 $0x4E28, v51;
	v11 =	vmul.f32 v16, v11;
	v16 =	vmul.f32 v54, v10  }
0x298: {  	v48 =	vshra.s32 v44, $0x1;
	v14 =	vmul.f32 v29, v14;
	v20 =	vbroadcast v28, $0x0  }
0x299: {  	v23 =	vld.idx.msk [tilespmem:v49+s2+$0x0], $0xffff;
	v19 =	vsub.s32 $0x5F3759DF, v48;
	v21 =	vbroadcast v28, $0x1;
	v22 =	vbroadcast v28, $0x2  }
0x29a: {  	v10 =	vmul.f32 v15, v10;
	v54 =	vadd.s32 $0x2714, v49;
	v11 =	vmul.f32 v11, v12  }
0x29b: {  	v36 =	vld [tilespmem:s26+$0x131];
	v12 =	vmul.f32 $5.000000000e-01, v60;
	v16 =	vadd.f32 v16, v18;
	v24 =	vsub.f32 v41, v20  }
0x29c: {  	v49 =	vld [tilespmem:s26+$0x181];
	v13 =	vmul.f32 v14, v13;
	v14 =	vsub.f32 v42, v21;
	v18 =	vsub.f32 v45, v28  }
0x29d: {  	v12 =	vmul.f32 v27, v12;
	v43 =	vmax.f32 v16, $0.0e+00;
	v16 =	vmul.f32 $5.000000000e-01, v44  }
0x29e: {  	v47 =	vld.idx.msk [tilespmem:v38+s2+$0x0], $0xffff;
	v61 =	vsub.f32 v23, v20;
	v52 =	vmul.f32 v24, v24;
	v53 =	vmul.f32 v14, v14  }
0x29f: {  	v60 =	vld.idx.msk [tilespmem:v57+s2+$0x0], $0xffff;
	v11 =	vadd.f32 $0.0e+00, v11;
	v28 =	vmul.f32 v18, v18;
	v29 =	vbroadcast v18, $0x1  }
0x2a0: {  	v45 =	vadd.s32 $0x2714, v36;
	v34 =	vmul.f32 v61, v61;
	v26 =	vld.idx.msk [tilespmem:v54+s2+$0x0], $0xffff;
	v12 =	vmul.f32 v27, v12  }
0x2a1: {  	v57 =	vadd.s32 $0x4E28, v49;
	v11 =	vadd.f32 v13, v11;
	v50 =	vmul.f32 v19, v16;
	v16 =	vld.idx.msk [tilespmem:v51+s2+$0x0], $0xffff  }
0x2a2: {  	v30 =	vbroadcast v28, $0x0;
	v33 =	vbroadcast v28, $0x1;
	v12 =	vsub.f32 $1.500000000e+00, v12  }
0x2a3: {  	v13 =	vsub.f32 v47, v22;
	v58 =	vmul.f32 v14, v29;
	v15 =	vmul.f32 v19, v50  }
0x2a4: {  	v25 =	vbroadcast v28, $0x2;
	v47 =	vadd.s32 $0x4E28, v36;
	v12 =	vmul.f32 v27, v12  }
0x2a5: {  	v55 =	vmul.f32 v13, v13;
	v15 =	vsub.f32 $1.500000000e+00, v15;
	v62 =	vsub.f32 v26, v21  }
0x2a6: {  	v16 =	vsub.f32 v16, v20;
	v8 =	vmul.f32 v12, v43;
	v12 =	vadd.f32 v17, v46  }
0x2a7: {  	v17 =	vadd.f32 v53, v52;
	v15 =	vmul.f32 v19, v15;
	v35 =	vmul.f32 v62, v62  }
0x2a8: {  	v19 =	vsub.f32 v60, v21;
	v23 =	vmul.f32 v62, v29;
	v38 =	vmul.f32 v16, v16  }
0x2a9: {  	v63 =	vld.idx.msk [tilespmem:v32+s2+$0x0], $0xffff;
	v10 =	vadd.f32 v10, v12;
	v12 =	vbroadcast v18, $0x0;
	v17 =	vadd.f32 v55, v17  }
0x2aa: {  	s28 =	sadd.s32 $0xF, s28;
	v46 =	vld.msk [tilespmem:s26+$0x180 ss:$0x0], $0xffff;
	v18 =	vbroadcast v18, $0x2;
	v8 =	vadd.f32 v8, v11;
	v26 =	vadd.f32 v35, v34  }
0x2ab: {  	v27 =	vld.idx.msk [tilespmem:v56+s2+$0x0], $0xffff;
	v39 =	vmul.f32 v19, v19;
	v19 =	vmul.f32 v19, v29;
	v34 =	vadd.s32 s28, v0  }
0x2ac: {  	v52 =	vld [tilespmem:s26+$0x191];
	v55 =	vadd.s32 $0x2714, v49;
	v31 =	vshra.s32 v17, $0x1;
	v17 =	vmul.f32 $5.000000000e-01, v17  }
0x2ad: {  	v28 =	vld.idx.msk [tilespmem:v36+s2+$0x0], $0xffff;
	v24 =	vmul.f32 v24, v12;
	v10 =	vmax.f32 v10, $0.0e+00;
	v13 =	vmul.f32 v13, v18  }
0x2ae: {  	v40 =	vmul.f32 v61, v12;
	v42 =	vadd.f32 v39, v38;
	v16 =	vmul.f32 v16, v12  }
0x2af: {  	v31 =	vsub.s32 $0x5F3759DF, v31;
	v10 =	vmul.f32 v15, v10;
	v51 =	vadd.s32 v0, v46  }
0x2b0: {  	v59 =	vmul.f32 v31, v17;
	v17 =	vadd.f32 v33, v30;
	v11 =	vadd.f32 v58, v24  }
0x2b1: {  	v61 =	vadd.s32 $0x2714, v52;
	v33 =	vsub.f32 v27, v22;
	v24 =	vsub.f32 v63, v22  }
0x2b2: {  	v16 =	vadd.f32 v19, v16;
	v58 =	vsub.f32 v28, v20;
	v60 =	vld.idx.msk [tilespmem:v34+s2+$0x0], $0xffff;
	v34 =	vadd.s32 $0x4E28, v52  }
0x2b3: {  	v8 =	vadd.f32 v10, v8;
	v14 =	vmul.f32 v31, v59;
	v37 =	vmul.f32 v33, v33  }
0x2b4: {  	v11 =	vadd.f32 v13, v11;
	v43 =	vmul.f32 v24, v24;
	v53 =	vmul.f32 v24, v18  }
0x2b5: {  	v12 =	vmul.f32 v58, v12;
	v32 =	vsub.f32 $1.500000000e+00, v14;
	v41 =	vadd.f32 v37, v26  }
0x2b6: {  	v11 =	vmax.f32 v11, $0.0e+00;
	v26 =	vadd.f32 v43, v42;
	v14 =	vmul.f32 v33, v18;
	v42 =	vld [tilespmem:s26+$0x1A1]  }
0x2b7: {  	v16 =	vadd.f32 v53, v16;
	v13 =	vmul.f32 v31, v32;
	v44 =	vshra.s32 v41, $0x1  }
0x2b8: {  	v15 =	vmul.f32 $5.000000000e-01, v41;
	v48 =	vshra.s32 v26, $0x1;
	v26 =	vmul.f32 $5.000000000e-01, v26;
	v31 =	vld.idx.msk [tilespmem:v45+s2+$0x0], $0xffff  }
0x2b9: {  	v30 =	vsub.s32 $0x5F3759DF, v44;
	v32 =	vsub.s32 $0x5F3759DF, v48;
	v11 =	vmul.f32 v13, v11  }
0x2ba: {  	v13 =	vadd.f32 v23, v40;
	v15 =	vmul.f32 v30, v15;
	v26 =	vmul.f32 v32, v26;
	v23 =	vld.idx.msk [tilespmem:v47+s2+$0x0], $0xffff  }
0x2bb: {  	v63 =	vld.idx.msk [tilespmem:v49+s2+$0x0], $0xffff;
	v17 =	vadd.f32 v17, v25;
	v16 =	vmax.f32 v16, $0.0e+00;
	v48 =	vadd.s32 $0x2714, v42  }
0x2bc: {  	v38 =	vld.idx.msk [tilespmem:v52+s2+$0x0], $0xffff;
	v15 =	vmul.f32 v30, v15;
	v13 =	vadd.f32 v14, v13;
	v54 =	vmul.f32 v32, v26  }
0x2bd: {  	v37 =	vld.idx.msk [tilespmem:v57+s2+$0x0], $0xffff;
	v11 =	vadd.f32 $0.0e+00, v11;
	v59 =	vsub.f32 v31, v21;
	v21 =	vbroadcast v60, $0x2  }
0x2be: {  	v52 =	vld [tilespmem:s26+$0x1B1];
	v50 =	vsub.f32 $1.500000000e+00, v15;
	v13 =	vmax.f32 v13, $0.0e+00;
	v56 =	vsub.f32 $1.500000000e+00, v54  }
0x2bf: {  	v15 =	vld.idx.msk [tilespmem:v51+s2+$0x0], $0xffff;
	v22 =	vsub.f32 v23, v22;
	v62 =	vmul.f32 v59, v29;
	v20 =	vmul.f32 v59, v59  }
0x2c0: {  	v51 =	vadd.s32 $0x4E28, v42;
	v25 =	vld.idx.msk [tilespmem:v42+s2+$0x0], $0xffff;
	v14 =	vmul.f32 v30, v50;
	v19 =	vmul.f32 v32, v56  }
0x2c1: {  	v35 =	vadd.f32 v62, v12;
	v36 =	vmul.f32 v22, v18;
	v12 =	vbroadcast v60, $0x0  }
0x2c2: {  	v41 =	vmul.f32 v22, v22;
	v18 =	vsub.f32 v37, v21;
	v13 =	vmul.f32 v14, v13  }
0x2c3: {  	v32 =	vmul.f32 v19, v16;
	v14 =	vmul.f32 v58, v58;
	v10 =	vadd.f32 v36, v35  }
0x2c4: {  	v33 =	vld.idx.msk [tilespmem:v55+s2+$0x0], $0xffff;
	v15 =	vsub.f32 v15, v60;
	v40 =	vsub.f32 v63, v12;
	v45 =	vmul.f32 v18, v18  }
0x2c5: {  	v39 =	vld.idx.msk [tilespmem:v61+s2+$0x0], $0xffff;
	v62 =	vsub.f32 v25, v12;
	v36 =	vadd.s32 $0x4E28, v52;
	v11 =	vadd.f32 v13, v11  }
0x2c6: {  	v27 =	vld.idx.msk [tilespmem:v48+s2+$0x0], $0xffff;
	v13 =	vbroadcast v60, $0x1;
	v14 =	vadd.f32 v20, v14;
	v60 =	vadd.s32 $0x2714, v52  }
0x2c7: {  	v31 =	vld.idx.msk [tilespmem:v52+s2+$0x0], $0xffff;
	v52 =	vshra.s32 v17, $0x1;
	v17 =	vmul.f32 $5.000000000e-01, v17;
	v22 =	vbroadcast v15, $0x0  }
0x2c8: {  	v43 =	vmul.f32 v40, v40;
	v28 =	vbroadcast v15, $0x1;
	v9 =	vadd.f32 v32, v11  }
0x2c9: {  	v19 =	vld.idx.msk [tilespmem:v34+s2+$0x0], $0xffff;
	v29 =	vmul.f32 v15, v15;
	v16 =	vsub.f32 v33, v13;
	v11 =	vsub.f32 v38, v12  }
0x2ca: {  	v15 =	vbroadcast v15, $0x2;
	v23 =	vsub.f32 v39, v13;
	v14 =	vadd.f32 v41, v14  }
0x2cb: {  	v58 =	vld.idx.msk [tilespmem:v51+s2+$0x0], $0xffff;
	v63 =	vsub.f32 v27, v13;
	v39 =	vmul.f32 v62, v62;
	v44 =	vmul.f32 v16, v16  }
0x2cc: {  	v12 =	vsub.f32 v31, v12;
	v24 =	vmul.f32 v40, v22;
	v53 =	vbroadcast v29, $0x0  }
0x2cd: {  	v18 =	vmul.f32 v18, v15;
	v41 =	vbroadcast v29, $0x1;
	v26 =	vadd.f32 v44, v43  }
0x2ce: {  	v19 =	vsub.f32 v19, v21;
	v29 =	vbroadcast v29, $0x2;
	v46 =	vmul.f32 v11, v11  }
0x2cf: {  	v47 =	vmul.f32 v23, v23;
	v16 =	vmul.f32 v16, v28;
	v26 =	vadd.f32 v45, v26  }
0x2d0: {  	v11 =	vmul.f32 v11, v22;
	v56 =	vmul.f32 v23, v28;
	v38 =	vsub.f32 v58, v21  }
0x2d1: {  	v40 =	vmul.f32 v63, v63;
	v50 =	vshra.s32 v26, $0x1;
	v26 =	vmul.f32 $5.000000000e-01, v26  }
0x2d2: {  	v23 =	vmul.f32 v62, v22;
	v25 =	vmul.f32 v63, v28;
	v32 =	vsub.s32 $0x5F3759DF, v50  }
0x2d3: {  	v49 =	vmul.f32 v19, v19;
	v30 =	vadd.f32 v47, v46;
	v54 =	vmul.f32 v32, v26  }
0x2d4: {  	v19 =	vmul.f32 v19, v15;
	v16 =	vadd.f32 v16, v24;
	v11 =	vadd.f32 v56, v11  }
0x2d5: {  	v42 =	vmul.f32 v38, v38;
	v30 =	vadd.f32 v49, v30;
	v24 =	vmul.f32 v32, v54  }
0x2d6: {  	v23 =	vadd.f32 v25, v23;
	v47 =	vmul.f32 v12, v12;
	v20 =	vmul.f32 v38, v15  }
0x2d7: {  	v55 =	vshra.s32 v30, $0x1;
	v30 =	vmul.f32 $5.000000000e-01, v30;
	v59 =	vsub.f32 $1.500000000e+00, v24;
	v24 =	vld.idx.msk [tilespmem:v60+s2+$0x0], $0xffff  }
0x2d8: {  	v12 =	vmul.f32 v12, v22;
	v22 =	vsub.s32 $0x5F3759DF, v52;
	v26 =	vsub.s32 $0x5F3759DF, v55  }
0x2d9: {  	v43 =	vld.idx.msk [tilespmem:v36+s2+$0x0], $0xffff;
	v17 =	vmul.f32 v22, v17;
	v16 =	vadd.f32 v18, v16;
	v57 =	vmul.f32 v26, v30  }
0x2da: {  	v11 =	vadd.f32 v19, v11;
	v45 =	vshra.s32 v14, $0x1;
	v14 =	vmul.f32 $5.000000000e-01, v14  }
0x2db: {  	v27 =	vsub.s32 $0x5F3759DF, v45;
	v56 =	vmul.f32 v22, v17;
	v61 =	vmul.f32 v26, v57  }
0x2dc: {  	v16 =	vmax.f32 v16, $0.0e+00;
	v18 =	vmul.f32 v32, v59;
	v13 =	vsub.f32 v24, v13  }
0x2dd: {  	v14 =	vmul.f32 v27, v14;
	v30 =	vadd.f32 v40, v39;
	v37 =	vsub.f32 $1.500000000e+00, v61  }
0x2de: {  	v16 =	vmul.f32 v18, v16;
	v18 =	vsub.f32 v43, v21;
	v48 =	vmul.f32 v13, v13  }
0x2df: {  	v11 =	vmax.f32 v11, $0.0e+00;
	v14 =	vmul.f32 v27, v14;
	v44 =	vadd.f32 v42, v30  }
0x2e0: {  	v19 =	vmul.f32 v26, v37;
	v49 =	vmul.f32 v18, v18;
	v21 =	vadd.f32 v48, v47  }
0x2e1: {  	v50 =	vadd.f32 v20, v23;
	v14 =	vsub.f32 $1.500000000e+00, v14;
	v46 =	vshra.s32 v44, $0x1  }
0x2e2: {  	v11 =	vmul.f32 v19, v11;
	v19 =	vmul.f32 $5.000000000e-01, v44;
	v21 =	vadd.f32 v49, v21  }
0x2e3: {  	v14 =	vmul.f32 v27, v14;
	v26 =	vadd.f32 v41, v53;
	v24 =	vsub.s32 $0x5F3759DF, v46  }
0x2e4: {  	v19 =	vmul.f32 v24, v19;
	v51 =	vshra.s32 v21, $0x1;
	v21 =	vmul.f32 $5.000000000e-01, v21  }
0x2e5: {  	v26 =	vadd.f32 v26, v29;
	v13 =	vmul.f32 v13, v28;
	v20 =	vsub.s32 $0x5F3759DF, v51  }
0x2e6: {  	v16 =	vadd.f32 $0.0e+00, v16;
	v19 =	vmul.f32 v24, v19;
	v21 =	vmul.f32 v20, v21  }
0x2e7: {  	v53 =	vshra.s32 v26, $0x1;
	v54 =	vmul.f32 $5.000000000e-01, v26;
	v12 =	vadd.f32 v13, v12  }
0x2e8: {  	v13 =	vsub.s32 $0x5F3759DF, v53;
	v19 =	vsub.f32 $1.500000000e+00, v19;
	v21 =	vmul.f32 v20, v21  }
0x2e9: {  	v15 =	vmul.f32 v18, v15;
	v55 =	vmul.f32 v13, v54  }
0x2ea: {  	v11 =	vadd.f32 v11, v16;
	v19 =	vmul.f32 v24, v19;
	v21 =	vsub.f32 $1.500000000e+00, v21  }
0x2eb: {  	v16 =	vmax.f32 v50, $0.0e+00;
	v12 =	vadd.f32 v15, v12;
	v18 =	vmul.f32 v13, v55  }
0x2ec: {  	v10 =	vmax.f32 v10, $0.0e+00;
	v16 =	vmul.f32 v19, v16;
	v57 =	vmul.f32 v20, v21  }
0x2ed: {  	[tilespmem:s25+$0xFFFFFE00] =	vst v1;
	v58 =	vsub.f32 $1.500000000e+00, v56;
	v1 =	vmul.f32 v14, v10;
	v12 =	vmax.f32 v12, $0.0e+00  }
0x2ee: {  	s24 =	sadd.s32 $0x8, s24;
	[tilespmem:s25+$0xFFFFFE80] =	vst v2;
	v60 =	vsub.f32 $1.500000000e+00, v18;
	v2 =	vadd.f32 v16, v11;
	v59 =	vmul.f32 v57, v12  }
0x2ef: {  	p0 =	slt.u32 s24, $0xC0;
	[tilespmem:s25+$0xFFFFFF00] =	vst v3;
	v3 =	vmul.f32 v6, v5;
	v61 =	vmul.f32 v22, v58;
	v1 =	vadd.f32 v1, v9  }
.Ltmp8:
0x2f0: {  	[tilespmem:s25+$0xFFFFFF80] =	vst v4;
	v62 =	vmul.f32 v8, v7;
	v63 =	vmul.f32 v13, v60;
	v2 =	vadd.f32 v59, v2;
	(pc) =	sbr.rel @p0 .LBB2_8-.Ltmp8, $4  }
0x2f1: {  	[tilespmem:s25+$0x0] =	vst v3;
	v1 =	vmul.f32 v1, v61  }
0x2f2: {  	[tilespmem:s25+$0x80] =	vst v62;
	v2 =	vmul.f32 v2, v63  }
0x2f3: {  	[tilespmem:s25+$0x100] =	vst v1  }
0x2f4: {  	s26 =	sadd.s32 $0x400, s26;
	[tilespmem:s25+$0x180] =	vst v2;
	s25 =	sadd.s32 $0x400, s25  }
.Ltmp9:
0x2f5: {  	_ = 	snop;
	(pc) =	sbr.rel .LBB2_9-.Ltmp9, $1  }
0x2f6: {  	_ =	sdelay $0x3  }
.LBB2_11:
0x2f7: {  	_ =	sfence.sel $0x180000  }
0x2f8: {  	[bflag:$0x0] =	sbarrier.arrive $0xFFFF  }
0x2f9: {  	p0 =	sne.s32 s1, $0x0;
	_ =	strace $0x9000004A  }
0x2fa: {  	s0 =	sadd.s32 @!p0 $0x100000, s0;
	[bflag:$0x2] =	sbarrier.arrive $0xFFFF  }
0x2fb: {  	[sflag:s0] =	ssyncadd.tile.s32 @!p0 $0x1;
	_ =	shalt  }
.Lfunc_end2:
_tile_overlayer_lowered:
.L_overlay_start_2:
0x2fc: {  	(tag) =	ssettag $0x2  }
0x2fd: {  	s0 =	rddreg [dreg:$0x0];
	s2 =	stileid.u32  }
0x2fe: {  	s1 =	rddreg [dreg:$0x1];
	p0 =	sne.s32 s2, $0x0  }
0x2ff: {  	s3 =	rddreg [dreg:$0x2];
	[bflag:$0x3] =	sbarrier.arrive $0xFFFF;
	s2 =	simm.s32 @!p0 $0x1C04  }
0x300: {  	[timem:s3], [sflag:s2] =	dma.local @!p0 [hbm:s0], s1  }
0x301: {  	s0 =	simm.s32 @!p0 $0x4  }
0x302: {  	_ =	swait.ge @!p0 [sflag:s0], s1  }
0x303: {  	s1 =	ssub.s32 @!p0 $0x0, s1;
	[sflag:s0] =	ssyncset.done @!p0 $0x0  }
0x304: {  	[sflag:s0] =	ssyncadd.s32 @!p0 s1  }
0x305: {  	[bflag:$0x3] =	sbarrier.arrive $0xFFFF  }
0x306: {  	_ =	shalt  }

</sc_bundles>
